<compile_context>
chip_gen: v7x
topology: tpu7x:2x2x1
jax: 0.10.2.dev20260603
libtpu: 0.0.44.dev20260713+nightly
codegen_flags: <defaults>
</compile_context>

<pallas_src>
import functools

import jax
import jax.numpy as jnp
from jax import lax
from jax.experimental import pallas as pl
from jax.experimental.pallas import tpu as pltpu
from jax.experimental.pallas import tpu_sc as plsc

N = 100000
E = 1600000
F_IN = 35
F_PAD = 48
L = 16
NCHUNK = 3
NC = 2
NS = 16
NW = NC * NS
EB = 400
EPT = E // NW
NBLK = EPT // EB
NPAIR = NBLK // 2
N_PAD = 100352
ROWS_PER_TILE = N_PAD // NS
ZROWS = 392


FMT_W = 625


def _sc_format_table(xpflat):
    mesh = plsc.VectorSubcoreMesh(core_axis_name="c", subcore_axis_name="s")
    npw = N // NW

    @functools.partial(
        pl.kernel,
        out_type=jax.ShapeDtypeStruct((NCHUNK * N, L), jnp.float32),
        mesh=mesh,
        compiler_params=pltpu.CompilerParams(use_tc_tiling_on_sc=False),
        scratch_types=[
            pltpu.VMEM((FMT_W * F_PAD,), jnp.float32),
            pltpu.VMEM((FMT_W * F_PAD,), jnp.float32),
            pltpu.VMEM((FMT_W, L), jnp.float32),
            pltpu.VMEM((FMT_W, L), jnp.float32),
            pltpu.VMEM((FMT_W, L), jnp.float32),
            pltpu.SemaphoreType.DMA,
            pltpu.SemaphoreType.DMA,
        ],
    )
    def body(x_hbm, tab_hbm, bin0, bin1, b0, b1, b2, sem0, sem1):
        wid = lax.axis_index("c") * NS + lax.axis_index("s")
        n0w = wid * npw
        bins = (bin0, bin1)
        sems = (sem0, sem1)
        n_it = npw // FMT_W
        bks = (b0, b1, b2)

        def issue(i):
            n0 = n0w + i * FMT_W
            pltpu.async_copy(x_hbm.at[pl.ds(n0 * F_PAD, FMT_W * F_PAD)],
                             bins[i % 2], sems[i % 2])

        issue(0)
        issue(1)
        for i in range(n_it):
            pltpu.make_async_copy(x_hbm.at[pl.ds(0, FMT_W * F_PAD)],
                                  bins[i % 2], sems[i % 2]).wait()
            bi = bins[i % 2]

            def repack(r, _):
                for k in range(NCHUNK):
                    bks[k][r, :] = bi[pl.ds(r * F_PAD + k * L, L)]
                return 0

            lax.fori_loop(0, FMT_W, repack, 0)
            n0 = n0w + i * FMT_W
            for k in range(NCHUNK):
                pltpu.sync_copy(bks[k], tab_hbm.at[pl.ds(k * N + n0, FMT_W)])
            if i + 2 < n_it:
                issue(i + 2)

    return body(xpflat)


def _sc_segment_sum(xtab, src, dst, w):
    mesh = plsc.VectorSubcoreMesh(core_axis_name="c", subcore_axis_name="s")

    @functools.partial(
        pl.kernel,
        out_type=jax.ShapeDtypeStruct((NC * NCHUNK * N_PAD, L), jnp.float32),
        mesh=mesh,
        compiler_params=pltpu.CompilerParams(use_tc_tiling_on_sc=False),
        scratch_types=[
            pltpu.VMEM_SHARED((N_PAD, L), jnp.float32),
            pltpu.VMEM((EB,), jnp.int32),
            pltpu.VMEM((EB,), jnp.int32),
            pltpu.VMEM((EB,), jnp.float32),
            pltpu.VMEM((EB, L), jnp.float32),
            pltpu.VMEM((EB,), jnp.int32),
            pltpu.VMEM((EB,), jnp.int32),
            pltpu.VMEM((EB,), jnp.float32),
            pltpu.VMEM((EB, L), jnp.float32),
            pltpu.VMEM((ZROWS, L), jnp.float32),
            pltpu.SemaphoreType.DMA,
            pltpu.SemaphoreType.DMA,
            pltpu.SemaphoreType.DMA,
            pltpu.SemaphoreType.DMA,
            pltpu.SemaphoreType.DMA,
            pltpu.SemaphoreType.DMA,
        ],
    )
    def body(xtab, src_hbm, dst_hbm, w_hbm, out_hbm,
             acc, srcv0, dstv0, wv0, rows0, srcv1, dstv1, wv1, rows1, zbuf,
             isem0, isem1, gsem0, gsem1, ssem0, ssem1):
        c = lax.axis_index("c")
        s = lax.axis_index("s")
        base_edge = (c * NS + s) * EPT
        my_row0 = s * ROWS_PER_TILE

        def fill_zero(i, _):
            zbuf[i, :] = jnp.zeros((L,), jnp.float32)
            return 0

        lax.fori_loop(0, ZROWS, fill_zero, 0)

        def issue_idx(off, srcv, dstv, wv, sem):
            pltpu.async_copy(src_hbm.at[pl.ds(off, EB)], srcv, sem)
            pltpu.async_copy(dst_hbm.at[pl.ds(off, EB)], dstv, sem)
            pltpu.async_copy(w_hbm.at[pl.ds(off, EB)], wv, sem)

        def drain_idx(srcv, dstv, wv, sem):
            pltpu.make_async_copy(src_hbm.at[pl.ds(0, EB)], srcv, sem).wait()
            pltpu.make_async_copy(dst_hbm.at[pl.ds(0, EB)], dstv, sem).wait()
            pltpu.make_async_copy(w_hbm.at[pl.ds(0, EB)], wv, sem).wait()

        def drain_rows(tab, rows, sem):
            pltpu.make_async_copy(tab.at[pl.ds(0, EB)], rows, sem).wait()

        def scale_rows(rows, wv):
            def scale(g, _):
                w16 = wv[pl.ds(g * L, L)]
                for j in range(L):
                    i = g * L + j
                    rows[i, :] = rows[i, :] * w16[j]
                return 0

            lax.fori_loop(0, EB // L, scale, 0)

        for k in range(NCHUNK):
            tab = xtab.at[pl.ds(k * N, N)]

            def zero_slab(i, _):
                pltpu.sync_copy(zbuf, acc.at[pl.ds(my_row0 + i * ZROWS, ZROWS)])
                return 0

            lax.fori_loop(0, ROWS_PER_TILE // ZROWS, zero_slab, 0)
            plsc.subcore_barrier()

            issue_idx(base_edge, srcv0, dstv0, wv0, isem0)
            issue_idx(base_edge + EB, srcv1, dstv1, wv1, isem1)
            drain_idx(srcv0, dstv0, wv0, isem0)
            pltpu.async_copy(tab.at[srcv0], rows0, gsem0)

            def pair(b2, _):
                off = base_edge + 2 * b2 * EB

                drain_idx(srcv1, dstv1, wv1, isem1)

                @pl.when(b2 > 0)
                def _():
                    drain_rows(tab, rows1, ssem1)

                pltpu.async_copy(tab.at[srcv1], rows1, gsem1)

                drain_rows(tab, rows0, gsem0)
                scale_rows(rows0, wv0)
                pltpu.async_copy(rows0, acc.at[dstv0], ssem0, add=True)

                @pl.when(2 * b2 + 2 < NBLK)
                def _():
                    issue_idx(off + 2 * EB, srcv0, dstv0, wv0, isem0)

                @pl.when(2 * b2 + 2 < NBLK)
                def _():
                    drain_idx(srcv0, dstv0, wv0, isem0)
                    drain_rows(tab, rows0, ssem0)
                    pltpu.async_copy(tab.at[srcv0], rows0, gsem0)

                drain_rows(tab, rows1, gsem1)
                scale_rows(rows1, wv1)
                pltpu.async_copy(rows1, acc.at[dstv1], ssem1, add=True)

                @pl.when(2 * b2 + 3 < NBLK)
                def _():
                    issue_idx(off + 3 * EB, srcv1, dstv1, wv1, isem1)

                return 0

            lax.fori_loop(0, NPAIR, pair, 0)
            drain_rows(tab, rows0, gsem0)
            scale_rows(rows0, wv0)
            pltpu.async_copy(rows0, acc.at[dstv0], ssem0, add=True)
            drain_rows(tab, rows0, ssem0)
            drain_rows(tab, rows1, ssem1)
            plsc.subcore_barrier()

            out_row0 = (c * NCHUNK + k) * N_PAD + my_row0
            pltpu.sync_copy(acc.at[pl.ds(my_row0, ROWS_PER_TILE)],
                            out_hbm.at[pl.ds(out_row0, ROWS_PER_TILE)])
            plsc.subcore_barrier()

    return body(xtab, src, dst, w)


def _epilogue(xp, sp_flat, wall, b6, pw, wlin, blin):
    R = 1792
    nbk = N_PAD // R

    def body(x_ref, s00_ref, s01_ref, s02_ref, s10_ref, s11_ref, s12_ref,
             wall_ref, b6_ref, pw_ref, wlin_ref, blin_ref,
             a0_ref, a1_ref, a2_ref, o_ref):
        s0 = s00_ref[...] + s10_ref[...]
        s1 = s01_ref[...] + s11_ref[...]
        s2 = s02_ref[...] + s12_ref[...]
        xs = jnp.concatenate([x_ref[...], s0, s1, s2], axis=1)
        u = (jnp.dot(xs, wall_ref[...], preferred_element_type=jnp.float32)
             + b6_ref[...])
        z = jax.nn.sigmoid(u[:, 0:3])
        ht = jnp.tanh(u[:, 3:6])
        hn = (1.0 - z) * ht
        p = jnp.maximum(hn, 0.0) + pw_ref[0, 0] * jnp.minimum(hn, 0.0)
        o_ref[...] = (jnp.sum(p * wlin_ref[...], axis=1, keepdims=True)
                      + blin_ref[0, 0])
        a38 = jnp.concatenate([s0, s1, s2[:, :F_IN + 3 - 2 * L]], axis=1)
        a0_ref[...] = a38
        a1_ref[...] = a38
        a2_ref[...] = a38

    def sp_spec(c, k):
        base = (c * NCHUNK + k) * nbk
        return pl.BlockSpec((R, L), lambda i, b=base: (b + i, 0))

    full = lambda shape: pl.BlockSpec(shape, lambda i: (0,) * len(shape))
    return pl.pallas_call(
        body,
        grid=(nbk,),
        in_specs=[
            pl.BlockSpec((R, F_PAD), lambda i: (i, 0)),
            sp_spec(0, 0), sp_spec(0, 1), sp_spec(0, 2),
            sp_spec(1, 0), sp_spec(1, 1), sp_spec(1, 2),
            full((2 * F_PAD, 6)), full((1, 6)), full((1, 1)),
            full((1, 3)), full((1, 1)),
        ],
        out_specs=[
            pl.BlockSpec((R, F_IN + 3), lambda i: (i, 0)),
            pl.BlockSpec((R, F_IN + 3), lambda i: (i, 0)),
            pl.BlockSpec((R, F_IN + 3), lambda i: (i, 0)),
            pl.BlockSpec((R, 1), lambda i: (i, 0)),
        ],
        out_shape=[
            jax.ShapeDtypeStruct((N, F_IN + 3), jnp.float32),
            jax.ShapeDtypeStruct((N, F_IN + 3), jnp.float32),
            jax.ShapeDtypeStruct((N, F_IN + 3), jnp.float32),
            jax.ShapeDtypeStruct((N, 1), jnp.float32),
        ],
    )(xp, sp_flat, sp_flat, sp_flat, sp_flat, sp_flat, sp_flat,
      wall, b6, pw, wlin, blin)


def kernel(x, edge_index, edge_weight, W0_r, W1_r, b_r, W0_z, W1_z, b_z,
           W0_h, W1_h, b_h, prelu_w, W_lin, b_lin):
    xp = jnp.pad(x, ((0, 0), (0, F_PAD - F_IN)))
    xpflat = jnp.pad(x, ((0, 0), (0, F_PAD - F_IN))).reshape(-1)
    xtab = _sc_format_table(xpflat)
    sp_flat = _sc_segment_sum(xtab, edge_index[0], edge_index[1],
                              edge_weight)

    pad_w = lambda m: jnp.pad(m[:F_IN, :], ((0, F_PAD - F_IN), (0, 0)))
    wall = jnp.concatenate([
        jnp.concatenate([pad_w(W0_z), pad_w(W0_h)], axis=1),
        jnp.concatenate([pad_w(W1_z), pad_w(W1_h)], axis=1),
    ], axis=0)
    b6 = jnp.concatenate([b_z, b_h]).reshape(1, 6)
    pw = prelu_w.reshape(1, 1)
    wlin = W_lin.reshape(1, 3)
    blin = b_lin.reshape(1, 1)

    a0, a1, a2, out = _epilogue(xp, sp_flat, wall, b6, pw, wlin, blin)
    return (out, a0, a1, a2)

# --- scband reference (transcript-rebuilt; emitter-appended) ---
"""Pipeline reference for scband-recurrent-gcn-6614249635986 (READ-ONLY COPY).

The authoritative reference and input builder live on the scoring server;
editing this copy changes nothing except your own understanding.
"""

import jax, jax.numpy as jnp
import numpy as np

N = 100000
E = 1600000
F_IN = 35
C = 3
D = F_IN + C


def _glorot(key, shape):
    return jax.random.normal(key, shape, dtype=jnp.float32) * (1.0 / np.sqrt(shape[0]))


def setup_inputs(seed: int = 0) -> dict:
    key = jax.random.key(seed)
    ks = jax.random.split(key, 16)
    x = jax.random.normal(ks[0], (N, F_IN), dtype=jnp.float32)
    edge_index = jax.random.randint(ks[1], (2, E), 0, N, dtype=jnp.int32)
    edge_weight = jax.random.uniform(ks[2], (E,), dtype=jnp.float32)
    return {
        "x": x,
        "edge_index": edge_index,
        "edge_weight": edge_weight,
        "W0_r": _glorot(ks[3], (D, C)),
        "W1_r": _glorot(ks[4], (D, C)),
        "b_r": jnp.zeros((C,), dtype=jnp.float32),
        "W0_z": _glorot(ks[5], (D, C)),
        "W1_z": _glorot(ks[6], (D, C)),
        "b_z": jnp.zeros((C,), dtype=jnp.float32),
        "W0_h": _glorot(ks[7], (D, C)),
        "W1_h": _glorot(ks[8], (D, C)),
        "b_h": jnp.zeros((C,), dtype=jnp.float32),
        "prelu_w": jnp.array(0.25, dtype=jnp.float32),
        "W_lin": _glorot(ks[9], (C, 1)),
        "b_lin": jnp.zeros((1,), dtype=jnp.float32),
    }


def reference(x, edge_index, edge_weight, W0_r, W1_r, b_r, W0_z, W1_z, b_z,
              W0_h, W1_h, b_h, prelu_w, W_lin, b_lin):
    src = edge_index[0]
    dst = edge_index[1]
    n = x.shape[0]
    h0 = jnp.zeros((n, C), dtype=x.dtype)

    def prop(t):
        # diffusion step: weighted gather from src, scatter-add into dst
        msgs = edge_weight[:, None] * jnp.take(t, src, axis=0)
        return jax.ops.segment_sum(msgs, dst, num_segments=n)

    # ADCRNN diffusion-conv GRU cell (K=1 diffusion), returning per-gate
    # adjacency-aggregated tensors A_r, A_z, A_h
    inp = jnp.concatenate([x, h0], axis=1)
    A_r = prop(inp)
    r = jax.nn.sigmoid(inp @ W0_r + A_r @ W1_r + b_r)
    A_z = prop(inp)
    z = jax.nn.sigmoid(inp @ W0_z + A_z @ W1_z + b_z)
    inp_h = jnp.concatenate([x, r * h0], axis=1)
    A_h = prop(inp_h)
    h_tilde = jnp.tanh(inp_h @ W0_h + A_h @ W1_h + b_h)
    h_new = z * h0 + (1.0 - z) * h_tilde

    # F.prelu
    p = jnp.maximum(h_new, 0.0) + prelu_w * jnp.minimum(h_new, 0.0)
    out = p @ W_lin + b_lin
    return (out, A_h, A_z, A_r)

if __name__ == "__main__":
    import jax
    _d = setup_inputs()
    print(jax.jit(kernel)(*tuple(_d.values())))

</pallas_src>

<mosaic_0001>
#map = affine_map<(d0, d1) -> (0, 0)>
#map1 = affine_map<(d0, d1) -> (0)>
module attributes {stable_mosaic.version = 14 : i64} {
  func.func @body(%arg0: i32, %arg1: i32, %arg2: memref<300000x16xf32, #tpu.memory_space<hbm>>, %arg3: memref<1600000xi32, #tpu.memory_space<hbm>>, %arg4: memref<1600000xi32, #tpu.memory_space<hbm>>, %arg5: memref<1600000xf32, #tpu.memory_space<hbm>>, %arg6: memref<602112x16xf32, #tpu.memory_space<hbm>>, %arg7: memref<100352x16xf32, #tpu.memory_space<vmem_shared>>, %arg8: memref<400xi32, #tpu.memory_space<vmem>>, %arg9: memref<400xi32, #tpu.memory_space<vmem>>, %arg10: memref<400xf32, #tpu.memory_space<vmem>>, %arg11: memref<400x16xf32, #tpu.memory_space<vmem>>, %arg12: memref<400xi32, #tpu.memory_space<vmem>>, %arg13: memref<400xi32, #tpu.memory_space<vmem>>, %arg14: memref<400xf32, #tpu.memory_space<vmem>>, %arg15: memref<400x16xf32, #tpu.memory_space<vmem>>, %arg16: memref<392x16xf32, #tpu.memory_space<vmem>>, %arg17: memref<!tpu.dma_semaphore, #tpu.memory_space<semaphore_mem>>, %arg18: memref<!tpu.dma_semaphore, #tpu.memory_space<semaphore_mem>>, %arg19: memref<!tpu.dma_semaphore, #tpu.memory_space<semaphore_mem>>, %arg20: memref<!tpu.dma_semaphore, #tpu.memory_space<semaphore_mem>>, %arg21: memref<!tpu.dma_semaphore, #tpu.memory_space<semaphore_mem>>, %arg22: memref<!tpu.dma_semaphore, #tpu.memory_space<semaphore_mem>>) attributes {dimension_semantics = [#tpu.dimension_semantics<core_parallel>, #tpu.dimension_semantics<subcore_parallel>], iteration_bounds = array<i64: 2, 16>, scalar_prefetch = 0 : i64, scratch_operands = 16 : i64, tpu.core_type = #tpu.core_type<sc_vector_subcore>, window_params = [{transform_indices = #map}, {transform_indices = #map1}, {transform_indices = #map1}, {transform_indices = #map1}, {transform_indices = #map}]} {
    %mul3A = arith.constant 16 : i32
    %mul3A_0 = arith.muli %arg0, %mul3A : i32
    %add3A = arith.addi %mul3A_0, %arg1 : i32
    %mul3A_1 = arith.constant 50000 : i32
    %mul3A_2 = arith.muli %add3A, %mul3A_1 : i32
    %mul3A_3 = arith.constant 6272 : i32
    %mul3A_4 = arith.muli %arg1, %mul3A_3 : i32
    %scan3A = arith.constant 0 : i32
    %scan3A_5 = arith.constant 0 : i32
    %scan3A_6 = arith.constant 392 : i32
    %scan3A_7 = arith.addi %scan3A_5, %scan3A_6 : i32
    %scan3A_8 = arith.constant 1 : i32
    %scan3A_9 = scf.for %scan3A_314 = %scan3A_5 to %scan3A_7 step %scan3A_8 iter_args(%scan3A_315 = %scan3A) -> (i32)  : i32 {
      %broadcast_in_dim3A = arith.constant 0.000000e+00 : f32
      %broadcast_in_dim3A_316 = vector.broadcast %broadcast_in_dim3A : f32 to vector<16xf32>
      %swap3A = arith.index_cast %scan3A_314 : i32 to index
      %swap3A_317 = arith.constant 0 : index
      %swap3A_318 = tpu.vector_load %arg16[%swap3A, %swap3A_317] {strides = array<i32>} : memref<392x16xf32, #tpu.memory_space<vmem>>, vector<1x16xf32>,
      %swap3A_319 = vector.shape_cast %swap3A_318 : vector<1x16xf32> to vector<16xf32>
      %swap3A_320 = vector.shape_cast %broadcast_in_dim3A_316 : vector<16xf32> to vector<1x16xf32>
      tpu.vector_store %arg16[%swap3A, %swap3A_317], %swap3A_320 {strides = array<i32>} : memref<392x16xf32, #tpu.memory_space<vmem>>, vector<1x16xf32>,
      %scan3A_321 = arith.constant 0 : i32
      scf.yield %scan3A_321 : i32
    }
    %scan3A_10 = arith.constant 392 : i32
    %scan3A_11 = arith.constant 0 : i32
    %scan3A_12 = arith.constant 0 : i32
    %scan3A_13 = arith.constant 16 : i32
    %scan3A_14 = arith.addi %scan3A_12, %scan3A_13 : i32
    %scan3A_15 = arith.constant 1 : i32
    %scan3A_16 = scf.for %scan3A_314 = %scan3A_12 to %scan3A_14 step %scan3A_15 iter_args(%scan3A_315 = %scan3A_11) -> (i32)  : i32 {
      %mul3A_316 = arith.constant 392 : i32
      %mul3A_317 = arith.muli %scan3A_314, %mul3A_316 : i32
      %add3A_318 = arith.addi %mul3A_4, %mul3A_317 : i32
      "tpu.region"() ({
        %run_scoped3A = tpu.sem_alloc : memref<!tpu.dma_semaphore, #tpu.memory_space<semaphore_mem>>
        %dma_start3A_320 = arith.constant 0 : i32
        %dma_start3A_321 = tpu.memref_slice %arg7[%add3A_318, %dma_start3A_320] : memref<100352x16xf32, #tpu.memory_space<vmem_shared>> -> memref<392x16xf32, #tpu.memory_space<vmem_shared>>
        %dma_start3A_322 = arith.constant 0 : i32
        %dma_start3A_323 = tpu.memref_slice %arg7[%add3A_318, %dma_start3A_322] : memref<100352x16xf32, #tpu.memory_space<vmem_shared>> -> memref<392x16xf32, #tpu.memory_space<vmem_shared>>
        tpu.enqueue_dma source(%arg16 : memref<392x16xf32, #tpu.memory_space<vmem>>) target(%dma_start3A_323 : memref<392x16xf32, #tpu.memory_space<vmem_shared>>) target_semaphore(%run_scoped3A : memref<!tpu.dma_semaphore, #tpu.memory_space<semaphore_mem>>)
        %dma_wait3A_324 = arith.constant 0 : i32
        %dma_wait3A_325 = tpu.memref_slice %arg7[%add3A_318, %dma_wait3A_324] : memref<100352x16xf32, #tpu.memory_space<vmem_shared>> -> memref<392x16xf32, #tpu.memory_space<vmem_shared>>
        %dma_wait3A_326 = arith.constant 0 : i32
        %dma_wait3A_327 = tpu.memref_slice %arg7[%add3A_318, %dma_wait3A_326] : memref<100352x16xf32, #tpu.memory_space<vmem_shared>> -> memref<392x16xf32, #tpu.memory_space<vmem_shared>>
        tpu.wait_dma2 semaphore(%run_scoped3A : memref<!tpu.dma_semaphore, #tpu.memory_space<semaphore_mem>>) src(%arg16 : memref<392x16xf32, #tpu.memory_space<vmem>>) dst(%dma_wait3A_327 : memref<392x16xf32, #tpu.memory_space<vmem_shared>>)
        tpu.yield
      }) : () -> ()
      %scan3A_319 = arith.constant 0 : i32
      scf.yield %scan3A_319 : i32
    }
    %scan3A_17 = arith.constant 16 : i32
    %barrier3A = arith.constant 0 : index
    tpu.barrier barrier_id(%barrier3A)
    %dma_start3A = tpu.memref_slice %arg3[%mul3A_2] : memref<1600000xi32, #tpu.memory_space<hbm>> -> memref<400xi32, #tpu.memory_space<hbm>>
    %dma_start3A_18 = tpu.memref_slice %arg3[%mul3A_2] : memref<1600000xi32, #tpu.memory_space<hbm>> -> memref<400xi32, #tpu.memory_space<hbm>>
    tpu.enqueue_dma source(%dma_start3A_18 : memref<400xi32, #tpu.memory_space<hbm>>) target(%arg8 : memref<400xi32, #tpu.memory_space<vmem>>) target_semaphore(%arg17 : memref<!tpu.dma_semaphore, #tpu.memory_space<semaphore_mem>>)
    %dma_start3A_19 = tpu.memref_slice %arg4[%mul3A_2] : memref<1600000xi32, #tpu.memory_space<hbm>> -> memref<400xi32, #tpu.memory_space<hbm>>
    %dma_start3A_20 = tpu.memref_slice %arg4[%mul3A_2] : memref<1600000xi32, #tpu.memory_space<hbm>> -> memref<400xi32, #tpu.memory_space<hbm>>
    tpu.enqueue_dma source(%dma_start3A_20 : memref<400xi32, #tpu.memory_space<hbm>>) target(%arg9 : memref<400xi32, #tpu.memory_space<vmem>>) target_semaphore(%arg17 : memref<!tpu.dma_semaphore, #tpu.memory_space<semaphore_mem>>)
    %dma_start3A_21 = tpu.memref_slice %arg5[%mul3A_2] : memref<1600000xf32, #tpu.memory_space<hbm>> -> memref<400xf32, #tpu.memory_space<hbm>>
    %dma_start3A_22 = tpu.memref_slice %arg5[%mul3A_2] : memref<1600000xf32, #tpu.memory_space<hbm>> -> memref<400xf32, #tpu.memory_space<hbm>>
    tpu.enqueue_dma source(%dma_start3A_22 : memref<400xf32, #tpu.memory_space<hbm>>) target(%arg10 : memref<400xf32, #tpu.memory_space<vmem>>) target_semaphore(%arg17 : memref<!tpu.dma_semaphore, #tpu.memory_space<semaphore_mem>>)
    %add3A_23 = arith.constant 400 : i32
    %add3A_24 = arith.addi %mul3A_2, %add3A_23 : i32
    %dma_start3A_25 = tpu.memref_slice %arg3[%add3A_24] : memref<1600000xi32, #tpu.memory_space<hbm>> -> memref<400xi32, #tpu.memory_space<hbm>>
    %dma_start3A_26 = tpu.memref_slice %arg3[%add3A_24] : memref<1600000xi32, #tpu.memory_space<hbm>> -> memref<400xi32, #tpu.memory_space<hbm>>
    tpu.enqueue_dma source(%dma_start3A_26 : memref<400xi32, #tpu.memory_space<hbm>>) target(%arg12 : memref<400xi32, #tpu.memory_space<vmem>>) target_semaphore(%arg18 : memref<!tpu.dma_semaphore, #tpu.memory_space<semaphore_mem>>)
    %dma_start3A_27 = tpu.memref_slice %arg4[%add3A_24] : memref<1600000xi32, #tpu.memory_space<hbm>> -> memref<400xi32, #tpu.memory_space<hbm>>
    %dma_start3A_28 = tpu.memref_slice %arg4[%add3A_24] : memref<1600000xi32, #tpu.memory_space<hbm>> -> memref<400xi32, #tpu.memory_space<hbm>>
    tpu.enqueue_dma source(%dma_start3A_28 : memref<400xi32, #tpu.memory_space<hbm>>) target(%arg13 : memref<400xi32, #tpu.memory_space<vmem>>) target_semaphore(%arg18 : memref<!tpu.dma_semaphore, #tpu.memory_space<semaphore_mem>>)
    %dma_start3A_29 = tpu.memref_slice %arg5[%add3A_24] : memref<1600000xf32, #tpu.memory_space<hbm>> -> memref<400xf32, #tpu.memory_space<hbm>>
    %dma_start3A_30 = tpu.memref_slice %arg5[%add3A_24] : memref<1600000xf32, #tpu.memory_space<hbm>> -> memref<400xf32, #tpu.memory_space<hbm>>
    tpu.enqueue_dma source(%dma_start3A_30 : memref<400xf32, #tpu.memory_space<hbm>>) target(%arg14 : memref<400xf32, #tpu.memory_space<vmem>>) target_semaphore(%arg18 : memref<!tpu.dma_semaphore, #tpu.memory_space<semaphore_mem>>)
    %dma_wait3A = arith.constant 0 : i32
    %dma_wait3A_31 = tpu.memref_slice %arg3[%dma_wait3A] : memref<1600000xi32, #tpu.memory_space<hbm>> -> memref<400xi32, #tpu.memory_space<hbm>>
    %dma_wait3A_32 = arith.constant 0 : i32
    %dma_wait3A_33 = tpu.memref_slice %arg3[%dma_wait3A_32] : memref<1600000xi32, #tpu.memory_space<hbm>> -> memref<400xi32, #tpu.memory_space<hbm>>
    tpu.wait_dma2 semaphore(%arg17 : memref<!tpu.dma_semaphore, #tpu.memory_space<semaphore_mem>>) src(%dma_wait3A_33 : memref<400xi32, #tpu.memory_space<hbm>>) dst(%arg8 : memref<400xi32, #tpu.memory_space<vmem>>)
    %dma_wait3A_34 = arith.constant 0 : i32
    %dma_wait3A_35 = tpu.memref_slice %arg4[%dma_wait3A_34] : memref<1600000xi32, #tpu.memory_space<hbm>> -> memref<400xi32, #tpu.memory_space<hbm>>
    %dma_wait3A_36 = arith.constant 0 : i32
    %dma_wait3A_37 = tpu.memref_slice %arg4[%dma_wait3A_36] : memref<1600000xi32, #tpu.memory_space<hbm>> -> memref<400xi32, #tpu.memory_space<hbm>>
    tpu.wait_dma2 semaphore(%arg17 : memref<!tpu.dma_semaphore, #tpu.memory_space<semaphore_mem>>) src(%dma_wait3A_37 : memref<400xi32, #tpu.memory_space<hbm>>) dst(%arg9 : memref<400xi32, #tpu.memory_space<vmem>>)
    %dma_wait3A_38 = arith.constant 0 : i32
    %dma_wait3A_39 = tpu.memref_slice %arg5[%dma_wait3A_38] : memref<1600000xf32, #tpu.memory_space<hbm>> -> memref<400xf32, #tpu.memory_space<hbm>>
    %dma_wait3A_40 = arith.constant 0 : i32
    %dma_wait3A_41 = tpu.memref_slice %arg5[%dma_wait3A_40] : memref<1600000xf32, #tpu.memory_space<hbm>> -> memref<400xf32, #tpu.memory_space<hbm>>
    tpu.wait_dma2 semaphore(%arg17 : memref<!tpu.dma_semaphore, #tpu.memory_space<semaphore_mem>>) src(%dma_wait3A_41 : memref<400xf32, #tpu.memory_space<hbm>>) dst(%arg10 : memref<400xf32, #tpu.memory_space<vmem>>)
    %dma_start3A_42 = arith.constant 0 : i32
    %dma_start3A_43 = arith.constant 0 : i32
    %dma_start3A_44 = tpu.memref_slice %arg2[%dma_start3A_42, %dma_start3A_43] : memref<300000x16xf32, #tpu.memory_space<hbm>> -> memref<100000x16xf32, #tpu.memory_space<hbm>>
    %dma_start3A_45 = arith.constant 0 : i32
    %dma_start3A_46 = arith.constant 0 : i32
    %dma_start3A_47 = tpu.memref_slice %dma_start3A_44[%dma_start3A_45, %dma_start3A_46] : memref<100000x16xf32, #tpu.memory_space<hbm>> -> memref<100000x16xf32, #tpu.memory_space<hbm>>
    tpu.enqueue_indirect_dma source(%dma_start3A_47 : memref<100000x16xf32, #tpu.memory_space<hbm>>) target(%arg11 : memref<400x16xf32, #tpu.memory_space<vmem>>) offsets(%arg8 : memref<400xi32, #tpu.memory_space<vmem>>) semaphore(%arg19 : memref<!tpu.dma_semaphore, #tpu.memory_space<semaphore_mem>>)
    %scan3A_48 = arith.constant 0 : i32
    %scan3A_49 = arith.constant 0 : i32
    %scan3A_50 = arith.constant 62 : i32
    %scan3A_51 = arith.addi %scan3A_49, %scan3A_50 : i32
    %scan3A_52 = arith.constant 1 : i32
    %scan3A_53 = scf.for %scan3A_314 = %scan3A_49 to %scan3A_51 step %scan3A_52 iter_args(%scan3A_315 = %scan3A_48) -> (i32)  : i32 {
      %mul3A_316 = arith.constant 2 : i32
      %mul3A_317 = arith.muli %mul3A_316, %scan3A_314 : i32
      %mul3A_318 = arith.constant 400 : i32
      %mul3A_319 = arith.muli %mul3A_317, %mul3A_318 : i32
      %add3A_320 = arith.addi %mul3A_2, %mul3A_319 : i32
      %dma_wait3A_321 = arith.constant 0 : i32
      %dma_wait3A_322 = tpu.memref_slice %arg3[%dma_wait3A_321] : memref<1600000xi32, #tpu.memory_space<hbm>> -> memref<400xi32, #tpu.memory_space<hbm>>
      %dma_wait3A_323 = arith.constant 0 : i32
      %dma_wait3A_324 = tpu.memref_slice %arg3[%dma_wait3A_323] : memref<1600000xi32, #tpu.memory_space<hbm>> -> memref<400xi32, #tpu.memory_space<hbm>>
      tpu.wait_dma2 semaphore(%arg18 : memref<!tpu.dma_semaphore, #tpu.memory_space<semaphore_mem>>) src(%dma_wait3A_324 : memref<400xi32, #tpu.memory_space<hbm>>) dst(%arg12 : memref<400xi32, #tpu.memory_space<vmem>>)
      %dma_wait3A_325 = arith.constant 0 : i32
      %dma_wait3A_326 = tpu.memref_slice %arg4[%dma_wait3A_325] : memref<1600000xi32, #tpu.memory_space<hbm>> -> memref<400xi32, #tpu.memory_space<hbm>>
      %dma_wait3A_327 = arith.constant 0 : i32
      %dma_wait3A_328 = tpu.memref_slice %arg4[%dma_wait3A_327] : memref<1600000xi32, #tpu.memory_space<hbm>> -> memref<400xi32, #tpu.memory_space<hbm>>
      tpu.wait_dma2 semaphore(%arg18 : memref<!tpu.dma_semaphore, #tpu.memory_space<semaphore_mem>>) src(%dma_wait3A_328 : memref<400xi32, #tpu.memory_space<hbm>>) dst(%arg13 : memref<400xi32, #tpu.memory_space<vmem>>)
      %dma_wait3A_329 = arith.constant 0 : i32
      %dma_wait3A_330 = tpu.memref_slice %arg5[%dma_wait3A_329] : memref<1600000xf32, #tpu.memory_space<hbm>> -> memref<400xf32, #tpu.memory_space<hbm>>
      %dma_wait3A_331 = arith.constant 0 : i32
      %dma_wait3A_332 = tpu.memref_slice %arg5[%dma_wait3A_331] : memref<1600000xf32, #tpu.memory_space<hbm>> -> memref<400xf32, #tpu.memory_space<hbm>>
      tpu.wait_dma2 semaphore(%arg18 : memref<!tpu.dma_semaphore, #tpu.memory_space<semaphore_mem>>) src(%dma_wait3A_332 : memref<400xf32, #tpu.memory_space<hbm>>) dst(%arg14 : memref<400xf32, #tpu.memory_space<vmem>>)
      %gt3A = arith.constant 0 : i32
      %gt3A_333 = arith.cmpi sgt, %scan3A_314, %gt3A : i32
      %convert_element_type3A = arith.extui %gt3A_333 : i1 to i32
      %cond3A = arith.constant 0 : i32
      %cond3A_334 = arith.cmpi ne, %convert_element_type3A, %cond3A : i32
      scf.if %cond3A_334 {
        %dma_wait3A_412 = arith.constant 0 : i32
        %dma_wait3A_413 = arith.constant 0 : i32
        %dma_wait3A_414 = tpu.memref_slice %arg2[%dma_wait3A_412, %dma_wait3A_413] : memref<300000x16xf32, #tpu.memory_space<hbm>> -> memref<100000x16xf32, #tpu.memory_space<hbm>>
        %dma_wait3A_415 = arith.constant 0 : i32
        %dma_wait3A_416 = arith.constant 0 : i32
        %dma_wait3A_417 = tpu.memref_slice %dma_wait3A_414[%dma_wait3A_415, %dma_wait3A_416] : memref<100000x16xf32, #tpu.memory_space<hbm>> -> memref<400x16xf32, #tpu.memory_space<hbm>>
        %dma_wait3A_418 = arith.constant 0 : i32
        %dma_wait3A_419 = arith.constant 0 : i32
        %dma_wait3A_420 = tpu.memref_slice %arg2[%dma_wait3A_418, %dma_wait3A_419] : memref<300000x16xf32, #tpu.memory_space<hbm>> -> memref<100000x16xf32, #tpu.memory_space<hbm>>
        %dma_wait3A_421 = arith.constant 0 : i32
        %dma_wait3A_422 = arith.constant 0 : i32
        %dma_wait3A_423 = tpu.memref_slice %dma_wait3A_420[%dma_wait3A_421, %dma_wait3A_422] : memref<100000x16xf32, #tpu.memory_space<hbm>> -> memref<400x16xf32, #tpu.memory_space<hbm>>
        tpu.wait_dma2 semaphore(%arg22 : memref<!tpu.dma_semaphore, #tpu.memory_space<semaphore_mem>>) src(%dma_wait3A_423 : memref<400x16xf32, #tpu.memory_space<hbm>>) dst(%arg15 : memref<400x16xf32, #tpu.memory_space<vmem>>)
      } else {
      }
      %dma_start3A_335 = arith.constant 0 : i32
      %dma_start3A_336 = arith.constant 0 : i32
      %dma_start3A_337 = tpu.memref_slice %arg2[%dma_start3A_335, %dma_start3A_336] : memref<300000x16xf32, #tpu.memory_space<hbm>> -> memref<100000x16xf32, #tpu.memory_space<hbm>>
      %dma_start3A_338 = arith.constant 0 : i32
      %dma_start3A_339 = arith.constant 0 : i32
      %dma_start3A_340 = tpu.memref_slice %dma_start3A_337[%dma_start3A_338, %dma_start3A_339] : memref<100000x16xf32, #tpu.memory_space<hbm>> -> memref<100000x16xf32, #tpu.memory_space<hbm>>
      tpu.enqueue_indirect_dma source(%dma_start3A_340 : memref<100000x16xf32, #tpu.memory_space<hbm>>) target(%arg15 : memref<400x16xf32, #tpu.memory_space<vmem>>) offsets(%arg12 : memref<400xi32, #tpu.memory_space<vmem>>) semaphore(%arg20 : memref<!tpu.dma_semaphore, #tpu.memory_space<semaphore_mem>>)
      %dma_wait3A_341 = arith.constant 0 : i32
      %dma_wait3A_342 = arith.constant 0 : i32
      %dma_wait3A_343 = tpu.memref_slice %arg2[%dma_wait3A_341, %dma_wait3A_342] : memref<300000x16xf32, #tpu.memory_space<hbm>> -> memref<100000x16xf32, #tpu.memory_space<hbm>>
      %dma_wait3A_344 = arith.constant 0 : i32
      %dma_wait3A_345 = arith.constant 0 : i32
      %dma_wait3A_346 = tpu.memref_slice %dma_wait3A_343[%dma_wait3A_344, %dma_wait3A_345] : memref<100000x16xf32, #tpu.memory_space<hbm>> -> memref<400x16xf32, #tpu.memory_space<hbm>>
      %dma_wait3A_347 = arith.constant 0 : i32
      %dma_wait3A_348 = arith.constant 0 : i32
      %dma_wait3A_349 = tpu.memref_slice %arg2[%dma_wait3A_347, %dma_wait3A_348] : memref<300000x16xf32, #tpu.memory_space<hbm>> -> memref<100000x16xf32, #tpu.memory_space<hbm>>
      %dma_wait3A_350 = arith.constant 0 : i32
      %dma_wait3A_351 = arith.constant 0 : i32
      %dma_wait3A_352 = tpu.memref_slice %dma_wait3A_349[%dma_wait3A_350, %dma_wait3A_351] : memref<100000x16xf32, #tpu.memory_space<hbm>> -> memref<400x16xf32, #tpu.memory_space<hbm>>
      tpu.wait_dma2 semaphore(%arg19 : memref<!tpu.dma_semaphore, #tpu.memory_space<semaphore_mem>>) src(%dma_wait3A_352 : memref<400x16xf32, #tpu.memory_space<hbm>>) dst(%arg11 : memref<400x16xf32, #tpu.memory_space<vmem>>)
      %scan3A_353 = arith.constant 0 : i32
      %scan3A_354 = arith.constant 0 : i32
      %scan3A_355 = arith.constant 25 : i32
      %scan3A_356 = arith.addi %scan3A_354, %scan3A_355 : i32
      %scan3A_357 = arith.constant 1 : i32
      %scan3A_358 = scf.for %scan3A_412 = %scan3A_354 to %scan3A_356 step %scan3A_357 iter_args(%scan3A_413 = %scan3A_353) -> (i32)  : i32 {
        %mul3A_414 = arith.constant 16 : i32
        %mul3A_415 = arith.muli %scan3A_412, %mul3A_414 : i32
        %get3A = arith.index_cast %mul3A_415 : i32 to index
        %get3A_416 = tpu.vector_load %arg10[%get3A] {strides = array<i32>} : memref<400xf32, #tpu.memory_space<vmem>>, vector<16xf32>,
        %get3A_417 = vector.shape_cast %get3A_416 : vector<16xf32> to vector<16xf32>
        %mul3A_418 = arith.constant 16 : i32
        %mul3A_419 = arith.muli %scan3A_412, %mul3A_418 : i32
        %add3A_420 = arith.constant 0 : i32
        %add3A_421 = arith.addi %mul3A_419, %add3A_420 : i32
        %get3A_422 = arith.index_cast %add3A_421 : i32 to index
        %get3A_423 = arith.constant 0 : index
        %get3A_424 = tpu.vector_load %arg11[%get3A_422, %get3A_423] {strides = array<i32>} : memref<400x16xf32, #tpu.memory_space<vmem>>, vector<1x16xf32>,
        %get3A_425 = vector.shape_cast %get3A_424 : vector<1x16xf32> to vector<16xf32>
        %slice3A = vector.extract_strided_slice %get3A_417 {offsets = [0], sizes = [1], strides = [1]} : vector<16xf32> to vector<1xf32>
        %squeeze3A = vector.extract %slice3A[0] : f32 from vector<1xf32>
        %mul3A_426 = vector.broadcast %squeeze3A : f32 to vector<16xf32>
        %mul3A_427 = arith.mulf %get3A_425, %mul3A_426 : vector<16xf32>
        %swap3A = arith.index_cast %add3A_421 : i32 to index
        %swap3A_428 = arith.constant 0 : index
        %swap3A_429 = tpu.vector_load %arg11[%swap3A, %swap3A_428] {strides = array<i32>} : memref<400x16xf32, #tpu.memory_space<vmem>>, vector<1x16xf32>,
        %swap3A_430 = vector.shape_cast %swap3A_429 : vector<1x16xf32> to vector<16xf32>
        %swap3A_431 = vector.shape_cast %mul3A_427 : vector<16xf32> to vector<1x16xf32>
        tpu.vector_store %arg11[%swap3A, %swap3A_428], %swap3A_431 {strides = array<i32>} : memref<400x16xf32, #tpu.memory_space<vmem>>, vector<1x16xf32>,
        %mul3A_432 = arith.constant 16 : i32
        %mul3A_433 = arith.muli %scan3A_412, %mul3A_432 : i32
        %add3A_434 = arith.constant 1 : i32
        %add3A_435 = arith.addi %mul3A_433, %add3A_434 : i32
        %get3A_436 = arith.index_cast %add3A_435 : i32 to index
        %get3A_437 = arith.constant 0 : index
        %get3A_438 = tpu.vector_load %arg11[%get3A_436, %get3A_437] {strides = array<i32>} : memref<400x16xf32, #tpu.memory_space<vmem>>, vector<1x16xf32>,
        %get3A_439 = vector.shape_cast %get3A_438 : vector<1x16xf32> to vector<16xf32>
        %slice3A_440 = vector.extract_strided_slice %get3A_417 {offsets = [1], sizes = [1], strides = [1]} : vector<16xf32> to vector<1xf32>
        %squeeze3A_441 = vector.extract %slice3A_440[0] : f32 from vector<1xf32>
        %mul3A_442 = vector.broadcast %squeeze3A_441 : f32 to vector<16xf32>
        %mul3A_443 = arith.mulf %get3A_439, %mul3A_442 : vector<16xf32>
        %swap3A_444 = arith.index_cast %add3A_435 : i32 to index
        %swap3A_445 = arith.constant 0 : index
        %swap3A_446 = tpu.vector_load %arg11[%swap3A_444, %swap3A_445] {strides = array<i32>} : memref<400x16xf32, #tpu.memory_space<vmem>>, vector<1x16xf32>,
        %swap3A_447 = vector.shape_cast %swap3A_446 : vector<1x16xf32> to vector<16xf32>
        %swap3A_448 = vector.shape_cast %mul3A_443 : vector<16xf32> to vector<1x16xf32>
        tpu.vector_store %arg11[%swap3A_444, %swap3A_445], %swap3A_448 {strides = array<i32>} : memref<400x16xf32, #tpu.memory_space<vmem>>, vector<1x16xf32>,
        %mul3A_449 = arith.constant 16 : i32
        %mul3A_450 = arith.muli %scan3A_412, %mul3A_449 : i32
        %add3A_451 = arith.constant 2 : i32
        %add3A_452 = arith.addi %mul3A_450, %add3A_451 : i32
        %get3A_453 = arith.index_cast %add3A_452 : i32 to index
        %get3A_454 = arith.constant 0 : index
        %get3A_455 = tpu.vector_load %arg11[%get3A_453, %get3A_454] {strides = array<i32>} : memref<400x16xf32, #tpu.memory_space<vmem>>, vector<1x16xf32>,
        %get3A_456 = vector.shape_cast %get3A_455 : vector<1x16xf32> to vector<16xf32>
        %slice3A_457 = vector.extract_strided_slice %get3A_417 {offsets = [2], sizes = [1], strides = [1]} : vector<16xf32> to vector<1xf32>
        %squeeze3A_458 = vector.extract %slice3A_457[0] : f32 from vector<1xf32>
        %mul3A_459 = vector.broadcast %squeeze3A_458 : f32 to vector<16xf32>
        %mul3A_460 = arith.mulf %get3A_456, %mul3A_459 : vector<16xf32>
        %swap3A_461 = arith.index_cast %add3A_452 : i32 to index
        %swap3A_462 = arith.constant 0 : index
        %swap3A_463 = tpu.vector_load %arg11[%swap3A_461, %swap3A_462] {strides = array<i32>} : memref<400x16xf32, #tpu.memory_space<vmem>>, vector<1x16xf32>,
        %swap3A_464 = vector.shape_cast %swap3A_463 : vector<1x16xf32> to vector<16xf32>
        %swap3A_465 = vector.shape_cast %mul3A_460 : vector<16xf32> to vector<1x16xf32>
        tpu.vector_store %arg11[%swap3A_461, %swap3A_462], %swap3A_465 {strides = array<i32>} : memref<400x16xf32, #tpu.memory_space<vmem>>, vector<1x16xf32>,
        %mul3A_466 = arith.constant 16 : i32
        %mul3A_467 = arith.muli %scan3A_412, %mul3A_466 : i32
        %add3A_468 = arith.constant 3 : i32
        %add3A_469 = arith.addi %mul3A_467, %add3A_468 : i32
        %get3A_470 = arith.index_cast %add3A_469 : i32 to index
        %get3A_471 = arith.constant 0 : index
        %get3A_472 = tpu.vector_load %arg11[%get3A_470, %get3A_471] {strides = array<i32>} : memref<400x16xf32, #tpu.memory_space<vmem>>, vector<1x16xf32>,
        %get3A_473 = vector.shape_cast %get3A_472 : vector<1x16xf32> to vector<16xf32>
        %slice3A_474 = vector.extract_strided_slice %get3A_417 {offsets = [3], sizes = [1], strides = [1]} : vector<16xf32> to vector<1xf32>
        %squeeze3A_475 = vector.extract %slice3A_474[0] : f32 from vector<1xf32>
        %mul3A_476 = vector.broadcast %squeeze3A_475 : f32 to vector<16xf32>
        %mul3A_477 = arith.mulf %get3A_473, %mul3A_476 : vector<16xf32>
        %swap3A_478 = arith.index_cast %add3A_469 : i32 to index
        %swap3A_479 = arith.constant 0 : index
        %swap3A_480 = tpu.vector_load %arg11[%swap3A_478, %swap3A_479] {strides = array<i32>} : memref<400x16xf32, #tpu.memory_space<vmem>>, vector<1x16xf32>,
        %swap3A_481 = vector.shape_cast %swap3A_480 : vector<1x16xf32> to vector<16xf32>
        %swap3A_482 = vector.shape_cast %mul3A_477 : vector<16xf32> to vector<1x16xf32>
        tpu.vector_store %arg11[%swap3A_478, %swap3A_479], %swap3A_482 {strides = array<i32>} : memref<400x16xf32, #tpu.memory_space<vmem>>, vector<1x16xf32>,
        %mul3A_483 = arith.constant 16 : i32
        %mul3A_484 = arith.muli %scan3A_412, %mul3A_483 : i32
        %add3A_485 = arith.constant 4 : i32
        %add3A_486 = arith.addi %mul3A_484, %add3A_485 : i32
        %get3A_487 = arith.index_cast %add3A_486 : i32 to index
        %get3A_488 = arith.constant 0 : index
        %get3A_489 = tpu.vector_load %arg11[%get3A_487, %get3A_488] {strides = array<i32>} : memref<400x16xf32, #tpu.memory_space<vmem>>, vector<1x16xf32>,
        %get3A_490 = vector.shape_cast %get3A_489 : vector<1x16xf32> to vector<16xf32>
        %slice3A_491 = vector.extract_strided_slice %get3A_417 {offsets = [4], sizes = [1], strides = [1]} : vector<16xf32> to vector<1xf32>
        %squeeze3A_492 = vector.extract %slice3A_491[0] : f32 from vector<1xf32>
        %mul3A_493 = vector.broadcast %squeeze3A_492 : f32 to vector<16xf32>
        %mul3A_494 = arith.mulf %get3A_490, %mul3A_493 : vector<16xf32>
        %swap3A_495 = arith.index_cast %add3A_486 : i32 to index
        %swap3A_496 = arith.constant 0 : index
        %swap3A_497 = tpu.vector_load %arg11[%swap3A_495, %swap3A_496] {strides = array<i32>} : memref<400x16xf32, #tpu.memory_space<vmem>>, vector<1x16xf32>,
        %swap3A_498 = vector.shape_cast %swap3A_497 : vector<1x16xf32> to vector<16xf32>
        %swap3A_499 = vector.shape_cast %mul3A_494 : vector<16xf32> to vector<1x16xf32>
        tpu.vector_store %arg11[%swap3A_495, %swap3A_496], %swap3A_499 {strides = array<i32>} : memref<400x16xf32, #tpu.memory_space<vmem>>, vector<1x16xf32>,
        %mul3A_500 = arith.constant 16 : i32
        %mul3A_501 = arith.muli %scan3A_412, %mul3A_500 : i32
        %add3A_502 = arith.constant 5 : i32
        %add3A_503 = arith.addi %mul3A_501, %add3A_502 : i32
        %get3A_504 = arith.index_cast %add3A_503 : i32 to index
        %get3A_505 = arith.constant 0 : index
        %get3A_506 = tpu.vector_load %arg11[%get3A_504, %get3A_505] {strides = array<i32>} : memref<400x16xf32, #tpu.memory_space<vmem>>, vector<1x16xf32>,
        %get3A_507 = vector.shape_cast %get3A_506 : vector<1x16xf32> to vector<16xf32>
        %slice3A_508 = vector.extract_strided_slice %get3A_417 {offsets = [5], sizes = [1], strides = [1]} : vector<16xf32> to vector<1xf32>
        %squeeze3A_509 = vector.extract %slice3A_508[0] : f32 from vector<1xf32>
        %mul3A_510 = vector.broadcast %squeeze3A_509 : f32 to vector<16xf32>
        %mul3A_511 = arith.mulf %get3A_507, %mul3A_510 : vector<16xf32>
        %swap3A_512 = arith.index_cast %add3A_503 : i32 to index
        %swap3A_513 = arith.constant 0 : index
        %swap3A_514 = tpu.vector_load %arg11[%swap3A_512, %swap3A_513] {strides = array<i32>} : memref<400x16xf32, #tpu.memory_space<vmem>>, vector<1x16xf32>,
        %swap3A_515 = vector.shape_cast %swap3A_514 : vector<1x16xf32> to vector<16xf32>
        %swap3A_516 = vector.shape_cast %mul3A_511 : vector<16xf32> to vector<1x16xf32>
        tpu.vector_store %arg11[%swap3A_512, %swap3A_513], %swap3A_516 {strides = array<i32>} : memref<400x16xf32, #tpu.memory_space<vmem>>, vector<1x16xf32>,
        %mul3A_517 = arith.constant 16 : i32
        %mul3A_518 = arith.muli %scan3A_412, %mul3A_517 : i32
        %add3A_519 = arith.constant 6 : i32
        %add3A_520 = arith.addi %mul3A_518, %add3A_519 : i32
        %get3A_521 = arith.index_cast %add3A_520 : i32 to index
        %get3A_522 = arith.constant 0 : index
        %get3A_523 = tpu.vector_load %arg11[%get3A_521, %get3A_522] {strides = array<i32>} : memref<400x16xf32, #tpu.memory_space<vmem>>, vector<1x16xf32>,
        %get3A_524 = vector.shape_cast %get3A_523 : vector<1x16xf32> to vector<16xf32>
        %slice3A_525 = vector.extract_strided_slice %get3A_417 {offsets = [6], sizes = [1], strides = [1]} : vector<16xf32> to vector<1xf32>
        %squeeze3A_526 = vector.extract %slice3A_525[0] : f32 from vector<1xf32>
        %mul3A_527 = vector.broadcast %squeeze3A_526 : f32 to vector<16xf32>
        %mul3A_528 = arith.mulf %get3A_524, %mul3A_527 : vector<16xf32>
        %swap3A_529 = arith.index_cast %add3A_520 : i32 to index
        %swap3A_530 = arith.constant 0 : index
        %swap3A_531 = tpu.vector_load %arg11[%swap3A_529, %swap3A_530] {strides = array<i32>} : memref<400x16xf32, #tpu.memory_space<vmem>>, vector<1x16xf32>,
        %swap3A_532 = vector.shape_cast %swap3A_531 : vector<1x16xf32> to vector<16xf32>
        %swap3A_533 = vector.shape_cast %mul3A_528 : vector<16xf32> to vector<1x16xf32>
        tpu.vector_store %arg11[%swap3A_529, %swap3A_530], %swap3A_533 {strides = array<i32>} : memref<400x16xf32, #tpu.memory_space<vmem>>, vector<1x16xf32>,
        %mul3A_534 = arith.constant 16 : i32
        %mul3A_535 = arith.muli %scan3A_412, %mul3A_534 : i32
        %add3A_536 = arith.constant 7 : i32
        %add3A_537 = arith.addi %mul3A_535, %add3A_536 : i32
        %get3A_538 = arith.index_cast %add3A_537 : i32 to index
        %get3A_539 = arith.constant 0 : index
        %get3A_540 = tpu.vector_load %arg11[%get3A_538, %get3A_539] {strides = array<i32>} : memref<400x16xf32, #tpu.memory_space<vmem>>, vector<1x16xf32>,
        %get3A_541 = vector.shape_cast %get3A_540 : vector<1x16xf32> to vector<16xf32>
        %slice3A_542 = vector.extract_strided_slice %get3A_417 {offsets = [7], sizes = [1], strides = [1]} : vector<16xf32> to vector<1xf32>
        %squeeze3A_543 = vector.extract %slice3A_542[0] : f32 from vector<1xf32>
        %mul3A_544 = vector.broadcast %squeeze3A_543 : f32 to vector<16xf32>
        %mul3A_545 = arith.mulf %get3A_541, %mul3A_544 : vector<16xf32>
        %swap3A_546 = arith.index_cast %add3A_537 : i32 to index
        %swap3A_547 = arith.constant 0 : index
        %swap3A_548 = tpu.vector_load %arg11[%swap3A_546, %swap3A_547] {strides = array<i32>} : memref<400x16xf32, #tpu.memory_space<vmem>>, vector<1x16xf32>,
        %swap3A_549 = vector.shape_cast %swap3A_548 : vector<1x16xf32> to vector<16xf32>
        %swap3A_550 = vector.shape_cast %mul3A_545 : vector<16xf32> to vector<1x16xf32>
        tpu.vector_store %arg11[%swap3A_546, %swap3A_547], %swap3A_550 {strides = array<i32>} : memref<400x16xf32, #tpu.memory_space<vmem>>, vector<1x16xf32>,
        %mul3A_551 = arith.constant 16 : i32
        %mul3A_552 = arith.muli %scan3A_412, %mul3A_551 : i32
        %add3A_553 = arith.constant 8 : i32
        %add3A_554 = arith.addi %mul3A_552, %add3A_553 : i32
        %get3A_555 = arith.index_cast %add3A_554 : i32 to index
        %get3A_556 = arith.constant 0 : index
        %get3A_557 = tpu.vector_load %arg11[%get3A_555, %get3A_556] {strides = array<i32>} : memref<400x16xf32, #tpu.memory_space<vmem>>, vector<1x16xf32>,
        %get3A_558 = vector.shape_cast %get3A_557 : vector<1x16xf32> to vector<16xf32>
        %slice3A_559 = vector.extract_strided_slice %get3A_417 {offsets = [8], sizes = [1], strides = [1]} : vector<16xf32> to vector<1xf32>
        %squeeze3A_560 = vector.extract %slice3A_559[0] : f32 from vector<1xf32>
        %mul3A_561 = vector.broadcast %squeeze3A_560 : f32 to vector<16xf32>
        %mul3A_562 = arith.mulf %get3A_558, %mul3A_561 : vector<16xf32>
        %swap3A_563 = arith.index_cast %add3A_554 : i32 to index
        %swap3A_564 = arith.constant 0 : index
        %swap3A_565 = tpu.vector_load %arg11[%swap3A_563, %swap3A_564] {strides = array<i32>} : memref<400x16xf32, #tpu.memory_space<vmem>>, vector<1x16xf32>,
        %swap3A_566 = vector.shape_cast %swap3A_565 : vector<1x16xf32> to vector<16xf32>
        %swap3A_567 = vector.shape_cast %mul3A_562 : vector<16xf32> to vector<1x16xf32>
        tpu.vector_store %arg11[%swap3A_563, %swap3A_564], %swap3A_567 {strides = array<i32>} : memref<400x16xf32, #tpu.memory_space<vmem>>, vector<1x16xf32>,
        %mul3A_568 = arith.constant 16 : i32
        %mul3A_569 = arith.muli %scan3A_412, %mul3A_568 : i32
        %add3A_570 = arith.constant 9 : i32
        %add3A_571 = arith.addi %mul3A_569, %add3A_570 : i32
        %get3A_572 = arith.index_cast %add3A_571 : i32 to index
        %get3A_573 = arith.constant 0 : index
        %get3A_574 = tpu.vector_load %arg11[%get3A_572, %get3A_573] {strides = array<i32>} : memref<400x16xf32, #tpu.memory_space<vmem>>, vector<1x16xf32>,
        %get3A_575 = vector.shape_cast %get3A_574 : vector<1x16xf32> to vector<16xf32>
        %slice3A_576 = vector.extract_strided_slice %get3A_417 {offsets = [9], sizes = [1], strides = [1]} : vector<16xf32> to vector<1xf32>
        %squeeze3A_577 = vector.extract %slice3A_576[0] : f32 from vector<1xf32>
        %mul3A_578 = vector.broadcast %squeeze3A_577 : f32 to vector<16xf32>
        %mul3A_579 = arith.mulf %get3A_575, %mul3A_578 : vector<16xf32>
        %swap3A_580 = arith.index_cast %add3A_571 : i32 to index
        %swap3A_581 = arith.constant 0 : index
        %swap3A_582 = tpu.vector_load %arg11[%swap3A_580, %swap3A_581] {strides = array<i32>} : memref<400x16xf32, #tpu.memory_space<vmem>>, vector<1x16xf32>,
        %swap3A_583 = vector.shape_cast %swap3A_582 : vector<1x16xf32> to vector<16xf32>
        %swap3A_584 = vector.shape_cast %mul3A_579 : vector<16xf32> to vector<1x16xf32>
        tpu.vector_store %arg11[%swap3A_580, %swap3A_581], %swap3A_584 {strides = array<i32>} : memref<400x16xf32, #tpu.memory_space<vmem>>, vector<1x16xf32>,
        %mul3A_585 = arith.constant 16 : i32
        %mul3A_586 = arith.muli %scan3A_412, %mul3A_585 : i32
        %add3A_587 = arith.constant 10 : i32
        %add3A_588 = arith.addi %mul3A_586, %add3A_587 : i32
        %get3A_589 = arith.index_cast %add3A_588 : i32 to index
        %get3A_590 = arith.constant 0 : index
        %get3A_591 = tpu.vector_load %arg11[%get3A_589, %get3A_590] {strides = array<i32>} : memref<400x16xf32, #tpu.memory_space<vmem>>, vector<1x16xf32>,
        %get3A_592 = vector.shape_cast %get3A_591 : vector<1x16xf32> to vector<16xf32>
        %slice3A_593 = vector.extract_strided_slice %get3A_417 {offsets = [10], sizes = [1], strides = [1]} : vector<16xf32> to vector<1xf32>
        %squeeze3A_594 = vector.extract %slice3A_593[0] : f32 from vector<1xf32>
        %mul3A_595 = vector.broadcast %squeeze3A_594 : f32 to vector<16xf32>
        %mul3A_596 = arith.mulf %get3A_592, %mul3A_595 : vector<16xf32>
        %swap3A_597 = arith.index_cast %add3A_588 : i32 to index
        %swap3A_598 = arith.constant 0 : index
        %swap3A_599 = tpu.vector_load %arg11[%swap3A_597, %swap3A_598] {strides = array<i32>} : memref<400x16xf32, #tpu.memory_space<vmem>>, vector<1x16xf32>,
        %swap3A_600 = vector.shape_cast %swap3A_599 : vector<1x16xf32> to vector<16xf32>
        %swap3A_601 = vector.shape_cast %mul3A_596 : vector<16xf32> to vector<1x16xf32>
        tpu.vector_store %arg11[%swap3A_597, %swap3A_598], %swap3A_601 {strides = array<i32>} : memref<400x16xf32, #tpu.memory_space<vmem>>, vector<1x16xf32>,
        %mul3A_602 = arith.constant 16 : i32
        %mul3A_603 = arith.muli %scan3A_412, %mul3A_602 : i32
        %add3A_604 = arith.constant 11 : i32
        %add3A_605 = arith.addi %mul3A_603, %add3A_604 : i32
        %get3A_606 = arith.index_cast %add3A_605 : i32 to index
        %get3A_607 = arith.constant 0 : index
        %get3A_608 = tpu.vector_load %arg11[%get3A_606, %get3A_607] {strides = array<i32>} : memref<400x16xf32, #tpu.memory_space<vmem>>, vector<1x16xf32>,
        %get3A_609 = vector.shape_cast %get3A_608 : vector<1x16xf32> to vector<16xf32>
        %slice3A_610 = vector.extract_strided_slice %get3A_417 {offsets = [11], sizes = [1], strides = [1]} : vector<16xf32> to vector<1xf32>
        %squeeze3A_611 = vector.extract %slice3A_610[0] : f32 from vector<1xf32>
        %mul3A_612 = vector.broadcast %squeeze3A_611 : f32 to vector<16xf32>
        %mul3A_613 = arith.mulf %get3A_609, %mul3A_612 : vector<16xf32>
        %swap3A_614 = arith.index_cast %add3A_605 : i32 to index
        %swap3A_615 = arith.constant 0 : index
        %swap3A_616 = tpu.vector_load %arg11[%swap3A_614, %swap3A_615] {strides = array<i32>} : memref<400x16xf32, #tpu.memory_space<vmem>>, vector<1x16xf32>,
        %swap3A_617 = vector.shape_cast %swap3A_616 : vector<1x16xf32> to vector<16xf32>
        %swap3A_618 = vector.shape_cast %mul3A_613 : vector<16xf32> to vector<1x16xf32>
        tpu.vector_store %arg11[%swap3A_614, %swap3A_615], %swap3A_618 {strides = array<i32>} : memref<400x16xf32, #tpu.memory_space<vmem>>, vector<1x16xf32>,
        %mul3A_619 = arith.constant 16 : i32
        %mul3A_620 = arith.muli %scan3A_412, %mul3A_619 : i32
        %add3A_621 = arith.constant 12 : i32
        %add3A_622 = arith.addi %mul3A_620, %add3A_621 : i32
        %get3A_623 = arith.index_cast %add3A_622 : i32 to index
        %get3A_624 = arith.constant 0 : index
        %get3A_625 = tpu.vector_load %arg11[%get3A_623, %get3A_624] {strides = array<i32>} : memref<400x16xf32, #tpu.memory_space<vmem>>, vector<1x16xf32>,
        %get3A_626 = vector.shape_cast %get3A_625 : vector<1x16xf32> to vector<16xf32>
        %slice3A_627 = vector.extract_strided_slice %get3A_417 {offsets = [12], sizes = [1], strides = [1]} : vector<16xf32> to vector<1xf32>
        %squeeze3A_628 = vector.extract %slice3A_627[0] : f32 from vector<1xf32>
        %mul3A_629 = vector.broadcast %squeeze3A_628 : f32 to vector<16xf32>
        %mul3A_630 = arith.mulf %get3A_626, %mul3A_629 : vector<16xf32>
        %swap3A_631 = arith.index_cast %add3A_622 : i32 to index
        %swap3A_632 = arith.constant 0 : index
        %swap3A_633 = tpu.vector_load %arg11[%swap3A_631, %swap3A_632] {strides = array<i32>} : memref<400x16xf32, #tpu.memory_space<vmem>>, vector<1x16xf32>,
        %swap3A_634 = vector.shape_cast %swap3A_633 : vector<1x16xf32> to vector<16xf32>
        %swap3A_635 = vector.shape_cast %mul3A_630 : vector<16xf32> to vector<1x16xf32>
        tpu.vector_store %arg11[%swap3A_631, %swap3A_632], %swap3A_635 {strides = array<i32>} : memref<400x16xf32, #tpu.memory_space<vmem>>, vector<1x16xf32>,
        %mul3A_636 = arith.constant 16 : i32
        %mul3A_637 = arith.muli %scan3A_412, %mul3A_636 : i32
        %add3A_638 = arith.constant 13 : i32
        %add3A_639 = arith.addi %mul3A_637, %add3A_638 : i32
        %get3A_640 = arith.index_cast %add3A_639 : i32 to index
        %get3A_641 = arith.constant 0 : index
        %get3A_642 = tpu.vector_load %arg11[%get3A_640, %get3A_641] {strides = array<i32>} : memref<400x16xf32, #tpu.memory_space<vmem>>, vector<1x16xf32>,
        %get3A_643 = vector.shape_cast %get3A_642 : vector<1x16xf32> to vector<16xf32>
        %slice3A_644 = vector.extract_strided_slice %get3A_417 {offsets = [13], sizes = [1], strides = [1]} : vector<16xf32> to vector<1xf32>
        %squeeze3A_645 = vector.extract %slice3A_644[0] : f32 from vector<1xf32>
        %mul3A_646 = vector.broadcast %squeeze3A_645 : f32 to vector<16xf32>
        %mul3A_647 = arith.mulf %get3A_643, %mul3A_646 : vector<16xf32>
        %swap3A_648 = arith.index_cast %add3A_639 : i32 to index
        %swap3A_649 = arith.constant 0 : index
        %swap3A_650 = tpu.vector_load %arg11[%swap3A_648, %swap3A_649] {strides = array<i32>} : memref<400x16xf32, #tpu.memory_space<vmem>>, vector<1x16xf32>,
        %swap3A_651 = vector.shape_cast %swap3A_650 : vector<1x16xf32> to vector<16xf32>
        %swap3A_652 = vector.shape_cast %mul3A_647 : vector<16xf32> to vector<1x16xf32>
        tpu.vector_store %arg11[%swap3A_648, %swap3A_649], %swap3A_652 {strides = array<i32>} : memref<400x16xf32, #tpu.memory_space<vmem>>, vector<1x16xf32>,
        %mul3A_653 = arith.constant 16 : i32
        %mul3A_654 = arith.muli %scan3A_412, %mul3A_653 : i32
        %add3A_655 = arith.constant 14 : i32
        %add3A_656 = arith.addi %mul3A_654, %add3A_655 : i32
        %get3A_657 = arith.index_cast %add3A_656 : i32 to index
        %get3A_658 = arith.constant 0 : index
        %get3A_659 = tpu.vector_load %arg11[%get3A_657, %get3A_658] {strides = array<i32>} : memref<400x16xf32, #tpu.memory_space<vmem>>, vector<1x16xf32>,
        %get3A_660 = vector.shape_cast %get3A_659 : vector<1x16xf32> to vector<16xf32>
        %slice3A_661 = vector.extract_strided_slice %get3A_417 {offsets = [14], sizes = [1], strides = [1]} : vector<16xf32> to vector<1xf32>
        %squeeze3A_662 = vector.extract %slice3A_661[0] : f32 from vector<1xf32>
        %mul3A_663 = vector.broadcast %squeeze3A_662 : f32 to vector<16xf32>
        %mul3A_664 = arith.mulf %get3A_660, %mul3A_663 : vector<16xf32>
        %swap3A_665 = arith.index_cast %add3A_656 : i32 to index
        %swap3A_666 = arith.constant 0 : index
        %swap3A_667 = tpu.vector_load %arg11[%swap3A_665, %swap3A_666] {strides = array<i32>} : memref<400x16xf32, #tpu.memory_space<vmem>>, vector<1x16xf32>,
        %swap3A_668 = vector.shape_cast %swap3A_667 : vector<1x16xf32> to vector<16xf32>
        %swap3A_669 = vector.shape_cast %mul3A_664 : vector<16xf32> to vector<1x16xf32>
        tpu.vector_store %arg11[%swap3A_665, %swap3A_666], %swap3A_669 {strides = array<i32>} : memref<400x16xf32, #tpu.memory_space<vmem>>, vector<1x16xf32>,
        %mul3A_670 = arith.constant 16 : i32
        %mul3A_671 = arith.muli %scan3A_412, %mul3A_670 : i32
        %add3A_672 = arith.constant 15 : i32
        %add3A_673 = arith.addi %mul3A_671, %add3A_672 : i32
        %get3A_674 = arith.index_cast %add3A_673 : i32 to index
        %get3A_675 = arith.constant 0 : index
        %get3A_676 = tpu.vector_load %arg11[%get3A_674, %get3A_675] {strides = array<i32>} : memref<400x16xf32, #tpu.memory_space<vmem>>, vector<1x16xf32>,
        %get3A_677 = vector.shape_cast %get3A_676 : vector<1x16xf32> to vector<16xf32>
        %slice3A_678 = vector.extract_strided_slice %get3A_417 {offsets = [15], sizes = [1], strides = [1]} : vector<16xf32> to vector<1xf32>
        %squeeze3A_679 = vector.extract %slice3A_678[0] : f32 from vector<1xf32>
        %mul3A_680 = vector.broadcast %squeeze3A_679 : f32 to vector<16xf32>
        %mul3A_681 = arith.mulf %get3A_677, %mul3A_680 : vector<16xf32>
        %swap3A_682 = arith.index_cast %add3A_673 : i32 to index
        %swap3A_683 = arith.constant 0 : index
        %swap3A_684 = tpu.vector_load %arg11[%swap3A_682, %swap3A_683] {strides = array<i32>} : memref<400x16xf32, #tpu.memory_space<vmem>>, vector<1x16xf32>,
        %swap3A_685 = vector.shape_cast %swap3A_684 : vector<1x16xf32> to vector<16xf32>
        %swap3A_686 = vector.shape_cast %mul3A_681 : vector<16xf32> to vector<1x16xf32>
        tpu.vector_store %arg11[%swap3A_682, %swap3A_683], %swap3A_686 {strides = array<i32>} : memref<400x16xf32, #tpu.memory_space<vmem>>, vector<1x16xf32>,
        %scan3A_687 = arith.constant 0 : i32
        scf.yield %scan3A_687 : i32
      }
      %scan3A_359 = arith.constant 25 : i32
      %dma_start3A_360 = arith.constant 0 : i32
      %dma_start3A_361 = arith.constant 0 : i32
      %dma_start3A_362 = tpu.memref_slice %arg7[%dma_start3A_360, %dma_start3A_361] : memref<100352x16xf32, #tpu.memory_space<vmem_shared>> -> memref<100352x16xf32, #tpu.memory_space<vmem_shared>>
      tpu.enqueue_indirect_dma source(%arg11 : memref<400x16xf32, #tpu.memory_space<vmem>>) target(%dma_start3A_362 : memref<100352x16xf32, #tpu.memory_space<vmem_shared>>) offsets(%arg9 : memref<400xi32, #tpu.memory_space<vmem>>) semaphore(%arg21 : memref<!tpu.dma_semaphore, #tpu.memory_space<semaphore_mem>>) {add = true}
      %mul3A_363 = arith.constant 2 : i32
      %mul3A_364 = arith.muli %mul3A_363, %scan3A_314 : i32
      %add3A_365 = arith.constant 2 : i32
      %add3A_366 = arith.addi %mul3A_364, %add3A_365 : i32
      %lt3A = arith.constant 125 : i32
      %lt3A_367 = arith.cmpi slt, %add3A_366, %lt3A : i32
      %convert_element_type3A_368 = arith.extui %lt3A_367 : i1 to i32
      %cond3A_369 = arith.constant 0 : i32
      %cond3A_370 = arith.cmpi ne, %convert_element_type3A_368, %cond3A_369 : i32
      scf.if %cond3A_370 {
        %add3A_412 = arith.constant 800 : i32
        %add3A_413 = arith.addi %add3A_320, %add3A_412 : i32
        %dma_start3A_414 = tpu.memref_slice %arg3[%add3A_413] : memref<1600000xi32, #tpu.memory_space<hbm>> -> memref<400xi32, #tpu.memory_space<hbm>>
        %dma_start3A_415 = tpu.memref_slice %arg3[%add3A_413] : memref<1600000xi32, #tpu.memory_space<hbm>> -> memref<400xi32, #tpu.memory_space<hbm>>
        tpu.enqueue_dma source(%dma_start3A_415 : memref<400xi32, #tpu.memory_space<hbm>>) target(%arg8 : memref<400xi32, #tpu.memory_space<vmem>>) target_semaphore(%arg17 : memref<!tpu.dma_semaphore, #tpu.memory_space<semaphore_mem>>)
        %dma_start3A_416 = tpu.memref_slice %arg4[%add3A_413] : memref<1600000xi32, #tpu.memory_space<hbm>> -> memref<400xi32, #tpu.memory_space<hbm>>
        %dma_start3A_417 = tpu.memref_slice %arg4[%add3A_413] : memref<1600000xi32, #tpu.memory_space<hbm>> -> memref<400xi32, #tpu.memory_space<hbm>>
        tpu.enqueue_dma source(%dma_start3A_417 : memref<400xi32, #tpu.memory_space<hbm>>) target(%arg9 : memref<400xi32, #tpu.memory_space<vmem>>) target_semaphore(%arg17 : memref<!tpu.dma_semaphore, #tpu.memory_space<semaphore_mem>>)
        %dma_start3A_418 = tpu.memref_slice %arg5[%add3A_413] : memref<1600000xf32, #tpu.memory_space<hbm>> -> memref<400xf32, #tpu.memory_space<hbm>>
        %dma_start3A_419 = tpu.memref_slice %arg5[%add3A_413] : memref<1600000xf32, #tpu.memory_space<hbm>> -> memref<400xf32, #tpu.memory_space<hbm>>
        tpu.enqueue_dma source(%dma_start3A_419 : memref<400xf32, #tpu.memory_space<hbm>>) target(%arg10 : memref<400xf32, #tpu.memory_space<vmem>>) target_semaphore(%arg17 : memref<!tpu.dma_semaphore, #tpu.memory_space<semaphore_mem>>)
      } else {
      }
      %mul3A_371 = arith.constant 2 : i32
      %mul3A_372 = arith.muli %mul3A_371, %scan3A_314 : i32
      %add3A_373 = arith.constant 2 : i32
      %add3A_374 = arith.addi %mul3A_372, %add3A_373 : i32
      %lt3A_375 = arith.constant 125 : i32
      %lt3A_376 = arith.cmpi slt, %add3A_374, %lt3A_375 : i32
      %convert_element_type3A_377 = arith.extui %lt3A_376 : i1 to i32
      %cond3A_378 = arith.constant 0 : i32
      %cond3A_379 = arith.cmpi ne, %convert_element_type3A_377, %cond3A_378 : i32
      scf.if %cond3A_379 {
        %dma_wait3A_412 = arith.constant 0 : i32
        %dma_wait3A_413 = tpu.memref_slice %arg3[%dma_wait3A_412] : memref<1600000xi32, #tpu.memory_space<hbm>> -> memref<400xi32, #tpu.memory_space<hbm>>
        %dma_wait3A_414 = arith.constant 0 : i32
        %dma_wait3A_415 = tpu.memref_slice %arg3[%dma_wait3A_414] : memref<1600000xi32, #tpu.memory_space<hbm>> -> memref<400xi32, #tpu.memory_space<hbm>>
        tpu.wait_dma2 semaphore(%arg17 : memref<!tpu.dma_semaphore, #tpu.memory_space<semaphore_mem>>) src(%dma_wait3A_415 : memref<400xi32, #tpu.memory_space<hbm>>) dst(%arg8 : memref<400xi32, #tpu.memory_space<vmem>>)
        %dma_wait3A_416 = arith.constant 0 : i32
        %dma_wait3A_417 = tpu.memref_slice %arg4[%dma_wait3A_416] : memref<1600000xi32, #tpu.memory_space<hbm>> -> memref<400xi32, #tpu.memory_space<hbm>>
        %dma_wait3A_418 = arith.constant 0 : i32
        %dma_wait3A_419 = tpu.memref_slice %arg4[%dma_wait3A_418] : memref<1600000xi32, #tpu.memory_space<hbm>> -> memref<400xi32, #tpu.memory_space<hbm>>
        tpu.wait_dma2 semaphore(%arg17 : memref<!tpu.dma_semaphore, #tpu.memory_space<semaphore_mem>>) src(%dma_wait3A_419 : memref<400xi32, #tpu.memory_space<hbm>>) dst(%arg9 : memref<400xi32, #tpu.memory_space<vmem>>)
        %dma_wait3A_420 = arith.constant 0 : i32
        %dma_wait3A_421 = tpu.memref_slice %arg5[%dma_wait3A_420] : memref<1600000xf32, #tpu.memory_space<hbm>> -> memref<400xf32, #tpu.memory_space<hbm>>
        %dma_wait3A_422 = arith.constant 0 : i32
        %dma_wait3A_423 = tpu.memref_slice %arg5[%dma_wait3A_422] : memref<1600000xf32, #tpu.memory_space<hbm>> -> memref<400xf32, #tpu.memory_space<hbm>>
        tpu.wait_dma2 semaphore(%arg17 : memref<!tpu.dma_semaphore, #tpu.memory_space<semaphore_mem>>) src(%dma_wait3A_423 : memref<400xf32, #tpu.memory_space<hbm>>) dst(%arg10 : memref<400xf32, #tpu.memory_space<vmem>>)
        %dma_wait3A_424 = arith.constant 0 : i32
        %dma_wait3A_425 = arith.constant 0 : i32
        %dma_wait3A_426 = tpu.memref_slice %arg2[%dma_wait3A_424, %dma_wait3A_425] : memref<300000x16xf32, #tpu.memory_space<hbm>> -> memref<100000x16xf32, #tpu.memory_space<hbm>>
        %dma_wait3A_427 = arith.constant 0 : i32
        %dma_wait3A_428 = arith.constant 0 : i32
        %dma_wait3A_429 = tpu.memref_slice %dma_wait3A_426[%dma_wait3A_427, %dma_wait3A_428] : memref<100000x16xf32, #tpu.memory_space<hbm>> -> memref<400x16xf32, #tpu.memory_space<hbm>>
        %dma_wait3A_430 = arith.constant 0 : i32
        %dma_wait3A_431 = arith.constant 0 : i32
        %dma_wait3A_432 = tpu.memref_slice %arg2[%dma_wait3A_430, %dma_wait3A_431] : memref<300000x16xf32, #tpu.memory_space<hbm>> -> memref<100000x16xf32, #tpu.memory_space<hbm>>
        %dma_wait3A_433 = arith.constant 0 : i32
        %dma_wait3A_434 = arith.constant 0 : i32
        %dma_wait3A_435 = tpu.memref_slice %dma_wait3A_432[%dma_wait3A_433, %dma_wait3A_434] : memref<100000x16xf32, #tpu.memory_space<hbm>> -> memref<400x16xf32, #tpu.memory_space<hbm>>
        tpu.wait_dma2 semaphore(%arg21 : memref<!tpu.dma_semaphore, #tpu.memory_space<semaphore_mem>>) src(%dma_wait3A_435 : memref<400x16xf32, #tpu.memory_space<hbm>>) dst(%arg11 : memref<400x16xf32, #tpu.memory_space<vmem>>)
        %dma_start3A_436 = arith.constant 0 : i32
        %dma_start3A_437 = arith.constant 0 : i32
        %dma_start3A_438 = tpu.memref_slice %arg2[%dma_start3A_436, %dma_start3A_437] : memref<300000x16xf32, #tpu.memory_space<hbm>> -> memref<100000x16xf32, #tpu.memory_space<hbm>>
        %dma_start3A_439 = arith.constant 0 : i32
        %dma_start3A_440 = arith.constant 0 : i32
        %dma_start3A_441 = tpu.memref_slice %dma_start3A_438[%dma_start3A_439, %dma_start3A_440] : memref<100000x16xf32, #tpu.memory_space<hbm>> -> memref<100000x16xf32, #tpu.memory_space<hbm>>
        tpu.enqueue_indirect_dma source(%dma_start3A_441 : memref<100000x16xf32, #tpu.memory_space<hbm>>) target(%arg11 : memref<400x16xf32, #tpu.memory_space<vmem>>) offsets(%arg8 : memref<400xi32, #tpu.memory_space<vmem>>) semaphore(%arg19 : memref<!tpu.dma_semaphore, #tpu.memory_space<semaphore_mem>>)
      } else {
      }
      %dma_wait3A_380 = arith.constant 0 : i32
      %dma_wait3A_381 = arith.constant 0 : i32
      %dma_wait3A_382 = tpu.memref_slice %arg2[%dma_wait3A_380, %dma_wait3A_381] : memref<300000x16xf32, #tpu.memory_space<hbm>> -> memref<100000x16xf32, #tpu.memory_space<hbm>>
      %dma_wait3A_383 = arith.constant 0 : i32
      %dma_wait3A_384 = arith.constant 0 : i32
      %dma_wait3A_385 = tpu.memref_slice %dma_wait3A_382[%dma_wait3A_383, %dma_wait3A_384] : memref<100000x16xf32, #tpu.memory_space<hbm>> -> memref<400x16xf32, #tpu.memory_space<hbm>>
      %dma_wait3A_386 = arith.constant 0 : i32
      %dma_wait3A_387 = arith.constant 0 : i32
      %dma_wait3A_388 = tpu.memref_slice %arg2[%dma_wait3A_386, %dma_wait3A_387] : memref<300000x16xf32, #tpu.memory_space<hbm>> -> memref<100000x16xf32, #tpu.memory_space<hbm>>
      %dma_wait3A_389 = arith.constant 0 : i32
      %dma_wait3A_390 = arith.constant 0 : i32
      %dma_wait3A_391 = tpu.memref_slice %dma_wait3A_388[%dma_wait3A_389, %dma_wait3A_390] : memref<100000x16xf32, #tpu.memory_space<hbm>> -> memref<400x16xf32, #tpu.memory_space<hbm>>
      tpu.wait_dma2 semaphore(%arg20 : memref<!tpu.dma_semaphore, #tpu.memory_space<semaphore_mem>>) src(%dma_wait3A_391 : memref<400x16xf32, #tpu.memory_space<hbm>>) dst(%arg15 : memref<400x16xf32, #tpu.memory_space<vmem>>)
      %scan3A_392 = arith.constant 0 : i32
      %scan3A_393 = arith.constant 0 : i32
      %scan3A_394 = arith.constant 25 : i32
      %scan3A_395 = arith.addi %scan3A_393, %scan3A_394 : i32
      %scan3A_396 = arith.constant 1 : i32
      %scan3A_397 = scf.for %scan3A_412 = %scan3A_393 to %scan3A_395 step %scan3A_396 iter_args(%scan3A_413 = %scan3A_392) -> (i32)  : i32 {
        %mul3A_414 = arith.constant 16 : i32
        %mul3A_415 = arith.muli %scan3A_412, %mul3A_414 : i32
        %get3A = arith.index_cast %mul3A_415 : i32 to index
        %get3A_416 = tpu.vector_load %arg14[%get3A] {strides = array<i32>} : memref<400xf32, #tpu.memory_space<vmem>>, vector<16xf32>,
        %get3A_417 = vector.shape_cast %get3A_416 : vector<16xf32> to vector<16xf32>
        %mul3A_418 = arith.constant 16 : i32
        %mul3A_419 = arith.muli %scan3A_412, %mul3A_418 : i32
        %add3A_420 = arith.constant 0 : i32
        %add3A_421 = arith.addi %mul3A_419, %add3A_420 : i32
        %get3A_422 = arith.index_cast %add3A_421 : i32 to index
        %get3A_423 = arith.constant 0 : index
        %get3A_424 = tpu.vector_load %arg15[%get3A_422, %get3A_423] {strides = array<i32>} : memref<400x16xf32, #tpu.memory_space<vmem>>, vector<1x16xf32>,
        %get3A_425 = vector.shape_cast %get3A_424 : vector<1x16xf32> to vector<16xf32>
        %slice3A = vector.extract_strided_slice %get3A_417 {offsets = [0], sizes = [1], strides = [1]} : vector<16xf32> to vector<1xf32>
        %squeeze3A = vector.extract %slice3A[0] : f32 from vector<1xf32>
        %mul3A_426 = vector.broadcast %squeeze3A : f32 to vector<16xf32>
        %mul3A_427 = arith.mulf %get3A_425, %mul3A_426 : vector<16xf32>
        %swap3A = arith.index_cast %add3A_421 : i32 to index
        %swap3A_428 = arith.constant 0 : index
        %swap3A_429 = tpu.vector_load %arg15[%swap3A, %swap3A_428] {strides = array<i32>} : memref<400x16xf32, #tpu.memory_space<vmem>>, vector<1x16xf32>,
        %swap3A_430 = vector.shape_cast %swap3A_429 : vector<1x16xf32> to vector<16xf32>
        %swap3A_431 = vector.shape_cast %mul3A_427 : vector<16xf32> to vector<1x16xf32>
        tpu.vector_store %arg15[%swap3A, %swap3A_428], %swap3A_431 {strides = array<i32>} : memref<400x16xf32, #tpu.memory_space<vmem>>, vector<1x16xf32>,
        %mul3A_432 = arith.constant 16 : i32
        %mul3A_433 = arith.muli %scan3A_412, %mul3A_432 : i32
        %add3A_434 = arith.constant 1 : i32
        %add3A_435 = arith.addi %mul3A_433, %add3A_434 : i32
        %get3A_436 = arith.index_cast %add3A_435 : i32 to index
        %get3A_437 = arith.constant 0 : index
        %get3A_438 = tpu.vector_load %arg15[%get3A_436, %get3A_437] {strides = array<i32>} : memref<400x16xf32, #tpu.memory_space<vmem>>, vector<1x16xf32>,
        %get3A_439 = vector.shape_cast %get3A_438 : vector<1x16xf32> to vector<16xf32>
        %slice3A_440 = vector.extract_strided_slice %get3A_417 {offsets = [1], sizes = [1], strides = [1]} : vector<16xf32> to vector<1xf32>
        %squeeze3A_441 = vector.extract %slice3A_440[0] : f32 from vector<1xf32>
        %mul3A_442 = vector.broadcast %squeeze3A_441 : f32 to vector<16xf32>
        %mul3A_443 = arith.mulf %get3A_439, %mul3A_442 : vector<16xf32>
        %swap3A_444 = arith.index_cast %add3A_435 : i32 to index
        %swap3A_445 = arith.constant 0 : index
        %swap3A_446 = tpu.vector_load %arg15[%swap3A_444, %swap3A_445] {strides = array<i32>} : memref<400x16xf32, #tpu.memory_space<vmem>>, vector<1x16xf32>,
        %swap3A_447 = vector.shape_cast %swap3A_446 : vector<1x16xf32> to vector<16xf32>
        %swap3A_448 = vector.shape_cast %mul3A_443 : vector<16xf32> to vector<1x16xf32>
        tpu.vector_store %arg15[%swap3A_444, %swap3A_445], %swap3A_448 {strides = array<i32>} : memref<400x16xf32, #tpu.memory_space<vmem>>, vector<1x16xf32>,
        %mul3A_449 = arith.constant 16 : i32
        %mul3A_450 = arith.muli %scan3A_412, %mul3A_449 : i32
        %add3A_451 = arith.constant 2 : i32
        %add3A_452 = arith.addi %mul3A_450, %add3A_451 : i32
        %get3A_453 = arith.index_cast %add3A_452 : i32 to index
        %get3A_454 = arith.constant 0 : index
        %get3A_455 = tpu.vector_load %arg15[%get3A_453, %get3A_454] {strides = array<i32>} : memref<400x16xf32, #tpu.memory_space<vmem>>, vector<1x16xf32>,
        %get3A_456 = vector.shape_cast %get3A_455 : vector<1x16xf32> to vector<16xf32>
        %slice3A_457 = vector.extract_strided_slice %get3A_417 {offsets = [2], sizes = [1], strides = [1]} : vector<16xf32> to vector<1xf32>
        %squeeze3A_458 = vector.extract %slice3A_457[0] : f32 from vector<1xf32>
        %mul3A_459 = vector.broadcast %squeeze3A_458 : f32 to vector<16xf32>
        %mul3A_460 = arith.mulf %get3A_456, %mul3A_459 : vector<16xf32>
        %swap3A_461 = arith.index_cast %add3A_452 : i32 to index
        %swap3A_462 = arith.constant 0 : index
        %swap3A_463 = tpu.vector_load %arg15[%swap3A_461, %swap3A_462] {strides = array<i32>} : memref<400x16xf32, #tpu.memory_space<vmem>>, vector<1x16xf32>,
        %swap3A_464 = vector.shape_cast %swap3A_463 : vector<1x16xf32> to vector<16xf32>
        %swap3A_465 = vector.shape_cast %mul3A_460 : vector<16xf32> to vector<1x16xf32>
        tpu.vector_store %arg15[%swap3A_461, %swap3A_462], %swap3A_465 {strides = array<i32>} : memref<400x16xf32, #tpu.memory_space<vmem>>, vector<1x16xf32>,
        %mul3A_466 = arith.constant 16 : i32
        %mul3A_467 = arith.muli %scan3A_412, %mul3A_466 : i32
        %add3A_468 = arith.constant 3 : i32
        %add3A_469 = arith.addi %mul3A_467, %add3A_468 : i32
        %get3A_470 = arith.index_cast %add3A_469 : i32 to index
        %get3A_471 = arith.constant 0 : index
        %get3A_472 = tpu.vector_load %arg15[%get3A_470, %get3A_471] {strides = array<i32>} : memref<400x16xf32, #tpu.memory_space<vmem>>, vector<1x16xf32>,
        %get3A_473 = vector.shape_cast %get3A_472 : vector<1x16xf32> to vector<16xf32>
        %slice3A_474 = vector.extract_strided_slice %get3A_417 {offsets = [3], sizes = [1], strides = [1]} : vector<16xf32> to vector<1xf32>
        %squeeze3A_475 = vector.extract %slice3A_474[0] : f32 from vector<1xf32>
        %mul3A_476 = vector.broadcast %squeeze3A_475 : f32 to vector<16xf32>
        %mul3A_477 = arith.mulf %get3A_473, %mul3A_476 : vector<16xf32>
        %swap3A_478 = arith.index_cast %add3A_469 : i32 to index
        %swap3A_479 = arith.constant 0 : index
        %swap3A_480 = tpu.vector_load %arg15[%swap3A_478, %swap3A_479] {strides = array<i32>} : memref<400x16xf32, #tpu.memory_space<vmem>>, vector<1x16xf32>,
        %swap3A_481 = vector.shape_cast %swap3A_480 : vector<1x16xf32> to vector<16xf32>
        %swap3A_482 = vector.shape_cast %mul3A_477 : vector<16xf32> to vector<1x16xf32>
        tpu.vector_store %arg15[%swap3A_478, %swap3A_479], %swap3A_482 {strides = array<i32>} : memref<400x16xf32, #tpu.memory_space<vmem>>, vector<1x16xf32>,
        %mul3A_483 = arith.constant 16 : i32
        %mul3A_484 = arith.muli %scan3A_412, %mul3A_483 : i32
        %add3A_485 = arith.constant 4 : i32
        %add3A_486 = arith.addi %mul3A_484, %add3A_485 : i32
        %get3A_487 = arith.index_cast %add3A_486 : i32 to index
        %get3A_488 = arith.constant 0 : index
        %get3A_489 = tpu.vector_load %arg15[%get3A_487, %get3A_488] {strides = array<i32>} : memref<400x16xf32, #tpu.memory_space<vmem>>, vector<1x16xf32>,
        %get3A_490 = vector.shape_cast %get3A_489 : vector<1x16xf32> to vector<16xf32>
        %slice3A_491 = vector.extract_strided_slice %get3A_417 {offsets = [4], sizes = [1], strides = [1]} : vector<16xf32> to vector<1xf32>
        %squeeze3A_492 = vector.extract %slice3A_491[0] : f32 from vector<1xf32>
        %mul3A_493 = vector.broadcast %squeeze3A_492 : f32 to vector<16xf32>
        %mul3A_494 = arith.mulf %get3A_490, %mul3A_493 : vector<16xf32>
        %swap3A_495 = arith.index_cast %add3A_486 : i32 to index
        %swap3A_496 = arith.constant 0 : index
        %swap3A_497 = tpu.vector_load %arg15[%swap3A_495, %swap3A_496] {strides = array<i32>} : memref<400x16xf32, #tpu.memory_space<vmem>>, vector<1x16xf32>,
        %swap3A_498 = vector.shape_cast %swap3A_497 : vector<1x16xf32> to vector<16xf32>
        %swap3A_499 = vector.shape_cast %mul3A_494 : vector<16xf32> to vector<1x16xf32>
        tpu.vector_store %arg15[%swap3A_495, %swap3A_496], %swap3A_499 {strides = array<i32>} : memref<400x16xf32, #tpu.memory_space<vmem>>, vector<1x16xf32>,
        %mul3A_500 = arith.constant 16 : i32
        %mul3A_501 = arith.muli %scan3A_412, %mul3A_500 : i32
        %add3A_502 = arith.constant 5 : i32
        %add3A_503 = arith.addi %mul3A_501, %add3A_502 : i32
        %get3A_504 = arith.index_cast %add3A_503 : i32 to index
        %get3A_505 = arith.constant 0 : index
        %get3A_506 = tpu.vector_load %arg15[%get3A_504, %get3A_505] {strides = array<i32>} : memref<400x16xf32, #tpu.memory_space<vmem>>, vector<1x16xf32>,
        %get3A_507 = vector.shape_cast %get3A_506 : vector<1x16xf32> to vector<16xf32>
        %slice3A_508 = vector.extract_strided_slice %get3A_417 {offsets = [5], sizes = [1], strides = [1]} : vector<16xf32> to vector<1xf32>
        %squeeze3A_509 = vector.extract %slice3A_508[0] : f32 from vector<1xf32>
        %mul3A_510 = vector.broadcast %squeeze3A_509 : f32 to vector<16xf32>
        %mul3A_511 = arith.mulf %get3A_507, %mul3A_510 : vector<16xf32>
        %swap3A_512 = arith.index_cast %add3A_503 : i32 to index
        %swap3A_513 = arith.constant 0 : index
        %swap3A_514 = tpu.vector_load %arg15[%swap3A_512, %swap3A_513] {strides = array<i32>} : memref<400x16xf32, #tpu.memory_space<vmem>>, vector<1x16xf32>,
        %swap3A_515 = vector.shape_cast %swap3A_514 : vector<1x16xf32> to vector<16xf32>
        %swap3A_516 = vector.shape_cast %mul3A_511 : vector<16xf32> to vector<1x16xf32>
        tpu.vector_store %arg15[%swap3A_512, %swap3A_513], %swap3A_516 {strides = array<i32>} : memref<400x16xf32, #tpu.memory_space<vmem>>, vector<1x16xf32>,
        %mul3A_517 = arith.constant 16 : i32
        %mul3A_518 = arith.muli %scan3A_412, %mul3A_517 : i32
        %add3A_519 = arith.constant 6 : i32
        %add3A_520 = arith.addi %mul3A_518, %add3A_519 : i32
        %get3A_521 = arith.index_cast %add3A_520 : i32 to index
        %get3A_522 = arith.constant 0 : index
        %get3A_523 = tpu.vector_load %arg15[%get3A_521, %get3A_522] {strides = array<i32>} : memref<400x16xf32, #tpu.memory_space<vmem>>, vector<1x16xf32>,
        %get3A_524 = vector.shape_cast %get3A_523 : vector<1x16xf32> to vector<16xf32>
        %slice3A_525 = vector.extract_strided_slice %get3A_417 {offsets = [6], sizes = [1], strides = [1]} : vector<16xf32> to vector<1xf32>
        %squeeze3A_526 = vector.extract %slice3A_525[0] : f32 from vector<1xf32>
        %mul3A_527 = vector.broadcast %squeeze3A_526 : f32 to vector<16xf32>
        %mul3A_528 = arith.mulf %get3A_524, %mul3A_527 : vector<16xf32>
        %swap3A_529 = arith.index_cast %add3A_520 : i32 to index
        %swap3A_530 = arith.constant 0 : index
        %swap3A_531 = tpu.vector_load %arg15[%swap3A_529, %swap3A_530] {strides = array<i32>} : memref<400x16xf32, #tpu.memory_space<vmem>>, vector<1x16xf32>,
        %swap3A_532 = vector.shape_cast %swap3A_531 : vector<1x16xf32> to vector<16xf32>
        %swap3A_533 = vector.shape_cast %mul3A_528 : vector<16xf32> to vector<1x16xf32>
        tpu.vector_store %arg15[%swap3A_529, %swap3A_530], %swap3A_533 {strides = array<i32>} : memref<400x16xf32, #tpu.memory_space<vmem>>, vector<1x16xf32>,
        %mul3A_534 = arith.constant 16 : i32
        %mul3A_535 = arith.muli %scan3A_412, %mul3A_534 : i32
        %add3A_536 = arith.constant 7 : i32
        %add3A_537 = arith.addi %mul3A_535, %add3A_536 : i32
        %get3A_538 = arith.index_cast %add3A_537 : i32 to index
        %get3A_539 = arith.constant 0 : index
        %get3A_540 = tpu.vector_load %arg15[%get3A_538, %get3A_539] {strides = array<i32>} : memref<400x16xf32, #tpu.memory_space<vmem>>, vector<1x16xf32>,
        %get3A_541 = vector.shape_cast %get3A_540 : vector<1x16xf32> to vector<16xf32>
        %slice3A_542 = vector.extract_strided_slice %get3A_417 {offsets = [7], sizes = [1], strides = [1]} : vector<16xf32> to vector<1xf32>
        %squeeze3A_543 = vector.extract %slice3A_542[0] : f32 from vector<1xf32>
        %mul3A_544 = vector.broadcast %squeeze3A_543 : f32 to vector<16xf32>
        %mul3A_545 = arith.mulf %get3A_541, %mul3A_544 : vector<16xf32>
        %swap3A_546 = arith.index_cast %add3A_537 : i32 to index
        %swap3A_547 = arith.constant 0 : index
        %swap3A_548 = tpu.vector_load %arg15[%swap3A_546, %swap3A_547] {strides = array<i32>} : memref<400x16xf32, #tpu.memory_space<vmem>>, vector<1x16xf32>,
        %swap3A_549 = vector.shape_cast %swap3A_548 : vector<1x16xf32> to vector<16xf32>
        %swap3A_550 = vector.shape_cast %mul3A_545 : vector<16xf32> to vector<1x16xf32>
        tpu.vector_store %arg15[%swap3A_546, %swap3A_547], %swap3A_550 {strides = array<i32>} : memref<400x16xf32, #tpu.memory_space<vmem>>, vector<1x16xf32>,
        %mul3A_551 = arith.constant 16 : i32
        %mul3A_552 = arith.muli %scan3A_412, %mul3A_551 : i32
        %add3A_553 = arith.constant 8 : i32
        %add3A_554 = arith.addi %mul3A_552, %add3A_553 : i32
        %get3A_555 = arith.index_cast %add3A_554 : i32 to index
        %get3A_556 = arith.constant 0 : index
        %get3A_557 = tpu.vector_load %arg15[%get3A_555, %get3A_556] {strides = array<i32>} : memref<400x16xf32, #tpu.memory_space<vmem>>, vector<1x16xf32>,
        %get3A_558 = vector.shape_cast %get3A_557 : vector<1x16xf32> to vector<16xf32>
        %slice3A_559 = vector.extract_strided_slice %get3A_417 {offsets = [8], sizes = [1], strides = [1]} : vector<16xf32> to vector<1xf32>
        %squeeze3A_560 = vector.extract %slice3A_559[0] : f32 from vector<1xf32>
        %mul3A_561 = vector.broadcast %squeeze3A_560 : f32 to vector<16xf32>
        %mul3A_562 = arith.mulf %get3A_558, %mul3A_561 : vector<16xf32>
        %swap3A_563 = arith.index_cast %add3A_554 : i32 to index
        %swap3A_564 = arith.constant 0 : index
        %swap3A_565 = tpu.vector_load %arg15[%swap3A_563, %swap3A_564] {strides = array<i32>} : memref<400x16xf32, #tpu.memory_space<vmem>>, vector<1x16xf32>,
        %swap3A_566 = vector.shape_cast %swap3A_565 : vector<1x16xf32> to vector<16xf32>
        %swap3A_567 = vector.shape_cast %mul3A_562 : vector<16xf32> to vector<1x16xf32>
        tpu.vector_store %arg15[%swap3A_563, %swap3A_564], %swap3A_567 {strides = array<i32>} : memref<400x16xf32, #tpu.memory_space<vmem>>, vector<1x16xf32>,
        %mul3A_568 = arith.constant 16 : i32
        %mul3A_569 = arith.muli %scan3A_412, %mul3A_568 : i32
        %add3A_570 = arith.constant 9 : i32
        %add3A_571 = arith.addi %mul3A_569, %add3A_570 : i32
        %get3A_572 = arith.index_cast %add3A_571 : i32 to index
        %get3A_573 = arith.constant 0 : index
        %get3A_574 = tpu.vector_load %arg15[%get3A_572, %get3A_573] {strides = array<i32>} : memref<400x16xf32, #tpu.memory_space<vmem>>, vector<1x16xf32>,
        %get3A_575 = vector.shape_cast %get3A_574 : vector<1x16xf32> to vector<16xf32>
        %slice3A_576 = vector.extract_strided_slice %get3A_417 {offsets = [9], sizes = [1], strides = [1]} : vector<16xf32> to vector<1xf32>
        %squeeze3A_577 = vector.extract %slice3A_576[0] : f32 from vector<1xf32>
        %mul3A_578 = vector.broadcast %squeeze3A_577 : f32 to vector<16xf32>
        %mul3A_579 = arith.mulf %get3A_575, %mul3A_578 : vector<16xf32>
        %swap3A_580 = arith.index_cast %add3A_571 : i32 to index
        %swap3A_581 = arith.constant 0 : index
        %swap3A_582 = tpu.vector_load %arg15[%swap3A_580, %swap3A_581] {strides = array<i32>} : memref<400x16xf32, #tpu.memory_space<vmem>>, vector<1x16xf32>,
        %swap3A_583 = vector.shape_cast %swap3A_582 : vector<1x16xf32> to vector<16xf32>
        %swap3A_584 = vector.shape_cast %mul3A_579 : vector<16xf32> to vector<1x16xf32>
        tpu.vector_store %arg15[%swap3A_580, %swap3A_581], %swap3A_584 {strides = array<i32>} : memref<400x16xf32, #tpu.memory_space<vmem>>, vector<1x16xf32>,
        %mul3A_585 = arith.constant 16 : i32
        %mul3A_586 = arith.muli %scan3A_412, %mul3A_585 : i32
        %add3A_587 = arith.constant 10 : i32
        %add3A_588 = arith.addi %mul3A_586, %add3A_587 : i32
        %get3A_589 = arith.index_cast %add3A_588 : i32 to index
        %get3A_590 = arith.constant 0 : index
        %get3A_591 = tpu.vector_load %arg15[%get3A_589, %get3A_590] {strides = array<i32>} : memref<400x16xf32, #tpu.memory_space<vmem>>, vector<1x16xf32>,
        %get3A_592 = vector.shape_cast %get3A_591 : vector<1x16xf32> to vector<16xf32>
        %slice3A_593 = vector.extract_strided_slice %get3A_417 {offsets = [10], sizes = [1], strides = [1]} : vector<16xf32> to vector<1xf32>
        %squeeze3A_594 = vector.extract %slice3A_593[0] : f32 from vector<1xf32>
        %mul3A_595 = vector.broadcast %squeeze3A_594 : f32 to vector<16xf32>
        %mul3A_596 = arith.mulf %get3A_592, %mul3A_595 : vector<16xf32>
        %swap3A_597 = arith.index_cast %add3A_588 : i32 to index
        %swap3A_598 = arith.constant 0 : index
        %swap3A_599 = tpu.vector_load %arg15[%swap3A_597, %swap3A_598] {strides = array<i32>} : memref<400x16xf32, #tpu.memory_space<vmem>>, vector<1x16xf32>,
        %swap3A_600 = vector.shape_cast %swap3A_599 : vector<1x16xf32> to vector<16xf32>
        %swap3A_601 = vector.shape_cast %mul3A_596 : vector<16xf32> to vector<1x16xf32>
        tpu.vector_store %arg15[%swap3A_597, %swap3A_598], %swap3A_601 {strides = array<i32>} : memref<400x16xf32, #tpu.memory_space<vmem>>, vector<1x16xf32>,
        %mul3A_602 = arith.constant 16 : i32
        %mul3A_603 = arith.muli %scan3A_412, %mul3A_602 : i32
        %add3A_604 = arith.constant 11 : i32
        %add3A_605 = arith.addi %mul3A_603, %add3A_604 : i32
        %get3A_606 = arith.index_cast %add3A_605 : i32 to index
        %get3A_607 = arith.constant 0 : index
        %get3A_608 = tpu.vector_load %arg15[%get3A_606, %get3A_607] {strides = array<i32>} : memref<400x16xf32, #tpu.memory_space<vmem>>, vector<1x16xf32>,
        %get3A_609 = vector.shape_cast %get3A_608 : vector<1x16xf32> to vector<16xf32>
        %slice3A_610 = vector.extract_strided_slice %get3A_417 {offsets = [11], sizes = [1], strides = [1]} : vector<16xf32> to vector<1xf32>
        %squeeze3A_611 = vector.extract %slice3A_610[0] : f32 from vector<1xf32>
        %mul3A_612 = vector.broadcast %squeeze3A_611 : f32 to vector<16xf32>
        %mul3A_613 = arith.mulf %get3A_609, %mul3A_612 : vector<16xf32>
        %swap3A_614 = arith.index_cast %add3A_605 : i32 to index
        %swap3A_615 = arith.constant 0 : index
        %swap3A_616 = tpu.vector_load %arg15[%swap3A_614, %swap3A_615] {strides = array<i32>} : memref<400x16xf32, #tpu.memory_space<vmem>>, vector<1x16xf32>,
        %swap3A_617 = vector.shape_cast %swap3A_616 : vector<1x16xf32> to vector<16xf32>
        %swap3A_618 = vector.shape_cast %mul3A_613 : vector<16xf32> to vector<1x16xf32>
        tpu.vector_store %arg15[%swap3A_614, %swap3A_615], %swap3A_618 {strides = array<i32>} : memref<400x16xf32, #tpu.memory_space<vmem>>, vector<1x16xf32>,
        %mul3A_619 = arith.constant 16 : i32
        %mul3A_620 = arith.muli %scan3A_412, %mul3A_619 : i32
        %add3A_621 = arith.constant 12 : i32
        %add3A_622 = arith.addi %mul3A_620, %add3A_621 : i32
        %get3A_623 = arith.index_cast %add3A_622 : i32 to index
        %get3A_624 = arith.constant 0 : index
        %get3A_625 = tpu.vector_load %arg15[%get3A_623, %get3A_624] {strides = array<i32>} : memref<400x16xf32, #tpu.memory_space<vmem>>, vector<1x16xf32>,
        %get3A_626 = vector.shape_cast %get3A_625 : vector<1x16xf32> to vector<16xf32>
        %slice3A_627 = vector.extract_strided_slice %get3A_417 {offsets = [12], sizes = [1], strides = [1]} : vector<16xf32> to vector<1xf32>
        %squeeze3A_628 = vector.extract %slice3A_627[0] : f32 from vector<1xf32>
        %mul3A_629 = vector.broadcast %squeeze3A_628 : f32 to vector<16xf32>
        %mul3A_630 = arith.mulf %get3A_626, %mul3A_629 : vector<16xf32>
        %swap3A_631 = arith.index_cast %add3A_622 : i32 to index
        %swap3A_632 = arith.constant 0 : index
        %swap3A_633 = tpu.vector_load %arg15[%swap3A_631, %swap3A_632] {strides = array<i32>} : memref<400x16xf32, #tpu.memory_space<vmem>>, vector<1x16xf32>,
        %swap3A_634 = vector.shape_cast %swap3A_633 : vector<1x16xf32> to vector<16xf32>
        %swap3A_635 = vector.shape_cast %mul3A_630 : vector<16xf32> to vector<1x16xf32>
        tpu.vector_store %arg15[%swap3A_631, %swap3A_632], %swap3A_635 {strides = array<i32>} : memref<400x16xf32, #tpu.memory_space<vmem>>, vector<1x16xf32>,
        %mul3A_636 = arith.constant 16 : i32
        %mul3A_637 = arith.muli %scan3A_412, %mul3A_636 : i32
        %add3A_638 = arith.constant 13 : i32
        %add3A_639 = arith.addi %mul3A_637, %add3A_638 : i32
        %get3A_640 = arith.index_cast %add3A_639 : i32 to index
        %get3A_641 = arith.constant 0 : index
        %get3A_642 = tpu.vector_load %arg15[%get3A_640, %get3A_641] {strides = array<i32>} : memref<400x16xf32, #tpu.memory_space<vmem>>, vector<1x16xf32>,
        %get3A_643 = vector.shape_cast %get3A_642 : vector<1x16xf32> to vector<16xf32>
        %slice3A_644 = vector.extract_strided_slice %get3A_417 {offsets = [13], sizes = [1], strides = [1]} : vector<16xf32> to vector<1xf32>
        %squeeze3A_645 = vector.extract %slice3A_644[0] : f32 from vector<1xf32>
        %mul3A_646 = vector.broadcast %squeeze3A_645 : f32 to vector<16xf32>
        %mul3A_647 = arith.mulf %get3A_643, %mul3A_646 : vector<16xf32>
        %swap3A_648 = arith.index_cast %add3A_639 : i32 to index
        %swap3A_649 = arith.constant 0 : index
        %swap3A_650 = tpu.vector_load %arg15[%swap3A_648, %swap3A_649] {strides = array<i32>} : memref<400x16xf32, #tpu.memory_space<vmem>>, vector<1x16xf32>,
        %swap3A_651 = vector.shape_cast %swap3A_650 : vector<1x16xf32> to vector<16xf32>
        %swap3A_652 = vector.shape_cast %mul3A_647 : vector<16xf32> to vector<1x16xf32>
        tpu.vector_store %arg15[%swap3A_648, %swap3A_649], %swap3A_652 {strides = array<i32>} : memref<400x16xf32, #tpu.memory_space<vmem>>, vector<1x16xf32>,
        %mul3A_653 = arith.constant 16 : i32
        %mul3A_654 = arith.muli %scan3A_412, %mul3A_653 : i32
        %add3A_655 = arith.constant 14 : i32
        %add3A_656 = arith.addi %mul3A_654, %add3A_655 : i32
        %get3A_657 = arith.index_cast %add3A_656 : i32 to index
        %get3A_658 = arith.constant 0 : index
        %get3A_659 = tpu.vector_load %arg15[%get3A_657, %get3A_658] {strides = array<i32>} : memref<400x16xf32, #tpu.memory_space<vmem>>, vector<1x16xf32>,
        %get3A_660 = vector.shape_cast %get3A_659 : vector<1x16xf32> to vector<16xf32>
        %slice3A_661 = vector.extract_strided_slice %get3A_417 {offsets = [14], sizes = [1], strides = [1]} : vector<16xf32> to vector<1xf32>
        %squeeze3A_662 = vector.extract %slice3A_661[0] : f32 from vector<1xf32>
        %mul3A_663 = vector.broadcast %squeeze3A_662 : f32 to vector<16xf32>
        %mul3A_664 = arith.mulf %get3A_660, %mul3A_663 : vector<16xf32>
        %swap3A_665 = arith.index_cast %add3A_656 : i32 to index
        %swap3A_666 = arith.constant 0 : index
        %swap3A_667 = tpu.vector_load %arg15[%swap3A_665, %swap3A_666] {strides = array<i32>} : memref<400x16xf32, #tpu.memory_space<vmem>>, vector<1x16xf32>,
        %swap3A_668 = vector.shape_cast %swap3A_667 : vector<1x16xf32> to vector<16xf32>
        %swap3A_669 = vector.shape_cast %mul3A_664 : vector<16xf32> to vector<1x16xf32>
        tpu.vector_store %arg15[%swap3A_665, %swap3A_666], %swap3A_669 {strides = array<i32>} : memref<400x16xf32, #tpu.memory_space<vmem>>, vector<1x16xf32>,
        %mul3A_670 = arith.constant 16 : i32
        %mul3A_671 = arith.muli %scan3A_412, %mul3A_670 : i32
        %add3A_672 = arith.constant 15 : i32
        %add3A_673 = arith.addi %mul3A_671, %add3A_672 : i32
        %get3A_674 = arith.index_cast %add3A_673 : i32 to index
        %get3A_675 = arith.constant 0 : index
        %get3A_676 = tpu.vector_load %arg15[%get3A_674, %get3A_675] {strides = array<i32>} : memref<400x16xf32, #tpu.memory_space<vmem>>, vector<1x16xf32>,
        %get3A_677 = vector.shape_cast %get3A_676 : vector<1x16xf32> to vector<16xf32>
        %slice3A_678 = vector.extract_strided_slice %get3A_417 {offsets = [15], sizes = [1], strides = [1]} : vector<16xf32> to vector<1xf32>
        %squeeze3A_679 = vector.extract %slice3A_678[0] : f32 from vector<1xf32>
        %mul3A_680 = vector.broadcast %squeeze3A_679 : f32 to vector<16xf32>
        %mul3A_681 = arith.mulf %get3A_677, %mul3A_680 : vector<16xf32>
        %swap3A_682 = arith.index_cast %add3A_673 : i32 to index
        %swap3A_683 = arith.constant 0 : index
        %swap3A_684 = tpu.vector_load %arg15[%swap3A_682, %swap3A_683] {strides = array<i32>} : memref<400x16xf32, #tpu.memory_space<vmem>>, vector<1x16xf32>,
        %swap3A_685 = vector.shape_cast %swap3A_684 : vector<1x16xf32> to vector<16xf32>
        %swap3A_686 = vector.shape_cast %mul3A_681 : vector<16xf32> to vector<1x16xf32>
        tpu.vector_store %arg15[%swap3A_682, %swap3A_683], %swap3A_686 {strides = array<i32>} : memref<400x16xf32, #tpu.memory_space<vmem>>, vector<1x16xf32>,
        %scan3A_687 = arith.constant 0 : i32
        scf.yield %scan3A_687 : i32
      }
      %scan3A_398 = arith.constant 25 : i32
      %dma_start3A_399 = arith.constant 0 : i32
      %dma_start3A_400 = arith.constant 0 : i32
      %dma_start3A_401 = tpu.memref_slice %arg7[%dma_start3A_399, %dma_start3A_400] : memref<100352x16xf32, #tpu.memory_space<vmem_shared>> -> memref<100352x16xf32, #tpu.memory_space<vmem_shared>>
      tpu.enqueue_indirect_dma source(%arg15 : memref<400x16xf32, #tpu.memory_space<vmem>>) target(%dma_start3A_401 : memref<100352x16xf32, #tpu.memory_space<vmem_shared>>) offsets(%arg13 : memref<400xi32, #tpu.memory_space<vmem>>) semaphore(%arg22 : memref<!tpu.dma_semaphore, #tpu.memory_space<semaphore_mem>>) {add = true}
      %mul3A_402 = arith.constant 2 : i32
      %mul3A_403 = arith.muli %mul3A_402, %scan3A_314 : i32
      %add3A_404 = arith.constant 3 : i32
      %add3A_405 = arith.addi %mul3A_403, %add3A_404 : i32
      %lt3A_406 = arith.constant 125 : i32
      %lt3A_407 = arith.cmpi slt, %add3A_405, %lt3A_406 : i32
      %convert_element_type3A_408 = arith.extui %lt3A_407 : i1 to i32
      %cond3A_409 = arith.constant 0 : i32
      %cond3A_410 = arith.cmpi ne, %convert_element_type3A_408, %cond3A_409 : i32
      scf.if %cond3A_410 {
        %add3A_412 = arith.constant 1200 : i32
        %add3A_413 = arith.addi %add3A_320, %add3A_412 : i32
        %dma_start3A_414 = tpu.memref_slice %arg3[%add3A_413] : memref<1600000xi32, #tpu.memory_space<hbm>> -> memref<400xi32, #tpu.memory_space<hbm>>
        %dma_start3A_415 = tpu.memref_slice %arg3[%add3A_413] : memref<1600000xi32, #tpu.memory_space<hbm>> -> memref<400xi32, #tpu.memory_space<hbm>>
        tpu.enqueue_dma source(%dma_start3A_415 : memref<400xi32, #tpu.memory_space<hbm>>) target(%arg12 : memref<400xi32, #tpu.memory_space<vmem>>) target_semaphore(%arg18 : memref<!tpu.dma_semaphore, #tpu.memory_space<semaphore_mem>>)
        %dma_start3A_416 = tpu.memref_slice %arg4[%add3A_413] : memref<1600000xi32, #tpu.memory_space<hbm>> -> memref<400xi32, #tpu.memory_space<hbm>>
        %dma_start3A_417 = tpu.memref_slice %arg4[%add3A_413] : memref<1600000xi32, #tpu.memory_space<hbm>> -> memref<400xi32, #tpu.memory_space<hbm>>
        tpu.enqueue_dma source(%dma_start3A_417 : memref<400xi32, #tpu.memory_space<hbm>>) target(%arg13 : memref<400xi32, #tpu.memory_space<vmem>>) target_semaphore(%arg18 : memref<!tpu.dma_semaphore, #tpu.memory_space<semaphore_mem>>)
        %dma_start3A_418 = tpu.memref_slice %arg5[%add3A_413] : memref<1600000xf32, #tpu.memory_space<hbm>> -> memref<400xf32, #tpu.memory_space<hbm>>
        %dma_start3A_419 = tpu.memref_slice %arg5[%add3A_413] : memref<1600000xf32, #tpu.memory_space<hbm>> -> memref<400xf32, #tpu.memory_space<hbm>>
        tpu.enqueue_dma source(%dma_start3A_419 : memref<400xf32, #tpu.memory_space<hbm>>) target(%arg14 : memref<400xf32, #tpu.memory_space<vmem>>) target_semaphore(%arg18 : memref<!tpu.dma_semaphore, #tpu.memory_space<semaphore_mem>>)
      } else {
      }
      %scan3A_411 = arith.constant 0 : i32
      scf.yield %scan3A_411 : i32
    }
    %scan3A_54 = arith.constant 62 : i32
    %dma_wait3A_55 = arith.constant 0 : i32
    %dma_wait3A_56 = arith.constant 0 : i32
    %dma_wait3A_57 = tpu.memref_slice %arg2[%dma_wait3A_55, %dma_wait3A_56] : memref<300000x16xf32, #tpu.memory_space<hbm>> -> memref<100000x16xf32, #tpu.memory_space<hbm>>
    %dma_wait3A_58 = arith.constant 0 : i32
    %dma_wait3A_59 = arith.constant 0 : i32
    %dma_wait3A_60 = tpu.memref_slice %dma_wait3A_57[%dma_wait3A_58, %dma_wait3A_59] : memref<100000x16xf32, #tpu.memory_space<hbm>> -> memref<400x16xf32, #tpu.memory_space<hbm>>
    %dma_wait3A_61 = arith.constant 0 : i32
    %dma_wait3A_62 = arith.constant 0 : i32
    %dma_wait3A_63 = tpu.memref_slice %arg2[%dma_wait3A_61, %dma_wait3A_62] : memref<300000x16xf32, #tpu.memory_space<hbm>> -> memref<100000x16xf32, #tpu.memory_space<hbm>>
    %dma_wait3A_64 = arith.constant 0 : i32
    %dma_wait3A_65 = arith.constant 0 : i32
    %dma_wait3A_66 = tpu.memref_slice %dma_wait3A_63[%dma_wait3A_64, %dma_wait3A_65] : memref<100000x16xf32, #tpu.memory_space<hbm>> -> memref<400x16xf32, #tpu.memory_space<hbm>>
    tpu.wait_dma2 semaphore(%arg19 : memref<!tpu.dma_semaphore, #tpu.memory_space<semaphore_mem>>) src(%dma_wait3A_66 : memref<400x16xf32, #tpu.memory_space<hbm>>) dst(%arg11 : memref<400x16xf32, #tpu.memory_space<vmem>>)
    %scan3A_67 = arith.constant 0 : i32
    %scan3A_68 = arith.constant 0 : i32
    %scan3A_69 = arith.constant 25 : i32
    %scan3A_70 = arith.addi %scan3A_68, %scan3A_69 : i32
    %scan3A_71 = arith.constant 1 : i32
    %scan3A_72 = scf.for %scan3A_314 = %scan3A_68 to %scan3A_70 step %scan3A_71 iter_args(%scan3A_315 = %scan3A_67) -> (i32)  : i32 {
      %mul3A_316 = arith.constant 16 : i32
      %mul3A_317 = arith.muli %scan3A_314, %mul3A_316 : i32
      %get3A = arith.index_cast %mul3A_317 : i32 to index
      %get3A_318 = tpu.vector_load %arg10[%get3A] {strides = array<i32>} : memref<400xf32, #tpu.memory_space<vmem>>, vector<16xf32>,
      %get3A_319 = vector.shape_cast %get3A_318 : vector<16xf32> to vector<16xf32>
      %mul3A_320 = arith.constant 16 : i32
      %mul3A_321 = arith.muli %scan3A_314, %mul3A_320 : i32
      %add3A_322 = arith.constant 0 : i32
      %add3A_323 = arith.addi %mul3A_321, %add3A_322 : i32
      %get3A_324 = arith.index_cast %add3A_323 : i32 to index
      %get3A_325 = arith.constant 0 : index
      %get3A_326 = tpu.vector_load %arg11[%get3A_324, %get3A_325] {strides = array<i32>} : memref<400x16xf32, #tpu.memory_space<vmem>>, vector<1x16xf32>,
      %get3A_327 = vector.shape_cast %get3A_326 : vector<1x16xf32> to vector<16xf32>
      %slice3A = vector.extract_strided_slice %get3A_319 {offsets = [0], sizes = [1], strides = [1]} : vector<16xf32> to vector<1xf32>
      %squeeze3A = vector.extract %slice3A[0] : f32 from vector<1xf32>
      %mul3A_328 = vector.broadcast %squeeze3A : f32 to vector<16xf32>
      %mul3A_329 = arith.mulf %get3A_327, %mul3A_328 : vector<16xf32>
      %swap3A = arith.index_cast %add3A_323 : i32 to index
      %swap3A_330 = arith.constant 0 : index
      %swap3A_331 = tpu.vector_load %arg11[%swap3A, %swap3A_330] {strides = array<i32>} : memref<400x16xf32, #tpu.memory_space<vmem>>, vector<1x16xf32>,
      %swap3A_332 = vector.shape_cast %swap3A_331 : vector<1x16xf32> to vector<16xf32>
      %swap3A_333 = vector.shape_cast %mul3A_329 : vector<16xf32> to vector<1x16xf32>
      tpu.vector_store %arg11[%swap3A, %swap3A_330], %swap3A_333 {strides = array<i32>} : memref<400x16xf32, #tpu.memory_space<vmem>>, vector<1x16xf32>,
      %mul3A_334 = arith.constant 16 : i32
      %mul3A_335 = arith.muli %scan3A_314, %mul3A_334 : i32
      %add3A_336 = arith.constant 1 : i32
      %add3A_337 = arith.addi %mul3A_335, %add3A_336 : i32
      %get3A_338 = arith.index_cast %add3A_337 : i32 to index
      %get3A_339 = arith.constant 0 : index
      %get3A_340 = tpu.vector_load %arg11[%get3A_338, %get3A_339] {strides = array<i32>} : memref<400x16xf32, #tpu.memory_space<vmem>>, vector<1x16xf32>,
      %get3A_341 = vector.shape_cast %get3A_340 : vector<1x16xf32> to vector<16xf32>
      %slice3A_342 = vector.extract_strided_slice %get3A_319 {offsets = [1], sizes = [1], strides = [1]} : vector<16xf32> to vector<1xf32>
      %squeeze3A_343 = vector.extract %slice3A_342[0] : f32 from vector<1xf32>
      %mul3A_344 = vector.broadcast %squeeze3A_343 : f32 to vector<16xf32>
      %mul3A_345 = arith.mulf %get3A_341, %mul3A_344 : vector<16xf32>
      %swap3A_346 = arith.index_cast %add3A_337 : i32 to index
      %swap3A_347 = arith.constant 0 : index
      %swap3A_348 = tpu.vector_load %arg11[%swap3A_346, %swap3A_347] {strides = array<i32>} : memref<400x16xf32, #tpu.memory_space<vmem>>, vector<1x16xf32>,
      %swap3A_349 = vector.shape_cast %swap3A_348 : vector<1x16xf32> to vector<16xf32>
      %swap3A_350 = vector.shape_cast %mul3A_345 : vector<16xf32> to vector<1x16xf32>
      tpu.vector_store %arg11[%swap3A_346, %swap3A_347], %swap3A_350 {strides = array<i32>} : memref<400x16xf32, #tpu.memory_space<vmem>>, vector<1x16xf32>,
      %mul3A_351 = arith.constant 16 : i32
      %mul3A_352 = arith.muli %scan3A_314, %mul3A_351 : i32
      %add3A_353 = arith.constant 2 : i32
      %add3A_354 = arith.addi %mul3A_352, %add3A_353 : i32
      %get3A_355 = arith.index_cast %add3A_354 : i32 to index
      %get3A_356 = arith.constant 0 : index
      %get3A_357 = tpu.vector_load %arg11[%get3A_355, %get3A_356] {strides = array<i32>} : memref<400x16xf32, #tpu.memory_space<vmem>>, vector<1x16xf32>,
      %get3A_358 = vector.shape_cast %get3A_357 : vector<1x16xf32> to vector<16xf32>
      %slice3A_359 = vector.extract_strided_slice %get3A_319 {offsets = [2], sizes = [1], strides = [1]} : vector<16xf32> to vector<1xf32>
      %squeeze3A_360 = vector.extract %slice3A_359[0] : f32 from vector<1xf32>
      %mul3A_361 = vector.broadcast %squeeze3A_360 : f32 to vector<16xf32>
      %mul3A_362 = arith.mulf %get3A_358, %mul3A_361 : vector<16xf32>
      %swap3A_363 = arith.index_cast %add3A_354 : i32 to index
      %swap3A_364 = arith.constant 0 : index
      %swap3A_365 = tpu.vector_load %arg11[%swap3A_363, %swap3A_364] {strides = array<i32>} : memref<400x16xf32, #tpu.memory_space<vmem>>, vector<1x16xf32>,
      %swap3A_366 = vector.shape_cast %swap3A_365 : vector<1x16xf32> to vector<16xf32>
      %swap3A_367 = vector.shape_cast %mul3A_362 : vector<16xf32> to vector<1x16xf32>
      tpu.vector_store %arg11[%swap3A_363, %swap3A_364], %swap3A_367 {strides = array<i32>} : memref<400x16xf32, #tpu.memory_space<vmem>>, vector<1x16xf32>,
      %mul3A_368 = arith.constant 16 : i32
      %mul3A_369 = arith.muli %scan3A_314, %mul3A_368 : i32
      %add3A_370 = arith.constant 3 : i32
      %add3A_371 = arith.addi %mul3A_369, %add3A_370 : i32
      %get3A_372 = arith.index_cast %add3A_371 : i32 to index
      %get3A_373 = arith.constant 0 : index
      %get3A_374 = tpu.vector_load %arg11[%get3A_372, %get3A_373] {strides = array<i32>} : memref<400x16xf32, #tpu.memory_space<vmem>>, vector<1x16xf32>,
      %get3A_375 = vector.shape_cast %get3A_374 : vector<1x16xf32> to vector<16xf32>
      %slice3A_376 = vector.extract_strided_slice %get3A_319 {offsets = [3], sizes = [1], strides = [1]} : vector<16xf32> to vector<1xf32>
      %squeeze3A_377 = vector.extract %slice3A_376[0] : f32 from vector<1xf32>
      %mul3A_378 = vector.broadcast %squeeze3A_377 : f32 to vector<16xf32>
      %mul3A_379 = arith.mulf %get3A_375, %mul3A_378 : vector<16xf32>
      %swap3A_380 = arith.index_cast %add3A_371 : i32 to index
      %swap3A_381 = arith.constant 0 : index
      %swap3A_382 = tpu.vector_load %arg11[%swap3A_380, %swap3A_381] {strides = array<i32>} : memref<400x16xf32, #tpu.memory_space<vmem>>, vector<1x16xf32>,
      %swap3A_383 = vector.shape_cast %swap3A_382 : vector<1x16xf32> to vector<16xf32>
      %swap3A_384 = vector.shape_cast %mul3A_379 : vector<16xf32> to vector<1x16xf32>
      tpu.vector_store %arg11[%swap3A_380, %swap3A_381], %swap3A_384 {strides = array<i32>} : memref<400x16xf32, #tpu.memory_space<vmem>>, vector<1x16xf32>,
      %mul3A_385 = arith.constant 16 : i32
      %mul3A_386 = arith.muli %scan3A_314, %mul3A_385 : i32
      %add3A_387 = arith.constant 4 : i32
      %add3A_388 = arith.addi %mul3A_386, %add3A_387 : i32
      %get3A_389 = arith.index_cast %add3A_388 : i32 to index
      %get3A_390 = arith.constant 0 : index
      %get3A_391 = tpu.vector_load %arg11[%get3A_389, %get3A_390] {strides = array<i32>} : memref<400x16xf32, #tpu.memory_space<vmem>>, vector<1x16xf32>,
      %get3A_392 = vector.shape_cast %get3A_391 : vector<1x16xf32> to vector<16xf32>
      %slice3A_393 = vector.extract_strided_slice %get3A_319 {offsets = [4], sizes = [1], strides = [1]} : vector<16xf32> to vector<1xf32>
      %squeeze3A_394 = vector.extract %slice3A_393[0] : f32 from vector<1xf32>
      %mul3A_395 = vector.broadcast %squeeze3A_394 : f32 to vector<16xf32>
      %mul3A_396 = arith.mulf %get3A_392, %mul3A_395 : vector<16xf32>
      %swap3A_397 = arith.index_cast %add3A_388 : i32 to index
      %swap3A_398 = arith.constant 0 : index
      %swap3A_399 = tpu.vector_load %arg11[%swap3A_397, %swap3A_398] {strides = array<i32>} : memref<400x16xf32, #tpu.memory_space<vmem>>, vector<1x16xf32>,
      %swap3A_400 = vector.shape_cast %swap3A_399 : vector<1x16xf32> to vector<16xf32>
      %swap3A_401 = vector.shape_cast %mul3A_396 : vector<16xf32> to vector<1x16xf32>
      tpu.vector_store %arg11[%swap3A_397, %swap3A_398], %swap3A_401 {strides = array<i32>} : memref<400x16xf32, #tpu.memory_space<vmem>>, vector<1x16xf32>,
      %mul3A_402 = arith.constant 16 : i32
      %mul3A_403 = arith.muli %scan3A_314, %mul3A_402 : i32
      %add3A_404 = arith.constant 5 : i32
      %add3A_405 = arith.addi %mul3A_403, %add3A_404 : i32
      %get3A_406 = arith.index_cast %add3A_405 : i32 to index
      %get3A_407 = arith.constant 0 : index
      %get3A_408 = tpu.vector_load %arg11[%get3A_406, %get3A_407] {strides = array<i32>} : memref<400x16xf32, #tpu.memory_space<vmem>>, vector<1x16xf32>,
      %get3A_409 = vector.shape_cast %get3A_408 : vector<1x16xf32> to vector<16xf32>
      %slice3A_410 = vector.extract_strided_slice %get3A_319 {offsets = [5], sizes = [1], strides = [1]} : vector<16xf32> to vector<1xf32>
      %squeeze3A_411 = vector.extract %slice3A_410[0] : f32 from vector<1xf32>
      %mul3A_412 = vector.broadcast %squeeze3A_411 : f32 to vector<16xf32>
      %mul3A_413 = arith.mulf %get3A_409, %mul3A_412 : vector<16xf32>
      %swap3A_414 = arith.index_cast %add3A_405 : i32 to index
      %swap3A_415 = arith.constant 0 : index
      %swap3A_416 = tpu.vector_load %arg11[%swap3A_414, %swap3A_415] {strides = array<i32>} : memref<400x16xf32, #tpu.memory_space<vmem>>, vector<1x16xf32>,
      %swap3A_417 = vector.shape_cast %swap3A_416 : vector<1x16xf32> to vector<16xf32>
      %swap3A_418 = vector.shape_cast %mul3A_413 : vector<16xf32> to vector<1x16xf32>
      tpu.vector_store %arg11[%swap3A_414, %swap3A_415], %swap3A_418 {strides = array<i32>} : memref<400x16xf32, #tpu.memory_space<vmem>>, vector<1x16xf32>,
      %mul3A_419 = arith.constant 16 : i32
      %mul3A_420 = arith.muli %scan3A_314, %mul3A_419 : i32
      %add3A_421 = arith.constant 6 : i32
      %add3A_422 = arith.addi %mul3A_420, %add3A_421 : i32
      %get3A_423 = arith.index_cast %add3A_422 : i32 to index
      %get3A_424 = arith.constant 0 : index
      %get3A_425 = tpu.vector_load %arg11[%get3A_423, %get3A_424] {strides = array<i32>} : memref<400x16xf32, #tpu.memory_space<vmem>>, vector<1x16xf32>,
      %get3A_426 = vector.shape_cast %get3A_425 : vector<1x16xf32> to vector<16xf32>
      %slice3A_427 = vector.extract_strided_slice %get3A_319 {offsets = [6], sizes = [1], strides = [1]} : vector<16xf32> to vector<1xf32>
      %squeeze3A_428 = vector.extract %slice3A_427[0] : f32 from vector<1xf32>
      %mul3A_429 = vector.broadcast %squeeze3A_428 : f32 to vector<16xf32>
      %mul3A_430 = arith.mulf %get3A_426, %mul3A_429 : vector<16xf32>
      %swap3A_431 = arith.index_cast %add3A_422 : i32 to index
      %swap3A_432 = arith.constant 0 : index
      %swap3A_433 = tpu.vector_load %arg11[%swap3A_431, %swap3A_432] {strides = array<i32>} : memref<400x16xf32, #tpu.memory_space<vmem>>, vector<1x16xf32>,
      %swap3A_434 = vector.shape_cast %swap3A_433 : vector<1x16xf32> to vector<16xf32>
      %swap3A_435 = vector.shape_cast %mul3A_430 : vector<16xf32> to vector<1x16xf32>
      tpu.vector_store %arg11[%swap3A_431, %swap3A_432], %swap3A_435 {strides = array<i32>} : memref<400x16xf32, #tpu.memory_space<vmem>>, vector<1x16xf32>,
      %mul3A_436 = arith.constant 16 : i32
      %mul3A_437 = arith.muli %scan3A_314, %mul3A_436 : i32
      %add3A_438 = arith.constant 7 : i32
      %add3A_439 = arith.addi %mul3A_437, %add3A_438 : i32
      %get3A_440 = arith.index_cast %add3A_439 : i32 to index
      %get3A_441 = arith.constant 0 : index
      %get3A_442 = tpu.vector_load %arg11[%get3A_440, %get3A_441] {strides = array<i32>} : memref<400x16xf32, #tpu.memory_space<vmem>>, vector<1x16xf32>,
      %get3A_443 = vector.shape_cast %get3A_442 : vector<1x16xf32> to vector<16xf32>
      %slice3A_444 = vector.extract_strided_slice %get3A_319 {offsets = [7], sizes = [1], strides = [1]} : vector<16xf32> to vector<1xf32>
      %squeeze3A_445 = vector.extract %slice3A_444[0] : f32 from vector<1xf32>
      %mul3A_446 = vector.broadcast %squeeze3A_445 : f32 to vector<16xf32>
      %mul3A_447 = arith.mulf %get3A_443, %mul3A_446 : vector<16xf32>
      %swap3A_448 = arith.index_cast %add3A_439 : i32 to index
      %swap3A_449 = arith.constant 0 : index
      %swap3A_450 = tpu.vector_load %arg11[%swap3A_448, %swap3A_449] {strides = array<i32>} : memref<400x16xf32, #tpu.memory_space<vmem>>, vector<1x16xf32>,
      %swap3A_451 = vector.shape_cast %swap3A_450 : vector<1x16xf32> to vector<16xf32>
      %swap3A_452 = vector.shape_cast %mul3A_447 : vector<16xf32> to vector<1x16xf32>
      tpu.vector_store %arg11[%swap3A_448, %swap3A_449], %swap3A_452 {strides = array<i32>} : memref<400x16xf32, #tpu.memory_space<vmem>>, vector<1x16xf32>,
      %mul3A_453 = arith.constant 16 : i32
      %mul3A_454 = arith.muli %scan3A_314, %mul3A_453 : i32
      %add3A_455 = arith.constant 8 : i32
      %add3A_456 = arith.addi %mul3A_454, %add3A_455 : i32
      %get3A_457 = arith.index_cast %add3A_456 : i32 to index
      %get3A_458 = arith.constant 0 : index
      %get3A_459 = tpu.vector_load %arg11[%get3A_457, %get3A_458] {strides = array<i32>} : memref<400x16xf32, #tpu.memory_space<vmem>>, vector<1x16xf32>,
      %get3A_460 = vector.shape_cast %get3A_459 : vector<1x16xf32> to vector<16xf32>
      %slice3A_461 = vector.extract_strided_slice %get3A_319 {offsets = [8], sizes = [1], strides = [1]} : vector<16xf32> to vector<1xf32>
      %squeeze3A_462 = vector.extract %slice3A_461[0] : f32 from vector<1xf32>
      %mul3A_463 = vector.broadcast %squeeze3A_462 : f32 to vector<16xf32>
      %mul3A_464 = arith.mulf %get3A_460, %mul3A_463 : vector<16xf32>
      %swap3A_465 = arith.index_cast %add3A_456 : i32 to index
      %swap3A_466 = arith.constant 0 : index
      %swap3A_467 = tpu.vector_load %arg11[%swap3A_465, %swap3A_466] {strides = array<i32>} : memref<400x16xf32, #tpu.memory_space<vmem>>, vector<1x16xf32>,
      %swap3A_468 = vector.shape_cast %swap3A_467 : vector<1x16xf32> to vector<16xf32>
      %swap3A_469 = vector.shape_cast %mul3A_464 : vector<16xf32> to vector<1x16xf32>
      tpu.vector_store %arg11[%swap3A_465, %swap3A_466], %swap3A_469 {strides = array<i32>} : memref<400x16xf32, #tpu.memory_space<vmem>>, vector<1x16xf32>,
      %mul3A_470 = arith.constant 16 : i32
      %mul3A_471 = arith.muli %scan3A_314, %mul3A_470 : i32
      %add3A_472 = arith.constant 9 : i32
      %add3A_473 = arith.addi %mul3A_471, %add3A_472 : i32
      %get3A_474 = arith.index_cast %add3A_473 : i32 to index
      %get3A_475 = arith.constant 0 : index
      %get3A_476 = tpu.vector_load %arg11[%get3A_474, %get3A_475] {strides = array<i32>} : memref<400x16xf32, #tpu.memory_space<vmem>>, vector<1x16xf32>,
      %get3A_477 = vector.shape_cast %get3A_476 : vector<1x16xf32> to vector<16xf32>
      %slice3A_478 = vector.extract_strided_slice %get3A_319 {offsets = [9], sizes = [1], strides = [1]} : vector<16xf32> to vector<1xf32>
      %squeeze3A_479 = vector.extract %slice3A_478[0] : f32 from vector<1xf32>
      %mul3A_480 = vector.broadcast %squeeze3A_479 : f32 to vector<16xf32>
      %mul3A_481 = arith.mulf %get3A_477, %mul3A_480 : vector<16xf32>
      %swap3A_482 = arith.index_cast %add3A_473 : i32 to index
      %swap3A_483 = arith.constant 0 : index
      %swap3A_484 = tpu.vector_load %arg11[%swap3A_482, %swap3A_483] {strides = array<i32>} : memref<400x16xf32, #tpu.memory_space<vmem>>, vector<1x16xf32>,
      %swap3A_485 = vector.shape_cast %swap3A_484 : vector<1x16xf32> to vector<16xf32>
      %swap3A_486 = vector.shape_cast %mul3A_481 : vector<16xf32> to vector<1x16xf32>
      tpu.vector_store %arg11[%swap3A_482, %swap3A_483], %swap3A_486 {strides = array<i32>} : memref<400x16xf32, #tpu.memory_space<vmem>>, vector<1x16xf32>,
      %mul3A_487 = arith.constant 16 : i32
      %mul3A_488 = arith.muli %scan3A_314, %mul3A_487 : i32
      %add3A_489 = arith.constant 10 : i32
      %add3A_490 = arith.addi %mul3A_488, %add3A_489 : i32
      %get3A_491 = arith.index_cast %add3A_490 : i32 to index
      %get3A_492 = arith.constant 0 : index
      %get3A_493 = tpu.vector_load %arg11[%get3A_491, %get3A_492] {strides = array<i32>} : memref<400x16xf32, #tpu.memory_space<vmem>>, vector<1x16xf32>,
      %get3A_494 = vector.shape_cast %get3A_493 : vector<1x16xf32> to vector<16xf32>
      %slice3A_495 = vector.extract_strided_slice %get3A_319 {offsets = [10], sizes = [1], strides = [1]} : vector<16xf32> to vector<1xf32>
      %squeeze3A_496 = vector.extract %slice3A_495[0] : f32 from vector<1xf32>
      %mul3A_497 = vector.broadcast %squeeze3A_496 : f32 to vector<16xf32>
      %mul3A_498 = arith.mulf %get3A_494, %mul3A_497 : vector<16xf32>
      %swap3A_499 = arith.index_cast %add3A_490 : i32 to index
      %swap3A_500 = arith.constant 0 : index
      %swap3A_501 = tpu.vector_load %arg11[%swap3A_499, %swap3A_500] {strides = array<i32>} : memref<400x16xf32, #tpu.memory_space<vmem>>, vector<1x16xf32>,
      %swap3A_502 = vector.shape_cast %swap3A_501 : vector<1x16xf32> to vector<16xf32>
      %swap3A_503 = vector.shape_cast %mul3A_498 : vector<16xf32> to vector<1x16xf32>
      tpu.vector_store %arg11[%swap3A_499, %swap3A_500], %swap3A_503 {strides = array<i32>} : memref<400x16xf32, #tpu.memory_space<vmem>>, vector<1x16xf32>,
      %mul3A_504 = arith.constant 16 : i32
      %mul3A_505 = arith.muli %scan3A_314, %mul3A_504 : i32
      %add3A_506 = arith.constant 11 : i32
      %add3A_507 = arith.addi %mul3A_505, %add3A_506 : i32
      %get3A_508 = arith.index_cast %add3A_507 : i32 to index
      %get3A_509 = arith.constant 0 : index
      %get3A_510 = tpu.vector_load %arg11[%get3A_508, %get3A_509] {strides = array<i32>} : memref<400x16xf32, #tpu.memory_space<vmem>>, vector<1x16xf32>,
      %get3A_511 = vector.shape_cast %get3A_510 : vector<1x16xf32> to vector<16xf32>
      %slice3A_512 = vector.extract_strided_slice %get3A_319 {offsets = [11], sizes = [1], strides = [1]} : vector<16xf32> to vector<1xf32>
      %squeeze3A_513 = vector.extract %slice3A_512[0] : f32 from vector<1xf32>
      %mul3A_514 = vector.broadcast %squeeze3A_513 : f32 to vector<16xf32>
      %mul3A_515 = arith.mulf %get3A_511, %mul3A_514 : vector<16xf32>
      %swap3A_516 = arith.index_cast %add3A_507 : i32 to index
      %swap3A_517 = arith.constant 0 : index
      %swap3A_518 = tpu.vector_load %arg11[%swap3A_516, %swap3A_517] {strides = array<i32>} : memref<400x16xf32, #tpu.memory_space<vmem>>, vector<1x16xf32>,
      %swap3A_519 = vector.shape_cast %swap3A_518 : vector<1x16xf32> to vector<16xf32>
      %swap3A_520 = vector.shape_cast %mul3A_515 : vector<16xf32> to vector<1x16xf32>
      tpu.vector_store %arg11[%swap3A_516, %swap3A_517], %swap3A_520 {strides = array<i32>} : memref<400x16xf32, #tpu.memory_space<vmem>>, vector<1x16xf32>,
      %mul3A_521 = arith.constant 16 : i32
      %mul3A_522 = arith.muli %scan3A_314, %mul3A_521 : i32
      %add3A_523 = arith.constant 12 : i32
      %add3A_524 = arith.addi %mul3A_522, %add3A_523 : i32
      %get3A_525 = arith.index_cast %add3A_524 : i32 to index
      %get3A_526 = arith.constant 0 : index
      %get3A_527 = tpu.vector_load %arg11[%get3A_525, %get3A_526] {strides = array<i32>} : memref<400x16xf32, #tpu.memory_space<vmem>>, vector<1x16xf32>,
      %get3A_528 = vector.shape_cast %get3A_527 : vector<1x16xf32> to vector<16xf32>
      %slice3A_529 = vector.extract_strided_slice %get3A_319 {offsets = [12], sizes = [1], strides = [1]} : vector<16xf32> to vector<1xf32>
      %squeeze3A_530 = vector.extract %slice3A_529[0] : f32 from vector<1xf32>
      %mul3A_531 = vector.broadcast %squeeze3A_530 : f32 to vector<16xf32>
      %mul3A_532 = arith.mulf %get3A_528, %mul3A_531 : vector<16xf32>
      %swap3A_533 = arith.index_cast %add3A_524 : i32 to index
      %swap3A_534 = arith.constant 0 : index
      %swap3A_535 = tpu.vector_load %arg11[%swap3A_533, %swap3A_534] {strides = array<i32>} : memref<400x16xf32, #tpu.memory_space<vmem>>, vector<1x16xf32>,
      %swap3A_536 = vector.shape_cast %swap3A_535 : vector<1x16xf32> to vector<16xf32>
      %swap3A_537 = vector.shape_cast %mul3A_532 : vector<16xf32> to vector<1x16xf32>
      tpu.vector_store %arg11[%swap3A_533, %swap3A_534], %swap3A_537 {strides = array<i32>} : memref<400x16xf32, #tpu.memory_space<vmem>>, vector<1x16xf32>,
      %mul3A_538 = arith.constant 16 : i32
      %mul3A_539 = arith.muli %scan3A_314, %mul3A_538 : i32
      %add3A_540 = arith.constant 13 : i32
      %add3A_541 = arith.addi %mul3A_539, %add3A_540 : i32
      %get3A_542 = arith.index_cast %add3A_541 : i32 to index
      %get3A_543 = arith.constant 0 : index
      %get3A_544 = tpu.vector_load %arg11[%get3A_542, %get3A_543] {strides = array<i32>} : memref<400x16xf32, #tpu.memory_space<vmem>>, vector<1x16xf32>,
      %get3A_545 = vector.shape_cast %get3A_544 : vector<1x16xf32> to vector<16xf32>
      %slice3A_546 = vector.extract_strided_slice %get3A_319 {offsets = [13], sizes = [1], strides = [1]} : vector<16xf32> to vector<1xf32>
      %squeeze3A_547 = vector.extract %slice3A_546[0] : f32 from vector<1xf32>
      %mul3A_548 = vector.broadcast %squeeze3A_547 : f32 to vector<16xf32>
      %mul3A_549 = arith.mulf %get3A_545, %mul3A_548 : vector<16xf32>
      %swap3A_550 = arith.index_cast %add3A_541 : i32 to index
      %swap3A_551 = arith.constant 0 : index
      %swap3A_552 = tpu.vector_load %arg11[%swap3A_550, %swap3A_551] {strides = array<i32>} : memref<400x16xf32, #tpu.memory_space<vmem>>, vector<1x16xf32>,
      %swap3A_553 = vector.shape_cast %swap3A_552 : vector<1x16xf32> to vector<16xf32>
      %swap3A_554 = vector.shape_cast %mul3A_549 : vector<16xf32> to vector<1x16xf32>
      tpu.vector_store %arg11[%swap3A_550, %swap3A_551], %swap3A_554 {strides = array<i32>} : memref<400x16xf32, #tpu.memory_space<vmem>>, vector<1x16xf32>,
      %mul3A_555 = arith.constant 16 : i32
      %mul3A_556 = arith.muli %scan3A_314, %mul3A_555 : i32
      %add3A_557 = arith.constant 14 : i32
      %add3A_558 = arith.addi %mul3A_556, %add3A_557 : i32
      %get3A_559 = arith.index_cast %add3A_558 : i32 to index
      %get3A_560 = arith.constant 0 : index
      %get3A_561 = tpu.vector_load %arg11[%get3A_559, %get3A_560] {strides = array<i32>} : memref<400x16xf32, #tpu.memory_space<vmem>>, vector<1x16xf32>,
      %get3A_562 = vector.shape_cast %get3A_561 : vector<1x16xf32> to vector<16xf32>
      %slice3A_563 = vector.extract_strided_slice %get3A_319 {offsets = [14], sizes = [1], strides = [1]} : vector<16xf32> to vector<1xf32>
      %squeeze3A_564 = vector.extract %slice3A_563[0] : f32 from vector<1xf32>
      %mul3A_565 = vector.broadcast %squeeze3A_564 : f32 to vector<16xf32>
      %mul3A_566 = arith.mulf %get3A_562, %mul3A_565 : vector<16xf32>
      %swap3A_567 = arith.index_cast %add3A_558 : i32 to index
      %swap3A_568 = arith.constant 0 : index
      %swap3A_569 = tpu.vector_load %arg11[%swap3A_567, %swap3A_568] {strides = array<i32>} : memref<400x16xf32, #tpu.memory_space<vmem>>, vector<1x16xf32>,
      %swap3A_570 = vector.shape_cast %swap3A_569 : vector<1x16xf32> to vector<16xf32>
      %swap3A_571 = vector.shape_cast %mul3A_566 : vector<16xf32> to vector<1x16xf32>
      tpu.vector_store %arg11[%swap3A_567, %swap3A_568], %swap3A_571 {strides = array<i32>} : memref<400x16xf32, #tpu.memory_space<vmem>>, vector<1x16xf32>,
      %mul3A_572 = arith.constant 16 : i32
      %mul3A_573 = arith.muli %scan3A_314, %mul3A_572 : i32
      %add3A_574 = arith.constant 15 : i32
      %add3A_575 = arith.addi %mul3A_573, %add3A_574 : i32
      %get3A_576 = arith.index_cast %add3A_575 : i32 to index
      %get3A_577 = arith.constant 0 : index
      %get3A_578 = tpu.vector_load %arg11[%get3A_576, %get3A_577] {strides = array<i32>} : memref<400x16xf32, #tpu.memory_space<vmem>>, vector<1x16xf32>,
      %get3A_579 = vector.shape_cast %get3A_578 : vector<1x16xf32> to vector<16xf32>
      %slice3A_580 = vector.extract_strided_slice %get3A_319 {offsets = [15], sizes = [1], strides = [1]} : vector<16xf32> to vector<1xf32>
      %squeeze3A_581 = vector.extract %slice3A_580[0] : f32 from vector<1xf32>
      %mul3A_582 = vector.broadcast %squeeze3A_581 : f32 to vector<16xf32>
      %mul3A_583 = arith.mulf %get3A_579, %mul3A_582 : vector<16xf32>
      %swap3A_584 = arith.index_cast %add3A_575 : i32 to index
      %swap3A_585 = arith.constant 0 : index
      %swap3A_586 = tpu.vector_load %arg11[%swap3A_584, %swap3A_585] {strides = array<i32>} : memref<400x16xf32, #tpu.memory_space<vmem>>, vector<1x16xf32>,
      %swap3A_587 = vector.shape_cast %swap3A_586 : vector<1x16xf32> to vector<16xf32>
      %swap3A_588 = vector.shape_cast %mul3A_583 : vector<16xf32> to vector<1x16xf32>
      tpu.vector_store %arg11[%swap3A_584, %swap3A_585], %swap3A_588 {strides = array<i32>} : memref<400x16xf32, #tpu.memory_space<vmem>>, vector<1x16xf32>,
      %scan3A_589 = arith.constant 0 : i32
      scf.yield %scan3A_589 : i32
    }
    %scan3A_73 = arith.constant 25 : i32
    %dma_start3A_74 = arith.constant 0 : i32
    %dma_start3A_75 = arith.constant 0 : i32
    %dma_start3A_76 = tpu.memref_slice %arg7[%dma_start3A_74, %dma_start3A_75] : memref<100352x16xf32, #tpu.memory_space<vmem_shared>> -> memref<100352x16xf32, #tpu.memory_space<vmem_shared>>
    tpu.enqueue_indirect_dma source(%arg11 : memref<400x16xf32, #tpu.memory_space<vmem>>) target(%dma_start3A_76 : memref<100352x16xf32, #tpu.memory_space<vmem_shared>>) offsets(%arg9 : memref<400xi32, #tpu.memory_space<vmem>>) semaphore(%arg21 : memref<!tpu.dma_semaphore, #tpu.memory_space<semaphore_mem>>) {add = true}
    %dma_wait3A_77 = arith.constant 0 : i32
    %dma_wait3A_78 = arith.constant 0 : i32
    %dma_wait3A_79 = tpu.memref_slice %arg2[%dma_wait3A_77, %dma_wait3A_78] : memref<300000x16xf32, #tpu.memory_space<hbm>> -> memref<100000x16xf32, #tpu.memory_space<hbm>>
    %dma_wait3A_80 = arith.constant 0 : i32
    %dma_wait3A_81 = arith.constant 0 : i32
    %dma_wait3A_82 = tpu.memref_slice %dma_wait3A_79[%dma_wait3A_80, %dma_wait3A_81] : memref<100000x16xf32, #tpu.memory_space<hbm>> -> memref<400x16xf32, #tpu.memory_space<hbm>>
    %dma_wait3A_83 = arith.constant 0 : i32
    %dma_wait3A_84 = arith.constant 0 : i32
    %dma_wait3A_85 = tpu.memref_slice %arg2[%dma_wait3A_83, %dma_wait3A_84] : memref<300000x16xf32, #tpu.memory_space<hbm>> -> memref<100000x16xf32, #tpu.memory_space<hbm>>
    %dma_wait3A_86 = arith.constant 0 : i32
    %dma_wait3A_87 = arith.constant 0 : i32
    %dma_wait3A_88 = tpu.memref_slice %dma_wait3A_85[%dma_wait3A_86, %dma_wait3A_87] : memref<100000x16xf32, #tpu.memory_space<hbm>> -> memref<400x16xf32, #tpu.memory_space<hbm>>
    tpu.wait_dma2 semaphore(%arg21 : memref<!tpu.dma_semaphore, #tpu.memory_space<semaphore_mem>>) src(%dma_wait3A_88 : memref<400x16xf32, #tpu.memory_space<hbm>>) dst(%arg11 : memref<400x16xf32, #tpu.memory_space<vmem>>)
    %dma_wait3A_89 = arith.constant 0 : i32
    %dma_wait3A_90 = arith.constant 0 : i32
    %dma_wait3A_91 = tpu.memref_slice %arg2[%dma_wait3A_89, %dma_wait3A_90] : memref<300000x16xf32, #tpu.memory_space<hbm>> -> memref<100000x16xf32, #tpu.memory_space<hbm>>
    %dma_wait3A_92 = arith.constant 0 : i32
    %dma_wait3A_93 = arith.constant 0 : i32
    %dma_wait3A_94 = tpu.memref_slice %dma_wait3A_91[%dma_wait3A_92, %dma_wait3A_93] : memref<100000x16xf32, #tpu.memory_space<hbm>> -> memref<400x16xf32, #tpu.memory_space<hbm>>
    %dma_wait3A_95 = arith.constant 0 : i32
    %dma_wait3A_96 = arith.constant 0 : i32
    %dma_wait3A_97 = tpu.memref_slice %arg2[%dma_wait3A_95, %dma_wait3A_96] : memref<300000x16xf32, #tpu.memory_space<hbm>> -> memref<100000x16xf32, #tpu.memory_space<hbm>>
    %dma_wait3A_98 = arith.constant 0 : i32
    %dma_wait3A_99 = arith.constant 0 : i32
    %dma_wait3A_100 = tpu.memref_slice %dma_wait3A_97[%dma_wait3A_98, %dma_wait3A_99] : memref<100000x16xf32, #tpu.memory_space<hbm>> -> memref<400x16xf32, #tpu.memory_space<hbm>>
    tpu.wait_dma2 semaphore(%arg22 : memref<!tpu.dma_semaphore, #tpu.memory_space<semaphore_mem>>) src(%dma_wait3A_100 : memref<400x16xf32, #tpu.memory_space<hbm>>) dst(%arg15 : memref<400x16xf32, #tpu.memory_space<vmem>>)
    %barrier3A_101 = arith.constant 0 : index
    tpu.barrier barrier_id(%barrier3A_101)
    %mul3A_102 = arith.constant 3 : i32
    %mul3A_103 = arith.muli %arg0, %mul3A_102 : i32
    %add3A_104 = arith.constant 0 : i32
    %add3A_105 = arith.addi %mul3A_103, %add3A_104 : i32
    %mul3A_106 = arith.constant 100352 : i32
    %mul3A_107 = arith.muli %add3A_105, %mul3A_106 : i32
    %add3A_108 = arith.addi %mul3A_107, %mul3A_4 : i32
    "tpu.region"() ({
      %run_scoped3A = tpu.sem_alloc : memref<!tpu.dma_semaphore, #tpu.memory_space<semaphore_mem>>
      %dma_start3A_314 = arith.constant 0 : i32
      %dma_start3A_315 = tpu.memref_slice %arg6[%add3A_108, %dma_start3A_314] : memref<602112x16xf32, #tpu.memory_space<hbm>> -> memref<6272x16xf32, #tpu.memory_space<hbm>>
      %dma_start3A_316 = arith.constant 0 : i32
      %dma_start3A_317 = tpu.memref_slice %arg7[%mul3A_4, %dma_start3A_316] : memref<100352x16xf32, #tpu.memory_space<vmem_shared>> -> memref<6272x16xf32, #tpu.memory_space<vmem_shared>>
      tpu.enqueue_dma source(%dma_start3A_317 : memref<6272x16xf32, #tpu.memory_space<vmem_shared>>) target(%dma_start3A_315 : memref<6272x16xf32, #tpu.memory_space<hbm>>) target_semaphore(%run_scoped3A : memref<!tpu.dma_semaphore, #tpu.memory_space<semaphore_mem>>)
      %dma_wait3A_318 = arith.constant 0 : i32
      %dma_wait3A_319 = tpu.memref_slice %arg6[%add3A_108, %dma_wait3A_318] : memref<602112x16xf32, #tpu.memory_space<hbm>> -> memref<6272x16xf32, #tpu.memory_space<hbm>>
      %dma_wait3A_320 = arith.constant 0 : i32
      %dma_wait3A_321 = tpu.memref_slice %arg7[%mul3A_4, %dma_wait3A_320] : memref<100352x16xf32, #tpu.memory_space<vmem_shared>> -> memref<6272x16xf32, #tpu.memory_space<vmem_shared>>
      tpu.wait_dma2 semaphore(%run_scoped3A : memref<!tpu.dma_semaphore, #tpu.memory_space<semaphore_mem>>) src(%dma_wait3A_321 : memref<6272x16xf32, #tpu.memory_space<vmem_shared>>) dst(%dma_wait3A_319 : memref<6272x16xf32, #tpu.memory_space<hbm>>)
      tpu.yield
    }) : () -> ()
    %barrier3A_109 = arith.constant 0 : index
    tpu.barrier barrier_id(%barrier3A_109)
    %scan3A_110 = arith.constant 0 : i32
    %scan3A_111 = arith.constant 0 : i32
    %scan3A_112 = arith.constant 16 : i32
    %scan3A_113 = arith.addi %scan3A_111, %scan3A_112 : i32
    %scan3A_114 = arith.constant 1 : i32
    %scan3A_115 = scf.for %scan3A_314 = %scan3A_111 to %scan3A_113 step %scan3A_114 iter_args(%scan3A_315 = %scan3A_110) -> (i32)  : i32 {
      %mul3A_316 = arith.constant 392 : i32
      %mul3A_317 = arith.muli %scan3A_314, %mul3A_316 : i32
      %add3A_318 = arith.addi %mul3A_4, %mul3A_317 : i32
      "tpu.region"() ({
        %run_scoped3A = tpu.sem_alloc : memref<!tpu.dma_semaphore, #tpu.memory_space<semaphore_mem>>
        %dma_start3A_320 = arith.constant 0 : i32
        %dma_start3A_321 = tpu.memref_slice %arg7[%add3A_318, %dma_start3A_320] : memref<100352x16xf32, #tpu.memory_space<vmem_shared>> -> memref<392x16xf32, #tpu.memory_space<vmem_shared>>
        %dma_start3A_322 = arith.constant 0 : i32
        %dma_start3A_323 = tpu.memref_slice %arg7[%add3A_318, %dma_start3A_322] : memref<100352x16xf32, #tpu.memory_space<vmem_shared>> -> memref<392x16xf32, #tpu.memory_space<vmem_shared>>
        tpu.enqueue_dma source(%arg16 : memref<392x16xf32, #tpu.memory_space<vmem>>) target(%dma_start3A_323 : memref<392x16xf32, #tpu.memory_space<vmem_shared>>) target_semaphore(%run_scoped3A : memref<!tpu.dma_semaphore, #tpu.memory_space<semaphore_mem>>)
        %dma_wait3A_324 = arith.constant 0 : i32
        %dma_wait3A_325 = tpu.memref_slice %arg7[%add3A_318, %dma_wait3A_324] : memref<100352x16xf32, #tpu.memory_space<vmem_shared>> -> memref<392x16xf32, #tpu.memory_space<vmem_shared>>
        %dma_wait3A_326 = arith.constant 0 : i32
        %dma_wait3A_327 = tpu.memref_slice %arg7[%add3A_318, %dma_wait3A_326] : memref<100352x16xf32, #tpu.memory_space<vmem_shared>> -> memref<392x16xf32, #tpu.memory_space<vmem_shared>>
        tpu.wait_dma2 semaphore(%run_scoped3A : memref<!tpu.dma_semaphore, #tpu.memory_space<semaphore_mem>>) src(%arg16 : memref<392x16xf32, #tpu.memory_space<vmem>>) dst(%dma_wait3A_327 : memref<392x16xf32, #tpu.memory_space<vmem_shared>>)
        tpu.yield
      }) : () -> ()
      %scan3A_319 = arith.constant 0 : i32
      scf.yield %scan3A_319 : i32
    }
    %scan3A_116 = arith.constant 16 : i32
    %barrier3A_117 = arith.constant 0 : index
    tpu.barrier barrier_id(%barrier3A_117)
    %dma_start3A_118 = tpu.memref_slice %arg3[%mul3A_2] : memref<1600000xi32, #tpu.memory_space<hbm>> -> memref<400xi32, #tpu.memory_space<hbm>>
    %dma_start3A_119 = tpu.memref_slice %arg3[%mul3A_2] : memref<1600000xi32, #tpu.memory_space<hbm>> -> memref<400xi32, #tpu.memory_space<hbm>>
    tpu.enqueue_dma source(%dma_start3A_119 : memref<400xi32, #tpu.memory_space<hbm>>) target(%arg8 : memref<400xi32, #tpu.memory_space<vmem>>) target_semaphore(%arg17 : memref<!tpu.dma_semaphore, #tpu.memory_space<semaphore_mem>>)
    %dma_start3A_120 = tpu.memref_slice %arg4[%mul3A_2] : memref<1600000xi32, #tpu.memory_space<hbm>> -> memref<400xi32, #tpu.memory_space<hbm>>
    %dma_start3A_121 = tpu.memref_slice %arg4[%mul3A_2] : memref<1600000xi32, #tpu.memory_space<hbm>> -> memref<400xi32, #tpu.memory_space<hbm>>
    tpu.enqueue_dma source(%dma_start3A_121 : memref<400xi32, #tpu.memory_space<hbm>>) target(%arg9 : memref<400xi32, #tpu.memory_space<vmem>>) target_semaphore(%arg17 : memref<!tpu.dma_semaphore, #tpu.memory_space<semaphore_mem>>)
    %dma_start3A_122 = tpu.memref_slice %arg5[%mul3A_2] : memref<1600000xf32, #tpu.memory_space<hbm>> -> memref<400xf32, #tpu.memory_space<hbm>>
    %dma_start3A_123 = tpu.memref_slice %arg5[%mul3A_2] : memref<1600000xf32, #tpu.memory_space<hbm>> -> memref<400xf32, #tpu.memory_space<hbm>>
    tpu.enqueue_dma source(%dma_start3A_123 : memref<400xf32, #tpu.memory_space<hbm>>) target(%arg10 : memref<400xf32, #tpu.memory_space<vmem>>) target_semaphore(%arg17 : memref<!tpu.dma_semaphore, #tpu.memory_space<semaphore_mem>>)
    %add3A_124 = arith.constant 400 : i32
    %add3A_125 = arith.addi %mul3A_2, %add3A_124 : i32
    %dma_start3A_126 = tpu.memref_slice %arg3[%add3A_125] : memref<1600000xi32, #tpu.memory_space<hbm>> -> memref<400xi32, #tpu.memory_space<hbm>>
    %dma_start3A_127 = tpu.memref_slice %arg3[%add3A_125] : memref<1600000xi32, #tpu.memory_space<hbm>> -> memref<400xi32, #tpu.memory_space<hbm>>
    tpu.enqueue_dma source(%dma_start3A_127 : memref<400xi32, #tpu.memory_space<hbm>>) target(%arg12 : memref<400xi32, #tpu.memory_space<vmem>>) target_semaphore(%arg18 : memref<!tpu.dma_semaphore, #tpu.memory_space<semaphore_mem>>)
    %dma_start3A_128 = tpu.memref_slice %arg4[%add3A_125] : memref<1600000xi32, #tpu.memory_space<hbm>> -> memref<400xi32, #tpu.memory_space<hbm>>
    %dma_start3A_129 = tpu.memref_slice %arg4[%add3A_125] : memref<1600000xi32, #tpu.memory_space<hbm>> -> memref<400xi32, #tpu.memory_space<hbm>>
    tpu.enqueue_dma source(%dma_start3A_129 : memref<400xi32, #tpu.memory_space<hbm>>) target(%arg13 : memref<400xi32, #tpu.memory_space<vmem>>) target_semaphore(%arg18 : memref<!tpu.dma_semaphore, #tpu.memory_space<semaphore_mem>>)
    %dma_start3A_130 = tpu.memref_slice %arg5[%add3A_125] : memref<1600000xf32, #tpu.memory_space<hbm>> -> memref<400xf32, #tpu.memory_space<hbm>>
    %dma_start3A_131 = tpu.memref_slice %arg5[%add3A_125] : memref<1600000xf32, #tpu.memory_space<hbm>> -> memref<400xf32, #tpu.memory_space<hbm>>
    tpu.enqueue_dma source(%dma_start3A_131 : memref<400xf32, #tpu.memory_space<hbm>>) target(%arg14 : memref<400xf32, #tpu.memory_space<vmem>>) target_semaphore(%arg18 : memref<!tpu.dma_semaphore, #tpu.memory_space<semaphore_mem>>)
    %dma_wait3A_132 = arith.constant 0 : i32
    %dma_wait3A_133 = tpu.memref_slice %arg3[%dma_wait3A_132] : memref<1600000xi32, #tpu.memory_space<hbm>> -> memref<400xi32, #tpu.memory_space<hbm>>
    %dma_wait3A_134 = arith.constant 0 : i32
    %dma_wait3A_135 = tpu.memref_slice %arg3[%dma_wait3A_134] : memref<1600000xi32, #tpu.memory_space<hbm>> -> memref<400xi32, #tpu.memory_space<hbm>>
    tpu.wait_dma2 semaphore(%arg17 : memref<!tpu.dma_semaphore, #tpu.memory_space<semaphore_mem>>) src(%dma_wait3A_135 : memref<400xi32, #tpu.memory_space<hbm>>) dst(%arg8 : memref<400xi32, #tpu.memory_space<vmem>>)
    %dma_wait3A_136 = arith.constant 0 : i32
    %dma_wait3A_137 = tpu.memref_slice %arg4[%dma_wait3A_136] : memref<1600000xi32, #tpu.memory_space<hbm>> -> memref<400xi32, #tpu.memory_space<hbm>>
    %dma_wait3A_138 = arith.constant 0 : i32
    %dma_wait3A_139 = tpu.memref_slice %arg4[%dma_wait3A_138] : memref<1600000xi32, #tpu.memory_space<hbm>> -> memref<400xi32, #tpu.memory_space<hbm>>
    tpu.wait_dma2 semaphore(%arg17 : memref<!tpu.dma_semaphore, #tpu.memory_space<semaphore_mem>>) src(%dma_wait3A_139 : memref<400xi32, #tpu.memory_space<hbm>>) dst(%arg9 : memref<400xi32, #tpu.memory_space<vmem>>)
    %dma_wait3A_140 = arith.constant 0 : i32
    %dma_wait3A_141 = tpu.memref_slice %arg5[%dma_wait3A_140] : memref<1600000xf32, #tpu.memory_space<hbm>> -> memref<400xf32, #tpu.memory_space<hbm>>
    %dma_wait3A_142 = arith.constant 0 : i32
    %dma_wait3A_143 = tpu.memref_slice %arg5[%dma_wait3A_142] : memref<1600000xf32, #tpu.memory_space<hbm>> -> memref<400xf32, #tpu.memory_space<hbm>>
    tpu.wait_dma2 semaphore(%arg17 : memref<!tpu.dma_semaphore, #tpu.memory_space<semaphore_mem>>) src(%dma_wait3A_143 : memref<400xf32, #tpu.memory_space<hbm>>) dst(%arg10 : memref<400xf32, #tpu.memory_space<vmem>>)
    %dma_start3A_144 = arith.constant 100000 : i32
    %dma_start3A_145 = arith.constant 0 : i32
    %dma_start3A_146 = tpu.memref_slice %arg2[%dma_start3A_144, %dma_start3A_145] : memref<300000x16xf32, #tpu.memory_space<hbm>> -> memref<100000x16xf32, #tpu.memory_space<hbm>>
    %dma_start3A_147 = arith.constant 0 : i32
    %dma_start3A_148 = arith.constant 0 : i32
    %dma_start3A_149 = tpu.memref_slice %dma_start3A_146[%dma_start3A_147, %dma_start3A_148] : memref<100000x16xf32, #tpu.memory_space<hbm>> -> memref<100000x16xf32, #tpu.memory_space<hbm>>
    tpu.enqueue_indirect_dma source(%dma_start3A_149 : memref<100000x16xf32, #tpu.memory_space<hbm>>) target(%arg11 : memref<400x16xf32, #tpu.memory_space<vmem>>) offsets(%arg8 : memref<400xi32, #tpu.memory_space<vmem>>) semaphore(%arg19 : memref<!tpu.dma_semaphore, #tpu.memory_space<semaphore_mem>>)
    %scan3A_150 = arith.constant 0 : i32
    %scan3A_151 = arith.constant 0 : i32
    %scan3A_152 = arith.constant 62 : i32
    %scan3A_153 = arith.addi %scan3A_151, %scan3A_152 : i32
    %scan3A_154 = arith.constant 1 : i32
    %scan3A_155 = scf.for %scan3A_314 = %scan3A_151 to %scan3A_153 step %scan3A_154 iter_args(%scan3A_315 = %scan3A_150) -> (i32)  : i32 {
      %mul3A_316 = arith.constant 2 : i32
      %mul3A_317 = arith.muli %mul3A_316, %scan3A_314 : i32
      %mul3A_318 = arith.constant 400 : i32
      %mul3A_319 = arith.muli %mul3A_317, %mul3A_318 : i32
      %add3A_320 = arith.addi %mul3A_2, %mul3A_319 : i32
      %dma_wait3A_321 = arith.constant 0 : i32
      %dma_wait3A_322 = tpu.memref_slice %arg3[%dma_wait3A_321] : memref<1600000xi32, #tpu.memory_space<hbm>> -> memref<400xi32, #tpu.memory_space<hbm>>
      %dma_wait3A_323 = arith.constant 0 : i32
      %dma_wait3A_324 = tpu.memref_slice %arg3[%dma_wait3A_323] : memref<1600000xi32, #tpu.memory_space<hbm>> -> memref<400xi32, #tpu.memory_space<hbm>>
      tpu.wait_dma2 semaphore(%arg18 : memref<!tpu.dma_semaphore, #tpu.memory_space<semaphore_mem>>) src(%dma_wait3A_324 : memref<400xi32, #tpu.memory_space<hbm>>) dst(%arg12 : memref<400xi32, #tpu.memory_space<vmem>>)
      %dma_wait3A_325 = arith.constant 0 : i32
      %dma_wait3A_326 = tpu.memref_slice %arg4[%dma_wait3A_325] : memref<1600000xi32, #tpu.memory_space<hbm>> -> memref<400xi32, #tpu.memory_space<hbm>>
      %dma_wait3A_327 = arith.constant 0 : i32
      %dma_wait3A_328 = tpu.memref_slice %arg4[%dma_wait3A_327] : memref<1600000xi32, #tpu.memory_space<hbm>> -> memref<400xi32, #tpu.memory_space<hbm>>
      tpu.wait_dma2 semaphore(%arg18 : memref<!tpu.dma_semaphore, #tpu.memory_space<semaphore_mem>>) src(%dma_wait3A_328 : memref<400xi32, #tpu.memory_space<hbm>>) dst(%arg13 : memref<400xi32, #tpu.memory_space<vmem>>)
      %dma_wait3A_329 = arith.constant 0 : i32
      %dma_wait3A_330 = tpu.memref_slice %arg5[%dma_wait3A_329] : memref<1600000xf32, #tpu.memory_space<hbm>> -> memref<400xf32, #tpu.memory_space<hbm>>
      %dma_wait3A_331 = arith.constant 0 : i32
      %dma_wait3A_332 = tpu.memref_slice %arg5[%dma_wait3A_331] : memref<1600000xf32, #tpu.memory_space<hbm>> -> memref<400xf32, #tpu.memory_space<hbm>>
      tpu.wait_dma2 semaphore(%arg18 : memref<!tpu.dma_semaphore, #tpu.memory_space<semaphore_mem>>) src(%dma_wait3A_332 : memref<400xf32, #tpu.memory_space<hbm>>) dst(%arg14 : memref<400xf32, #tpu.memory_space<vmem>>)
      %gt3A = arith.constant 0 : i32
      %gt3A_333 = arith.cmpi sgt, %scan3A_314, %gt3A : i32
      %convert_element_type3A = arith.extui %gt3A_333 : i1 to i32
      %cond3A = arith.constant 0 : i32
      %cond3A_334 = arith.cmpi ne, %convert_element_type3A, %cond3A : i32
      scf.if %cond3A_334 {
        %dma_wait3A_412 = arith.constant 100000 : i32
        %dma_wait3A_413 = arith.constant 0 : i32
        %dma_wait3A_414 = tpu.memref_slice %arg2[%dma_wait3A_412, %dma_wait3A_413] : memref<300000x16xf32, #tpu.memory_space<hbm>> -> memref<100000x16xf32, #tpu.memory_space<hbm>>
        %dma_wait3A_415 = arith.constant 0 : i32
        %dma_wait3A_416 = arith.constant 0 : i32
        %dma_wait3A_417 = tpu.memref_slice %dma_wait3A_414[%dma_wait3A_415, %dma_wait3A_416] : memref<100000x16xf32, #tpu.memory_space<hbm>> -> memref<400x16xf32, #tpu.memory_space<hbm>>
        %dma_wait3A_418 = arith.constant 100000 : i32
        %dma_wait3A_419 = arith.constant 0 : i32
        %dma_wait3A_420 = tpu.memref_slice %arg2[%dma_wait3A_418, %dma_wait3A_419] : memref<300000x16xf32, #tpu.memory_space<hbm>> -> memref<100000x16xf32, #tpu.memory_space<hbm>>
        %dma_wait3A_421 = arith.constant 0 : i32
        %dma_wait3A_422 = arith.constant 0 : i32
        %dma_wait3A_423 = tpu.memref_slice %dma_wait3A_420[%dma_wait3A_421, %dma_wait3A_422] : memref<100000x16xf32, #tpu.memory_space<hbm>> -> memref<400x16xf32, #tpu.memory_space<hbm>>
        tpu.wait_dma2 semaphore(%arg22 : memref<!tpu.dma_semaphore, #tpu.memory_space<semaphore_mem>>) src(%dma_wait3A_423 : memref<400x16xf32, #tpu.memory_space<hbm>>) dst(%arg15 : memref<400x16xf32, #tpu.memory_space<vmem>>)
      } else {
      }
      %dma_start3A_335 = arith.constant 100000 : i32
      %dma_start3A_336 = arith.constant 0 : i32
      %dma_start3A_337 = tpu.memref_slice %arg2[%dma_start3A_335, %dma_start3A_336] : memref<300000x16xf32, #tpu.memory_space<hbm>> -> memref<100000x16xf32, #tpu.memory_space<hbm>>
      %dma_start3A_338 = arith.constant 0 : i32
      %dma_start3A_339 = arith.constant 0 : i32
      %dma_start3A_340 = tpu.memref_slice %dma_start3A_337[%dma_start3A_338, %dma_start3A_339] : memref<100000x16xf32, #tpu.memory_space<hbm>> -> memref<100000x16xf32, #tpu.memory_space<hbm>>
      tpu.enqueue_indirect_dma source(%dma_start3A_340 : memref<100000x16xf32, #tpu.memory_space<hbm>>) target(%arg15 : memref<400x16xf32, #tpu.memory_space<vmem>>) offsets(%arg12 : memref<400xi32, #tpu.memory_space<vmem>>) semaphore(%arg20 : memref<!tpu.dma_semaphore, #tpu.memory_space<semaphore_mem>>)
      %dma_wait3A_341 = arith.constant 100000 : i32
      %dma_wait3A_342 = arith.constant 0 : i32
      %dma_wait3A_343 = tpu.memref_slice %arg2[%dma_wait3A_341, %dma_wait3A_342] : memref<300000x16xf32, #tpu.memory_space<hbm>> -> memref<100000x16xf32, #tpu.memory_space<hbm>>
      %dma_wait3A_344 = arith.constant 0 : i32
      %dma_wait3A_345 = arith.constant 0 : i32
      %dma_wait3A_346 = tpu.memref_slice %dma_wait3A_343[%dma_wait3A_344, %dma_wait3A_345] : memref<100000x16xf32, #tpu.memory_space<hbm>> -> memref<400x16xf32, #tpu.memory_space<hbm>>
      %dma_wait3A_347 = arith.constant 100000 : i32
      %dma_wait3A_348 = arith.constant 0 : i32
      %dma_wait3A_349 = tpu.memref_slice %arg2[%dma_wait3A_347, %dma_wait3A_348] : memref<300000x16xf32, #tpu.memory_space<hbm>> -> memref<100000x16xf32, #tpu.memory_space<hbm>>
      %dma_wait3A_350 = arith.constant 0 : i32
      %dma_wait3A_351 = arith.constant 0 : i32
      %dma_wait3A_352 = tpu.memref_slice %dma_wait3A_349[%dma_wait3A_350, %dma_wait3A_351] : memref<100000x16xf32, #tpu.memory_space<hbm>> -> memref<400x16xf32, #tpu.memory_space<hbm>>
      tpu.wait_dma2 semaphore(%arg19 : memref<!tpu.dma_semaphore, #tpu.memory_space<semaphore_mem>>) src(%dma_wait3A_352 : memref<400x16xf32, #tpu.memory_space<hbm>>) dst(%arg11 : memref<400x16xf32, #tpu.memory_space<vmem>>)
      %scan3A_353 = arith.constant 0 : i32
      %scan3A_354 = arith.constant 0 : i32
      %scan3A_355 = arith.constant 25 : i32
      %scan3A_356 = arith.addi %scan3A_354, %scan3A_355 : i32
      %scan3A_357 = arith.constant 1 : i32
      %scan3A_358 = scf.for %scan3A_412 = %scan3A_354 to %scan3A_356 step %scan3A_357 iter_args(%scan3A_413 = %scan3A_353) -> (i32)  : i32 {
        %mul3A_414 = arith.constant 16 : i32
        %mul3A_415 = arith.muli %scan3A_412, %mul3A_414 : i32
        %get3A = arith.index_cast %mul3A_415 : i32 to index
        %get3A_416 = tpu.vector_load %arg10[%get3A] {strides = array<i32>} : memref<400xf32, #tpu.memory_space<vmem>>, vector<16xf32>,
        %get3A_417 = vector.shape_cast %get3A_416 : vector<16xf32> to vector<16xf32>
        %mul3A_418 = arith.constant 16 : i32
        %mul3A_419 = arith.muli %scan3A_412, %mul3A_418 : i32
        %add3A_420 = arith.constant 0 : i32
        %add3A_421 = arith.addi %mul3A_419, %add3A_420 : i32
        %get3A_422 = arith.index_cast %add3A_421 : i32 to index
        %get3A_423 = arith.constant 0 : index
        %get3A_424 = tpu.vector_load %arg11[%get3A_422, %get3A_423] {strides = array<i32>} : memref<400x16xf32, #tpu.memory_space<vmem>>, vector<1x16xf32>,
        %get3A_425 = vector.shape_cast %get3A_424 : vector<1x16xf32> to vector<16xf32>
        %slice3A = vector.extract_strided_slice %get3A_417 {offsets = [0], sizes = [1], strides = [1]} : vector<16xf32> to vector<1xf32>
        %squeeze3A = vector.extract %slice3A[0] : f32 from vector<1xf32>
        %mul3A_426 = vector.broadcast %squeeze3A : f32 to vector<16xf32>
        %mul3A_427 = arith.mulf %get3A_425, %mul3A_426 : vector<16xf32>
        %swap3A = arith.index_cast %add3A_421 : i32 to index
        %swap3A_428 = arith.constant 0 : index
        %swap3A_429 = tpu.vector_load %arg11[%swap3A, %swap3A_428] {strides = array<i32>} : memref<400x16xf32, #tpu.memory_space<vmem>>, vector<1x16xf32>,
        %swap3A_430 = vector.shape_cast %swap3A_429 : vector<1x16xf32> to vector<16xf32>
        %swap3A_431 = vector.shape_cast %mul3A_427 : vector<16xf32> to vector<1x16xf32>
        tpu.vector_store %arg11[%swap3A, %swap3A_428], %swap3A_431 {strides = array<i32>} : memref<400x16xf32, #tpu.memory_space<vmem>>, vector<1x16xf32>,
        %mul3A_432 = arith.constant 16 : i32
        %mul3A_433 = arith.muli %scan3A_412, %mul3A_432 : i32
        %add3A_434 = arith.constant 1 : i32
        %add3A_435 = arith.addi %mul3A_433, %add3A_434 : i32
        %get3A_436 = arith.index_cast %add3A_435 : i32 to index
        %get3A_437 = arith.constant 0 : index
        %get3A_438 = tpu.vector_load %arg11[%get3A_436, %get3A_437] {strides = array<i32>} : memref<400x16xf32, #tpu.memory_space<vmem>>, vector<1x16xf32>,
        %get3A_439 = vector.shape_cast %get3A_438 : vector<1x16xf32> to vector<16xf32>
        %slice3A_440 = vector.extract_strided_slice %get3A_417 {offsets = [1], sizes = [1], strides = [1]} : vector<16xf32> to vector<1xf32>
        %squeeze3A_441 = vector.extract %slice3A_440[0] : f32 from vector<1xf32>
        %mul3A_442 = vector.broadcast %squeeze3A_441 : f32 to vector<16xf32>
        %mul3A_443 = arith.mulf %get3A_439, %mul3A_442 : vector<16xf32>
        %swap3A_444 = arith.index_cast %add3A_435 : i32 to index
        %swap3A_445 = arith.constant 0 : index
        %swap3A_446 = tpu.vector_load %arg11[%swap3A_444, %swap3A_445] {strides = array<i32>} : memref<400x16xf32, #tpu.memory_space<vmem>>, vector<1x16xf32>,
        %swap3A_447 = vector.shape_cast %swap3A_446 : vector<1x16xf32> to vector<16xf32>
        %swap3A_448 = vector.shape_cast %mul3A_443 : vector<16xf32> to vector<1x16xf32>
        tpu.vector_store %arg11[%swap3A_444, %swap3A_445], %swap3A_448 {strides = array<i32>} : memref<400x16xf32, #tpu.memory_space<vmem>>, vector<1x16xf32>,
        %mul3A_449 = arith.constant 16 : i32
        %mul3A_450 = arith.muli %scan3A_412, %mul3A_449 : i32
        %add3A_451 = arith.constant 2 : i32
        %add3A_452 = arith.addi %mul3A_450, %add3A_451 : i32
        %get3A_453 = arith.index_cast %add3A_452 : i32 to index
        %get3A_454 = arith.constant 0 : index
        %get3A_455 = tpu.vector_load %arg11[%get3A_453, %get3A_454] {strides = array<i32>} : memref<400x16xf32, #tpu.memory_space<vmem>>, vector<1x16xf32>,
        %get3A_456 = vector.shape_cast %get3A_455 : vector<1x16xf32> to vector<16xf32>
        %slice3A_457 = vector.extract_strided_slice %get3A_417 {offsets = [2], sizes = [1], strides = [1]} : vector<16xf32> to vector<1xf32>
        %squeeze3A_458 = vector.extract %slice3A_457[0] : f32 from vector<1xf32>
        %mul3A_459 = vector.broadcast %squeeze3A_458 : f32 to vector<16xf32>
        %mul3A_460 = arith.mulf %get3A_456, %mul3A_459 : vector<16xf32>
        %swap3A_461 = arith.index_cast %add3A_452 : i32 to index
        %swap3A_462 = arith.constant 0 : index
        %swap3A_463 = tpu.vector_load %arg11[%swap3A_461, %swap3A_462] {strides = array<i32>} : memref<400x16xf32, #tpu.memory_space<vmem>>, vector<1x16xf32>,
        %swap3A_464 = vector.shape_cast %swap3A_463 : vector<1x16xf32> to vector<16xf32>
        %swap3A_465 = vector.shape_cast %mul3A_460 : vector<16xf32> to vector<1x16xf32>
        tpu.vector_store %arg11[%swap3A_461, %swap3A_462], %swap3A_465 {strides = array<i32>} : memref<400x16xf32, #tpu.memory_space<vmem>>, vector<1x16xf32>,
        %mul3A_466 = arith.constant 16 : i32
        %mul3A_467 = arith.muli %scan3A_412, %mul3A_466 : i32
        %add3A_468 = arith.constant 3 : i32
        %add3A_469 = arith.addi %mul3A_467, %add3A_468 : i32
        %get3A_470 = arith.index_cast %add3A_469 : i32 to index
        %get3A_471 = arith.constant 0 : index
        %get3A_472 = tpu.vector_load %arg11[%get3A_470, %get3A_471] {strides = array<i32>} : memref<400x16xf32, #tpu.memory_space<vmem>>, vector<1x16xf32>,
        %get3A_473 = vector.shape_cast %get3A_472 : vector<1x16xf32> to vector<16xf32>
        %slice3A_474 = vector.extract_strided_slice %get3A_417 {offsets = [3], sizes = [1], strides = [1]} : vector<16xf32> to vector<1xf32>
        %squeeze3A_475 = vector.extract %slice3A_474[0] : f32 from vector<1xf32>
        %mul3A_476 = vector.broadcast %squeeze3A_475 : f32 to vector<16xf32>
        %mul3A_477 = arith.mulf %get3A_473, %mul3A_476 : vector<16xf32>
        %swap3A_478 = arith.index_cast %add3A_469 : i32 to index
        %swap3A_479 = arith.constant 0 : index
        %swap3A_480 = tpu.vector_load %arg11[%swap3A_478, %swap3A_479] {strides = array<i32>} : memref<400x16xf32, #tpu.memory_space<vmem>>, vector<1x16xf32>,
        %swap3A_481 = vector.shape_cast %swap3A_480 : vector<1x16xf32> to vector<16xf32>
        %swap3A_482 = vector.shape_cast %mul3A_477 : vector<16xf32> to vector<1x16xf32>
        tpu.vector_store %arg11[%swap3A_478, %swap3A_479], %swap3A_482 {strides = array<i32>} : memref<400x16xf32, #tpu.memory_space<vmem>>, vector<1x16xf32>,
        %mul3A_483 = arith.constant 16 : i32
        %mul3A_484 = arith.muli %scan3A_412, %mul3A_483 : i32
        %add3A_485 = arith.constant 4 : i32
        %add3A_486 = arith.addi %mul3A_484, %add3A_485 : i32
        %get3A_487 = arith.index_cast %add3A_486 : i32 to index
        %get3A_488 = arith.constant 0 : index
        %get3A_489 = tpu.vector_load %arg11[%get3A_487, %get3A_488] {strides = array<i32>} : memref<400x16xf32, #tpu.memory_space<vmem>>, vector<1x16xf32>,
        %get3A_490 = vector.shape_cast %get3A_489 : vector<1x16xf32> to vector<16xf32>
        %slice3A_491 = vector.extract_strided_slice %get3A_417 {offsets = [4], sizes = [1], strides = [1]} : vector<16xf32> to vector<1xf32>
        %squeeze3A_492 = vector.extract %slice3A_491[0] : f32 from vector<1xf32>
        %mul3A_493 = vector.broadcast %squeeze3A_492 : f32 to vector<16xf32>
        %mul3A_494 = arith.mulf %get3A_490, %mul3A_493 : vector<16xf32>
        %swap3A_495 = arith.index_cast %add3A_486 : i32 to index
        %swap3A_496 = arith.constant 0 : index
        %swap3A_497 = tpu.vector_load %arg11[%swap3A_495, %swap3A_496] {strides = array<i32>} : memref<400x16xf32, #tpu.memory_space<vmem>>, vector<1x16xf32>,
        %swap3A_498 = vector.shape_cast %swap3A_497 : vector<1x16xf32> to vector<16xf32>
        %swap3A_499 = vector.shape_cast %mul3A_494 : vector<16xf32> to vector<1x16xf32>
        tpu.vector_store %arg11[%swap3A_495, %swap3A_496], %swap3A_499 {strides = array<i32>} : memref<400x16xf32, #tpu.memory_space<vmem>>, vector<1x16xf32>,
        %mul3A_500 = arith.constant 16 : i32
        %mul3A_501 = arith.muli %scan3A_412, %mul3A_500 : i32
        %add3A_502 = arith.constant 5 : i32
        %add3A_503 = arith.addi %mul3A_501, %add3A_502 : i32
        %get3A_504 = arith.index_cast %add3A_503 : i32 to index
        %get3A_505 = arith.constant 0 : index
        %get3A_506 = tpu.vector_load %arg11[%get3A_504, %get3A_505] {strides = array<i32>} : memref<400x16xf32, #tpu.memory_space<vmem>>, vector<1x16xf32>,
        %get3A_507 = vector.shape_cast %get3A_506 : vector<1x16xf32> to vector<16xf32>
        %slice3A_508 = vector.extract_strided_slice %get3A_417 {offsets = [5], sizes = [1], strides = [1]} : vector<16xf32> to vector<1xf32>
        %squeeze3A_509 = vector.extract %slice3A_508[0] : f32 from vector<1xf32>
        %mul3A_510 = vector.broadcast %squeeze3A_509 : f32 to vector<16xf32>
        %mul3A_511 = arith.mulf %get3A_507, %mul3A_510 : vector<16xf32>
        %swap3A_512 = arith.index_cast %add3A_503 : i32 to index
        %swap3A_513 = arith.constant 0 : index
        %swap3A_514 = tpu.vector_load %arg11[%swap3A_512, %swap3A_513] {strides = array<i32>} : memref<400x16xf32, #tpu.memory_space<vmem>>, vector<1x16xf32>,
        %swap3A_515 = vector.shape_cast %swap3A_514 : vector<1x16xf32> to vector<16xf32>
        %swap3A_516 = vector.shape_cast %mul3A_511 : vector<16xf32> to vector<1x16xf32>
        tpu.vector_store %arg11[%swap3A_512, %swap3A_513], %swap3A_516 {strides = array<i32>} : memref<400x16xf32, #tpu.memory_space<vmem>>, vector<1x16xf32>,
        %mul3A_517 = arith.constant 16 : i32
        %mul3A_518 = arith.muli %scan3A_412, %mul3A_517 : i32
        %add3A_519 = arith.constant 6 : i32
        %add3A_520 = arith.addi %mul3A_518, %add3A_519 : i32
        %get3A_521 = arith.index_cast %add3A_520 : i32 to index
        %get3A_522 = arith.constant 0 : index
        %get3A_523 = tpu.vector_load %arg11[%get3A_521, %get3A_522] {strides = array<i32>} : memref<400x16xf32, #tpu.memory_space<vmem>>, vector<1x16xf32>,
        %get3A_524 = vector.shape_cast %get3A_523 : vector<1x16xf32> to vector<16xf32>
        %slice3A_525 = vector.extract_strided_slice %get3A_417 {offsets = [6], sizes = [1], strides = [1]} : vector<16xf32> to vector<1xf32>
        %squeeze3A_526 = vector.extract %slice3A_525[0] : f32 from vector<1xf32>
        %mul3A_527 = vector.broadcast %squeeze3A_526 : f32 to vector<16xf32>
        %mul3A_528 = arith.mulf %get3A_524, %mul3A_527 : vector<16xf32>
        %swap3A_529 = arith.index_cast %add3A_520 : i32 to index
        %swap3A_530 = arith.constant 0 : index
        %swap3A_531 = tpu.vector_load %arg11[%swap3A_529, %swap3A_530] {strides = array<i32>} : memref<400x16xf32, #tpu.memory_space<vmem>>, vector<1x16xf32>,
        %swap3A_532 = vector.shape_cast %swap3A_531 : vector<1x16xf32> to vector<16xf32>
        %swap3A_533 = vector.shape_cast %mul3A_528 : vector<16xf32> to vector<1x16xf32>
        tpu.vector_store %arg11[%swap3A_529, %swap3A_530], %swap3A_533 {strides = array<i32>} : memref<400x16xf32, #tpu.memory_space<vmem>>, vector<1x16xf32>,
        %mul3A_534 = arith.constant 16 : i32
        %mul3A_535 = arith.muli %scan3A_412, %mul3A_534 : i32
        %add3A_536 = arith.constant 7 : i32
        %add3A_537 = arith.addi %mul3A_535, %add3A_536 : i32
        %get3A_538 = arith.index_cast %add3A_537 : i32 to index
        %get3A_539 = arith.constant 0 : index
        %get3A_540 = tpu.vector_load %arg11[%get3A_538, %get3A_539] {strides = array<i32>} : memref<400x16xf32, #tpu.memory_space<vmem>>, vector<1x16xf32>,
        %get3A_541 = vector.shape_cast %get3A_540 : vector<1x16xf32> to vector<16xf32>
        %slice3A_542 = vector.extract_strided_slice %get3A_417 {offsets = [7], sizes = [1], strides = [1]} : vector<16xf32> to vector<1xf32>
        %squeeze3A_543 = vector.extract %slice3A_542[0] : f32 from vector<1xf32>
        %mul3A_544 = vector.broadcast %squeeze3A_543 : f32 to vector<16xf32>
        %mul3A_545 = arith.mulf %get3A_541, %mul3A_544 : vector<16xf32>
        %swap3A_546 = arith.index_cast %add3A_537 : i32 to index
        %swap3A_547 = arith.constant 0 : index
        %swap3A_548 = tpu.vector_load %arg11[%swap3A_546, %swap3A_547] {strides = array<i32>} : memref<400x16xf32, #tpu.memory_space<vmem>>, vector<1x16xf32>,
        %swap3A_549 = vector.shape_cast %swap3A_548 : vector<1x16xf32> to vector<16xf32>
        %swap3A_550 = vector.shape_cast %mul3A_545 : vector<16xf32> to vector<1x16xf32>
        tpu.vector_store %arg11[%swap3A_546, %swap3A_547], %swap3A_550 {strides = array<i32>} : memref<400x16xf32, #tpu.memory_space<vmem>>, vector<1x16xf32>,
        %mul3A_551 = arith.constant 16 : i32
        %mul3A_552 = arith.muli %scan3A_412, %mul3A_551 : i32
        %add3A_553 = arith.constant 8 : i32
        %add3A_554 = arith.addi %mul3A_552, %add3A_553 : i32
        %get3A_555 = arith.index_cast %add3A_554 : i32 to index
        %get3A_556 = arith.constant 0 : index
        %get3A_557 = tpu.vector_load %arg11[%get3A_555, %get3A_556] {strides = array<i32>} : memref<400x16xf32, #tpu.memory_space<vmem>>, vector<1x16xf32>,
        %get3A_558 = vector.shape_cast %get3A_557 : vector<1x16xf32> to vector<16xf32>
        %slice3A_559 = vector.extract_strided_slice %get3A_417 {offsets = [8], sizes = [1], strides = [1]} : vector<16xf32> to vector<1xf32>
        %squeeze3A_560 = vector.extract %slice3A_559[0] : f32 from vector<1xf32>
        %mul3A_561 = vector.broadcast %squeeze3A_560 : f32 to vector<16xf32>
        %mul3A_562 = arith.mulf %get3A_558, %mul3A_561 : vector<16xf32>
        %swap3A_563 = arith.index_cast %add3A_554 : i32 to index
        %swap3A_564 = arith.constant 0 : index
        %swap3A_565 = tpu.vector_load %arg11[%swap3A_563, %swap3A_564] {strides = array<i32>} : memref<400x16xf32, #tpu.memory_space<vmem>>, vector<1x16xf32>,
        %swap3A_566 = vector.shape_cast %swap3A_565 : vector<1x16xf32> to vector<16xf32>
        %swap3A_567 = vector.shape_cast %mul3A_562 : vector<16xf32> to vector<1x16xf32>
        tpu.vector_store %arg11[%swap3A_563, %swap3A_564], %swap3A_567 {strides = array<i32>} : memref<400x16xf32, #tpu.memory_space<vmem>>, vector<1x16xf32>,
        %mul3A_568 = arith.constant 16 : i32
        %mul3A_569 = arith.muli %scan3A_412, %mul3A_568 : i32
        %add3A_570 = arith.constant 9 : i32
        %add3A_571 = arith.addi %mul3A_569, %add3A_570 : i32
        %get3A_572 = arith.index_cast %add3A_571 : i32 to index
        %get3A_573 = arith.constant 0 : index
        %get3A_574 = tpu.vector_load %arg11[%get3A_572, %get3A_573] {strides = array<i32>} : memref<400x16xf32, #tpu.memory_space<vmem>>, vector<1x16xf32>,
        %get3A_575 = vector.shape_cast %get3A_574 : vector<1x16xf32> to vector<16xf32>
        %slice3A_576 = vector.extract_strided_slice %get3A_417 {offsets = [9], sizes = [1], strides = [1]} : vector<16xf32> to vector<1xf32>
        %squeeze3A_577 = vector.extract %slice3A_576[0] : f32 from vector<1xf32>
        %mul3A_578 = vector.broadcast %squeeze3A_577 : f32 to vector<16xf32>
        %mul3A_579 = arith.mulf %get3A_575, %mul3A_578 : vector<16xf32>
        %swap3A_580 = arith.index_cast %add3A_571 : i32 to index
        %swap3A_581 = arith.constant 0 : index
        %swap3A_582 = tpu.vector_load %arg11[%swap3A_580, %swap3A_581] {strides = array<i32>} : memref<400x16xf32, #tpu.memory_space<vmem>>, vector<1x16xf32>,
        %swap3A_583 = vector.shape_cast %swap3A_582 : vector<1x16xf32> to vector<16xf32>
        %swap3A_584 = vector.shape_cast %mul3A_579 : vector<16xf32> to vector<1x16xf32>
        tpu.vector_store %arg11[%swap3A_580, %swap3A_581], %swap3A_584 {strides = array<i32>} : memref<400x16xf32, #tpu.memory_space<vmem>>, vector<1x16xf32>,
        %mul3A_585 = arith.constant 16 : i32
        %mul3A_586 = arith.muli %scan3A_412, %mul3A_585 : i32
        %add3A_587 = arith.constant 10 : i32
        %add3A_588 = arith.addi %mul3A_586, %add3A_587 : i32
        %get3A_589 = arith.index_cast %add3A_588 : i32 to index
        %get3A_590 = arith.constant 0 : index
        %get3A_591 = tpu.vector_load %arg11[%get3A_589, %get3A_590] {strides = array<i32>} : memref<400x16xf32, #tpu.memory_space<vmem>>, vector<1x16xf32>,
        %get3A_592 = vector.shape_cast %get3A_591 : vector<1x16xf32> to vector<16xf32>
        %slice3A_593 = vector.extract_strided_slice %get3A_417 {offsets = [10], sizes = [1], strides = [1]} : vector<16xf32> to vector<1xf32>
        %squeeze3A_594 = vector.extract %slice3A_593[0] : f32 from vector<1xf32>
        %mul3A_595 = vector.broadcast %squeeze3A_594 : f32 to vector<16xf32>
        %mul3A_596 = arith.mulf %get3A_592, %mul3A_595 : vector<16xf32>
        %swap3A_597 = arith.index_cast %add3A_588 : i32 to index
        %swap3A_598 = arith.constant 0 : index
        %swap3A_599 = tpu.vector_load %arg11[%swap3A_597, %swap3A_598] {strides = array<i32>} : memref<400x16xf32, #tpu.memory_space<vmem>>, vector<1x16xf32>,
        %swap3A_600 = vector.shape_cast %swap3A_599 : vector<1x16xf32> to vector<16xf32>
        %swap3A_601 = vector.shape_cast %mul3A_596 : vector<16xf32> to vector<1x16xf32>
        tpu.vector_store %arg11[%swap3A_597, %swap3A_598], %swap3A_601 {strides = array<i32>} : memref<400x16xf32, #tpu.memory_space<vmem>>, vector<1x16xf32>,
        %mul3A_602 = arith.constant 16 : i32
        %mul3A_603 = arith.muli %scan3A_412, %mul3A_602 : i32
        %add3A_604 = arith.constant 11 : i32
        %add3A_605 = arith.addi %mul3A_603, %add3A_604 : i32
        %get3A_606 = arith.index_cast %add3A_605 : i32 to index
        %get3A_607 = arith.constant 0 : index
        %get3A_608 = tpu.vector_load %arg11[%get3A_606, %get3A_607] {strides = array<i32>} : memref<400x16xf32, #tpu.memory_space<vmem>>, vector<1x16xf32>,
        %get3A_609 = vector.shape_cast %get3A_608 : vector<1x16xf32> to vector<16xf32>
        %slice3A_610 = vector.extract_strided_slice %get3A_417 {offsets = [11], sizes = [1], strides = [1]} : vector<16xf32> to vector<1xf32>
        %squeeze3A_611 = vector.extract %slice3A_610[0] : f32 from vector<1xf32>
        %mul3A_612 = vector.broadcast %squeeze3A_611 : f32 to vector<16xf32>
        %mul3A_613 = arith.mulf %get3A_609, %mul3A_612 : vector<16xf32>
        %swap3A_614 = arith.index_cast %add3A_605 : i32 to index
        %swap3A_615 = arith.constant 0 : index
        %swap3A_616 = tpu.vector_load %arg11[%swap3A_614, %swap3A_615] {strides = array<i32>} : memref<400x16xf32, #tpu.memory_space<vmem>>, vector<1x16xf32>,
        %swap3A_617 = vector.shape_cast %swap3A_616 : vector<1x16xf32> to vector<16xf32>
        %swap3A_618 = vector.shape_cast %mul3A_613 : vector<16xf32> to vector<1x16xf32>
        tpu.vector_store %arg11[%swap3A_614, %swap3A_615], %swap3A_618 {strides = array<i32>} : memref<400x16xf32, #tpu.memory_space<vmem>>, vector<1x16xf32>,
        %mul3A_619 = arith.constant 16 : i32
        %mul3A_620 = arith.muli %scan3A_412, %mul3A_619 : i32
        %add3A_621 = arith.constant 12 : i32
        %add3A_622 = arith.addi %mul3A_620, %add3A_621 : i32
        %get3A_623 = arith.index_cast %add3A_622 : i32 to index
        %get3A_624 = arith.constant 0 : index
        %get3A_625 = tpu.vector_load %arg11[%get3A_623, %get3A_624] {strides = array<i32>} : memref<400x16xf32, #tpu.memory_space<vmem>>, vector<1x16xf32>,
        %get3A_626 = vector.shape_cast %get3A_625 : vector<1x16xf32> to vector<16xf32>
        %slice3A_627 = vector.extract_strided_slice %get3A_417 {offsets = [12], sizes = [1], strides = [1]} : vector<16xf32> to vector<1xf32>
        %squeeze3A_628 = vector.extract %slice3A_627[0] : f32 from vector<1xf32>
        %mul3A_629 = vector.broadcast %squeeze3A_628 : f32 to vector<16xf32>
        %mul3A_630 = arith.mulf %get3A_626, %mul3A_629 : vector<16xf32>
        %swap3A_631 = arith.index_cast %add3A_622 : i32 to index
        %swap3A_632 = arith.constant 0 : index
        %swap3A_633 = tpu.vector_load %arg11[%swap3A_631, %swap3A_632] {strides = array<i32>} : memref<400x16xf32, #tpu.memory_space<vmem>>, vector<1x16xf32>,
        %swap3A_634 = vector.shape_cast %swap3A_633 : vector<1x16xf32> to vector<16xf32>
        %swap3A_635 = vector.shape_cast %mul3A_630 : vector<16xf32> to vector<1x16xf32>
        tpu.vector_store %arg11[%swap3A_631, %swap3A_632], %swap3A_635 {strides = array<i32>} : memref<400x16xf32, #tpu.memory_space<vmem>>, vector<1x16xf32>,
        %mul3A_636 = arith.constant 16 : i32
        %mul3A_637 = arith.muli %scan3A_412, %mul3A_636 : i32
        %add3A_638 = arith.constant 13 : i32
        %add3A_639 = arith.addi %mul3A_637, %add3A_638 : i32
        %get3A_640 = arith.index_cast %add3A_639 : i32 to index
        %get3A_641 = arith.constant 0 : index
        %get3A_642 = tpu.vector_load %arg11[%get3A_640, %get3A_641] {strides = array<i32>} : memref<400x16xf32, #tpu.memory_space<vmem>>, vector<1x16xf32>,
        %get3A_643 = vector.shape_cast %get3A_642 : vector<1x16xf32> to vector<16xf32>
        %slice3A_644 = vector.extract_strided_slice %get3A_417 {offsets = [13], sizes = [1], strides = [1]} : vector<16xf32> to vector<1xf32>
        %squeeze3A_645 = vector.extract %slice3A_644[0] : f32 from vector<1xf32>
        %mul3A_646 = vector.broadcast %squeeze3A_645 : f32 to vector<16xf32>
        %mul3A_647 = arith.mulf %get3A_643, %mul3A_646 : vector<16xf32>
        %swap3A_648 = arith.index_cast %add3A_639 : i32 to index
        %swap3A_649 = arith.constant 0 : index
        %swap3A_650 = tpu.vector_load %arg11[%swap3A_648, %swap3A_649] {strides = array<i32>} : memref<400x16xf32, #tpu.memory_space<vmem>>, vector<1x16xf32>,
        %swap3A_651 = vector.shape_cast %swap3A_650 : vector<1x16xf32> to vector<16xf32>
        %swap3A_652 = vector.shape_cast %mul3A_647 : vector<16xf32> to vector<1x16xf32>
        tpu.vector_store %arg11[%swap3A_648, %swap3A_649], %swap3A_652 {strides = array<i32>} : memref<400x16xf32, #tpu.memory_space<vmem>>, vector<1x16xf32>,
        %mul3A_653 = arith.constant 16 : i32
        %mul3A_654 = arith.muli %scan3A_412, %mul3A_653 : i32
        %add3A_655 = arith.constant 14 : i32
        %add3A_656 = arith.addi %mul3A_654, %add3A_655 : i32
        %get3A_657 = arith.index_cast %add3A_656 : i32 to index
        %get3A_658 = arith.constant 0 : index
        %get3A_659 = tpu.vector_load %arg11[%get3A_657, %get3A_658] {strides = array<i32>} : memref<400x16xf32, #tpu.memory_space<vmem>>, vector<1x16xf32>,
        %get3A_660 = vector.shape_cast %get3A_659 : vector<1x16xf32> to vector<16xf32>
        %slice3A_661 = vector.extract_strided_slice %get3A_417 {offsets = [14], sizes = [1], strides = [1]} : vector<16xf32> to vector<1xf32>
        %squeeze3A_662 = vector.extract %slice3A_661[0] : f32 from vector<1xf32>
        %mul3A_663 = vector.broadcast %squeeze3A_662 : f32 to vector<16xf32>
        %mul3A_664 = arith.mulf %get3A_660, %mul3A_663 : vector<16xf32>
        %swap3A_665 = arith.index_cast %add3A_656 : i32 to index
        %swap3A_666 = arith.constant 0 : index
        %swap3A_667 = tpu.vector_load %arg11[%swap3A_665, %swap3A_666] {strides = array<i32>} : memref<400x16xf32, #tpu.memory_space<vmem>>, vector<1x16xf32>,
        %swap3A_668 = vector.shape_cast %swap3A_667 : vector<1x16xf32> to vector<16xf32>
        %swap3A_669 = vector.shape_cast %mul3A_664 : vector<16xf32> to vector<1x16xf32>
        tpu.vector_store %arg11[%swap3A_665, %swap3A_666], %swap3A_669 {strides = array<i32>} : memref<400x16xf32, #tpu.memory_space<vmem>>, vector<1x16xf32>,
        %mul3A_670 = arith.constant 16 : i32
        %mul3A_671 = arith.muli %scan3A_412, %mul3A_670 : i32
        %add3A_672 = arith.constant 15 : i32
        %add3A_673 = arith.addi %mul3A_671, %add3A_672 : i32
        %get3A_674 = arith.index_cast %add3A_673 : i32 to index
        %get3A_675 = arith.constant 0 : index
        %get3A_676 = tpu.vector_load %arg11[%get3A_674, %get3A_675] {strides = array<i32>} : memref<400x16xf32, #tpu.memory_space<vmem>>, vector<1x16xf32>,
        %get3A_677 = vector.shape_cast %get3A_676 : vector<1x16xf32> to vector<16xf32>
        %slice3A_678 = vector.extract_strided_slice %get3A_417 {offsets = [15], sizes = [1], strides = [1]} : vector<16xf32> to vector<1xf32>
        %squeeze3A_679 = vector.extract %slice3A_678[0] : f32 from vector<1xf32>
        %mul3A_680 = vector.broadcast %squeeze3A_679 : f32 to vector<16xf32>
        %mul3A_681 = arith.mulf %get3A_677, %mul3A_680 : vector<16xf32>
        %swap3A_682 = arith.index_cast %add3A_673 : i32 to index
        %swap3A_683 = arith.constant 0 : index
        %swap3A_684 = tpu.vector_load %arg11[%swap3A_682, %swap3A_683] {strides = array<i32>} : memref<400x16xf32, #tpu.memory_space<vmem>>, vector<1x16xf32>,
        %swap3A_685 = vector.shape_cast %swap3A_684 : vector<1x16xf32> to vector<16xf32>
        %swap3A_686 = vector.shape_cast %mul3A_681 : vector<16xf32> to vector<1x16xf32>
        tpu.vector_store %arg11[%swap3A_682, %swap3A_683], %swap3A_686 {strides = array<i32>} : memref<400x16xf32, #tpu.memory_space<vmem>>, vector<1x16xf32>,
        %scan3A_687 = arith.constant 0 : i32
        scf.yield %scan3A_687 : i32
      }
      %scan3A_359 = arith.constant 25 : i32
      %dma_start3A_360 = arith.constant 0 : i32
      %dma_start3A_361 = arith.constant 0 : i32
      %dma_start3A_362 = tpu.memref_slice %arg7[%dma_start3A_360, %dma_start3A_361] : memref<100352x16xf32, #tpu.memory_space<vmem_shared>> -> memref<100352x16xf32, #tpu.memory_space<vmem_shared>>
      tpu.enqueue_indirect_dma source(%arg11 : memref<400x16xf32, #tpu.memory_space<vmem>>) target(%dma_start3A_362 : memref<100352x16xf32, #tpu.memory_space<vmem_shared>>) offsets(%arg9 : memref<400xi32, #tpu.memory_space<vmem>>) semaphore(%arg21 : memref<!tpu.dma_semaphore, #tpu.memory_space<semaphore_mem>>) {add = true}
      %mul3A_363 = arith.constant 2 : i32
      %mul3A_364 = arith.muli %mul3A_363, %scan3A_314 : i32
      %add3A_365 = arith.constant 2 : i32
      %add3A_366 = arith.addi %mul3A_364, %add3A_365 : i32
      %lt3A = arith.constant 125 : i32
      %lt3A_367 = arith.cmpi slt, %add3A_366, %lt3A : i32
      %convert_element_type3A_368 = arith.extui %lt3A_367 : i1 to i32
      %cond3A_369 = arith.constant 0 : i32
      %cond3A_370 = arith.cmpi ne, %convert_element_type3A_368, %cond3A_369 : i32
      scf.if %cond3A_370 {
        %add3A_412 = arith.constant 800 : i32
        %add3A_413 = arith.addi %add3A_320, %add3A_412 : i32
        %dma_start3A_414 = tpu.memref_slice %arg3[%add3A_413] : memref<1600000xi32, #tpu.memory_space<hbm>> -> memref<400xi32, #tpu.memory_space<hbm>>
        %dma_start3A_415 = tpu.memref_slice %arg3[%add3A_413] : memref<1600000xi32, #tpu.memory_space<hbm>> -> memref<400xi32, #tpu.memory_space<hbm>>
        tpu.enqueue_dma source(%dma_start3A_415 : memref<400xi32, #tpu.memory_space<hbm>>) target(%arg8 : memref<400xi32, #tpu.memory_space<vmem>>) target_semaphore(%arg17 : memref<!tpu.dma_semaphore, #tpu.memory_space<semaphore_mem>>)
        %dma_start3A_416 = tpu.memref_slice %arg4[%add3A_413] : memref<1600000xi32, #tpu.memory_space<hbm>> -> memref<400xi32, #tpu.memory_space<hbm>>
        %dma_start3A_417 = tpu.memref_slice %arg4[%add3A_413] : memref<1600000xi32, #tpu.memory_space<hbm>> -> memref<400xi32, #tpu.memory_space<hbm>>
        tpu.enqueue_dma source(%dma_start3A_417 : memref<400xi32, #tpu.memory_space<hbm>>) target(%arg9 : memref<400xi32, #tpu.memory_space<vmem>>) target_semaphore(%arg17 : memref<!tpu.dma_semaphore, #tpu.memory_space<semaphore_mem>>)
        %dma_start3A_418 = tpu.memref_slice %arg5[%add3A_413] : memref<1600000xf32, #tpu.memory_space<hbm>> -> memref<400xf32, #tpu.memory_space<hbm>>
        %dma_start3A_419 = tpu.memref_slice %arg5[%add3A_413] : memref<1600000xf32, #tpu.memory_space<hbm>> -> memref<400xf32, #tpu.memory_space<hbm>>
        tpu.enqueue_dma source(%dma_start3A_419 : memref<400xf32, #tpu.memory_space<hbm>>) target(%arg10 : memref<400xf32, #tpu.memory_space<vmem>>) target_semaphore(%arg17 : memref<!tpu.dma_semaphore, #tpu.memory_space<semaphore_mem>>)
      } else {
      }
      %mul3A_371 = arith.constant 2 : i32
      %mul3A_372 = arith.muli %mul3A_371, %scan3A_314 : i32
      %add3A_373 = arith.constant 2 : i32
      %add3A_374 = arith.addi %mul3A_372, %add3A_373 : i32
      %lt3A_375 = arith.constant 125 : i32
      %lt3A_376 = arith.cmpi slt, %add3A_374, %lt3A_375 : i32
      %convert_element_type3A_377 = arith.extui %lt3A_376 : i1 to i32
      %cond3A_378 = arith.constant 0 : i32
      %cond3A_379 = arith.cmpi ne, %convert_element_type3A_377, %cond3A_378 : i32
      scf.if %cond3A_379 {
        %dma_wait3A_412 = arith.constant 0 : i32
        %dma_wait3A_413 = tpu.memref_slice %arg3[%dma_wait3A_412] : memref<1600000xi32, #tpu.memory_space<hbm>> -> memref<400xi32, #tpu.memory_space<hbm>>
        %dma_wait3A_414 = arith.constant 0 : i32
        %dma_wait3A_415 = tpu.memref_slice %arg3[%dma_wait3A_414] : memref<1600000xi32, #tpu.memory_space<hbm>> -> memref<400xi32, #tpu.memory_space<hbm>>
        tpu.wait_dma2 semaphore(%arg17 : memref<!tpu.dma_semaphore, #tpu.memory_space<semaphore_mem>>) src(%dma_wait3A_415 : memref<400xi32, #tpu.memory_space<hbm>>) dst(%arg8 : memref<400xi32, #tpu.memory_space<vmem>>)
        %dma_wait3A_416 = arith.constant 0 : i32
        %dma_wait3A_417 = tpu.memref_slice %arg4[%dma_wait3A_416] : memref<1600000xi32, #tpu.memory_space<hbm>> -> memref<400xi32, #tpu.memory_space<hbm>>
        %dma_wait3A_418 = arith.constant 0 : i32
        %dma_wait3A_419 = tpu.memref_slice %arg4[%dma_wait3A_418] : memref<1600000xi32, #tpu.memory_space<hbm>> -> memref<400xi32, #tpu.memory_space<hbm>>
        tpu.wait_dma2 semaphore(%arg17 : memref<!tpu.dma_semaphore, #tpu.memory_space<semaphore_mem>>) src(%dma_wait3A_419 : memref<400xi32, #tpu.memory_space<hbm>>) dst(%arg9 : memref<400xi32, #tpu.memory_space<vmem>>)
        %dma_wait3A_420 = arith.constant 0 : i32
        %dma_wait3A_421 = tpu.memref_slice %arg5[%dma_wait3A_420] : memref<1600000xf32, #tpu.memory_space<hbm>> -> memref<400xf32, #tpu.memory_space<hbm>>
        %dma_wait3A_422 = arith.constant 0 : i32
        %dma_wait3A_423 = tpu.memref_slice %arg5[%dma_wait3A_422] : memref<1600000xf32, #tpu.memory_space<hbm>> -> memref<400xf32, #tpu.memory_space<hbm>>
        tpu.wait_dma2 semaphore(%arg17 : memref<!tpu.dma_semaphore, #tpu.memory_space<semaphore_mem>>) src(%dma_wait3A_423 : memref<400xf32, #tpu.memory_space<hbm>>) dst(%arg10 : memref<400xf32, #tpu.memory_space<vmem>>)
        %dma_wait3A_424 = arith.constant 100000 : i32
        %dma_wait3A_425 = arith.constant 0 : i32
        %dma_wait3A_426 = tpu.memref_slice %arg2[%dma_wait3A_424, %dma_wait3A_425] : memref<300000x16xf32, #tpu.memory_space<hbm>> -> memref<100000x16xf32, #tpu.memory_space<hbm>>
        %dma_wait3A_427 = arith.constant 0 : i32
        %dma_wait3A_428 = arith.constant 0 : i32
        %dma_wait3A_429 = tpu.memref_slice %dma_wait3A_426[%dma_wait3A_427, %dma_wait3A_428] : memref<100000x16xf32, #tpu.memory_space<hbm>> -> memref<400x16xf32, #tpu.memory_space<hbm>>
        %dma_wait3A_430 = arith.constant 100000 : i32
        %dma_wait3A_431 = arith.constant 0 : i32
        %dma_wait3A_432 = tpu.memref_slice %arg2[%dma_wait3A_430, %dma_wait3A_431] : memref<300000x16xf32, #tpu.memory_space<hbm>> -> memref<100000x16xf32, #tpu.memory_space<hbm>>
        %dma_wait3A_433 = arith.constant 0 : i32
        %dma_wait3A_434 = arith.constant 0 : i32
        %dma_wait3A_435 = tpu.memref_slice %dma_wait3A_432[%dma_wait3A_433, %dma_wait3A_434] : memref<100000x16xf32, #tpu.memory_space<hbm>> -> memref<400x16xf32, #tpu.memory_space<hbm>>
        tpu.wait_dma2 semaphore(%arg21 : memref<!tpu.dma_semaphore, #tpu.memory_space<semaphore_mem>>) src(%dma_wait3A_435 : memref<400x16xf32, #tpu.memory_space<hbm>>) dst(%arg11 : memref<400x16xf32, #tpu.memory_space<vmem>>)
        %dma_start3A_436 = arith.constant 100000 : i32
        %dma_start3A_437 = arith.constant 0 : i32
        %dma_start3A_438 = tpu.memref_slice %arg2[%dma_start3A_436, %dma_start3A_437] : memref<300000x16xf32, #tpu.memory_space<hbm>> -> memref<100000x16xf32, #tpu.memory_space<hbm>>
        %dma_start3A_439 = arith.constant 0 : i32
        %dma_start3A_440 = arith.constant 0 : i32
        %dma_start3A_441 = tpu.memref_slice %dma_start3A_438[%dma_start3A_439, %dma_start3A_440] : memref<100000x16xf32, #tpu.memory_space<hbm>> -> memref<100000x16xf32, #tpu.memory_space<hbm>>
        tpu.enqueue_indirect_dma source(%dma_start3A_441 : memref<100000x16xf32, #tpu.memory_space<hbm>>) target(%arg11 : memref<400x16xf32, #tpu.memory_space<vmem>>) offsets(%arg8 : memref<400xi32, #tpu.memory_space<vmem>>) semaphore(%arg19 : memref<!tpu.dma_semaphore, #tpu.memory_space<semaphore_mem>>)
      } else {
      }
      %dma_wait3A_380 = arith.constant 100000 : i32
      %dma_wait3A_381 = arith.constant 0 : i32
      %dma_wait3A_382 = tpu.memref_slice %arg2[%dma_wait3A_380, %dma_wait3A_381] : memref<300000x16xf32, #tpu.memory_space<hbm>> -> memref<100000x16xf32, #tpu.memory_space<hbm>>
      %dma_wait3A_383 = arith.constant 0 : i32
      %dma_wait3A_384 = arith.constant 0 : i32
      %dma_wait3A_385 = tpu.memref_slice %dma_wait3A_382[%dma_wait3A_383, %dma_wait3A_384] : memref<100000x16xf32, #tpu.memory_space<hbm>> -> memref<400x16xf32, #tpu.memory_space<hbm>>
      %dma_wait3A_386 = arith.constant 100000 : i32
      %dma_wait3A_387 = arith.constant 0 : i32
      %dma_wait3A_388 = tpu.memref_slice %arg2[%dma_wait3A_386, %dma_wait3A_387] : memref<300000x16xf32, #tpu.memory_space<hbm>> -> memref<100000x16xf32, #tpu.memory_space<hbm>>
      %dma_wait3A_389 = arith.constant 0 : i32
      %dma_wait3A_390 = arith.constant 0 : i32
      %dma_wait3A_391 = tpu.memref_slice %dma_wait3A_388[%dma_wait3A_389, %dma_wait3A_390] : memref<100000x16xf32, #tpu.memory_space<hbm>> -> memref<400x16xf32, #tpu.memory_space<hbm>>
      tpu.wait_dma2 semaphore(%arg20 : memref<!tpu.dma_semaphore, #tpu.memory_space<semaphore_mem>>) src(%dma_wait3A_391 : memref<400x16xf32, #tpu.memory_space<hbm>>) dst(%arg15 : memref<400x16xf32, #tpu.memory_space<vmem>>)
      %scan3A_392 = arith.constant 0 : i32
      %scan3A_393 = arith.constant 0 : i32
      %scan3A_394 = arith.constant 25 : i32
      %scan3A_395 = arith.addi %scan3A_393, %scan3A_394 : i32
      %scan3A_396 = arith.constant 1 : i32
      %scan3A_397 = scf.for %scan3A_412 = %scan3A_393 to %scan3A_395 step %scan3A_396 iter_args(%scan3A_413 = %scan3A_392) -> (i32)  : i32 {
        %mul3A_414 = arith.constant 16 : i32
        %mul3A_415 = arith.muli %scan3A_412, %mul3A_414 : i32
        %get3A = arith.index_cast %mul3A_415 : i32 to index
        %get3A_416 = tpu.vector_load %arg14[%get3A] {strides = array<i32>} : memref<400xf32, #tpu.memory_space<vmem>>, vector<16xf32>,
        %get3A_417 = vector.shape_cast %get3A_416 : vector<16xf32> to vector<16xf32>
        %mul3A_418 = arith.constant 16 : i32
        %mul3A_419 = arith.muli %scan3A_412, %mul3A_418 : i32
        %add3A_420 = arith.constant 0 : i32
        %add3A_421 = arith.addi %mul3A_419, %add3A_420 : i32
        %get3A_422 = arith.index_cast %add3A_421 : i32 to index
        %get3A_423 = arith.constant 0 : index
        %get3A_424 = tpu.vector_load %arg15[%get3A_422, %get3A_423] {strides = array<i32>} : memref<400x16xf32, #tpu.memory_space<vmem>>, vector<1x16xf32>,
        %get3A_425 = vector.shape_cast %get3A_424 : vector<1x16xf32> to vector<16xf32>
        %slice3A = vector.extract_strided_slice %get3A_417 {offsets = [0], sizes = [1], strides = [1]} : vector<16xf32> to vector<1xf32>
        %squeeze3A = vector.extract %slice3A[0] : f32 from vector<1xf32>
        %mul3A_426 = vector.broadcast %squeeze3A : f32 to vector<16xf32>
        %mul3A_427 = arith.mulf %get3A_425, %mul3A_426 : vector<16xf32>
        %swap3A = arith.index_cast %add3A_421 : i32 to index
        %swap3A_428 = arith.constant 0 : index
        %swap3A_429 = tpu.vector_load %arg15[%swap3A, %swap3A_428] {strides = array<i32>} : memref<400x16xf32, #tpu.memory_space<vmem>>, vector<1x16xf32>,
        %swap3A_430 = vector.shape_cast %swap3A_429 : vector<1x16xf32> to vector<16xf32>
        %swap3A_431 = vector.shape_cast %mul3A_427 : vector<16xf32> to vector<1x16xf32>
        tpu.vector_store %arg15[%swap3A, %swap3A_428], %swap3A_431 {strides = array<i32>} : memref<400x16xf32, #tpu.memory_space<vmem>>, vector<1x16xf32>,
        %mul3A_432 = arith.constant 16 : i32
        %mul3A_433 = arith.muli %scan3A_412, %mul3A_432 : i32
        %add3A_434 = arith.constant 1 : i32
        %add3A_435 = arith.addi %mul3A_433, %add3A_434 : i32
        %get3A_436 = arith.index_cast %add3A_435 : i32 to index
        %get3A_437 = arith.constant 0 : index
        %get3A_438 = tpu.vector_load %arg15[%get3A_436, %get3A_437] {strides = array<i32>} : memref<400x16xf32, #tpu.memory_space<vmem>>, vector<1x16xf32>,
        %get3A_439 = vector.shape_cast %get3A_438 : vector<1x16xf32> to vector<16xf32>
        %slice3A_440 = vector.extract_strided_slice %get3A_417 {offsets = [1], sizes = [1], strides = [1]} : vector<16xf32> to vector<1xf32>
        %squeeze3A_441 = vector.extract %slice3A_440[0] : f32 from vector<1xf32>
        %mul3A_442 = vector.broadcast %squeeze3A_441 : f32 to vector<16xf32>
        %mul3A_443 = arith.mulf %get3A_439, %mul3A_442 : vector<16xf32>
        %swap3A_444 = arith.index_cast %add3A_435 : i32 to index
        %swap3A_445 = arith.constant 0 : index
        %swap3A_446 = tpu.vector_load %arg15[%swap3A_444, %swap3A_445] {strides = array<i32>} : memref<400x16xf32, #tpu.memory_space<vmem>>, vector<1x16xf32>,
        %swap3A_447 = vector.shape_cast %swap3A_446 : vector<1x16xf32> to vector<16xf32>
        %swap3A_448 = vector.shape_cast %mul3A_443 : vector<16xf32> to vector<1x16xf32>
        tpu.vector_store %arg15[%swap3A_444, %swap3A_445], %swap3A_448 {strides = array<i32>} : memref<400x16xf32, #tpu.memory_space<vmem>>, vector<1x16xf32>,
        %mul3A_449 = arith.constant 16 : i32
        %mul3A_450 = arith.muli %scan3A_412, %mul3A_449 : i32
        %add3A_451 = arith.constant 2 : i32
        %add3A_452 = arith.addi %mul3A_450, %add3A_451 : i32
        %get3A_453 = arith.index_cast %add3A_452 : i32 to index
        %get3A_454 = arith.constant 0 : index
        %get3A_455 = tpu.vector_load %arg15[%get3A_453, %get3A_454] {strides = array<i32>} : memref<400x16xf32, #tpu.memory_space<vmem>>, vector<1x16xf32>,
        %get3A_456 = vector.shape_cast %get3A_455 : vector<1x16xf32> to vector<16xf32>
        %slice3A_457 = vector.extract_strided_slice %get3A_417 {offsets = [2], sizes = [1], strides = [1]} : vector<16xf32> to vector<1xf32>
        %squeeze3A_458 = vector.extract %slice3A_457[0] : f32 from vector<1xf32>
        %mul3A_459 = vector.broadcast %squeeze3A_458 : f32 to vector<16xf32>
        %mul3A_460 = arith.mulf %get3A_456, %mul3A_459 : vector<16xf32>
        %swap3A_461 = arith.index_cast %add3A_452 : i32 to index
        %swap3A_462 = arith.constant 0 : index
        %swap3A_463 = tpu.vector_load %arg15[%swap3A_461, %swap3A_462] {strides = array<i32>} : memref<400x16xf32, #tpu.memory_space<vmem>>, vector<1x16xf32>,
        %swap3A_464 = vector.shape_cast %swap3A_463 : vector<1x16xf32> to vector<16xf32>
        %swap3A_465 = vector.shape_cast %mul3A_460 : vector<16xf32> to vector<1x16xf32>
        tpu.vector_store %arg15[%swap3A_461, %swap3A_462], %swap3A_465 {strides = array<i32>} : memref<400x16xf32, #tpu.memory_space<vmem>>, vector<1x16xf32>,
        %mul3A_466 = arith.constant 16 : i32
        %mul3A_467 = arith.muli %scan3A_412, %mul3A_466 : i32
        %add3A_468 = arith.constant 3 : i32
        %add3A_469 = arith.addi %mul3A_467, %add3A_468 : i32
        %get3A_470 = arith.index_cast %add3A_469 : i32 to index
        %get3A_471 = arith.constant 0 : index
        %get3A_472 = tpu.vector_load %arg15[%get3A_470, %get3A_471] {strides = array<i32>} : memref<400x16xf32, #tpu.memory_space<vmem>>, vector<1x16xf32>,
        %get3A_473 = vector.shape_cast %get3A_472 : vector<1x16xf32> to vector<16xf32>
        %slice3A_474 = vector.extract_strided_slice %get3A_417 {offsets = [3], sizes = [1], strides = [1]} : vector<16xf32> to vector<1xf32>
        %squeeze3A_475 = vector.extract %slice3A_474[0] : f32 from vector<1xf32>
        %mul3A_476 = vector.broadcast %squeeze3A_475 : f32 to vector<16xf32>
        %mul3A_477 = arith.mulf %get3A_473, %mul3A_476 : vector<16xf32>
        %swap3A_478 = arith.index_cast %add3A_469 : i32 to index
        %swap3A_479 = arith.constant 0 : index
        %swap3A_480 = tpu.vector_load %arg15[%swap3A_478, %swap3A_479] {strides = array<i32>} : memref<400x16xf32, #tpu.memory_space<vmem>>, vector<1x16xf32>,
        %swap3A_481 = vector.shape_cast %swap3A_480 : vector<1x16xf32> to vector<16xf32>
        %swap3A_482 = vector.shape_cast %mul3A_477 : vector<16xf32> to vector<1x16xf32>
        tpu.vector_store %arg15[%swap3A_478, %swap3A_479], %swap3A_482 {strides = array<i32>} : memref<400x16xf32, #tpu.memory_space<vmem>>, vector<1x16xf32>,
        %mul3A_483 = arith.constant 16 : i32
        %mul3A_484 = arith.muli %scan3A_412, %mul3A_483 : i32
        %add3A_485 = arith.constant 4 : i32
        %add3A_486 = arith.addi %mul3A_484, %add3A_485 : i32
        %get3A_487 = arith.index_cast %add3A_486 : i32 to index
        %get3A_488 = arith.constant 0 : index
        %get3A_489 = tpu.vector_load %arg15[%get3A_487, %get3A_488] {strides = array<i32>} : memref<400x16xf32, #tpu.memory_space<vmem>>, vector<1x16xf32>,
        %get3A_490 = vector.shape_cast %get3A_489 : vector<1x16xf32> to vector<16xf32>
        %slice3A_491 = vector.extract_strided_slice %get3A_417 {offsets = [4], sizes = [1], strides = [1]} : vector<16xf32> to vector<1xf32>
        %squeeze3A_492 = vector.extract %slice3A_491[0] : f32 from vector<1xf32>
        %mul3A_493 = vector.broadcast %squeeze3A_492 : f32 to vector<16xf32>
        %mul3A_494 = arith.mulf %get3A_490, %mul3A_493 : vector<16xf32>
        %swap3A_495 = arith.index_cast %add3A_486 : i32 to index
        %swap3A_496 = arith.constant 0 : index
        %swap3A_497 = tpu.vector_load %arg15[%swap3A_495, %swap3A_496] {strides = array<i32>} : memref<400x16xf32, #tpu.memory_space<vmem>>, vector<1x16xf32>,
        %swap3A_498 = vector.shape_cast %swap3A_497 : vector<1x16xf32> to vector<16xf32>
        %swap3A_499 = vector.shape_cast %mul3A_494 : vector<16xf32> to vector<1x16xf32>
        tpu.vector_store %arg15[%swap3A_495, %swap3A_496], %swap3A_499 {strides = array<i32>} : memref<400x16xf32, #tpu.memory_space<vmem>>, vector<1x16xf32>,
        %mul3A_500 = arith.constant 16 : i32
        %mul3A_501 = arith.muli %scan3A_412, %mul3A_500 : i32
        %add3A_502 = arith.constant 5 : i32
        %add3A_503 = arith.addi %mul3A_501, %add3A_502 : i32
        %get3A_504 = arith.index_cast %add3A_503 : i32 to index
        %get3A_505 = arith.constant 0 : index
        %get3A_506 = tpu.vector_load %arg15[%get3A_504, %get3A_505] {strides = array<i32>} : memref<400x16xf32, #tpu.memory_space<vmem>>, vector<1x16xf32>,
        %get3A_507 = vector.shape_cast %get3A_506 : vector<1x16xf32> to vector<16xf32>
        %slice3A_508 = vector.extract_strided_slice %get3A_417 {offsets = [5], sizes = [1], strides = [1]} : vector<16xf32> to vector<1xf32>
        %squeeze3A_509 = vector.extract %slice3A_508[0] : f32 from vector<1xf32>
        %mul3A_510 = vector.broadcast %squeeze3A_509 : f32 to vector<16xf32>
        %mul3A_511 = arith.mulf %get3A_507, %mul3A_510 : vector<16xf32>
        %swap3A_512 = arith.index_cast %add3A_503 : i32 to index
        %swap3A_513 = arith.constant 0 : index
        %swap3A_514 = tpu.vector_load %arg15[%swap3A_512, %swap3A_513] {strides = array<i32>} : memref<400x16xf32, #tpu.memory_space<vmem>>, vector<1x16xf32>,
        %swap3A_515 = vector.shape_cast %swap3A_514 : vector<1x16xf32> to vector<16xf32>
        %swap3A_516 = vector.shape_cast %mul3A_511 : vector<16xf32> to vector<1x16xf32>
        tpu.vector_store %arg15[%swap3A_512, %swap3A_513], %swap3A_516 {strides = array<i32>} : memref<400x16xf32, #tpu.memory_space<vmem>>, vector<1x16xf32>,
        %mul3A_517 = arith.constant 16 : i32
        %mul3A_518 = arith.muli %scan3A_412, %mul3A_517 : i32
        %add3A_519 = arith.constant 6 : i32
        %add3A_520 = arith.addi %mul3A_518, %add3A_519 : i32
        %get3A_521 = arith.index_cast %add3A_520 : i32 to index
        %get3A_522 = arith.constant 0 : index
        %get3A_523 = tpu.vector_load %arg15[%get3A_521, %get3A_522] {strides = array<i32>} : memref<400x16xf32, #tpu.memory_space<vmem>>, vector<1x16xf32>,
        %get3A_524 = vector.shape_cast %get3A_523 : vector<1x16xf32> to vector<16xf32>
        %slice3A_525 = vector.extract_strided_slice %get3A_417 {offsets = [6], sizes = [1], strides = [1]} : vector<16xf32> to vector<1xf32>
        %squeeze3A_526 = vector.extract %slice3A_525[0] : f32 from vector<1xf32>
        %mul3A_527 = vector.broadcast %squeeze3A_526 : f32 to vector<16xf32>
        %mul3A_528 = arith.mulf %get3A_524, %mul3A_527 : vector<16xf32>
        %swap3A_529 = arith.index_cast %add3A_520 : i32 to index
        %swap3A_530 = arith.constant 0 : index
        %swap3A_531 = tpu.vector_load %arg15[%swap3A_529, %swap3A_530] {strides = array<i32>} : memref<400x16xf32, #tpu.memory_space<vmem>>, vector<1x16xf32>,
        %swap3A_532 = vector.shape_cast %swap3A_531 : vector<1x16xf32> to vector<16xf32>
        %swap3A_533 = vector.shape_cast %mul3A_528 : vector<16xf32> to vector<1x16xf32>
        tpu.vector_store %arg15[%swap3A_529, %swap3A_530], %swap3A_533 {strides = array<i32>} : memref<400x16xf32, #tpu.memory_space<vmem>>, vector<1x16xf32>,
        %mul3A_534 = arith.constant 16 : i32
        %mul3A_535 = arith.muli %scan3A_412, %mul3A_534 : i32
        %add3A_536 = arith.constant 7 : i32
        %add3A_537 = arith.addi %mul3A_535, %add3A_536 : i32
        %get3A_538 = arith.index_cast %add3A_537 : i32 to index
        %get3A_539 = arith.constant 0 : index
        %get3A_540 = tpu.vector_load %arg15[%get3A_538, %get3A_539] {strides = array<i32>} : memref<400x16xf32, #tpu.memory_space<vmem>>, vector<1x16xf32>,
        %get3A_541 = vector.shape_cast %get3A_540 : vector<1x16xf32> to vector<16xf32>
        %slice3A_542 = vector.extract_strided_slice %get3A_417 {offsets = [7], sizes = [1], strides = [1]} : vector<16xf32> to vector<1xf32>
        %squeeze3A_543 = vector.extract %slice3A_542[0] : f32 from vector<1xf32>
        %mul3A_544 = vector.broadcast %squeeze3A_543 : f32 to vector<16xf32>
        %mul3A_545 = arith.mulf %get3A_541, %mul3A_544 : vector<16xf32>
        %swap3A_546 = arith.index_cast %add3A_537 : i32 to index
        %swap3A_547 = arith.constant 0 : index
        %swap3A_548 = tpu.vector_load %arg15[%swap3A_546, %swap3A_547] {strides = array<i32>} : memref<400x16xf32, #tpu.memory_space<vmem>>, vector<1x16xf32>,
        %swap3A_549 = vector.shape_cast %swap3A_548 : vector<1x16xf32> to vector<16xf32>
        %swap3A_550 = vector.shape_cast %mul3A_545 : vector<16xf32> to vector<1x16xf32>
        tpu.vector_store %arg15[%swap3A_546, %swap3A_547], %swap3A_550 {strides = array<i32>} : memref<400x16xf32, #tpu.memory_space<vmem>>, vector<1x16xf32>,
        %mul3A_551 = arith.constant 16 : i32
        %mul3A_552 = arith.muli %scan3A_412, %mul3A_551 : i32
        %add3A_553 = arith.constant 8 : i32
        %add3A_554 = arith.addi %mul3A_552, %add3A_553 : i32
        %get3A_555 = arith.index_cast %add3A_554 : i32 to index
        %get3A_556 = arith.constant 0 : index
        %get3A_557 = tpu.vector_load %arg15[%get3A_555, %get3A_556] {strides = array<i32>} : memref<400x16xf32, #tpu.memory_space<vmem>>, vector<1x16xf32>,
        %get3A_558 = vector.shape_cast %get3A_557 : vector<1x16xf32> to vector<16xf32>
        %slice3A_559 = vector.extract_strided_slice %get3A_417 {offsets = [8], sizes = [1], strides = [1]} : vector<16xf32> to vector<1xf32>
        %squeeze3A_560 = vector.extract %slice3A_559[0] : f32 from vector<1xf32>
        %mul3A_561 = vector.broadcast %squeeze3A_560 : f32 to vector<16xf32>
        %mul3A_562 = arith.mulf %get3A_558, %mul3A_561 : vector<16xf32>
        %swap3A_563 = arith.index_cast %add3A_554 : i32 to index
        %swap3A_564 = arith.constant 0 : index
        %swap3A_565 = tpu.vector_load %arg15[%swap3A_563, %swap3A_564] {strides = array<i32>} : memref<400x16xf32, #tpu.memory_space<vmem>>, vector<1x16xf32>,
        %swap3A_566 = vector.shape_cast %swap3A_565 : vector<1x16xf32> to vector<16xf32>
        %swap3A_567 = vector.shape_cast %mul3A_562 : vector<16xf32> to vector<1x16xf32>
        tpu.vector_store %arg15[%swap3A_563, %swap3A_564], %swap3A_567 {strides = array<i32>} : memref<400x16xf32, #tpu.memory_space<vmem>>, vector<1x16xf32>,
        %mul3A_568 = arith.constant 16 : i32
        %mul3A_569 = arith.muli %scan3A_412, %mul3A_568 : i32
        %add3A_570 = arith.constant 9 : i32
        %add3A_571 = arith.addi %mul3A_569, %add3A_570 : i32
        %get3A_572 = arith.index_cast %add3A_571 : i32 to index
        %get3A_573 = arith.constant 0 : index
        %get3A_574 = tpu.vector_load %arg15[%get3A_572, %get3A_573] {strides = array<i32>} : memref<400x16xf32, #tpu.memory_space<vmem>>, vector<1x16xf32>,
        %get3A_575 = vector.shape_cast %get3A_574 : vector<1x16xf32> to vector<16xf32>
        %slice3A_576 = vector.extract_strided_slice %get3A_417 {offsets = [9], sizes = [1], strides = [1]} : vector<16xf32> to vector<1xf32>
        %squeeze3A_577 = vector.extract %slice3A_576[0] : f32 from vector<1xf32>
        %mul3A_578 = vector.broadcast %squeeze3A_577 : f32 to vector<16xf32>
        %mul3A_579 = arith.mulf %get3A_575, %mul3A_578 : vector<16xf32>
        %swap3A_580 = arith.index_cast %add3A_571 : i32 to index
        %swap3A_581 = arith.constant 0 : index
        %swap3A_582 = tpu.vector_load %arg15[%swap3A_580, %swap3A_581] {strides = array<i32>} : memref<400x16xf32, #tpu.memory_space<vmem>>, vector<1x16xf32>,
        %swap3A_583 = vector.shape_cast %swap3A_582 : vector<1x16xf32> to vector<16xf32>
        %swap3A_584 = vector.shape_cast %mul3A_579 : vector<16xf32> to vector<1x16xf32>
        tpu.vector_store %arg15[%swap3A_580, %swap3A_581], %swap3A_584 {strides = array<i32>} : memref<400x16xf32, #tpu.memory_space<vmem>>, vector<1x16xf32>,
        %mul3A_585 = arith.constant 16 : i32
        %mul3A_586 = arith.muli %scan3A_412, %mul3A_585 : i32
        %add3A_587 = arith.constant 10 : i32
        %add3A_588 = arith.addi %mul3A_586, %add3A_587 : i32
        %get3A_589 = arith.index_cast %add3A_588 : i32 to index
        %get3A_590 = arith.constant 0 : index
        %get3A_591 = tpu.vector_load %arg15[%get3A_589, %get3A_590] {strides = array<i32>} : memref<400x16xf32, #tpu.memory_space<vmem>>, vector<1x16xf32>,
        %get3A_592 = vector.shape_cast %get3A_591 : vector<1x16xf32> to vector<16xf32>
        %slice3A_593 = vector.extract_strided_slice %get3A_417 {offsets = [10], sizes = [1], strides = [1]} : vector<16xf32> to vector<1xf32>
        %squeeze3A_594 = vector.extract %slice3A_593[0] : f32 from vector<1xf32>
        %mul3A_595 = vector.broadcast %squeeze3A_594 : f32 to vector<16xf32>
        %mul3A_596 = arith.mulf %get3A_592, %mul3A_595 : vector<16xf32>
        %swap3A_597 = arith.index_cast %add3A_588 : i32 to index
        %swap3A_598 = arith.constant 0 : index
        %swap3A_599 = tpu.vector_load %arg15[%swap3A_597, %swap3A_598] {strides = array<i32>} : memref<400x16xf32, #tpu.memory_space<vmem>>, vector<1x16xf32>,
        %swap3A_600 = vector.shape_cast %swap3A_599 : vector<1x16xf32> to vector<16xf32>
        %swap3A_601 = vector.shape_cast %mul3A_596 : vector<16xf32> to vector<1x16xf32>
        tpu.vector_store %arg15[%swap3A_597, %swap3A_598], %swap3A_601 {strides = array<i32>} : memref<400x16xf32, #tpu.memory_space<vmem>>, vector<1x16xf32>,
        %mul3A_602 = arith.constant 16 : i32
        %mul3A_603 = arith.muli %scan3A_412, %mul3A_602 : i32
        %add3A_604 = arith.constant 11 : i32
        %add3A_605 = arith.addi %mul3A_603, %add3A_604 : i32
        %get3A_606 = arith.index_cast %add3A_605 : i32 to index
        %get3A_607 = arith.constant 0 : index
        %get3A_608 = tpu.vector_load %arg15[%get3A_606, %get3A_607] {strides = array<i32>} : memref<400x16xf32, #tpu.memory_space<vmem>>, vector<1x16xf32>,
        %get3A_609 = vector.shape_cast %get3A_608 : vector<1x16xf32> to vector<16xf32>
        %slice3A_610 = vector.extract_strided_slice %get3A_417 {offsets = [11], sizes = [1], strides = [1]} : vector<16xf32> to vector<1xf32>
        %squeeze3A_611 = vector.extract %slice3A_610[0] : f32 from vector<1xf32>
        %mul3A_612 = vector.broadcast %squeeze3A_611 : f32 to vector<16xf32>
        %mul3A_613 = arith.mulf %get3A_609, %mul3A_612 : vector<16xf32>
        %swap3A_614 = arith.index_cast %add3A_605 : i32 to index
        %swap3A_615 = arith.constant 0 : index
        %swap3A_616 = tpu.vector_load %arg15[%swap3A_614, %swap3A_615] {strides = array<i32>} : memref<400x16xf32, #tpu.memory_space<vmem>>, vector<1x16xf32>,
        %swap3A_617 = vector.shape_cast %swap3A_616 : vector<1x16xf32> to vector<16xf32>
        %swap3A_618 = vector.shape_cast %mul3A_613 : vector<16xf32> to vector<1x16xf32>
        tpu.vector_store %arg15[%swap3A_614, %swap3A_615], %swap3A_618 {strides = array<i32>} : memref<400x16xf32, #tpu.memory_space<vmem>>, vector<1x16xf32>,
        %mul3A_619 = arith.constant 16 : i32
        %mul3A_620 = arith.muli %scan3A_412, %mul3A_619 : i32
        %add3A_621 = arith.constant 12 : i32
        %add3A_622 = arith.addi %mul3A_620, %add3A_621 : i32
        %get3A_623 = arith.index_cast %add3A_622 : i32 to index
        %get3A_624 = arith.constant 0 : index
        %get3A_625 = tpu.vector_load %arg15[%get3A_623, %get3A_624] {strides = array<i32>} : memref<400x16xf32, #tpu.memory_space<vmem>>, vector<1x16xf32>,
        %get3A_626 = vector.shape_cast %get3A_625 : vector<1x16xf32> to vector<16xf32>
        %slice3A_627 = vector.extract_strided_slice %get3A_417 {offsets = [12], sizes = [1], strides = [1]} : vector<16xf32> to vector<1xf32>
        %squeeze3A_628 = vector.extract %slice3A_627[0] : f32 from vector<1xf32>
        %mul3A_629 = vector.broadcast %squeeze3A_628 : f32 to vector<16xf32>
        %mul3A_630 = arith.mulf %get3A_626, %mul3A_629 : vector<16xf32>
        %swap3A_631 = arith.index_cast %add3A_622 : i32 to index
        %swap3A_632 = arith.constant 0 : index
        %swap3A_633 = tpu.vector_load %arg15[%swap3A_631, %swap3A_632] {strides = array<i32>} : memref<400x16xf32, #tpu.memory_space<vmem>>, vector<1x16xf32>,
        %swap3A_634 = vector.shape_cast %swap3A_633 : vector<1x16xf32> to vector<16xf32>
        %swap3A_635 = vector.shape_cast %mul3A_630 : vector<16xf32> to vector<1x16xf32>
        tpu.vector_store %arg15[%swap3A_631, %swap3A_632], %swap3A_635 {strides = array<i32>} : memref<400x16xf32, #tpu.memory_space<vmem>>, vector<1x16xf32>,
        %mul3A_636 = arith.constant 16 : i32
        %mul3A_637 = arith.muli %scan3A_412, %mul3A_636 : i32
        %add3A_638 = arith.constant 13 : i32
        %add3A_639 = arith.addi %mul3A_637, %add3A_638 : i32
        %get3A_640 = arith.index_cast %add3A_639 : i32 to index
        %get3A_641 = arith.constant 0 : index
        %get3A_642 = tpu.vector_load %arg15[%get3A_640, %get3A_641] {strides = array<i32>} : memref<400x16xf32, #tpu.memory_space<vmem>>, vector<1x16xf32>,
        %get3A_643 = vector.shape_cast %get3A_642 : vector<1x16xf32> to vector<16xf32>
        %slice3A_644 = vector.extract_strided_slice %get3A_417 {offsets = [13], sizes = [1], strides = [1]} : vector<16xf32> to vector<1xf32>
        %squeeze3A_645 = vector.extract %slice3A_644[0] : f32 from vector<1xf32>
        %mul3A_646 = vector.broadcast %squeeze3A_645 : f32 to vector<16xf32>
        %mul3A_647 = arith.mulf %get3A_643, %mul3A_646 : vector<16xf32>
        %swap3A_648 = arith.index_cast %add3A_639 : i32 to index
        %swap3A_649 = arith.constant 0 : index
        %swap3A_650 = tpu.vector_load %arg15[%swap3A_648, %swap3A_649] {strides = array<i32>} : memref<400x16xf32, #tpu.memory_space<vmem>>, vector<1x16xf32>,
        %swap3A_651 = vector.shape_cast %swap3A_650 : vector<1x16xf32> to vector<16xf32>
        %swap3A_652 = vector.shape_cast %mul3A_647 : vector<16xf32> to vector<1x16xf32>
        tpu.vector_store %arg15[%swap3A_648, %swap3A_649], %swap3A_652 {strides = array<i32>} : memref<400x16xf32, #tpu.memory_space<vmem>>, vector<1x16xf32>,
        %mul3A_653 = arith.constant 16 : i32
        %mul3A_654 = arith.muli %scan3A_412, %mul3A_653 : i32
        %add3A_655 = arith.constant 14 : i32
        %add3A_656 = arith.addi %mul3A_654, %add3A_655 : i32
        %get3A_657 = arith.index_cast %add3A_656 : i32 to index
        %get3A_658 = arith.constant 0 : index
        %get3A_659 = tpu.vector_load %arg15[%get3A_657, %get3A_658] {strides = array<i32>} : memref<400x16xf32, #tpu.memory_space<vmem>>, vector<1x16xf32>,
        %get3A_660 = vector.shape_cast %get3A_659 : vector<1x16xf32> to vector<16xf32>
        %slice3A_661 = vector.extract_strided_slice %get3A_417 {offsets = [14], sizes = [1], strides = [1]} : vector<16xf32> to vector<1xf32>
        %squeeze3A_662 = vector.extract %slice3A_661[0] : f32 from vector<1xf32>
        %mul3A_663 = vector.broadcast %squeeze3A_662 : f32 to vector<16xf32>
        %mul3A_664 = arith.mulf %get3A_660, %mul3A_663 : vector<16xf32>
        %swap3A_665 = arith.index_cast %add3A_656 : i32 to index
        %swap3A_666 = arith.constant 0 : index
        %swap3A_667 = tpu.vector_load %arg15[%swap3A_665, %swap3A_666] {strides = array<i32>} : memref<400x16xf32, #tpu.memory_space<vmem>>, vector<1x16xf32>,
        %swap3A_668 = vector.shape_cast %swap3A_667 : vector<1x16xf32> to vector<16xf32>
        %swap3A_669 = vector.shape_cast %mul3A_664 : vector<16xf32> to vector<1x16xf32>
        tpu.vector_store %arg15[%swap3A_665, %swap3A_666], %swap3A_669 {strides = array<i32>} : memref<400x16xf32, #tpu.memory_space<vmem>>, vector<1x16xf32>,
        %mul3A_670 = arith.constant 16 : i32
        %mul3A_671 = arith.muli %scan3A_412, %mul3A_670 : i32
        %add3A_672 = arith.constant 15 : i32
        %add3A_673 = arith.addi %mul3A_671, %add3A_672 : i32
        %get3A_674 = arith.index_cast %add3A_673 : i32 to index
        %get3A_675 = arith.constant 0 : index
        %get3A_676 = tpu.vector_load %arg15[%get3A_674, %get3A_675] {strides = array<i32>} : memref<400x16xf32, #tpu.memory_space<vmem>>, vector<1x16xf32>,
        %get3A_677 = vector.shape_cast %get3A_676 : vector<1x16xf32> to vector<16xf32>
        %slice3A_678 = vector.extract_strided_slice %get3A_417 {offsets = [15], sizes = [1], strides = [1]} : vector<16xf32> to vector<1xf32>
        %squeeze3A_679 = vector.extract %slice3A_678[0] : f32 from vector<1xf32>
        %mul3A_680 = vector.broadcast %squeeze3A_679 : f32 to vector<16xf32>
        %mul3A_681 = arith.mulf %get3A_677, %mul3A_680 : vector<16xf32>
        %swap3A_682 = arith.index_cast %add3A_673 : i32 to index
        %swap3A_683 = arith.constant 0 : index
        %swap3A_684 = tpu.vector_load %arg15[%swap3A_682, %swap3A_683] {strides = array<i32>} : memref<400x16xf32, #tpu.memory_space<vmem>>, vector<1x16xf32>,
        %swap3A_685 = vector.shape_cast %swap3A_684 : vector<1x16xf32> to vector<16xf32>
        %swap3A_686 = vector.shape_cast %mul3A_681 : vector<16xf32> to vector<1x16xf32>
        tpu.vector_store %arg15[%swap3A_682, %swap3A_683], %swap3A_686 {strides = array<i32>} : memref<400x16xf32, #tpu.memory_space<vmem>>, vector<1x16xf32>,
        %scan3A_687 = arith.constant 0 : i32
        scf.yield %scan3A_687 : i32
      }
      %scan3A_398 = arith.constant 25 : i32
      %dma_start3A_399 = arith.constant 0 : i32
      %dma_start3A_400 = arith.constant 0 : i32
      %dma_start3A_401 = tpu.memref_slice %arg7[%dma_start3A_399, %dma_start3A_400] : memref<100352x16xf32, #tpu.memory_space<vmem_shared>> -> memref<100352x16xf32, #tpu.memory_space<vmem_shared>>
      tpu.enqueue_indirect_dma source(%arg15 : memref<400x16xf32, #tpu.memory_space<vmem>>) target(%dma_start3A_401 : memref<100352x16xf32, #tpu.memory_space<vmem_shared>>) offsets(%arg13 : memref<400xi32, #tpu.memory_space<vmem>>) semaphore(%arg22 : memref<!tpu.dma_semaphore, #tpu.memory_space<semaphore_mem>>) {add = true}
      %mul3A_402 = arith.constant 2 : i32
      %mul3A_403 = arith.muli %mul3A_402, %scan3A_314 : i32
      %add3A_404 = arith.constant 3 : i32
      %add3A_405 = arith.addi %mul3A_403, %add3A_404 : i32
      %lt3A_406 = arith.constant 125 : i32
      %lt3A_407 = arith.cmpi slt, %add3A_405, %lt3A_406 : i32
      %convert_element_type3A_408 = arith.extui %lt3A_407 : i1 to i32
      %cond3A_409 = arith.constant 0 : i32
      %cond3A_410 = arith.cmpi ne, %convert_element_type3A_408, %cond3A_409 : i32
      scf.if %cond3A_410 {
        %add3A_412 = arith.constant 1200 : i32
        %add3A_413 = arith.addi %add3A_320, %add3A_412 : i32
        %dma_start3A_414 = tpu.memref_slice %arg3[%add3A_413] : memref<1600000xi32, #tpu.memory_space<hbm>> -> memref<400xi32, #tpu.memory_space<hbm>>
        %dma_start3A_415 = tpu.memref_slice %arg3[%add3A_413] : memref<1600000xi32, #tpu.memory_space<hbm>> -> memref<400xi32, #tpu.memory_space<hbm>>
        tpu.enqueue_dma source(%dma_start3A_415 : memref<400xi32, #tpu.memory_space<hbm>>) target(%arg12 : memref<400xi32, #tpu.memory_space<vmem>>) target_semaphore(%arg18 : memref<!tpu.dma_semaphore, #tpu.memory_space<semaphore_mem>>)
        %dma_start3A_416 = tpu.memref_slice %arg4[%add3A_413] : memref<1600000xi32, #tpu.memory_space<hbm>> -> memref<400xi32, #tpu.memory_space<hbm>>
        %dma_start3A_417 = tpu.memref_slice %arg4[%add3A_413] : memref<1600000xi32, #tpu.memory_space<hbm>> -> memref<400xi32, #tpu.memory_space<hbm>>
        tpu.enqueue_dma source(%dma_start3A_417 : memref<400xi32, #tpu.memory_space<hbm>>) target(%arg13 : memref<400xi32, #tpu.memory_space<vmem>>) target_semaphore(%arg18 : memref<!tpu.dma_semaphore, #tpu.memory_space<semaphore_mem>>)
        %dma_start3A_418 = tpu.memref_slice %arg5[%add3A_413] : memref<1600000xf32, #tpu.memory_space<hbm>> -> memref<400xf32, #tpu.memory_space<hbm>>
        %dma_start3A_419 = tpu.memref_slice %arg5[%add3A_413] : memref<1600000xf32, #tpu.memory_space<hbm>> -> memref<400xf32, #tpu.memory_space<hbm>>
        tpu.enqueue_dma source(%dma_start3A_419 : memref<400xf32, #tpu.memory_space<hbm>>) target(%arg14 : memref<400xf32, #tpu.memory_space<vmem>>) target_semaphore(%arg18 : memref<!tpu.dma_semaphore, #tpu.memory_space<semaphore_mem>>)
      } else {
      }
      %scan3A_411 = arith.constant 0 : i32
      scf.yield %scan3A_411 : i32
    }
    %scan3A_156 = arith.constant 62 : i32
    %dma_wait3A_157 = arith.constant 100000 : i32
    %dma_wait3A_158 = arith.constant 0 : i32
    %dma_wait3A_159 = tpu.memref_slice %arg2[%dma_wait3A_157, %dma_wait3A_158] : memref<300000x16xf32, #tpu.memory_space<hbm>> -> memref<100000x16xf32, #tpu.memory_space<hbm>>
    %dma_wait3A_160 = arith.constant 0 : i32
    %dma_wait3A_161 = arith.constant 0 : i32
    %dma_wait3A_162 = tpu.memref_slice %dma_wait3A_159[%dma_wait3A_160, %dma_wait3A_161] : memref<100000x16xf32, #tpu.memory_space<hbm>> -> memref<400x16xf32, #tpu.memory_space<hbm>>
    %dma_wait3A_163 = arith.constant 100000 : i32
    %dma_wait3A_164 = arith.constant 0 : i32
    %dma_wait3A_165 = tpu.memref_slice %arg2[%dma_wait3A_163, %dma_wait3A_164] : memref<300000x16xf32, #tpu.memory_space<hbm>> -> memref<100000x16xf32, #tpu.memory_space<hbm>>
    %dma_wait3A_166 = arith.constant 0 : i32
    %dma_wait3A_167 = arith.constant 0 : i32
    %dma_wait3A_168 = tpu.memref_slice %dma_wait3A_165[%dma_wait3A_166, %dma_wait3A_167] : memref<100000x16xf32, #tpu.memory_space<hbm>> -> memref<400x16xf32, #tpu.memory_space<hbm>>
    tpu.wait_dma2 semaphore(%arg19 : memref<!tpu.dma_semaphore, #tpu.memory_space<semaphore_mem>>) src(%dma_wait3A_168 : memref<400x16xf32, #tpu.memory_space<hbm>>) dst(%arg11 : memref<400x16xf32, #tpu.memory_space<vmem>>)
    %scan3A_169 = arith.constant 0 : i32
    %scan3A_170 = arith.constant 0 : i32
    %scan3A_171 = arith.constant 25 : i32
    %scan3A_172 = arith.addi %scan3A_170, %scan3A_171 : i32
    %scan3A_173 = arith.constant 1 : i32
    %scan3A_174 = scf.for %scan3A_314 = %scan3A_170 to %scan3A_172 step %scan3A_173 iter_args(%scan3A_315 = %scan3A_169) -> (i32)  : i32 {
      %mul3A_316 = arith.constant 16 : i32
      %mul3A_317 = arith.muli %scan3A_314, %mul3A_316 : i32
      %get3A = arith.index_cast %mul3A_317 : i32 to index
      %get3A_318 = tpu.vector_load %arg10[%get3A] {strides = array<i32>} : memref<400xf32, #tpu.memory_space<vmem>>, vector<16xf32>,
      %get3A_319 = vector.shape_cast %get3A_318 : vector<16xf32> to vector<16xf32>
      %mul3A_320 = arith.constant 16 : i32
      %mul3A_321 = arith.muli %scan3A_314, %mul3A_320 : i32
      %add3A_322 = arith.constant 0 : i32
      %add3A_323 = arith.addi %mul3A_321, %add3A_322 : i32
      %get3A_324 = arith.index_cast %add3A_323 : i32 to index
      %get3A_325 = arith.constant 0 : index
      %get3A_326 = tpu.vector_load %arg11[%get3A_324, %get3A_325] {strides = array<i32>} : memref<400x16xf32, #tpu.memory_space<vmem>>, vector<1x16xf32>,
      %get3A_327 = vector.shape_cast %get3A_326 : vector<1x16xf32> to vector<16xf32>
      %slice3A = vector.extract_strided_slice %get3A_319 {offsets = [0], sizes = [1], strides = [1]} : vector<16xf32> to vector<1xf32>
      %squeeze3A = vector.extract %slice3A[0] : f32 from vector<1xf32>
      %mul3A_328 = vector.broadcast %squeeze3A : f32 to vector<16xf32>
      %mul3A_329 = arith.mulf %get3A_327, %mul3A_328 : vector<16xf32>
      %swap3A = arith.index_cast %add3A_323 : i32 to index
      %swap3A_330 = arith.constant 0 : index
      %swap3A_331 = tpu.vector_load %arg11[%swap3A, %swap3A_330] {strides = array<i32>} : memref<400x16xf32, #tpu.memory_space<vmem>>, vector<1x16xf32>,
      %swap3A_332 = vector.shape_cast %swap3A_331 : vector<1x16xf32> to vector<16xf32>
      %swap3A_333 = vector.shape_cast %mul3A_329 : vector<16xf32> to vector<1x16xf32>
      tpu.vector_store %arg11[%swap3A, %swap3A_330], %swap3A_333 {strides = array<i32>} : memref<400x16xf32, #tpu.memory_space<vmem>>, vector<1x16xf32>,
      %mul3A_334 = arith.constant 16 : i32
      %mul3A_335 = arith.muli %scan3A_314, %mul3A_334 : i32
      %add3A_336 = arith.constant 1 : i32
      %add3A_337 = arith.addi %mul3A_335, %add3A_336 : i32
      %get3A_338 = arith.index_cast %add3A_337 : i32 to index
      %get3A_339 = arith.constant 0 : index
      %get3A_340 = tpu.vector_load %arg11[%get3A_338, %get3A_339] {strides = array<i32>} : memref<400x16xf32, #tpu.memory_space<vmem>>, vector<1x16xf32>,
      %get3A_341 = vector.shape_cast %get3A_340 : vector<1x16xf32> to vector<16xf32>
      %slice3A_342 = vector.extract_strided_slice %get3A_319 {offsets = [1], sizes = [1], strides = [1]} : vector<16xf32> to vector<1xf32>
      %squeeze3A_343 = vector.extract %slice3A_342[0] : f32 from vector<1xf32>
      %mul3A_344 = vector.broadcast %squeeze3A_343 : f32 to vector<16xf32>
      %mul3A_345 = arith.mulf %get3A_341, %mul3A_344 : vector<16xf32>
      %swap3A_346 = arith.index_cast %add3A_337 : i32 to index
      %swap3A_347 = arith.constant 0 : index
      %swap3A_348 = tpu.vector_load %arg11[%swap3A_346, %swap3A_347] {strides = array<i32>} : memref<400x16xf32, #tpu.memory_space<vmem>>, vector<1x16xf32>,
      %swap3A_349 = vector.shape_cast %swap3A_348 : vector<1x16xf32> to vector<16xf32>
      %swap3A_350 = vector.shape_cast %mul3A_345 : vector<16xf32> to vector<1x16xf32>
      tpu.vector_store %arg11[%swap3A_346, %swap3A_347], %swap3A_350 {strides = array<i32>} : memref<400x16xf32, #tpu.memory_space<vmem>>, vector<1x16xf32>,
      %mul3A_351 = arith.constant 16 : i32
      %mul3A_352 = arith.muli %scan3A_314, %mul3A_351 : i32
      %add3A_353 = arith.constant 2 : i32
      %add3A_354 = arith.addi %mul3A_352, %add3A_353 : i32
      %get3A_355 = arith.index_cast %add3A_354 : i32 to index
      %get3A_356 = arith.constant 0 : index
      %get3A_357 = tpu.vector_load %arg11[%get3A_355, %get3A_356] {strides = array<i32>} : memref<400x16xf32, #tpu.memory_space<vmem>>, vector<1x16xf32>,
      %get3A_358 = vector.shape_cast %get3A_357 : vector<1x16xf32> to vector<16xf32>
      %slice3A_359 = vector.extract_strided_slice %get3A_319 {offsets = [2], sizes = [1], strides = [1]} : vector<16xf32> to vector<1xf32>
      %squeeze3A_360 = vector.extract %slice3A_359[0] : f32 from vector<1xf32>
      %mul3A_361 = vector.broadcast %squeeze3A_360 : f32 to vector<16xf32>
      %mul3A_362 = arith.mulf %get3A_358, %mul3A_361 : vector<16xf32>
      %swap3A_363 = arith.index_cast %add3A_354 : i32 to index
      %swap3A_364 = arith.constant 0 : index
      %swap3A_365 = tpu.vector_load %arg11[%swap3A_363, %swap3A_364] {strides = array<i32>} : memref<400x16xf32, #tpu.memory_space<vmem>>, vector<1x16xf32>,
      %swap3A_366 = vector.shape_cast %swap3A_365 : vector<1x16xf32> to vector<16xf32>
      %swap3A_367 = vector.shape_cast %mul3A_362 : vector<16xf32> to vector<1x16xf32>
      tpu.vector_store %arg11[%swap3A_363, %swap3A_364], %swap3A_367 {strides = array<i32>} : memref<400x16xf32, #tpu.memory_space<vmem>>, vector<1x16xf32>,
      %mul3A_368 = arith.constant 16 : i32
      %mul3A_369 = arith.muli %scan3A_314, %mul3A_368 : i32
      %add3A_370 = arith.constant 3 : i32
      %add3A_371 = arith.addi %mul3A_369, %add3A_370 : i32
      %get3A_372 = arith.index_cast %add3A_371 : i32 to index
      %get3A_373 = arith.constant 0 : index
      %get3A_374 = tpu.vector_load %arg11[%get3A_372, %get3A_373] {strides = array<i32>} : memref<400x16xf32, #tpu.memory_space<vmem>>, vector<1x16xf32>,
      %get3A_375 = vector.shape_cast %get3A_374 : vector<1x16xf32> to vector<16xf32>
      %slice3A_376 = vector.extract_strided_slice %get3A_319 {offsets = [3], sizes = [1], strides = [1]} : vector<16xf32> to vector<1xf32>
      %squeeze3A_377 = vector.extract %slice3A_376[0] : f32 from vector<1xf32>
      %mul3A_378 = vector.broadcast %squeeze3A_377 : f32 to vector<16xf32>
      %mul3A_379 = arith.mulf %get3A_375, %mul3A_378 : vector<16xf32>
      %swap3A_380 = arith.index_cast %add3A_371 : i32 to index
      %swap3A_381 = arith.constant 0 : index
      %swap3A_382 = tpu.vector_load %arg11[%swap3A_380, %swap3A_381] {strides = array<i32>} : memref<400x16xf32, #tpu.memory_space<vmem>>, vector<1x16xf32>,
      %swap3A_383 = vector.shape_cast %swap3A_382 : vector<1x16xf32> to vector<16xf32>
      %swap3A_384 = vector.shape_cast %mul3A_379 : vector<16xf32> to vector<1x16xf32>
      tpu.vector_store %arg11[%swap3A_380, %swap3A_381], %swap3A_384 {strides = array<i32>} : memref<400x16xf32, #tpu.memory_space<vmem>>, vector<1x16xf32>,
      %mul3A_385 = arith.constant 16 : i32
      %mul3A_386 = arith.muli %scan3A_314, %mul3A_385 : i32
      %add3A_387 = arith.constant 4 : i32
      %add3A_388 = arith.addi %mul3A_386, %add3A_387 : i32
      %get3A_389 = arith.index_cast %add3A_388 : i32 to index
      %get3A_390 = arith.constant 0 : index
      %get3A_391 = tpu.vector_load %arg11[%get3A_389, %get3A_390] {strides = array<i32>} : memref<400x16xf32, #tpu.memory_space<vmem>>, vector<1x16xf32>,
      %get3A_392 = vector.shape_cast %get3A_391 : vector<1x16xf32> to vector<16xf32>
      %slice3A_393 = vector.extract_strided_slice %get3A_319 {offsets = [4], sizes = [1], strides = [1]} : vector<16xf32> to vector<1xf32>
      %squeeze3A_394 = vector.extract %slice3A_393[0] : f32 from vector<1xf32>
      %mul3A_395 = vector.broadcast %squeeze3A_394 : f32 to vector<16xf32>
      %mul3A_396 = arith.mulf %get3A_392, %mul3A_395 : vector<16xf32>
      %swap3A_397 = arith.index_cast %add3A_388 : i32 to index
      %swap3A_398 = arith.constant 0 : index
      %swap3A_399 = tpu.vector_load %arg11[%swap3A_397, %swap3A_398] {strides = array<i32>} : memref<400x16xf32, #tpu.memory_space<vmem>>, vector<1x16xf32>,
      %swap3A_400 = vector.shape_cast %swap3A_399 : vector<1x16xf32> to vector<16xf32>
      %swap3A_401 = vector.shape_cast %mul3A_396 : vector<16xf32> to vector<1x16xf32>
      tpu.vector_store %arg11[%swap3A_397, %swap3A_398], %swap3A_401 {strides = array<i32>} : memref<400x16xf32, #tpu.memory_space<vmem>>, vector<1x16xf32>,
      %mul3A_402 = arith.constant 16 : i32
      %mul3A_403 = arith.muli %scan3A_314, %mul3A_402 : i32
      %add3A_404 = arith.constant 5 : i32
      %add3A_405 = arith.addi %mul3A_403, %add3A_404 : i32
      %get3A_406 = arith.index_cast %add3A_405 : i32 to index
      %get3A_407 = arith.constant 0 : index
      %get3A_408 = tpu.vector_load %arg11[%get3A_406, %get3A_407] {strides = array<i32>} : memref<400x16xf32, #tpu.memory_space<vmem>>, vector<1x16xf32>,
      %get3A_409 = vector.shape_cast %get3A_408 : vector<1x16xf32> to vector<16xf32>
      %slice3A_410 = vector.extract_strided_slice %get3A_319 {offsets = [5], sizes = [1], strides = [1]} : vector<16xf32> to vector<1xf32>
      %squeeze3A_411 = vector.extract %slice3A_410[0] : f32 from vector<1xf32>
      %mul3A_412 = vector.broadcast %squeeze3A_411 : f32 to vector<16xf32>
      %mul3A_413 = arith.mulf %get3A_409, %mul3A_412 : vector<16xf32>
      %swap3A_414 = arith.index_cast %add3A_405 : i32 to index
      %swap3A_415 = arith.constant 0 : index
      %swap3A_416 = tpu.vector_load %arg11[%swap3A_414, %swap3A_415] {strides = array<i32>} : memref<400x16xf32, #tpu.memory_space<vmem>>, vector<1x16xf32>,
      %swap3A_417 = vector.shape_cast %swap3A_416 : vector<1x16xf32> to vector<16xf32>
      %swap3A_418 = vector.shape_cast %mul3A_413 : vector<16xf32> to vector<1x16xf32>
      tpu.vector_store %arg11[%swap3A_414, %swap3A_415], %swap3A_418 {strides = array<i32>} : memref<400x16xf32, #tpu.memory_space<vmem>>, vector<1x16xf32>,
      %mul3A_419 = arith.constant 16 : i32
      %mul3A_420 = arith.muli %scan3A_314, %mul3A_419 : i32
      %add3A_421 = arith.constant 6 : i32
      %add3A_422 = arith.addi %mul3A_420, %add3A_421 : i32
      %get3A_423 = arith.index_cast %add3A_422 : i32 to index
      %get3A_424 = arith.constant 0 : index
      %get3A_425 = tpu.vector_load %arg11[%get3A_423, %get3A_424] {strides = array<i32>} : memref<400x16xf32, #tpu.memory_space<vmem>>, vector<1x16xf32>,
      %get3A_426 = vector.shape_cast %get3A_425 : vector<1x16xf32> to vector<16xf32>
      %slice3A_427 = vector.extract_strided_slice %get3A_319 {offsets = [6], sizes = [1], strides = [1]} : vector<16xf32> to vector<1xf32>
      %squeeze3A_428 = vector.extract %slice3A_427[0] : f32 from vector<1xf32>
      %mul3A_429 = vector.broadcast %squeeze3A_428 : f32 to vector<16xf32>
      %mul3A_430 = arith.mulf %get3A_426, %mul3A_429 : vector<16xf32>
      %swap3A_431 = arith.index_cast %add3A_422 : i32 to index
      %swap3A_432 = arith.constant 0 : index
      %swap3A_433 = tpu.vector_load %arg11[%swap3A_431, %swap3A_432] {strides = array<i32>} : memref<400x16xf32, #tpu.memory_space<vmem>>, vector<1x16xf32>,
      %swap3A_434 = vector.shape_cast %swap3A_433 : vector<1x16xf32> to vector<16xf32>
      %swap3A_435 = vector.shape_cast %mul3A_430 : vector<16xf32> to vector<1x16xf32>
      tpu.vector_store %arg11[%swap3A_431, %swap3A_432], %swap3A_435 {strides = array<i32>} : memref<400x16xf32, #tpu.memory_space<vmem>>, vector<1x16xf32>,
      %mul3A_436 = arith.constant 16 : i32
      %mul3A_437 = arith.muli %scan3A_314, %mul3A_436 : i32
      %add3A_438 = arith.constant 7 : i32
      %add3A_439 = arith.addi %mul3A_437, %add3A_438 : i32
      %get3A_440 = arith.index_cast %add3A_439 : i32 to index
      %get3A_441 = arith.constant 0 : index
      %get3A_442 = tpu.vector_load %arg11[%get3A_440, %get3A_441] {strides = array<i32>} : memref<400x16xf32, #tpu.memory_space<vmem>>, vector<1x16xf32>,
      %get3A_443 = vector.shape_cast %get3A_442 : vector<1x16xf32> to vector<16xf32>
      %slice3A_444 = vector.extract_strided_slice %get3A_319 {offsets = [7], sizes = [1], strides = [1]} : vector<16xf32> to vector<1xf32>
      %squeeze3A_445 = vector.extract %slice3A_444[0] : f32 from vector<1xf32>
      %mul3A_446 = vector.broadcast %squeeze3A_445 : f32 to vector<16xf32>
      %mul3A_447 = arith.mulf %get3A_443, %mul3A_446 : vector<16xf32>
      %swap3A_448 = arith.index_cast %add3A_439 : i32 to index
      %swap3A_449 = arith.constant 0 : index
      %swap3A_450 = tpu.vector_load %arg11[%swap3A_448, %swap3A_449] {strides = array<i32>} : memref<400x16xf32, #tpu.memory_space<vmem>>, vector<1x16xf32>,
      %swap3A_451 = vector.shape_cast %swap3A_450 : vector<1x16xf32> to vector<16xf32>
      %swap3A_452 = vector.shape_cast %mul3A_447 : vector<16xf32> to vector<1x16xf32>
      tpu.vector_store %arg11[%swap3A_448, %swap3A_449], %swap3A_452 {strides = array<i32>} : memref<400x16xf32, #tpu.memory_space<vmem>>, vector<1x16xf32>,
      %mul3A_453 = arith.constant 16 : i32
      %mul3A_454 = arith.muli %scan3A_314, %mul3A_453 : i32
      %add3A_455 = arith.constant 8 : i32
      %add3A_456 = arith.addi %mul3A_454, %add3A_455 : i32
      %get3A_457 = arith.index_cast %add3A_456 : i32 to index
      %get3A_458 = arith.constant 0 : index
      %get3A_459 = tpu.vector_load %arg11[%get3A_457, %get3A_458] {strides = array<i32>} : memref<400x16xf32, #tpu.memory_space<vmem>>, vector<1x16xf32>,
      %get3A_460 = vector.shape_cast %get3A_459 : vector<1x16xf32> to vector<16xf32>
      %slice3A_461 = vector.extract_strided_slice %get3A_319 {offsets = [8], sizes = [1], strides = [1]} : vector<16xf32> to vector<1xf32>
      %squeeze3A_462 = vector.extract %slice3A_461[0] : f32 from vector<1xf32>
      %mul3A_463 = vector.broadcast %squeeze3A_462 : f32 to vector<16xf32>
      %mul3A_464 = arith.mulf %get3A_460, %mul3A_463 : vector<16xf32>
      %swap3A_465 = arith.index_cast %add3A_456 : i32 to index
      %swap3A_466 = arith.constant 0 : index
      %swap3A_467 = tpu.vector_load %arg11[%swap3A_465, %swap3A_466] {strides = array<i32>} : memref<400x16xf32, #tpu.memory_space<vmem>>, vector<1x16xf32>,
      %swap3A_468 = vector.shape_cast %swap3A_467 : vector<1x16xf32> to vector<16xf32>
      %swap3A_469 = vector.shape_cast %mul3A_464 : vector<16xf32> to vector<1x16xf32>
      tpu.vector_store %arg11[%swap3A_465, %swap3A_466], %swap3A_469 {strides = array<i32>} : memref<400x16xf32, #tpu.memory_space<vmem>>, vector<1x16xf32>,
      %mul3A_470 = arith.constant 16 : i32
      %mul3A_471 = arith.muli %scan3A_314, %mul3A_470 : i32
      %add3A_472 = arith.constant 9 : i32
      %add3A_473 = arith.addi %mul3A_471, %add3A_472 : i32
      %get3A_474 = arith.index_cast %add3A_473 : i32 to index
      %get3A_475 = arith.constant 0 : index
      %get3A_476 = tpu.vector_load %arg11[%get3A_474, %get3A_475] {strides = array<i32>} : memref<400x16xf32, #tpu.memory_space<vmem>>, vector<1x16xf32>,
      %get3A_477 = vector.shape_cast %get3A_476 : vector<1x16xf32> to vector<16xf32>
      %slice3A_478 = vector.extract_strided_slice %get3A_319 {offsets = [9], sizes = [1], strides = [1]} : vector<16xf32> to vector<1xf32>
      %squeeze3A_479 = vector.extract %slice3A_478[0] : f32 from vector<1xf32>
      %mul3A_480 = vector.broadcast %squeeze3A_479 : f32 to vector<16xf32>
      %mul3A_481 = arith.mulf %get3A_477, %mul3A_480 : vector<16xf32>
      %swap3A_482 = arith.index_cast %add3A_473 : i32 to index
      %swap3A_483 = arith.constant 0 : index
      %swap3A_484 = tpu.vector_load %arg11[%swap3A_482, %swap3A_483] {strides = array<i32>} : memref<400x16xf32, #tpu.memory_space<vmem>>, vector<1x16xf32>,
      %swap3A_485 = vector.shape_cast %swap3A_484 : vector<1x16xf32> to vector<16xf32>
      %swap3A_486 = vector.shape_cast %mul3A_481 : vector<16xf32> to vector<1x16xf32>
      tpu.vector_store %arg11[%swap3A_482, %swap3A_483], %swap3A_486 {strides = array<i32>} : memref<400x16xf32, #tpu.memory_space<vmem>>, vector<1x16xf32>,
      %mul3A_487 = arith.constant 16 : i32
      %mul3A_488 = arith.muli %scan3A_314, %mul3A_487 : i32
      %add3A_489 = arith.constant 10 : i32
      %add3A_490 = arith.addi %mul3A_488, %add3A_489 : i32
      %get3A_491 = arith.index_cast %add3A_490 : i32 to index
      %get3A_492 = arith.constant 0 : index
      %get3A_493 = tpu.vector_load %arg11[%get3A_491, %get3A_492] {strides = array<i32>} : memref<400x16xf32, #tpu.memory_space<vmem>>, vector<1x16xf32>,
      %get3A_494 = vector.shape_cast %get3A_493 : vector<1x16xf32> to vector<16xf32>
      %slice3A_495 = vector.extract_strided_slice %get3A_319 {offsets = [10], sizes = [1], strides = [1]} : vector<16xf32> to vector<1xf32>
      %squeeze3A_496 = vector.extract %slice3A_495[0] : f32 from vector<1xf32>
      %mul3A_497 = vector.broadcast %squeeze3A_496 : f32 to vector<16xf32>
      %mul3A_498 = arith.mulf %get3A_494, %mul3A_497 : vector<16xf32>
      %swap3A_499 = arith.index_cast %add3A_490 : i32 to index
      %swap3A_500 = arith.constant 0 : index
      %swap3A_501 = tpu.vector_load %arg11[%swap3A_499, %swap3A_500] {strides = array<i32>} : memref<400x16xf32, #tpu.memory_space<vmem>>, vector<1x16xf32>,
      %swap3A_502 = vector.shape_cast %swap3A_501 : vector<1x16xf32> to vector<16xf32>
      %swap3A_503 = vector.shape_cast %mul3A_498 : vector<16xf32> to vector<1x16xf32>
      tpu.vector_store %arg11[%swap3A_499, %swap3A_500], %swap3A_503 {strides = array<i32>} : memref<400x16xf32, #tpu.memory_space<vmem>>, vector<1x16xf32>,
      %mul3A_504 = arith.constant 16 : i32
      %mul3A_505 = arith.muli %scan3A_314, %mul3A_504 : i32
      %add3A_506 = arith.constant 11 : i32
      %add3A_507 = arith.addi %mul3A_505, %add3A_506 : i32
      %get3A_508 = arith.index_cast %add3A_507 : i32 to index
      %get3A_509 = arith.constant 0 : index
      %get3A_510 = tpu.vector_load %arg11[%get3A_508, %get3A_509] {strides = array<i32>} : memref<400x16xf32, #tpu.memory_space<vmem>>, vector<1x16xf32>,
      %get3A_511 = vector.shape_cast %get3A_510 : vector<1x16xf32> to vector<16xf32>
      %slice3A_512 = vector.extract_strided_slice %get3A_319 {offsets = [11], sizes = [1], strides = [1]} : vector<16xf32> to vector<1xf32>
      %squeeze3A_513 = vector.extract %slice3A_512[0] : f32 from vector<1xf32>
      %mul3A_514 = vector.broadcast %squeeze3A_513 : f32 to vector<16xf32>
      %mul3A_515 = arith.mulf %get3A_511, %mul3A_514 : vector<16xf32>
      %swap3A_516 = arith.index_cast %add3A_507 : i32 to index
      %swap3A_517 = arith.constant 0 : index
      %swap3A_518 = tpu.vector_load %arg11[%swap3A_516, %swap3A_517] {strides = array<i32>} : memref<400x16xf32, #tpu.memory_space<vmem>>, vector<1x16xf32>,
      %swap3A_519 = vector.shape_cast %swap3A_518 : vector<1x16xf32> to vector<16xf32>
      %swap3A_520 = vector.shape_cast %mul3A_515 : vector<16xf32> to vector<1x16xf32>
      tpu.vector_store %arg11[%swap3A_516, %swap3A_517], %swap3A_520 {strides = array<i32>} : memref<400x16xf32, #tpu.memory_space<vmem>>, vector<1x16xf32>,
      %mul3A_521 = arith.constant 16 : i32
      %mul3A_522 = arith.muli %scan3A_314, %mul3A_521 : i32
      %add3A_523 = arith.constant 12 : i32
      %add3A_524 = arith.addi %mul3A_522, %add3A_523 : i32
      %get3A_525 = arith.index_cast %add3A_524 : i32 to index
      %get3A_526 = arith.constant 0 : index
      %get3A_527 = tpu.vector_load %arg11[%get3A_525, %get3A_526] {strides = array<i32>} : memref<400x16xf32, #tpu.memory_space<vmem>>, vector<1x16xf32>,
      %get3A_528 = vector.shape_cast %get3A_527 : vector<1x16xf32> to vector<16xf32>
      %slice3A_529 = vector.extract_strided_slice %get3A_319 {offsets = [12], sizes = [1], strides = [1]} : vector<16xf32> to vector<1xf32>
      %squeeze3A_530 = vector.extract %slice3A_529[0] : f32 from vector<1xf32>
      %mul3A_531 = vector.broadcast %squeeze3A_530 : f32 to vector<16xf32>
      %mul3A_532 = arith.mulf %get3A_528, %mul3A_531 : vector<16xf32>
      %swap3A_533 = arith.index_cast %add3A_524 : i32 to index
      %swap3A_534 = arith.constant 0 : index
      %swap3A_535 = tpu.vector_load %arg11[%swap3A_533, %swap3A_534] {strides = array<i32>} : memref<400x16xf32, #tpu.memory_space<vmem>>, vector<1x16xf32>,
      %swap3A_536 = vector.shape_cast %swap3A_535 : vector<1x16xf32> to vector<16xf32>
      %swap3A_537 = vector.shape_cast %mul3A_532 : vector<16xf32> to vector<1x16xf32>
      tpu.vector_store %arg11[%swap3A_533, %swap3A_534], %swap3A_537 {strides = array<i32>} : memref<400x16xf32, #tpu.memory_space<vmem>>, vector<1x16xf32>,
      %mul3A_538 = arith.constant 16 : i32
      %mul3A_539 = arith.muli %scan3A_314, %mul3A_538 : i32
      %add3A_540 = arith.constant 13 : i32
      %add3A_541 = arith.addi %mul3A_539, %add3A_540 : i32
      %get3A_542 = arith.index_cast %add3A_541 : i32 to index
      %get3A_543 = arith.constant 0 : index
      %get3A_544 = tpu.vector_load %arg11[%get3A_542, %get3A_543] {strides = array<i32>} : memref<400x16xf32, #tpu.memory_space<vmem>>, vector<1x16xf32>,
      %get3A_545 = vector.shape_cast %get3A_544 : vector<1x16xf32> to vector<16xf32>
      %slice3A_546 = vector.extract_strided_slice %get3A_319 {offsets = [13], sizes = [1], strides = [1]} : vector<16xf32> to vector<1xf32>
      %squeeze3A_547 = vector.extract %slice3A_546[0] : f32 from vector<1xf32>
      %mul3A_548 = vector.broadcast %squeeze3A_547 : f32 to vector<16xf32>
      %mul3A_549 = arith.mulf %get3A_545, %mul3A_548 : vector<16xf32>
      %swap3A_550 = arith.index_cast %add3A_541 : i32 to index
      %swap3A_551 = arith.constant 0 : index
      %swap3A_552 = tpu.vector_load %arg11[%swap3A_550, %swap3A_551] {strides = array<i32>} : memref<400x16xf32, #tpu.memory_space<vmem>>, vector<1x16xf32>,
      %swap3A_553 = vector.shape_cast %swap3A_552 : vector<1x16xf32> to vector<16xf32>
      %swap3A_554 = vector.shape_cast %mul3A_549 : vector<16xf32> to vector<1x16xf32>
      tpu.vector_store %arg11[%swap3A_550, %swap3A_551], %swap3A_554 {strides = array<i32>} : memref<400x16xf32, #tpu.memory_space<vmem>>, vector<1x16xf32>,
      %mul3A_555 = arith.constant 16 : i32
      %mul3A_556 = arith.muli %scan3A_314, %mul3A_555 : i32
      %add3A_557 = arith.constant 14 : i32
      %add3A_558 = arith.addi %mul3A_556, %add3A_557 : i32
      %get3A_559 = arith.index_cast %add3A_558 : i32 to index
      %get3A_560 = arith.constant 0 : index
      %get3A_561 = tpu.vector_load %arg11[%get3A_559, %get3A_560] {strides = array<i32>} : memref<400x16xf32, #tpu.memory_space<vmem>>, vector<1x16xf32>,
      %get3A_562 = vector.shape_cast %get3A_561 : vector<1x16xf32> to vector<16xf32>
      %slice3A_563 = vector.extract_strided_slice %get3A_319 {offsets = [14], sizes = [1], strides = [1]} : vector<16xf32> to vector<1xf32>
      %squeeze3A_564 = vector.extract %slice3A_563[0] : f32 from vector<1xf32>
      %mul3A_565 = vector.broadcast %squeeze3A_564 : f32 to vector<16xf32>
      %mul3A_566 = arith.mulf %get3A_562, %mul3A_565 : vector<16xf32>
      %swap3A_567 = arith.index_cast %add3A_558 : i32 to index
      %swap3A_568 = arith.constant 0 : index
      %swap3A_569 = tpu.vector_load %arg11[%swap3A_567, %swap3A_568] {strides = array<i32>} : memref<400x16xf32, #tpu.memory_space<vmem>>, vector<1x16xf32>,
      %swap3A_570 = vector.shape_cast %swap3A_569 : vector<1x16xf32> to vector<16xf32>
      %swap3A_571 = vector.shape_cast %mul3A_566 : vector<16xf32> to vector<1x16xf32>
      tpu.vector_store %arg11[%swap3A_567, %swap3A_568], %swap3A_571 {strides = array<i32>} : memref<400x16xf32, #tpu.memory_space<vmem>>, vector<1x16xf32>,
      %mul3A_572 = arith.constant 16 : i32
      %mul3A_573 = arith.muli %scan3A_314, %mul3A_572 : i32
      %add3A_574 = arith.constant 15 : i32
      %add3A_575 = arith.addi %mul3A_573, %add3A_574 : i32
      %get3A_576 = arith.index_cast %add3A_575 : i32 to index
      %get3A_577 = arith.constant 0 : index
      %get3A_578 = tpu.vector_load %arg11[%get3A_576, %get3A_577] {strides = array<i32>} : memref<400x16xf32, #tpu.memory_space<vmem>>, vector<1x16xf32>,
      %get3A_579 = vector.shape_cast %get3A_578 : vector<1x16xf32> to vector<16xf32>
      %slice3A_580 = vector.extract_strided_slice %get3A_319 {offsets = [15], sizes = [1], strides = [1]} : vector<16xf32> to vector<1xf32>
      %squeeze3A_581 = vector.extract %slice3A_580[0] : f32 from vector<1xf32>
      %mul3A_582 = vector.broadcast %squeeze3A_581 : f32 to vector<16xf32>
      %mul3A_583 = arith.mulf %get3A_579, %mul3A_582 : vector<16xf32>
      %swap3A_584 = arith.index_cast %add3A_575 : i32 to index
      %swap3A_585 = arith.constant 0 : index
      %swap3A_586 = tpu.vector_load %arg11[%swap3A_584, %swap3A_585] {strides = array<i32>} : memref<400x16xf32, #tpu.memory_space<vmem>>, vector<1x16xf32>,
      %swap3A_587 = vector.shape_cast %swap3A_586 : vector<1x16xf32> to vector<16xf32>
      %swap3A_588 = vector.shape_cast %mul3A_583 : vector<16xf32> to vector<1x16xf32>
      tpu.vector_store %arg11[%swap3A_584, %swap3A_585], %swap3A_588 {strides = array<i32>} : memref<400x16xf32, #tpu.memory_space<vmem>>, vector<1x16xf32>,
      %scan3A_589 = arith.constant 0 : i32
      scf.yield %scan3A_589 : i32
    }
    %scan3A_175 = arith.constant 25 : i32
    %dma_start3A_176 = arith.constant 0 : i32
    %dma_start3A_177 = arith.constant 0 : i32
    %dma_start3A_178 = tpu.memref_slice %arg7[%dma_start3A_176, %dma_start3A_177] : memref<100352x16xf32, #tpu.memory_space<vmem_shared>> -> memref<100352x16xf32, #tpu.memory_space<vmem_shared>>
    tpu.enqueue_indirect_dma source(%arg11 : memref<400x16xf32, #tpu.memory_space<vmem>>) target(%dma_start3A_178 : memref<100352x16xf32, #tpu.memory_space<vmem_shared>>) offsets(%arg9 : memref<400xi32, #tpu.memory_space<vmem>>) semaphore(%arg21 : memref<!tpu.dma_semaphore, #tpu.memory_space<semaphore_mem>>) {add = true}
    %dma_wait3A_179 = arith.constant 100000 : i32
    %dma_wait3A_180 = arith.constant 0 : i32
    %dma_wait3A_181 = tpu.memref_slice %arg2[%dma_wait3A_179, %dma_wait3A_180] : memref<300000x16xf32, #tpu.memory_space<hbm>> -> memref<100000x16xf32, #tpu.memory_space<hbm>>
    %dma_wait3A_182 = arith.constant 0 : i32
    %dma_wait3A_183 = arith.constant 0 : i32
    %dma_wait3A_184 = tpu.memref_slice %dma_wait3A_181[%dma_wait3A_182, %dma_wait3A_183] : memref<100000x16xf32, #tpu.memory_space<hbm>> -> memref<400x16xf32, #tpu.memory_space<hbm>>
    %dma_wait3A_185 = arith.constant 100000 : i32
    %dma_wait3A_186 = arith.constant 0 : i32
    %dma_wait3A_187 = tpu.memref_slice %arg2[%dma_wait3A_185, %dma_wait3A_186] : memref<300000x16xf32, #tpu.memory_space<hbm>> -> memref<100000x16xf32, #tpu.memory_space<hbm>>
    %dma_wait3A_188 = arith.constant 0 : i32
    %dma_wait3A_189 = arith.constant 0 : i32
    %dma_wait3A_190 = tpu.memref_slice %dma_wait3A_187[%dma_wait3A_188, %dma_wait3A_189] : memref<100000x16xf32, #tpu.memory_space<hbm>> -> memref<400x16xf32, #tpu.memory_space<hbm>>
    tpu.wait_dma2 semaphore(%arg21 : memref<!tpu.dma_semaphore, #tpu.memory_space<semaphore_mem>>) src(%dma_wait3A_190 : memref<400x16xf32, #tpu.memory_space<hbm>>) dst(%arg11 : memref<400x16xf32, #tpu.memory_space<vmem>>)
    %dma_wait3A_191 = arith.constant 100000 : i32
    %dma_wait3A_192 = arith.constant 0 : i32
    %dma_wait3A_193 = tpu.memref_slice %arg2[%dma_wait3A_191, %dma_wait3A_192] : memref<300000x16xf32, #tpu.memory_space<hbm>> -> memref<100000x16xf32, #tpu.memory_space<hbm>>
    %dma_wait3A_194 = arith.constant 0 : i32
    %dma_wait3A_195 = arith.constant 0 : i32
    %dma_wait3A_196 = tpu.memref_slice %dma_wait3A_193[%dma_wait3A_194, %dma_wait3A_195] : memref<100000x16xf32, #tpu.memory_space<hbm>> -> memref<400x16xf32, #tpu.memory_space<hbm>>
    %dma_wait3A_197 = arith.constant 100000 : i32
    %dma_wait3A_198 = arith.constant 0 : i32
    %dma_wait3A_199 = tpu.memref_slice %arg2[%dma_wait3A_197, %dma_wait3A_198] : memref<300000x16xf32, #tpu.memory_space<hbm>> -> memref<100000x16xf32, #tpu.memory_space<hbm>>
    %dma_wait3A_200 = arith.constant 0 : i32
    %dma_wait3A_201 = arith.constant 0 : i32
    %dma_wait3A_202 = tpu.memref_slice %dma_wait3A_199[%dma_wait3A_200, %dma_wait3A_201] : memref<100000x16xf32, #tpu.memory_space<hbm>> -> memref<400x16xf32, #tpu.memory_space<hbm>>
    tpu.wait_dma2 semaphore(%arg22 : memref<!tpu.dma_semaphore, #tpu.memory_space<semaphore_mem>>) src(%dma_wait3A_202 : memref<400x16xf32, #tpu.memory_space<hbm>>) dst(%arg15 : memref<400x16xf32, #tpu.memory_space<vmem>>)
    %barrier3A_203 = arith.constant 0 : index
    tpu.barrier barrier_id(%barrier3A_203)
    %mul3A_204 = arith.constant 3 : i32
    %mul3A_205 = arith.muli %arg0, %mul3A_204 : i32
    %add3A_206 = arith.constant 1 : i32
    %add3A_207 = arith.addi %mul3A_205, %add3A_206 : i32
    %mul3A_208 = arith.constant 100352 : i32
    %mul3A_209 = arith.muli %add3A_207, %mul3A_208 : i32
    %add3A_210 = arith.addi %mul3A_209, %mul3A_4 : i32
    "tpu.region"() ({
      %run_scoped3A = tpu.sem_alloc : memref<!tpu.dma_semaphore, #tpu.memory_space<semaphore_mem>>
      %dma_start3A_314 = arith.constant 0 : i32
      %dma_start3A_315 = tpu.memref_slice %arg6[%add3A_210, %dma_start3A_314] : memref<602112x16xf32, #tpu.memory_space<hbm>> -> memref<6272x16xf32, #tpu.memory_space<hbm>>
      %dma_start3A_316 = arith.constant 0 : i32
      %dma_start3A_317 = tpu.memref_slice %arg7[%mul3A_4, %dma_start3A_316] : memref<100352x16xf32, #tpu.memory_space<vmem_shared>> -> memref<6272x16xf32, #tpu.memory_space<vmem_shared>>
      tpu.enqueue_dma source(%dma_start3A_317 : memref<6272x16xf32, #tpu.memory_space<vmem_shared>>) target(%dma_start3A_315 : memref<6272x16xf32, #tpu.memory_space<hbm>>) target_semaphore(%run_scoped3A : memref<!tpu.dma_semaphore, #tpu.memory_space<semaphore_mem>>)
      %dma_wait3A_318 = arith.constant 0 : i32
      %dma_wait3A_319 = tpu.memref_slice %arg6[%add3A_210, %dma_wait3A_318] : memref<602112x16xf32, #tpu.memory_space<hbm>> -> memref<6272x16xf32, #tpu.memory_space<hbm>>
      %dma_wait3A_320 = arith.constant 0 : i32
      %dma_wait3A_321 = tpu.memref_slice %arg7[%mul3A_4, %dma_wait3A_320] : memref<100352x16xf32, #tpu.memory_space<vmem_shared>> -> memref<6272x16xf32, #tpu.memory_space<vmem_shared>>
      tpu.wait_dma2 semaphore(%run_scoped3A : memref<!tpu.dma_semaphore, #tpu.memory_space<semaphore_mem>>) src(%dma_wait3A_321 : memref<6272x16xf32, #tpu.memory_space<vmem_shared>>) dst(%dma_wait3A_319 : memref<6272x16xf32, #tpu.memory_space<hbm>>)
      tpu.yield
    }) : () -> ()
    %barrier3A_211 = arith.constant 0 : index
    tpu.barrier barrier_id(%barrier3A_211)
    %scan3A_212 = arith.constant 0 : i32
    %scan3A_213 = arith.constant 0 : i32
    %scan3A_214 = arith.constant 16 : i32
    %scan3A_215 = arith.addi %scan3A_213, %scan3A_214 : i32
    %scan3A_216 = arith.constant 1 : i32
    %scan3A_217 = scf.for %scan3A_314 = %scan3A_213 to %scan3A_215 step %scan3A_216 iter_args(%scan3A_315 = %scan3A_212) -> (i32)  : i32 {
      %mul3A_316 = arith.constant 392 : i32
      %mul3A_317 = arith.muli %scan3A_314, %mul3A_316 : i32
      %add3A_318 = arith.addi %mul3A_4, %mul3A_317 : i32
      "tpu.region"() ({
        %run_scoped3A = tpu.sem_alloc : memref<!tpu.dma_semaphore, #tpu.memory_space<semaphore_mem>>
        %dma_start3A_320 = arith.constant 0 : i32
        %dma_start3A_321 = tpu.memref_slice %arg7[%add3A_318, %dma_start3A_320] : memref<100352x16xf32, #tpu.memory_space<vmem_shared>> -> memref<392x16xf32, #tpu.memory_space<vmem_shared>>
        %dma_start3A_322 = arith.constant 0 : i32
        %dma_start3A_323 = tpu.memref_slice %arg7[%add3A_318, %dma_start3A_322] : memref<100352x16xf32, #tpu.memory_space<vmem_shared>> -> memref<392x16xf32, #tpu.memory_space<vmem_shared>>
        tpu.enqueue_dma source(%arg16 : memref<392x16xf32, #tpu.memory_space<vmem>>) target(%dma_start3A_323 : memref<392x16xf32, #tpu.memory_space<vmem_shared>>) target_semaphore(%run_scoped3A : memref<!tpu.dma_semaphore, #tpu.memory_space<semaphore_mem>>)
        %dma_wait3A_324 = arith.constant 0 : i32
        %dma_wait3A_325 = tpu.memref_slice %arg7[%add3A_318, %dma_wait3A_324] : memref<100352x16xf32, #tpu.memory_space<vmem_shared>> -> memref<392x16xf32, #tpu.memory_space<vmem_shared>>
        %dma_wait3A_326 = arith.constant 0 : i32
        %dma_wait3A_327 = tpu.memref_slice %arg7[%add3A_318, %dma_wait3A_326] : memref<100352x16xf32, #tpu.memory_space<vmem_shared>> -> memref<392x16xf32, #tpu.memory_space<vmem_shared>>
        tpu.wait_dma2 semaphore(%run_scoped3A : memref<!tpu.dma_semaphore, #tpu.memory_space<semaphore_mem>>) src(%arg16 : memref<392x16xf32, #tpu.memory_space<vmem>>) dst(%dma_wait3A_327 : memref<392x16xf32, #tpu.memory_space<vmem_shared>>)
        tpu.yield
      }) : () -> ()
      %scan3A_319 = arith.constant 0 : i32
      scf.yield %scan3A_319 : i32
    }
    %scan3A_218 = arith.constant 16 : i32
    %barrier3A_219 = arith.constant 0 : index
    tpu.barrier barrier_id(%barrier3A_219)
    %dma_start3A_220 = tpu.memref_slice %arg3[%mul3A_2] : memref<1600000xi32, #tpu.memory_space<hbm>> -> memref<400xi32, #tpu.memory_space<hbm>>
    %dma_start3A_221 = tpu.memref_slice %arg3[%mul3A_2] : memref<1600000xi32, #tpu.memory_space<hbm>> -> memref<400xi32, #tpu.memory_space<hbm>>
    tpu.enqueue_dma source(%dma_start3A_221 : memref<400xi32, #tpu.memory_space<hbm>>) target(%arg8 : memref<400xi32, #tpu.memory_space<vmem>>) target_semaphore(%arg17 : memref<!tpu.dma_semaphore, #tpu.memory_space<semaphore_mem>>)
    %dma_start3A_222 = tpu.memref_slice %arg4[%mul3A_2] : memref<1600000xi32, #tpu.memory_space<hbm>> -> memref<400xi32, #tpu.memory_space<hbm>>
    %dma_start3A_223 = tpu.memref_slice %arg4[%mul3A_2] : memref<1600000xi32, #tpu.memory_space<hbm>> -> memref<400xi32, #tpu.memory_space<hbm>>
    tpu.enqueue_dma source(%dma_start3A_223 : memref<400xi32, #tpu.memory_space<hbm>>) target(%arg9 : memref<400xi32, #tpu.memory_space<vmem>>) target_semaphore(%arg17 : memref<!tpu.dma_semaphore, #tpu.memory_space<semaphore_mem>>)
    %dma_start3A_224 = tpu.memref_slice %arg5[%mul3A_2] : memref<1600000xf32, #tpu.memory_space<hbm>> -> memref<400xf32, #tpu.memory_space<hbm>>
    %dma_start3A_225 = tpu.memref_slice %arg5[%mul3A_2] : memref<1600000xf32, #tpu.memory_space<hbm>> -> memref<400xf32, #tpu.memory_space<hbm>>
    tpu.enqueue_dma source(%dma_start3A_225 : memref<400xf32, #tpu.memory_space<hbm>>) target(%arg10 : memref<400xf32, #tpu.memory_space<vmem>>) target_semaphore(%arg17 : memref<!tpu.dma_semaphore, #tpu.memory_space<semaphore_mem>>)
    %add3A_226 = arith.constant 400 : i32
    %add3A_227 = arith.addi %mul3A_2, %add3A_226 : i32
    %dma_start3A_228 = tpu.memref_slice %arg3[%add3A_227] : memref<1600000xi32, #tpu.memory_space<hbm>> -> memref<400xi32, #tpu.memory_space<hbm>>
    %dma_start3A_229 = tpu.memref_slice %arg3[%add3A_227] : memref<1600000xi32, #tpu.memory_space<hbm>> -> memref<400xi32, #tpu.memory_space<hbm>>
    tpu.enqueue_dma source(%dma_start3A_229 : memref<400xi32, #tpu.memory_space<hbm>>) target(%arg12 : memref<400xi32, #tpu.memory_space<vmem>>) target_semaphore(%arg18 : memref<!tpu.dma_semaphore, #tpu.memory_space<semaphore_mem>>)
    %dma_start3A_230 = tpu.memref_slice %arg4[%add3A_227] : memref<1600000xi32, #tpu.memory_space<hbm>> -> memref<400xi32, #tpu.memory_space<hbm>>
    %dma_start3A_231 = tpu.memref_slice %arg4[%add3A_227] : memref<1600000xi32, #tpu.memory_space<hbm>> -> memref<400xi32, #tpu.memory_space<hbm>>
    tpu.enqueue_dma source(%dma_start3A_231 : memref<400xi32, #tpu.memory_space<hbm>>) target(%arg13 : memref<400xi32, #tpu.memory_space<vmem>>) target_semaphore(%arg18 : memref<!tpu.dma_semaphore, #tpu.memory_space<semaphore_mem>>)
    %dma_start3A_232 = tpu.memref_slice %arg5[%add3A_227] : memref<1600000xf32, #tpu.memory_space<hbm>> -> memref<400xf32, #tpu.memory_space<hbm>>
    %dma_start3A_233 = tpu.memref_slice %arg5[%add3A_227] : memref<1600000xf32, #tpu.memory_space<hbm>> -> memref<400xf32, #tpu.memory_space<hbm>>
    tpu.enqueue_dma source(%dma_start3A_233 : memref<400xf32, #tpu.memory_space<hbm>>) target(%arg14 : memref<400xf32, #tpu.memory_space<vmem>>) target_semaphore(%arg18 : memref<!tpu.dma_semaphore, #tpu.memory_space<semaphore_mem>>)
    %dma_wait3A_234 = arith.constant 0 : i32
    %dma_wait3A_235 = tpu.memref_slice %arg3[%dma_wait3A_234] : memref<1600000xi32, #tpu.memory_space<hbm>> -> memref<400xi32, #tpu.memory_space<hbm>>
    %dma_wait3A_236 = arith.constant 0 : i32
    %dma_wait3A_237 = tpu.memref_slice %arg3[%dma_wait3A_236] : memref<1600000xi32, #tpu.memory_space<hbm>> -> memref<400xi32, #tpu.memory_space<hbm>>
    tpu.wait_dma2 semaphore(%arg17 : memref<!tpu.dma_semaphore, #tpu.memory_space<semaphore_mem>>) src(%dma_wait3A_237 : memref<400xi32, #tpu.memory_space<hbm>>) dst(%arg8 : memref<400xi32, #tpu.memory_space<vmem>>)
    %dma_wait3A_238 = arith.constant 0 : i32
    %dma_wait3A_239 = tpu.memref_slice %arg4[%dma_wait3A_238] : memref<1600000xi32, #tpu.memory_space<hbm>> -> memref<400xi32, #tpu.memory_space<hbm>>
    %dma_wait3A_240 = arith.constant 0 : i32
    %dma_wait3A_241 = tpu.memref_slice %arg4[%dma_wait3A_240] : memref<1600000xi32, #tpu.memory_space<hbm>> -> memref<400xi32, #tpu.memory_space<hbm>>
    tpu.wait_dma2 semaphore(%arg17 : memref<!tpu.dma_semaphore, #tpu.memory_space<semaphore_mem>>) src(%dma_wait3A_241 : memref<400xi32, #tpu.memory_space<hbm>>) dst(%arg9 : memref<400xi32, #tpu.memory_space<vmem>>)
    %dma_wait3A_242 = arith.constant 0 : i32
    %dma_wait3A_243 = tpu.memref_slice %arg5[%dma_wait3A_242] : memref<1600000xf32, #tpu.memory_space<hbm>> -> memref<400xf32, #tpu.memory_space<hbm>>
    %dma_wait3A_244 = arith.constant 0 : i32
    %dma_wait3A_245 = tpu.memref_slice %arg5[%dma_wait3A_244] : memref<1600000xf32, #tpu.memory_space<hbm>> -> memref<400xf32, #tpu.memory_space<hbm>>
    tpu.wait_dma2 semaphore(%arg17 : memref<!tpu.dma_semaphore, #tpu.memory_space<semaphore_mem>>) src(%dma_wait3A_245 : memref<400xf32, #tpu.memory_space<hbm>>) dst(%arg10 : memref<400xf32, #tpu.memory_space<vmem>>)
    %dma_start3A_246 = arith.constant 200000 : i32
    %dma_start3A_247 = arith.constant 0 : i32
    %dma_start3A_248 = tpu.memref_slice %arg2[%dma_start3A_246, %dma_start3A_247] : memref<300000x16xf32, #tpu.memory_space<hbm>> -> memref<100000x16xf32, #tpu.memory_space<hbm>>
    %dma_start3A_249 = arith.constant 0 : i32
    %dma_start3A_250 = arith.constant 0 : i32
    %dma_start3A_251 = tpu.memref_slice %dma_start3A_248[%dma_start3A_249, %dma_start3A_250] : memref<100000x16xf32, #tpu.memory_space<hbm>> -> memref<100000x16xf32, #tpu.memory_space<hbm>>
    tpu.enqueue_indirect_dma source(%dma_start3A_251 : memref<100000x16xf32, #tpu.memory_space<hbm>>) target(%arg11 : memref<400x16xf32, #tpu.memory_space<vmem>>) offsets(%arg8 : memref<400xi32, #tpu.memory_space<vmem>>) semaphore(%arg19 : memref<!tpu.dma_semaphore, #tpu.memory_space<semaphore_mem>>)
    %scan3A_252 = arith.constant 0 : i32
    %scan3A_253 = arith.constant 0 : i32
    %scan3A_254 = arith.constant 62 : i32
    %scan3A_255 = arith.addi %scan3A_253, %scan3A_254 : i32
    %scan3A_256 = arith.constant 1 : i32
    %scan3A_257 = scf.for %scan3A_314 = %scan3A_253 to %scan3A_255 step %scan3A_256 iter_args(%scan3A_315 = %scan3A_252) -> (i32)  : i32 {
      %mul3A_316 = arith.constant 2 : i32
      %mul3A_317 = arith.muli %mul3A_316, %scan3A_314 : i32
      %mul3A_318 = arith.constant 400 : i32
      %mul3A_319 = arith.muli %mul3A_317, %mul3A_318 : i32
      %add3A_320 = arith.addi %mul3A_2, %mul3A_319 : i32
      %dma_wait3A_321 = arith.constant 0 : i32
      %dma_wait3A_322 = tpu.memref_slice %arg3[%dma_wait3A_321] : memref<1600000xi32, #tpu.memory_space<hbm>> -> memref<400xi32, #tpu.memory_space<hbm>>
      %dma_wait3A_323 = arith.constant 0 : i32
      %dma_wait3A_324 = tpu.memref_slice %arg3[%dma_wait3A_323] : memref<1600000xi32, #tpu.memory_space<hbm>> -> memref<400xi32, #tpu.memory_space<hbm>>
      tpu.wait_dma2 semaphore(%arg18 : memref<!tpu.dma_semaphore, #tpu.memory_space<semaphore_mem>>) src(%dma_wait3A_324 : memref<400xi32, #tpu.memory_space<hbm>>) dst(%arg12 : memref<400xi32, #tpu.memory_space<vmem>>)
      %dma_wait3A_325 = arith.constant 0 : i32
      %dma_wait3A_326 = tpu.memref_slice %arg4[%dma_wait3A_325] : memref<1600000xi32, #tpu.memory_space<hbm>> -> memref<400xi32, #tpu.memory_space<hbm>>
      %dma_wait3A_327 = arith.constant 0 : i32
      %dma_wait3A_328 = tpu.memref_slice %arg4[%dma_wait3A_327] : memref<1600000xi32, #tpu.memory_space<hbm>> -> memref<400xi32, #tpu.memory_space<hbm>>
      tpu.wait_dma2 semaphore(%arg18 : memref<!tpu.dma_semaphore, #tpu.memory_space<semaphore_mem>>) src(%dma_wait3A_328 : memref<400xi32, #tpu.memory_space<hbm>>) dst(%arg13 : memref<400xi32, #tpu.memory_space<vmem>>)
      %dma_wait3A_329 = arith.constant 0 : i32
      %dma_wait3A_330 = tpu.memref_slice %arg5[%dma_wait3A_329] : memref<1600000xf32, #tpu.memory_space<hbm>> -> memref<400xf32, #tpu.memory_space<hbm>>
      %dma_wait3A_331 = arith.constant 0 : i32
      %dma_wait3A_332 = tpu.memref_slice %arg5[%dma_wait3A_331] : memref<1600000xf32, #tpu.memory_space<hbm>> -> memref<400xf32, #tpu.memory_space<hbm>>
      tpu.wait_dma2 semaphore(%arg18 : memref<!tpu.dma_semaphore, #tpu.memory_space<semaphore_mem>>) src(%dma_wait3A_332 : memref<400xf32, #tpu.memory_space<hbm>>) dst(%arg14 : memref<400xf32, #tpu.memory_space<vmem>>)
      %gt3A = arith.constant 0 : i32
      %gt3A_333 = arith.cmpi sgt, %scan3A_314, %gt3A : i32
      %convert_element_type3A = arith.extui %gt3A_333 : i1 to i32
      %cond3A = arith.constant 0 : i32
      %cond3A_334 = arith.cmpi ne, %convert_element_type3A, %cond3A : i32
      scf.if %cond3A_334 {
        %dma_wait3A_412 = arith.constant 200000 : i32
        %dma_wait3A_413 = arith.constant 0 : i32
        %dma_wait3A_414 = tpu.memref_slice %arg2[%dma_wait3A_412, %dma_wait3A_413] : memref<300000x16xf32, #tpu.memory_space<hbm>> -> memref<100000x16xf32, #tpu.memory_space<hbm>>
        %dma_wait3A_415 = arith.constant 0 : i32
        %dma_wait3A_416 = arith.constant 0 : i32
        %dma_wait3A_417 = tpu.memref_slice %dma_wait3A_414[%dma_wait3A_415, %dma_wait3A_416] : memref<100000x16xf32, #tpu.memory_space<hbm>> -> memref<400x16xf32, #tpu.memory_space<hbm>>
        %dma_wait3A_418 = arith.constant 200000 : i32
        %dma_wait3A_419 = arith.constant 0 : i32
        %dma_wait3A_420 = tpu.memref_slice %arg2[%dma_wait3A_418, %dma_wait3A_419] : memref<300000x16xf32, #tpu.memory_space<hbm>> -> memref<100000x16xf32, #tpu.memory_space<hbm>>
        %dma_wait3A_421 = arith.constant 0 : i32
        %dma_wait3A_422 = arith.constant 0 : i32
        %dma_wait3A_423 = tpu.memref_slice %dma_wait3A_420[%dma_wait3A_421, %dma_wait3A_422] : memref<100000x16xf32, #tpu.memory_space<hbm>> -> memref<400x16xf32, #tpu.memory_space<hbm>>
        tpu.wait_dma2 semaphore(%arg22 : memref<!tpu.dma_semaphore, #tpu.memory_space<semaphore_mem>>) src(%dma_wait3A_423 : memref<400x16xf32, #tpu.memory_space<hbm>>) dst(%arg15 : memref<400x16xf32, #tpu.memory_space<vmem>>)
      } else {
      }
      %dma_start3A_335 = arith.constant 200000 : i32
      %dma_start3A_336 = arith.constant 0 : i32
      %dma_start3A_337 = tpu.memref_slice %arg2[%dma_start3A_335, %dma_start3A_336] : memref<300000x16xf32, #tpu.memory_space<hbm>> -> memref<100000x16xf32, #tpu.memory_space<hbm>>
      %dma_start3A_338 = arith.constant 0 : i32
      %dma_start3A_339 = arith.constant 0 : i32
      %dma_start3A_340 = tpu.memref_slice %dma_start3A_337[%dma_start3A_338, %dma_start3A_339] : memref<100000x16xf32, #tpu.memory_space<hbm>> -> memref<100000x16xf32, #tpu.memory_space<hbm>>
      tpu.enqueue_indirect_dma source(%dma_start3A_340 : memref<100000x16xf32, #tpu.memory_space<hbm>>) target(%arg15 : memref<400x16xf32, #tpu.memory_space<vmem>>) offsets(%arg12 : memref<400xi32, #tpu.memory_space<vmem>>) semaphore(%arg20 : memref<!tpu.dma_semaphore, #tpu.memory_space<semaphore_mem>>)
      %dma_wait3A_341 = arith.constant 200000 : i32
      %dma_wait3A_342 = arith.constant 0 : i32
      %dma_wait3A_343 = tpu.memref_slice %arg2[%dma_wait3A_341, %dma_wait3A_342] : memref<300000x16xf32, #tpu.memory_space<hbm>> -> memref<100000x16xf32, #tpu.memory_space<hbm>>
      %dma_wait3A_344 = arith.constant 0 : i32
      %dma_wait3A_345 = arith.constant 0 : i32
      %dma_wait3A_346 = tpu.memref_slice %dma_wait3A_343[%dma_wait3A_344, %dma_wait3A_345] : memref<100000x16xf32, #tpu.memory_space<hbm>> -> memref<400x16xf32, #tpu.memory_space<hbm>>
      %dma_wait3A_347 = arith.constant 200000 : i32
      %dma_wait3A_348 = arith.constant 0 : i32
      %dma_wait3A_349 = tpu.memref_slice %arg2[%dma_wait3A_347, %dma_wait3A_348] : memref<300000x16xf32, #tpu.memory_space<hbm>> -> memref<100000x16xf32, #tpu.memory_space<hbm>>
      %dma_wait3A_350 = arith.constant 0 : i32
      %dma_wait3A_351 = arith.constant 0 : i32
      %dma_wait3A_352 = tpu.memref_slice %dma_wait3A_349[%dma_wait3A_350, %dma_wait3A_351] : memref<100000x16xf32, #tpu.memory_space<hbm>> -> memref<400x16xf32, #tpu.memory_space<hbm>>
      tpu.wait_dma2 semaphore(%arg19 : memref<!tpu.dma_semaphore, #tpu.memory_space<semaphore_mem>>) src(%dma_wait3A_352 : memref<400x16xf32, #tpu.memory_space<hbm>>) dst(%arg11 : memref<400x16xf32, #tpu.memory_space<vmem>>)
      %scan3A_353 = arith.constant 0 : i32
      %scan3A_354 = arith.constant 0 : i32
      %scan3A_355 = arith.constant 25 : i32
      %scan3A_356 = arith.addi %scan3A_354, %scan3A_355 : i32
      %scan3A_357 = arith.constant 1 : i32
      %scan3A_358 = scf.for %scan3A_412 = %scan3A_354 to %scan3A_356 step %scan3A_357 iter_args(%scan3A_413 = %scan3A_353) -> (i32)  : i32 {
        %mul3A_414 = arith.constant 16 : i32
        %mul3A_415 = arith.muli %scan3A_412, %mul3A_414 : i32
        %get3A = arith.index_cast %mul3A_415 : i32 to index
        %get3A_416 = tpu.vector_load %arg10[%get3A] {strides = array<i32>} : memref<400xf32, #tpu.memory_space<vmem>>, vector<16xf32>,
        %get3A_417 = vector.shape_cast %get3A_416 : vector<16xf32> to vector<16xf32>
        %mul3A_418 = arith.constant 16 : i32
        %mul3A_419 = arith.muli %scan3A_412, %mul3A_418 : i32
        %add3A_420 = arith.constant 0 : i32
        %add3A_421 = arith.addi %mul3A_419, %add3A_420 : i32
        %get3A_422 = arith.index_cast %add3A_421 : i32 to index
        %get3A_423 = arith.constant 0 : index
        %get3A_424 = tpu.vector_load %arg11[%get3A_422, %get3A_423] {strides = array<i32>} : memref<400x16xf32, #tpu.memory_space<vmem>>, vector<1x16xf32>,
        %get3A_425 = vector.shape_cast %get3A_424 : vector<1x16xf32> to vector<16xf32>
        %slice3A = vector.extract_strided_slice %get3A_417 {offsets = [0], sizes = [1], strides = [1]} : vector<16xf32> to vector<1xf32>
        %squeeze3A = vector.extract %slice3A[0] : f32 from vector<1xf32>
        %mul3A_426 = vector.broadcast %squeeze3A : f32 to vector<16xf32>
        %mul3A_427 = arith.mulf %get3A_425, %mul3A_426 : vector<16xf32>
        %swap3A = arith.index_cast %add3A_421 : i32 to index
        %swap3A_428 = arith.constant 0 : index
        %swap3A_429 = tpu.vector_load %arg11[%swap3A, %swap3A_428] {strides = array<i32>} : memref<400x16xf32, #tpu.memory_space<vmem>>, vector<1x16xf32>,
        %swap3A_430 = vector.shape_cast %swap3A_429 : vector<1x16xf32> to vector<16xf32>
        %swap3A_431 = vector.shape_cast %mul3A_427 : vector<16xf32> to vector<1x16xf32>
        tpu.vector_store %arg11[%swap3A, %swap3A_428], %swap3A_431 {strides = array<i32>} : memref<400x16xf32, #tpu.memory_space<vmem>>, vector<1x16xf32>,
        %mul3A_432 = arith.constant 16 : i32
        %mul3A_433 = arith.muli %scan3A_412, %mul3A_432 : i32
        %add3A_434 = arith.constant 1 : i32
        %add3A_435 = arith.addi %mul3A_433, %add3A_434 : i32
        %get3A_436 = arith.index_cast %add3A_435 : i32 to index
        %get3A_437 = arith.constant 0 : index
        %get3A_438 = tpu.vector_load %arg11[%get3A_436, %get3A_437] {strides = array<i32>} : memref<400x16xf32, #tpu.memory_space<vmem>>, vector<1x16xf32>,
        %get3A_439 = vector.shape_cast %get3A_438 : vector<1x16xf32> to vector<16xf32>
        %slice3A_440 = vector.extract_strided_slice %get3A_417 {offsets = [1], sizes = [1], strides = [1]} : vector<16xf32> to vector<1xf32>
        %squeeze3A_441 = vector.extract %slice3A_440[0] : f32 from vector<1xf32>
        %mul3A_442 = vector.broadcast %squeeze3A_441 : f32 to vector<16xf32>
        %mul3A_443 = arith.mulf %get3A_439, %mul3A_442 : vector<16xf32>
        %swap3A_444 = arith.index_cast %add3A_435 : i32 to index
        %swap3A_445 = arith.constant 0 : index
        %swap3A_446 = tpu.vector_load %arg11[%swap3A_444, %swap3A_445] {strides = array<i32>} : memref<400x16xf32, #tpu.memory_space<vmem>>, vector<1x16xf32>,
        %swap3A_447 = vector.shape_cast %swap3A_446 : vector<1x16xf32> to vector<16xf32>
        %swap3A_448 = vector.shape_cast %mul3A_443 : vector<16xf32> to vector<1x16xf32>
        tpu.vector_store %arg11[%swap3A_444, %swap3A_445], %swap3A_448 {strides = array<i32>} : memref<400x16xf32, #tpu.memory_space<vmem>>, vector<1x16xf32>,
        %mul3A_449 = arith.constant 16 : i32
        %mul3A_450 = arith.muli %scan3A_412, %mul3A_449 : i32
        %add3A_451 = arith.constant 2 : i32
        %add3A_452 = arith.addi %mul3A_450, %add3A_451 : i32
        %get3A_453 = arith.index_cast %add3A_452 : i32 to index
        %get3A_454 = arith.constant 0 : index
        %get3A_455 = tpu.vector_load %arg11[%get3A_453, %get3A_454] {strides = array<i32>} : memref<400x16xf32, #tpu.memory_space<vmem>>, vector<1x16xf32>,
        %get3A_456 = vector.shape_cast %get3A_455 : vector<1x16xf32> to vector<16xf32>
        %slice3A_457 = vector.extract_strided_slice %get3A_417 {offsets = [2], sizes = [1], strides = [1]} : vector<16xf32> to vector<1xf32>
        %squeeze3A_458 = vector.extract %slice3A_457[0] : f32 from vector<1xf32>
        %mul3A_459 = vector.broadcast %squeeze3A_458 : f32 to vector<16xf32>
        %mul3A_460 = arith.mulf %get3A_456, %mul3A_459 : vector<16xf32>
        %swap3A_461 = arith.index_cast %add3A_452 : i32 to index
        %swap3A_462 = arith.constant 0 : index
        %swap3A_463 = tpu.vector_load %arg11[%swap3A_461, %swap3A_462] {strides = array<i32>} : memref<400x16xf32, #tpu.memory_space<vmem>>, vector<1x16xf32>,
        %swap3A_464 = vector.shape_cast %swap3A_463 : vector<1x16xf32> to vector<16xf32>
        %swap3A_465 = vector.shape_cast %mul3A_460 : vector<16xf32> to vector<1x16xf32>
        tpu.vector_store %arg11[%swap3A_461, %swap3A_462], %swap3A_465 {strides = array<i32>} : memref<400x16xf32, #tpu.memory_space<vmem>>, vector<1x16xf32>,
        %mul3A_466 = arith.constant 16 : i32
        %mul3A_467 = arith.muli %scan3A_412, %mul3A_466 : i32
        %add3A_468 = arith.constant 3 : i32
        %add3A_469 = arith.addi %mul3A_467, %add3A_468 : i32
        %get3A_470 = arith.index_cast %add3A_469 : i32 to index
        %get3A_471 = arith.constant 0 : index
        %get3A_472 = tpu.vector_load %arg11[%get3A_470, %get3A_471] {strides = array<i32>} : memref<400x16xf32, #tpu.memory_space<vmem>>, vector<1x16xf32>,
        %get3A_473 = vector.shape_cast %get3A_472 : vector<1x16xf32> to vector<16xf32>
        %slice3A_474 = vector.extract_strided_slice %get3A_417 {offsets = [3], sizes = [1], strides = [1]} : vector<16xf32> to vector<1xf32>
        %squeeze3A_475 = vector.extract %slice3A_474[0] : f32 from vector<1xf32>
        %mul3A_476 = vector.broadcast %squeeze3A_475 : f32 to vector<16xf32>
        %mul3A_477 = arith.mulf %get3A_473, %mul3A_476 : vector<16xf32>
        %swap3A_478 = arith.index_cast %add3A_469 : i32 to index
        %swap3A_479 = arith.constant 0 : index
        %swap3A_480 = tpu.vector_load %arg11[%swap3A_478, %swap3A_479] {strides = array<i32>} : memref<400x16xf32, #tpu.memory_space<vmem>>, vector<1x16xf32>,
        %swap3A_481 = vector.shape_cast %swap3A_480 : vector<1x16xf32> to vector<16xf32>
        %swap3A_482 = vector.shape_cast %mul3A_477 : vector<16xf32> to vector<1x16xf32>
        tpu.vector_store %arg11[%swap3A_478, %swap3A_479], %swap3A_482 {strides = array<i32>} : memref<400x16xf32, #tpu.memory_space<vmem>>, vector<1x16xf32>,
        %mul3A_483 = arith.constant 16 : i32
        %mul3A_484 = arith.muli %scan3A_412, %mul3A_483 : i32
        %add3A_485 = arith.constant 4 : i32
        %add3A_486 = arith.addi %mul3A_484, %add3A_485 : i32
        %get3A_487 = arith.index_cast %add3A_486 : i32 to index
        %get3A_488 = arith.constant 0 : index
        %get3A_489 = tpu.vector_load %arg11[%get3A_487, %get3A_488] {strides = array<i32>} : memref<400x16xf32, #tpu.memory_space<vmem>>, vector<1x16xf32>,
        %get3A_490 = vector.shape_cast %get3A_489 : vector<1x16xf32> to vector<16xf32>
        %slice3A_491 = vector.extract_strided_slice %get3A_417 {offsets = [4], sizes = [1], strides = [1]} : vector<16xf32> to vector<1xf32>
        %squeeze3A_492 = vector.extract %slice3A_491[0] : f32 from vector<1xf32>
        %mul3A_493 = vector.broadcast %squeeze3A_492 : f32 to vector<16xf32>
        %mul3A_494 = arith.mulf %get3A_490, %mul3A_493 : vector<16xf32>
        %swap3A_495 = arith.index_cast %add3A_486 : i32 to index
        %swap3A_496 = arith.constant 0 : index
        %swap3A_497 = tpu.vector_load %arg11[%swap3A_495, %swap3A_496] {strides = array<i32>} : memref<400x16xf32, #tpu.memory_space<vmem>>, vector<1x16xf32>,
        %swap3A_498 = vector.shape_cast %swap3A_497 : vector<1x16xf32> to vector<16xf32>
        %swap3A_499 = vector.shape_cast %mul3A_494 : vector<16xf32> to vector<1x16xf32>
        tpu.vector_store %arg11[%swap3A_495, %swap3A_496], %swap3A_499 {strides = array<i32>} : memref<400x16xf32, #tpu.memory_space<vmem>>, vector<1x16xf32>,
        %mul3A_500 = arith.constant 16 : i32
        %mul3A_501 = arith.muli %scan3A_412, %mul3A_500 : i32
        %add3A_502 = arith.constant 5 : i32
        %add3A_503 = arith.addi %mul3A_501, %add3A_502 : i32
        %get3A_504 = arith.index_cast %add3A_503 : i32 to index
        %get3A_505 = arith.constant 0 : index
        %get3A_506 = tpu.vector_load %arg11[%get3A_504, %get3A_505] {strides = array<i32>} : memref<400x16xf32, #tpu.memory_space<vmem>>, vector<1x16xf32>,
        %get3A_507 = vector.shape_cast %get3A_506 : vector<1x16xf32> to vector<16xf32>
        %slice3A_508 = vector.extract_strided_slice %get3A_417 {offsets = [5], sizes = [1], strides = [1]} : vector<16xf32> to vector<1xf32>
        %squeeze3A_509 = vector.extract %slice3A_508[0] : f32 from vector<1xf32>
        %mul3A_510 = vector.broadcast %squeeze3A_509 : f32 to vector<16xf32>
        %mul3A_511 = arith.mulf %get3A_507, %mul3A_510 : vector<16xf32>
        %swap3A_512 = arith.index_cast %add3A_503 : i32 to index
        %swap3A_513 = arith.constant 0 : index
        %swap3A_514 = tpu.vector_load %arg11[%swap3A_512, %swap3A_513] {strides = array<i32>} : memref<400x16xf32, #tpu.memory_space<vmem>>, vector<1x16xf32>,
        %swap3A_515 = vector.shape_cast %swap3A_514 : vector<1x16xf32> to vector<16xf32>
        %swap3A_516 = vector.shape_cast %mul3A_511 : vector<16xf32> to vector<1x16xf32>
        tpu.vector_store %arg11[%swap3A_512, %swap3A_513], %swap3A_516 {strides = array<i32>} : memref<400x16xf32, #tpu.memory_space<vmem>>, vector<1x16xf32>,
        %mul3A_517 = arith.constant 16 : i32
        %mul3A_518 = arith.muli %scan3A_412, %mul3A_517 : i32
        %add3A_519 = arith.constant 6 : i32
        %add3A_520 = arith.addi %mul3A_518, %add3A_519 : i32
        %get3A_521 = arith.index_cast %add3A_520 : i32 to index
        %get3A_522 = arith.constant 0 : index
        %get3A_523 = tpu.vector_load %arg11[%get3A_521, %get3A_522] {strides = array<i32>} : memref<400x16xf32, #tpu.memory_space<vmem>>, vector<1x16xf32>,
        %get3A_524 = vector.shape_cast %get3A_523 : vector<1x16xf32> to vector<16xf32>
        %slice3A_525 = vector.extract_strided_slice %get3A_417 {offsets = [6], sizes = [1], strides = [1]} : vector<16xf32> to vector<1xf32>
        %squeeze3A_526 = vector.extract %slice3A_525[0] : f32 from vector<1xf32>
        %mul3A_527 = vector.broadcast %squeeze3A_526 : f32 to vector<16xf32>
        %mul3A_528 = arith.mulf %get3A_524, %mul3A_527 : vector<16xf32>
        %swap3A_529 = arith.index_cast %add3A_520 : i32 to index
        %swap3A_530 = arith.constant 0 : index
        %swap3A_531 = tpu.vector_load %arg11[%swap3A_529, %swap3A_530] {strides = array<i32>} : memref<400x16xf32, #tpu.memory_space<vmem>>, vector<1x16xf32>,
        %swap3A_532 = vector.shape_cast %swap3A_531 : vector<1x16xf32> to vector<16xf32>
        %swap3A_533 = vector.shape_cast %mul3A_528 : vector<16xf32> to vector<1x16xf32>
        tpu.vector_store %arg11[%swap3A_529, %swap3A_530], %swap3A_533 {strides = array<i32>} : memref<400x16xf32, #tpu.memory_space<vmem>>, vector<1x16xf32>,
        %mul3A_534 = arith.constant 16 : i32
        %mul3A_535 = arith.muli %scan3A_412, %mul3A_534 : i32
        %add3A_536 = arith.constant 7 : i32
        %add3A_537 = arith.addi %mul3A_535, %add3A_536 : i32
        %get3A_538 = arith.index_cast %add3A_537 : i32 to index
        %get3A_539 = arith.constant 0 : index
        %get3A_540 = tpu.vector_load %arg11[%get3A_538, %get3A_539] {strides = array<i32>} : memref<400x16xf32, #tpu.memory_space<vmem>>, vector<1x16xf32>,
        %get3A_541 = vector.shape_cast %get3A_540 : vector<1x16xf32> to vector<16xf32>
        %slice3A_542 = vector.extract_strided_slice %get3A_417 {offsets = [7], sizes = [1], strides = [1]} : vector<16xf32> to vector<1xf32>
        %squeeze3A_543 = vector.extract %slice3A_542[0] : f32 from vector<1xf32>
        %mul3A_544 = vector.broadcast %squeeze3A_543 : f32 to vector<16xf32>
        %mul3A_545 = arith.mulf %get3A_541, %mul3A_544 : vector<16xf32>
        %swap3A_546 = arith.index_cast %add3A_537 : i32 to index
        %swap3A_547 = arith.constant 0 : index
        %swap3A_548 = tpu.vector_load %arg11[%swap3A_546, %swap3A_547] {strides = array<i32>} : memref<400x16xf32, #tpu.memory_space<vmem>>, vector<1x16xf32>,
        %swap3A_549 = vector.shape_cast %swap3A_548 : vector<1x16xf32> to vector<16xf32>
        %swap3A_550 = vector.shape_cast %mul3A_545 : vector<16xf32> to vector<1x16xf32>
        tpu.vector_store %arg11[%swap3A_546, %swap3A_547], %swap3A_550 {strides = array<i32>} : memref<400x16xf32, #tpu.memory_space<vmem>>, vector<1x16xf32>,
        %mul3A_551 = arith.constant 16 : i32
        %mul3A_552 = arith.muli %scan3A_412, %mul3A_551 : i32
        %add3A_553 = arith.constant 8 : i32
        %add3A_554 = arith.addi %mul3A_552, %add3A_553 : i32
        %get3A_555 = arith.index_cast %add3A_554 : i32 to index
        %get3A_556 = arith.constant 0 : index
        %get3A_557 = tpu.vector_load %arg11[%get3A_555, %get3A_556] {strides = array<i32>} : memref<400x16xf32, #tpu.memory_space<vmem>>, vector<1x16xf32>,
        %get3A_558 = vector.shape_cast %get3A_557 : vector<1x16xf32> to vector<16xf32>
        %slice3A_559 = vector.extract_strided_slice %get3A_417 {offsets = [8], sizes = [1], strides = [1]} : vector<16xf32> to vector<1xf32>
        %squeeze3A_560 = vector.extract %slice3A_559[0] : f32 from vector<1xf32>
        %mul3A_561 = vector.broadcast %squeeze3A_560 : f32 to vector<16xf32>
        %mul3A_562 = arith.mulf %get3A_558, %mul3A_561 : vector<16xf32>
        %swap3A_563 = arith.index_cast %add3A_554 : i32 to index
        %swap3A_564 = arith.constant 0 : index
        %swap3A_565 = tpu.vector_load %arg11[%swap3A_563, %swap3A_564] {strides = array<i32>} : memref<400x16xf32, #tpu.memory_space<vmem>>, vector<1x16xf32>,
        %swap3A_566 = vector.shape_cast %swap3A_565 : vector<1x16xf32> to vector<16xf32>
        %swap3A_567 = vector.shape_cast %mul3A_562 : vector<16xf32> to vector<1x16xf32>
        tpu.vector_store %arg11[%swap3A_563, %swap3A_564], %swap3A_567 {strides = array<i32>} : memref<400x16xf32, #tpu.memory_space<vmem>>, vector<1x16xf32>,
        %mul3A_568 = arith.constant 16 : i32
        %mul3A_569 = arith.muli %scan3A_412, %mul3A_568 : i32
        %add3A_570 = arith.constant 9 : i32
        %add3A_571 = arith.addi %mul3A_569, %add3A_570 : i32
        %get3A_572 = arith.index_cast %add3A_571 : i32 to index
        %get3A_573 = arith.constant 0 : index
        %get3A_574 = tpu.vector_load %arg11[%get3A_572, %get3A_573] {strides = array<i32>} : memref<400x16xf32, #tpu.memory_space<vmem>>, vector<1x16xf32>,
        %get3A_575 = vector.shape_cast %get3A_574 : vector<1x16xf32> to vector<16xf32>
        %slice3A_576 = vector.extract_strided_slice %get3A_417 {offsets = [9], sizes = [1], strides = [1]} : vector<16xf32> to vector<1xf32>
        %squeeze3A_577 = vector.extract %slice3A_576[0] : f32 from vector<1xf32>
        %mul3A_578 = vector.broadcast %squeeze3A_577 : f32 to vector<16xf32>
        %mul3A_579 = arith.mulf %get3A_575, %mul3A_578 : vector<16xf32>
        %swap3A_580 = arith.index_cast %add3A_571 : i32 to index
        %swap3A_581 = arith.constant 0 : index
        %swap3A_582 = tpu.vector_load %arg11[%swap3A_580, %swap3A_581] {strides = array<i32>} : memref<400x16xf32, #tpu.memory_space<vmem>>, vector<1x16xf32>,
        %swap3A_583 = vector.shape_cast %swap3A_582 : vector<1x16xf32> to vector<16xf32>
        %swap3A_584 = vector.shape_cast %mul3A_579 : vector<16xf32> to vector<1x16xf32>
        tpu.vector_store %arg11[%swap3A_580, %swap3A_581], %swap3A_584 {strides = array<i32>} : memref<400x16xf32, #tpu.memory_space<vmem>>, vector<1x16xf32>,
        %mul3A_585 = arith.constant 16 : i32
        %mul3A_586 = arith.muli %scan3A_412, %mul3A_585 : i32
        %add3A_587 = arith.constant 10 : i32
        %add3A_588 = arith.addi %mul3A_586, %add3A_587 : i32
        %get3A_589 = arith.index_cast %add3A_588 : i32 to index
        %get3A_590 = arith.constant 0 : index
        %get3A_591 = tpu.vector_load %arg11[%get3A_589, %get3A_590] {strides = array<i32>} : memref<400x16xf32, #tpu.memory_space<vmem>>, vector<1x16xf32>,
        %get3A_592 = vector.shape_cast %get3A_591 : vector<1x16xf32> to vector<16xf32>
        %slice3A_593 = vector.extract_strided_slice %get3A_417 {offsets = [10], sizes = [1], strides = [1]} : vector<16xf32> to vector<1xf32>
        %squeeze3A_594 = vector.extract %slice3A_593[0] : f32 from vector<1xf32>
        %mul3A_595 = vector.broadcast %squeeze3A_594 : f32 to vector<16xf32>
        %mul3A_596 = arith.mulf %get3A_592, %mul3A_595 : vector<16xf32>
        %swap3A_597 = arith.index_cast %add3A_588 : i32 to index
        %swap3A_598 = arith.constant 0 : index
        %swap3A_599 = tpu.vector_load %arg11[%swap3A_597, %swap3A_598] {strides = array<i32>} : memref<400x16xf32, #tpu.memory_space<vmem>>, vector<1x16xf32>,
        %swap3A_600 = vector.shape_cast %swap3A_599 : vector<1x16xf32> to vector<16xf32>
        %swap3A_601 = vector.shape_cast %mul3A_596 : vector<16xf32> to vector<1x16xf32>
        tpu.vector_store %arg11[%swap3A_597, %swap3A_598], %swap3A_601 {strides = array<i32>} : memref<400x16xf32, #tpu.memory_space<vmem>>, vector<1x16xf32>,
        %mul3A_602 = arith.constant 16 : i32
        %mul3A_603 = arith.muli %scan3A_412, %mul3A_602 : i32
        %add3A_604 = arith.constant 11 : i32
        %add3A_605 = arith.addi %mul3A_603, %add3A_604 : i32
        %get3A_606 = arith.index_cast %add3A_605 : i32 to index
        %get3A_607 = arith.constant 0 : index
        %get3A_608 = tpu.vector_load %arg11[%get3A_606, %get3A_607] {strides = array<i32>} : memref<400x16xf32, #tpu.memory_space<vmem>>, vector<1x16xf32>,
        %get3A_609 = vector.shape_cast %get3A_608 : vector<1x16xf32> to vector<16xf32>
        %slice3A_610 = vector.extract_strided_slice %get3A_417 {offsets = [11], sizes = [1], strides = [1]} : vector<16xf32> to vector<1xf32>
        %squeeze3A_611 = vector.extract %slice3A_610[0] : f32 from vector<1xf32>
        %mul3A_612 = vector.broadcast %squeeze3A_611 : f32 to vector<16xf32>
        %mul3A_613 = arith.mulf %get3A_609, %mul3A_612 : vector<16xf32>
        %swap3A_614 = arith.index_cast %add3A_605 : i32 to index
        %swap3A_615 = arith.constant 0 : index
        %swap3A_616 = tpu.vector_load %arg11[%swap3A_614, %swap3A_615] {strides = array<i32>} : memref<400x16xf32, #tpu.memory_space<vmem>>, vector<1x16xf32>,
        %swap3A_617 = vector.shape_cast %swap3A_616 : vector<1x16xf32> to vector<16xf32>
        %swap3A_618 = vector.shape_cast %mul3A_613 : vector<16xf32> to vector<1x16xf32>
        tpu.vector_store %arg11[%swap3A_614, %swap3A_615], %swap3A_618 {strides = array<i32>} : memref<400x16xf32, #tpu.memory_space<vmem>>, vector<1x16xf32>,
        %mul3A_619 = arith.constant 16 : i32
        %mul3A_620 = arith.muli %scan3A_412, %mul3A_619 : i32
        %add3A_621 = arith.constant 12 : i32
        %add3A_622 = arith.addi %mul3A_620, %add3A_621 : i32
        %get3A_623 = arith.index_cast %add3A_622 : i32 to index
        %get3A_624 = arith.constant 0 : index
        %get3A_625 = tpu.vector_load %arg11[%get3A_623, %get3A_624] {strides = array<i32>} : memref<400x16xf32, #tpu.memory_space<vmem>>, vector<1x16xf32>,
        %get3A_626 = vector.shape_cast %get3A_625 : vector<1x16xf32> to vector<16xf32>
        %slice3A_627 = vector.extract_strided_slice %get3A_417 {offsets = [12], sizes = [1], strides = [1]} : vector<16xf32> to vector<1xf32>
        %squeeze3A_628 = vector.extract %slice3A_627[0] : f32 from vector<1xf32>
        %mul3A_629 = vector.broadcast %squeeze3A_628 : f32 to vector<16xf32>
        %mul3A_630 = arith.mulf %get3A_626, %mul3A_629 : vector<16xf32>
        %swap3A_631 = arith.index_cast %add3A_622 : i32 to index
        %swap3A_632 = arith.constant 0 : index
        %swap3A_633 = tpu.vector_load %arg11[%swap3A_631, %swap3A_632] {strides = array<i32>} : memref<400x16xf32, #tpu.memory_space<vmem>>, vector<1x16xf32>,
        %swap3A_634 = vector.shape_cast %swap3A_633 : vector<1x16xf32> to vector<16xf32>
        %swap3A_635 = vector.shape_cast %mul3A_630 : vector<16xf32> to vector<1x16xf32>
        tpu.vector_store %arg11[%swap3A_631, %swap3A_632], %swap3A_635 {strides = array<i32>} : memref<400x16xf32, #tpu.memory_space<vmem>>, vector<1x16xf32>,
        %mul3A_636 = arith.constant 16 : i32
        %mul3A_637 = arith.muli %scan3A_412, %mul3A_636 : i32
        %add3A_638 = arith.constant 13 : i32
        %add3A_639 = arith.addi %mul3A_637, %add3A_638 : i32
        %get3A_640 = arith.index_cast %add3A_639 : i32 to index
        %get3A_641 = arith.constant 0 : index
        %get3A_642 = tpu.vector_load %arg11[%get3A_640, %get3A_641] {strides = array<i32>} : memref<400x16xf32, #tpu.memory_space<vmem>>, vector<1x16xf32>,
        %get3A_643 = vector.shape_cast %get3A_642 : vector<1x16xf32> to vector<16xf32>
        %slice3A_644 = vector.extract_strided_slice %get3A_417 {offsets = [13], sizes = [1], strides = [1]} : vector<16xf32> to vector<1xf32>
        %squeeze3A_645 = vector.extract %slice3A_644[0] : f32 from vector<1xf32>
        %mul3A_646 = vector.broadcast %squeeze3A_645 : f32 to vector<16xf32>
        %mul3A_647 = arith.mulf %get3A_643, %mul3A_646 : vector<16xf32>
        %swap3A_648 = arith.index_cast %add3A_639 : i32 to index
        %swap3A_649 = arith.constant 0 : index
        %swap3A_650 = tpu.vector_load %arg11[%swap3A_648, %swap3A_649] {strides = array<i32>} : memref<400x16xf32, #tpu.memory_space<vmem>>, vector<1x16xf32>,
        %swap3A_651 = vector.shape_cast %swap3A_650 : vector<1x16xf32> to vector<16xf32>
        %swap3A_652 = vector.shape_cast %mul3A_647 : vector<16xf32> to vector<1x16xf32>
        tpu.vector_store %arg11[%swap3A_648, %swap3A_649], %swap3A_652 {strides = array<i32>} : memref<400x16xf32, #tpu.memory_space<vmem>>, vector<1x16xf32>,
        %mul3A_653 = arith.constant 16 : i32
        %mul3A_654 = arith.muli %scan3A_412, %mul3A_653 : i32
        %add3A_655 = arith.constant 14 : i32
        %add3A_656 = arith.addi %mul3A_654, %add3A_655 : i32
        %get3A_657 = arith.index_cast %add3A_656 : i32 to index
        %get3A_658 = arith.constant 0 : index
        %get3A_659 = tpu.vector_load %arg11[%get3A_657, %get3A_658] {strides = array<i32>} : memref<400x16xf32, #tpu.memory_space<vmem>>, vector<1x16xf32>,
        %get3A_660 = vector.shape_cast %get3A_659 : vector<1x16xf32> to vector<16xf32>
        %slice3A_661 = vector.extract_strided_slice %get3A_417 {offsets = [14], sizes = [1], strides = [1]} : vector<16xf32> to vector<1xf32>
        %squeeze3A_662 = vector.extract %slice3A_661[0] : f32 from vector<1xf32>
        %mul3A_663 = vector.broadcast %squeeze3A_662 : f32 to vector<16xf32>
        %mul3A_664 = arith.mulf %get3A_660, %mul3A_663 : vector<16xf32>
        %swap3A_665 = arith.index_cast %add3A_656 : i32 to index
        %swap3A_666 = arith.constant 0 : index
        %swap3A_667 = tpu.vector_load %arg11[%swap3A_665, %swap3A_666] {strides = array<i32>} : memref<400x16xf32, #tpu.memory_space<vmem>>, vector<1x16xf32>,
        %swap3A_668 = vector.shape_cast %swap3A_667 : vector<1x16xf32> to vector<16xf32>
        %swap3A_669 = vector.shape_cast %mul3A_664 : vector<16xf32> to vector<1x16xf32>
        tpu.vector_store %arg11[%swap3A_665, %swap3A_666], %swap3A_669 {strides = array<i32>} : memref<400x16xf32, #tpu.memory_space<vmem>>, vector<1x16xf32>,
        %mul3A_670 = arith.constant 16 : i32
        %mul3A_671 = arith.muli %scan3A_412, %mul3A_670 : i32
        %add3A_672 = arith.constant 15 : i32
        %add3A_673 = arith.addi %mul3A_671, %add3A_672 : i32
        %get3A_674 = arith.index_cast %add3A_673 : i32 to index
        %get3A_675 = arith.constant 0 : index
        %get3A_676 = tpu.vector_load %arg11[%get3A_674, %get3A_675] {strides = array<i32>} : memref<400x16xf32, #tpu.memory_space<vmem>>, vector<1x16xf32>,
        %get3A_677 = vector.shape_cast %get3A_676 : vector<1x16xf32> to vector<16xf32>
        %slice3A_678 = vector.extract_strided_slice %get3A_417 {offsets = [15], sizes = [1], strides = [1]} : vector<16xf32> to vector<1xf32>
        %squeeze3A_679 = vector.extract %slice3A_678[0] : f32 from vector<1xf32>
        %mul3A_680 = vector.broadcast %squeeze3A_679 : f32 to vector<16xf32>
        %mul3A_681 = arith.mulf %get3A_677, %mul3A_680 : vector<16xf32>
        %swap3A_682 = arith.index_cast %add3A_673 : i32 to index
        %swap3A_683 = arith.constant 0 : index
        %swap3A_684 = tpu.vector_load %arg11[%swap3A_682, %swap3A_683] {strides = array<i32>} : memref<400x16xf32, #tpu.memory_space<vmem>>, vector<1x16xf32>,
        %swap3A_685 = vector.shape_cast %swap3A_684 : vector<1x16xf32> to vector<16xf32>
        %swap3A_686 = vector.shape_cast %mul3A_681 : vector<16xf32> to vector<1x16xf32>
        tpu.vector_store %arg11[%swap3A_682, %swap3A_683], %swap3A_686 {strides = array<i32>} : memref<400x16xf32, #tpu.memory_space<vmem>>, vector<1x16xf32>,
        %scan3A_687 = arith.constant 0 : i32
        scf.yield %scan3A_687 : i32
      }
      %scan3A_359 = arith.constant 25 : i32
      %dma_start3A_360 = arith.constant 0 : i32
      %dma_start3A_361 = arith.constant 0 : i32
      %dma_start3A_362 = tpu.memref_slice %arg7[%dma_start3A_360, %dma_start3A_361] : memref<100352x16xf32, #tpu.memory_space<vmem_shared>> -> memref<100352x16xf32, #tpu.memory_space<vmem_shared>>
      tpu.enqueue_indirect_dma source(%arg11 : memref<400x16xf32, #tpu.memory_space<vmem>>) target(%dma_start3A_362 : memref<100352x16xf32, #tpu.memory_space<vmem_shared>>) offsets(%arg9 : memref<400xi32, #tpu.memory_space<vmem>>) semaphore(%arg21 : memref<!tpu.dma_semaphore, #tpu.memory_space<semaphore_mem>>) {add = true}
      %mul3A_363 = arith.constant 2 : i32
      %mul3A_364 = arith.muli %mul3A_363, %scan3A_314 : i32
      %add3A_365 = arith.constant 2 : i32
      %add3A_366 = arith.addi %mul3A_364, %add3A_365 : i32
      %lt3A = arith.constant 125 : i32
      %lt3A_367 = arith.cmpi slt, %add3A_366, %lt3A : i32
      %convert_element_type3A_368 = arith.extui %lt3A_367 : i1 to i32
      %cond3A_369 = arith.constant 0 : i32
      %cond3A_370 = arith.cmpi ne, %convert_element_type3A_368, %cond3A_369 : i32
      scf.if %cond3A_370 {
        %add3A_412 = arith.constant 800 : i32
        %add3A_413 = arith.addi %add3A_320, %add3A_412 : i32
        %dma_start3A_414 = tpu.memref_slice %arg3[%add3A_413] : memref<1600000xi32, #tpu.memory_space<hbm>> -> memref<400xi32, #tpu.memory_space<hbm>>
        %dma_start3A_415 = tpu.memref_slice %arg3[%add3A_413] : memref<1600000xi32, #tpu.memory_space<hbm>> -> memref<400xi32, #tpu.memory_space<hbm>>
        tpu.enqueue_dma source(%dma_start3A_415 : memref<400xi32, #tpu.memory_space<hbm>>) target(%arg8 : memref<400xi32, #tpu.memory_space<vmem>>) target_semaphore(%arg17 : memref<!tpu.dma_semaphore, #tpu.memory_space<semaphore_mem>>)
        %dma_start3A_416 = tpu.memref_slice %arg4[%add3A_413] : memref<1600000xi32, #tpu.memory_space<hbm>> -> memref<400xi32, #tpu.memory_space<hbm>>
        %dma_start3A_417 = tpu.memref_slice %arg4[%add3A_413] : memref<1600000xi32, #tpu.memory_space<hbm>> -> memref<400xi32, #tpu.memory_space<hbm>>
        tpu.enqueue_dma source(%dma_start3A_417 : memref<400xi32, #tpu.memory_space<hbm>>) target(%arg9 : memref<400xi32, #tpu.memory_space<vmem>>) target_semaphore(%arg17 : memref<!tpu.dma_semaphore, #tpu.memory_space<semaphore_mem>>)
        %dma_start3A_418 = tpu.memref_slice %arg5[%add3A_413] : memref<1600000xf32, #tpu.memory_space<hbm>> -> memref<400xf32, #tpu.memory_space<hbm>>
        %dma_start3A_419 = tpu.memref_slice %arg5[%add3A_413] : memref<1600000xf32, #tpu.memory_space<hbm>> -> memref<400xf32, #tpu.memory_space<hbm>>
        tpu.enqueue_dma source(%dma_start3A_419 : memref<400xf32, #tpu.memory_space<hbm>>) target(%arg10 : memref<400xf32, #tpu.memory_space<vmem>>) target_semaphore(%arg17 : memref<!tpu.dma_semaphore, #tpu.memory_space<semaphore_mem>>)
      } else {
      }
      %mul3A_371 = arith.constant 2 : i32
      %mul3A_372 = arith.muli %mul3A_371, %scan3A_314 : i32
      %add3A_373 = arith.constant 2 : i32
      %add3A_374 = arith.addi %mul3A_372, %add3A_373 : i32
      %lt3A_375 = arith.constant 125 : i32
      %lt3A_376 = arith.cmpi slt, %add3A_374, %lt3A_375 : i32
      %convert_element_type3A_377 = arith.extui %lt3A_376 : i1 to i32
      %cond3A_378 = arith.constant 0 : i32
      %cond3A_379 = arith.cmpi ne, %convert_element_type3A_377, %cond3A_378 : i32
      scf.if %cond3A_379 {
        %dma_wait3A_412 = arith.constant 0 : i32
        %dma_wait3A_413 = tpu.memref_slice %arg3[%dma_wait3A_412] : memref<1600000xi32, #tpu.memory_space<hbm>> -> memref<400xi32, #tpu.memory_space<hbm>>
        %dma_wait3A_414 = arith.constant 0 : i32
        %dma_wait3A_415 = tpu.memref_slice %arg3[%dma_wait3A_414] : memref<1600000xi32, #tpu.memory_space<hbm>> -> memref<400xi32, #tpu.memory_space<hbm>>
        tpu.wait_dma2 semaphore(%arg17 : memref<!tpu.dma_semaphore, #tpu.memory_space<semaphore_mem>>) src(%dma_wait3A_415 : memref<400xi32, #tpu.memory_space<hbm>>) dst(%arg8 : memref<400xi32, #tpu.memory_space<vmem>>)
        %dma_wait3A_416 = arith.constant 0 : i32
        %dma_wait3A_417 = tpu.memref_slice %arg4[%dma_wait3A_416] : memref<1600000xi32, #tpu.memory_space<hbm>> -> memref<400xi32, #tpu.memory_space<hbm>>
        %dma_wait3A_418 = arith.constant 0 : i32
        %dma_wait3A_419 = tpu.memref_slice %arg4[%dma_wait3A_418] : memref<1600000xi32, #tpu.memory_space<hbm>> -> memref<400xi32, #tpu.memory_space<hbm>>
        tpu.wait_dma2 semaphore(%arg17 : memref<!tpu.dma_semaphore, #tpu.memory_space<semaphore_mem>>) src(%dma_wait3A_419 : memref<400xi32, #tpu.memory_space<hbm>>) dst(%arg9 : memref<400xi32, #tpu.memory_space<vmem>>)
        %dma_wait3A_420 = arith.constant 0 : i32
        %dma_wait3A_421 = tpu.memref_slice %arg5[%dma_wait3A_420] : memref<1600000xf32, #tpu.memory_space<hbm>> -> memref<400xf32, #tpu.memory_space<hbm>>
        %dma_wait3A_422 = arith.constant 0 : i32
        %dma_wait3A_423 = tpu.memref_slice %arg5[%dma_wait3A_422] : memref<1600000xf32, #tpu.memory_space<hbm>> -> memref<400xf32, #tpu.memory_space<hbm>>
        tpu.wait_dma2 semaphore(%arg17 : memref<!tpu.dma_semaphore, #tpu.memory_space<semaphore_mem>>) src(%dma_wait3A_423 : memref<400xf32, #tpu.memory_space<hbm>>) dst(%arg10 : memref<400xf32, #tpu.memory_space<vmem>>)
        %dma_wait3A_424 = arith.constant 200000 : i32
        %dma_wait3A_425 = arith.constant 0 : i32
        %dma_wait3A_426 = tpu.memref_slice %arg2[%dma_wait3A_424, %dma_wait3A_425] : memref<300000x16xf32, #tpu.memory_space<hbm>> -> memref<100000x16xf32, #tpu.memory_space<hbm>>
        %dma_wait3A_427 = arith.constant 0 : i32
        %dma_wait3A_428 = arith.constant 0 : i32
        %dma_wait3A_429 = tpu.memref_slice %dma_wait3A_426[%dma_wait3A_427, %dma_wait3A_428] : memref<100000x16xf32, #tpu.memory_space<hbm>> -> memref<400x16xf32, #tpu.memory_space<hbm>>
        %dma_wait3A_430 = arith.constant 200000 : i32
        %dma_wait3A_431 = arith.constant 0 : i32
        %dma_wait3A_432 = tpu.memref_slice %arg2[%dma_wait3A_430, %dma_wait3A_431] : memref<300000x16xf32, #tpu.memory_space<hbm>> -> memref<100000x16xf32, #tpu.memory_space<hbm>>
        %dma_wait3A_433 = arith.constant 0 : i32
        %dma_wait3A_434 = arith.constant 0 : i32
        %dma_wait3A_435 = tpu.memref_slice %dma_wait3A_432[%dma_wait3A_433, %dma_wait3A_434] : memref<100000x16xf32, #tpu.memory_space<hbm>> -> memref<400x16xf32, #tpu.memory_space<hbm>>
        tpu.wait_dma2 semaphore(%arg21 : memref<!tpu.dma_semaphore, #tpu.memory_space<semaphore_mem>>) src(%dma_wait3A_435 : memref<400x16xf32, #tpu.memory_space<hbm>>) dst(%arg11 : memref<400x16xf32, #tpu.memory_space<vmem>>)
        %dma_start3A_436 = arith.constant 200000 : i32
        %dma_start3A_437 = arith.constant 0 : i32
        %dma_start3A_438 = tpu.memref_slice %arg2[%dma_start3A_436, %dma_start3A_437] : memref<300000x16xf32, #tpu.memory_space<hbm>> -> memref<100000x16xf32, #tpu.memory_space<hbm>>
        %dma_start3A_439 = arith.constant 0 : i32
        %dma_start3A_440 = arith.constant 0 : i32
        %dma_start3A_441 = tpu.memref_slice %dma_start3A_438[%dma_start3A_439, %dma_start3A_440] : memref<100000x16xf32, #tpu.memory_space<hbm>> -> memref<100000x16xf32, #tpu.memory_space<hbm>>
        tpu.enqueue_indirect_dma source(%dma_start3A_441 : memref<100000x16xf32, #tpu.memory_space<hbm>>) target(%arg11 : memref<400x16xf32, #tpu.memory_space<vmem>>) offsets(%arg8 : memref<400xi32, #tpu.memory_space<vmem>>) semaphore(%arg19 : memref<!tpu.dma_semaphore, #tpu.memory_space<semaphore_mem>>)
      } else {
      }
      %dma_wait3A_380 = arith.constant 200000 : i32
      %dma_wait3A_381 = arith.constant 0 : i32
      %dma_wait3A_382 = tpu.memref_slice %arg2[%dma_wait3A_380, %dma_wait3A_381] : memref<300000x16xf32, #tpu.memory_space<hbm>> -> memref<100000x16xf32, #tpu.memory_space<hbm>>
      %dma_wait3A_383 = arith.constant 0 : i32
      %dma_wait3A_384 = arith.constant 0 : i32
      %dma_wait3A_385 = tpu.memref_slice %dma_wait3A_382[%dma_wait3A_383, %dma_wait3A_384] : memref<100000x16xf32, #tpu.memory_space<hbm>> -> memref<400x16xf32, #tpu.memory_space<hbm>>
      %dma_wait3A_386 = arith.constant 200000 : i32
      %dma_wait3A_387 = arith.constant 0 : i32
      %dma_wait3A_388 = tpu.memref_slice %arg2[%dma_wait3A_386, %dma_wait3A_387] : memref<300000x16xf32, #tpu.memory_space<hbm>> -> memref<100000x16xf32, #tpu.memory_space<hbm>>
      %dma_wait3A_389 = arith.constant 0 : i32
      %dma_wait3A_390 = arith.constant 0 : i32
      %dma_wait3A_391 = tpu.memref_slice %dma_wait3A_388[%dma_wait3A_389, %dma_wait3A_390] : memref<100000x16xf32, #tpu.memory_space<hbm>> -> memref<400x16xf32, #tpu.memory_space<hbm>>
      tpu.wait_dma2 semaphore(%arg20 : memref<!tpu.dma_semaphore, #tpu.memory_space<semaphore_mem>>) src(%dma_wait3A_391 : memref<400x16xf32, #tpu.memory_space<hbm>>) dst(%arg15 : memref<400x16xf32, #tpu.memory_space<vmem>>)
      %scan3A_392 = arith.constant 0 : i32
      %scan3A_393 = arith.constant 0 : i32
      %scan3A_394 = arith.constant 25 : i32
      %scan3A_395 = arith.addi %scan3A_393, %scan3A_394 : i32
      %scan3A_396 = arith.constant 1 : i32
      %scan3A_397 = scf.for %scan3A_412 = %scan3A_393 to %scan3A_395 step %scan3A_396 iter_args(%scan3A_413 = %scan3A_392) -> (i32)  : i32 {
        %mul3A_414 = arith.constant 16 : i32
        %mul3A_415 = arith.muli %scan3A_412, %mul3A_414 : i32
        %get3A = arith.index_cast %mul3A_415 : i32 to index
        %get3A_416 = tpu.vector_load %arg14[%get3A] {strides = array<i32>} : memref<400xf32, #tpu.memory_space<vmem>>, vector<16xf32>,
        %get3A_417 = vector.shape_cast %get3A_416 : vector<16xf32> to vector<16xf32>
        %mul3A_418 = arith.constant 16 : i32
        %mul3A_419 = arith.muli %scan3A_412, %mul3A_418 : i32
        %add3A_420 = arith.constant 0 : i32
        %add3A_421 = arith.addi %mul3A_419, %add3A_420 : i32
        %get3A_422 = arith.index_cast %add3A_421 : i32 to index
        %get3A_423 = arith.constant 0 : index
        %get3A_424 = tpu.vector_load %arg15[%get3A_422, %get3A_423] {strides = array<i32>} : memref<400x16xf32, #tpu.memory_space<vmem>>, vector<1x16xf32>,
        %get3A_425 = vector.shape_cast %get3A_424 : vector<1x16xf32> to vector<16xf32>
        %slice3A = vector.extract_strided_slice %get3A_417 {offsets = [0], sizes = [1], strides = [1]} : vector<16xf32> to vector<1xf32>
        %squeeze3A = vector.extract %slice3A[0] : f32 from vector<1xf32>
        %mul3A_426 = vector.broadcast %squeeze3A : f32 to vector<16xf32>
        %mul3A_427 = arith.mulf %get3A_425, %mul3A_426 : vector<16xf32>
        %swap3A = arith.index_cast %add3A_421 : i32 to index
        %swap3A_428 = arith.constant 0 : index
        %swap3A_429 = tpu.vector_load %arg15[%swap3A, %swap3A_428] {strides = array<i32>} : memref<400x16xf32, #tpu.memory_space<vmem>>, vector<1x16xf32>,
        %swap3A_430 = vector.shape_cast %swap3A_429 : vector<1x16xf32> to vector<16xf32>
        %swap3A_431 = vector.shape_cast %mul3A_427 : vector<16xf32> to vector<1x16xf32>
        tpu.vector_store %arg15[%swap3A, %swap3A_428], %swap3A_431 {strides = array<i32>} : memref<400x16xf32, #tpu.memory_space<vmem>>, vector<1x16xf32>,
        %mul3A_432 = arith.constant 16 : i32
        %mul3A_433 = arith.muli %scan3A_412, %mul3A_432 : i32
        %add3A_434 = arith.constant 1 : i32
        %add3A_435 = arith.addi %mul3A_433, %add3A_434 : i32
        %get3A_436 = arith.index_cast %add3A_435 : i32 to index
        %get3A_437 = arith.constant 0 : index
        %get3A_438 = tpu.vector_load %arg15[%get3A_436, %get3A_437] {strides = array<i32>} : memref<400x16xf32, #tpu.memory_space<vmem>>, vector<1x16xf32>,
        %get3A_439 = vector.shape_cast %get3A_438 : vector<1x16xf32> to vector<16xf32>
        %slice3A_440 = vector.extract_strided_slice %get3A_417 {offsets = [1], sizes = [1], strides = [1]} : vector<16xf32> to vector<1xf32>
        %squeeze3A_441 = vector.extract %slice3A_440[0] : f32 from vector<1xf32>
        %mul3A_442 = vector.broadcast %squeeze3A_441 : f32 to vector<16xf32>
        %mul3A_443 = arith.mulf %get3A_439, %mul3A_442 : vector<16xf32>
        %swap3A_444 = arith.index_cast %add3A_435 : i32 to index
        %swap3A_445 = arith.constant 0 : index
        %swap3A_446 = tpu.vector_load %arg15[%swap3A_444, %swap3A_445] {strides = array<i32>} : memref<400x16xf32, #tpu.memory_space<vmem>>, vector<1x16xf32>,
        %swap3A_447 = vector.shape_cast %swap3A_446 : vector<1x16xf32> to vector<16xf32>
        %swap3A_448 = vector.shape_cast %mul3A_443 : vector<16xf32> to vector<1x16xf32>
        tpu.vector_store %arg15[%swap3A_444, %swap3A_445], %swap3A_448 {strides = array<i32>} : memref<400x16xf32, #tpu.memory_space<vmem>>, vector<1x16xf32>,
        %mul3A_449 = arith.constant 16 : i32
        %mul3A_450 = arith.muli %scan3A_412, %mul3A_449 : i32
        %add3A_451 = arith.constant 2 : i32
        %add3A_452 = arith.addi %mul3A_450, %add3A_451 : i32
        %get3A_453 = arith.index_cast %add3A_452 : i32 to index
        %get3A_454 = arith.constant 0 : index
        %get3A_455 = tpu.vector_load %arg15[%get3A_453, %get3A_454] {strides = array<i32>} : memref<400x16xf32, #tpu.memory_space<vmem>>, vector<1x16xf32>,
        %get3A_456 = vector.shape_cast %get3A_455 : vector<1x16xf32> to vector<16xf32>
        %slice3A_457 = vector.extract_strided_slice %get3A_417 {offsets = [2], sizes = [1], strides = [1]} : vector<16xf32> to vector<1xf32>
        %squeeze3A_458 = vector.extract %slice3A_457[0] : f32 from vector<1xf32>
        %mul3A_459 = vector.broadcast %squeeze3A_458 : f32 to vector<16xf32>
        %mul3A_460 = arith.mulf %get3A_456, %mul3A_459 : vector<16xf32>
        %swap3A_461 = arith.index_cast %add3A_452 : i32 to index
        %swap3A_462 = arith.constant 0 : index
        %swap3A_463 = tpu.vector_load %arg15[%swap3A_461, %swap3A_462] {strides = array<i32>} : memref<400x16xf32, #tpu.memory_space<vmem>>, vector<1x16xf32>,
        %swap3A_464 = vector.shape_cast %swap3A_463 : vector<1x16xf32> to vector<16xf32>
        %swap3A_465 = vector.shape_cast %mul3A_460 : vector<16xf32> to vector<1x16xf32>
        tpu.vector_store %arg15[%swap3A_461, %swap3A_462], %swap3A_465 {strides = array<i32>} : memref<400x16xf32, #tpu.memory_space<vmem>>, vector<1x16xf32>,
        %mul3A_466 = arith.constant 16 : i32
        %mul3A_467 = arith.muli %scan3A_412, %mul3A_466 : i32
        %add3A_468 = arith.constant 3 : i32
        %add3A_469 = arith.addi %mul3A_467, %add3A_468 : i32
        %get3A_470 = arith.index_cast %add3A_469 : i32 to index
        %get3A_471 = arith.constant 0 : index
        %get3A_472 = tpu.vector_load %arg15[%get3A_470, %get3A_471] {strides = array<i32>} : memref<400x16xf32, #tpu.memory_space<vmem>>, vector<1x16xf32>,
        %get3A_473 = vector.shape_cast %get3A_472 : vector<1x16xf32> to vector<16xf32>
        %slice3A_474 = vector.extract_strided_slice %get3A_417 {offsets = [3], sizes = [1], strides = [1]} : vector<16xf32> to vector<1xf32>
        %squeeze3A_475 = vector.extract %slice3A_474[0] : f32 from vector<1xf32>
        %mul3A_476 = vector.broadcast %squeeze3A_475 : f32 to vector<16xf32>
        %mul3A_477 = arith.mulf %get3A_473, %mul3A_476 : vector<16xf32>
        %swap3A_478 = arith.index_cast %add3A_469 : i32 to index
        %swap3A_479 = arith.constant 0 : index
        %swap3A_480 = tpu.vector_load %arg15[%swap3A_478, %swap3A_479] {strides = array<i32>} : memref<400x16xf32, #tpu.memory_space<vmem>>, vector<1x16xf32>,
        %swap3A_481 = vector.shape_cast %swap3A_480 : vector<1x16xf32> to vector<16xf32>
        %swap3A_482 = vector.shape_cast %mul3A_477 : vector<16xf32> to vector<1x16xf32>
        tpu.vector_store %arg15[%swap3A_478, %swap3A_479], %swap3A_482 {strides = array<i32>} : memref<400x16xf32, #tpu.memory_space<vmem>>, vector<1x16xf32>,
        %mul3A_483 = arith.constant 16 : i32
        %mul3A_484 = arith.muli %scan3A_412, %mul3A_483 : i32
        %add3A_485 = arith.constant 4 : i32
        %add3A_486 = arith.addi %mul3A_484, %add3A_485 : i32
        %get3A_487 = arith.index_cast %add3A_486 : i32 to index
        %get3A_488 = arith.constant 0 : index
        %get3A_489 = tpu.vector_load %arg15[%get3A_487, %get3A_488] {strides = array<i32>} : memref<400x16xf32, #tpu.memory_space<vmem>>, vector<1x16xf32>,
        %get3A_490 = vector.shape_cast %get3A_489 : vector<1x16xf32> to vector<16xf32>
        %slice3A_491 = vector.extract_strided_slice %get3A_417 {offsets = [4], sizes = [1], strides = [1]} : vector<16xf32> to vector<1xf32>
        %squeeze3A_492 = vector.extract %slice3A_491[0] : f32 from vector<1xf32>
        %mul3A_493 = vector.broadcast %squeeze3A_492 : f32 to vector<16xf32>
        %mul3A_494 = arith.mulf %get3A_490, %mul3A_493 : vector<16xf32>
        %swap3A_495 = arith.index_cast %add3A_486 : i32 to index
        %swap3A_496 = arith.constant 0 : index
        %swap3A_497 = tpu.vector_load %arg15[%swap3A_495, %swap3A_496] {strides = array<i32>} : memref<400x16xf32, #tpu.memory_space<vmem>>, vector<1x16xf32>,
        %swap3A_498 = vector.shape_cast %swap3A_497 : vector<1x16xf32> to vector<16xf32>
        %swap3A_499 = vector.shape_cast %mul3A_494 : vector<16xf32> to vector<1x16xf32>
        tpu.vector_store %arg15[%swap3A_495, %swap3A_496], %swap3A_499 {strides = array<i32>} : memref<400x16xf32, #tpu.memory_space<vmem>>, vector<1x16xf32>,
        %mul3A_500 = arith.constant 16 : i32
        %mul3A_501 = arith.muli %scan3A_412, %mul3A_500 : i32
        %add3A_502 = arith.constant 5 : i32
        %add3A_503 = arith.addi %mul3A_501, %add3A_502 : i32
        %get3A_504 = arith.index_cast %add3A_503 : i32 to index
        %get3A_505 = arith.constant 0 : index
        %get3A_506 = tpu.vector_load %arg15[%get3A_504, %get3A_505] {strides = array<i32>} : memref<400x16xf32, #tpu.memory_space<vmem>>, vector<1x16xf32>,
        %get3A_507 = vector.shape_cast %get3A_506 : vector<1x16xf32> to vector<16xf32>
        %slice3A_508 = vector.extract_strided_slice %get3A_417 {offsets = [5], sizes = [1], strides = [1]} : vector<16xf32> to vector<1xf32>
        %squeeze3A_509 = vector.extract %slice3A_508[0] : f32 from vector<1xf32>
        %mul3A_510 = vector.broadcast %squeeze3A_509 : f32 to vector<16xf32>
        %mul3A_511 = arith.mulf %get3A_507, %mul3A_510 : vector<16xf32>
        %swap3A_512 = arith.index_cast %add3A_503 : i32 to index
        %swap3A_513 = arith.constant 0 : index
        %swap3A_514 = tpu.vector_load %arg15[%swap3A_512, %swap3A_513] {strides = array<i32>} : memref<400x16xf32, #tpu.memory_space<vmem>>, vector<1x16xf32>,
        %swap3A_515 = vector.shape_cast %swap3A_514 : vector<1x16xf32> to vector<16xf32>
        %swap3A_516 = vector.shape_cast %mul3A_511 : vector<16xf32> to vector<1x16xf32>
        tpu.vector_store %arg15[%swap3A_512, %swap3A_513], %swap3A_516 {strides = array<i32>} : memref<400x16xf32, #tpu.memory_space<vmem>>, vector<1x16xf32>,
        %mul3A_517 = arith.constant 16 : i32
        %mul3A_518 = arith.muli %scan3A_412, %mul3A_517 : i32
        %add3A_519 = arith.constant 6 : i32
        %add3A_520 = arith.addi %mul3A_518, %add3A_519 : i32
        %get3A_521 = arith.index_cast %add3A_520 : i32 to index
        %get3A_522 = arith.constant 0 : index
        %get3A_523 = tpu.vector_load %arg15[%get3A_521, %get3A_522] {strides = array<i32>} : memref<400x16xf32, #tpu.memory_space<vmem>>, vector<1x16xf32>,
        %get3A_524 = vector.shape_cast %get3A_523 : vector<1x16xf32> to vector<16xf32>
        %slice3A_525 = vector.extract_strided_slice %get3A_417 {offsets = [6], sizes = [1], strides = [1]} : vector<16xf32> to vector<1xf32>
        %squeeze3A_526 = vector.extract %slice3A_525[0] : f32 from vector<1xf32>
        %mul3A_527 = vector.broadcast %squeeze3A_526 : f32 to vector<16xf32>
        %mul3A_528 = arith.mulf %get3A_524, %mul3A_527 : vector<16xf32>
        %swap3A_529 = arith.index_cast %add3A_520 : i32 to index
        %swap3A_530 = arith.constant 0 : index
        %swap3A_531 = tpu.vector_load %arg15[%swap3A_529, %swap3A_530] {strides = array<i32>} : memref<400x16xf32, #tpu.memory_space<vmem>>, vector<1x16xf32>,
        %swap3A_532 = vector.shape_cast %swap3A_531 : vector<1x16xf32> to vector<16xf32>
        %swap3A_533 = vector.shape_cast %mul3A_528 : vector<16xf32> to vector<1x16xf32>
        tpu.vector_store %arg15[%swap3A_529, %swap3A_530], %swap3A_533 {strides = array<i32>} : memref<400x16xf32, #tpu.memory_space<vmem>>, vector<1x16xf32>,
        %mul3A_534 = arith.constant 16 : i32
        %mul3A_535 = arith.muli %scan3A_412, %mul3A_534 : i32
        %add3A_536 = arith.constant 7 : i32
        %add3A_537 = arith.addi %mul3A_535, %add3A_536 : i32
        %get3A_538 = arith.index_cast %add3A_537 : i32 to index
        %get3A_539 = arith.constant 0 : index
        %get3A_540 = tpu.vector_load %arg15[%get3A_538, %get3A_539] {strides = array<i32>} : memref<400x16xf32, #tpu.memory_space<vmem>>, vector<1x16xf32>,
        %get3A_541 = vector.shape_cast %get3A_540 : vector<1x16xf32> to vector<16xf32>
        %slice3A_542 = vector.extract_strided_slice %get3A_417 {offsets = [7], sizes = [1], strides = [1]} : vector<16xf32> to vector<1xf32>
        %squeeze3A_543 = vector.extract %slice3A_542[0] : f32 from vector<1xf32>
        %mul3A_544 = vector.broadcast %squeeze3A_543 : f32 to vector<16xf32>
        %mul3A_545 = arith.mulf %get3A_541, %mul3A_544 : vector<16xf32>
        %swap3A_546 = arith.index_cast %add3A_537 : i32 to index
        %swap3A_547 = arith.constant 0 : index
        %swap3A_548 = tpu.vector_load %arg15[%swap3A_546, %swap3A_547] {strides = array<i32>} : memref<400x16xf32, #tpu.memory_space<vmem>>, vector<1x16xf32>,
        %swap3A_549 = vector.shape_cast %swap3A_548 : vector<1x16xf32> to vector<16xf32>
        %swap3A_550 = vector.shape_cast %mul3A_545 : vector<16xf32> to vector<1x16xf32>
        tpu.vector_store %arg15[%swap3A_546, %swap3A_547], %swap3A_550 {strides = array<i32>} : memref<400x16xf32, #tpu.memory_space<vmem>>, vector<1x16xf32>,
        %mul3A_551 = arith.constant 16 : i32
        %mul3A_552 = arith.muli %scan3A_412, %mul3A_551 : i32
        %add3A_553 = arith.constant 8 : i32
        %add3A_554 = arith.addi %mul3A_552, %add3A_553 : i32
        %get3A_555 = arith.index_cast %add3A_554 : i32 to index
        %get3A_556 = arith.constant 0 : index
        %get3A_557 = tpu.vector_load %arg15[%get3A_555, %get3A_556] {strides = array<i32>} : memref<400x16xf32, #tpu.memory_space<vmem>>, vector<1x16xf32>,
        %get3A_558 = vector.shape_cast %get3A_557 : vector<1x16xf32> to vector<16xf32>
        %slice3A_559 = vector.extract_strided_slice %get3A_417 {offsets = [8], sizes = [1], strides = [1]} : vector<16xf32> to vector<1xf32>
        %squeeze3A_560 = vector.extract %slice3A_559[0] : f32 from vector<1xf32>
        %mul3A_561 = vector.broadcast %squeeze3A_560 : f32 to vector<16xf32>
        %mul3A_562 = arith.mulf %get3A_558, %mul3A_561 : vector<16xf32>
        %swap3A_563 = arith.index_cast %add3A_554 : i32 to index
        %swap3A_564 = arith.constant 0 : index
        %swap3A_565 = tpu.vector_load %arg15[%swap3A_563, %swap3A_564] {strides = array<i32>} : memref<400x16xf32, #tpu.memory_space<vmem>>, vector<1x16xf32>,
        %swap3A_566 = vector.shape_cast %swap3A_565 : vector<1x16xf32> to vector<16xf32>
        %swap3A_567 = vector.shape_cast %mul3A_562 : vector<16xf32> to vector<1x16xf32>
        tpu.vector_store %arg15[%swap3A_563, %swap3A_564], %swap3A_567 {strides = array<i32>} : memref<400x16xf32, #tpu.memory_space<vmem>>, vector<1x16xf32>,
        %mul3A_568 = arith.constant 16 : i32
        %mul3A_569 = arith.muli %scan3A_412, %mul3A_568 : i32
        %add3A_570 = arith.constant 9 : i32
        %add3A_571 = arith.addi %mul3A_569, %add3A_570 : i32
        %get3A_572 = arith.index_cast %add3A_571 : i32 to index
        %get3A_573 = arith.constant 0 : index
        %get3A_574 = tpu.vector_load %arg15[%get3A_572, %get3A_573] {strides = array<i32>} : memref<400x16xf32, #tpu.memory_space<vmem>>, vector<1x16xf32>,
        %get3A_575 = vector.shape_cast %get3A_574 : vector<1x16xf32> to vector<16xf32>
        %slice3A_576 = vector.extract_strided_slice %get3A_417 {offsets = [9], sizes = [1], strides = [1]} : vector<16xf32> to vector<1xf32>
        %squeeze3A_577 = vector.extract %slice3A_576[0] : f32 from vector<1xf32>
        %mul3A_578 = vector.broadcast %squeeze3A_577 : f32 to vector<16xf32>
        %mul3A_579 = arith.mulf %get3A_575, %mul3A_578 : vector<16xf32>
        %swap3A_580 = arith.index_cast %add3A_571 : i32 to index
        %swap3A_581 = arith.constant 0 : index
        %swap3A_582 = tpu.vector_load %arg15[%swap3A_580, %swap3A_581] {strides = array<i32>} : memref<400x16xf32, #tpu.memory_space<vmem>>, vector<1x16xf32>,
        %swap3A_583 = vector.shape_cast %swap3A_582 : vector<1x16xf32> to vector<16xf32>
        %swap3A_584 = vector.shape_cast %mul3A_579 : vector<16xf32> to vector<1x16xf32>
        tpu.vector_store %arg15[%swap3A_580, %swap3A_581], %swap3A_584 {strides = array<i32>} : memref<400x16xf32, #tpu.memory_space<vmem>>, vector<1x16xf32>,
        %mul3A_585 = arith.constant 16 : i32
        %mul3A_586 = arith.muli %scan3A_412, %mul3A_585 : i32
        %add3A_587 = arith.constant 10 : i32
        %add3A_588 = arith.addi %mul3A_586, %add3A_587 : i32
        %get3A_589 = arith.index_cast %add3A_588 : i32 to index
        %get3A_590 = arith.constant 0 : index
        %get3A_591 = tpu.vector_load %arg15[%get3A_589, %get3A_590] {strides = array<i32>} : memref<400x16xf32, #tpu.memory_space<vmem>>, vector<1x16xf32>,
        %get3A_592 = vector.shape_cast %get3A_591 : vector<1x16xf32> to vector<16xf32>
        %slice3A_593 = vector.extract_strided_slice %get3A_417 {offsets = [10], sizes = [1], strides = [1]} : vector<16xf32> to vector<1xf32>
        %squeeze3A_594 = vector.extract %slice3A_593[0] : f32 from vector<1xf32>
        %mul3A_595 = vector.broadcast %squeeze3A_594 : f32 to vector<16xf32>
        %mul3A_596 = arith.mulf %get3A_592, %mul3A_595 : vector<16xf32>
        %swap3A_597 = arith.index_cast %add3A_588 : i32 to index
        %swap3A_598 = arith.constant 0 : index
        %swap3A_599 = tpu.vector_load %arg15[%swap3A_597, %swap3A_598] {strides = array<i32>} : memref<400x16xf32, #tpu.memory_space<vmem>>, vector<1x16xf32>,
        %swap3A_600 = vector.shape_cast %swap3A_599 : vector<1x16xf32> to vector<16xf32>
        %swap3A_601 = vector.shape_cast %mul3A_596 : vector<16xf32> to vector<1x16xf32>
        tpu.vector_store %arg15[%swap3A_597, %swap3A_598], %swap3A_601 {strides = array<i32>} : memref<400x16xf32, #tpu.memory_space<vmem>>, vector<1x16xf32>,
        %mul3A_602 = arith.constant 16 : i32
        %mul3A_603 = arith.muli %scan3A_412, %mul3A_602 : i32
        %add3A_604 = arith.constant 11 : i32
        %add3A_605 = arith.addi %mul3A_603, %add3A_604 : i32
        %get3A_606 = arith.index_cast %add3A_605 : i32 to index
        %get3A_607 = arith.constant 0 : index
        %get3A_608 = tpu.vector_load %arg15[%get3A_606, %get3A_607] {strides = array<i32>} : memref<400x16xf32, #tpu.memory_space<vmem>>, vector<1x16xf32>,
        %get3A_609 = vector.shape_cast %get3A_608 : vector<1x16xf32> to vector<16xf32>
        %slice3A_610 = vector.extract_strided_slice %get3A_417 {offsets = [11], sizes = [1], strides = [1]} : vector<16xf32> to vector<1xf32>
        %squeeze3A_611 = vector.extract %slice3A_610[0] : f32 from vector<1xf32>
        %mul3A_612 = vector.broadcast %squeeze3A_611 : f32 to vector<16xf32>
        %mul3A_613 = arith.mulf %get3A_609, %mul3A_612 : vector<16xf32>
        %swap3A_614 = arith.index_cast %add3A_605 : i32 to index
        %swap3A_615 = arith.constant 0 : index
        %swap3A_616 = tpu.vector_load %arg15[%swap3A_614, %swap3A_615] {strides = array<i32>} : memref<400x16xf32, #tpu.memory_space<vmem>>, vector<1x16xf32>,
        %swap3A_617 = vector.shape_cast %swap3A_616 : vector<1x16xf32> to vector<16xf32>
        %swap3A_618 = vector.shape_cast %mul3A_613 : vector<16xf32> to vector<1x16xf32>
        tpu.vector_store %arg15[%swap3A_614, %swap3A_615], %swap3A_618 {strides = array<i32>} : memref<400x16xf32, #tpu.memory_space<vmem>>, vector<1x16xf32>,
        %mul3A_619 = arith.constant 16 : i32
        %mul3A_620 = arith.muli %scan3A_412, %mul3A_619 : i32
        %add3A_621 = arith.constant 12 : i32
        %add3A_622 = arith.addi %mul3A_620, %add3A_621 : i32
        %get3A_623 = arith.index_cast %add3A_622 : i32 to index
        %get3A_624 = arith.constant 0 : index
        %get3A_625 = tpu.vector_load %arg15[%get3A_623, %get3A_624] {strides = array<i32>} : memref<400x16xf32, #tpu.memory_space<vmem>>, vector<1x16xf32>,
        %get3A_626 = vector.shape_cast %get3A_625 : vector<1x16xf32> to vector<16xf32>
        %slice3A_627 = vector.extract_strided_slice %get3A_417 {offsets = [12], sizes = [1], strides = [1]} : vector<16xf32> to vector<1xf32>
        %squeeze3A_628 = vector.extract %slice3A_627[0] : f32 from vector<1xf32>
        %mul3A_629 = vector.broadcast %squeeze3A_628 : f32 to vector<16xf32>
        %mul3A_630 = arith.mulf %get3A_626, %mul3A_629 : vector<16xf32>
        %swap3A_631 = arith.index_cast %add3A_622 : i32 to index
        %swap3A_632 = arith.constant 0 : index
        %swap3A_633 = tpu.vector_load %arg15[%swap3A_631, %swap3A_632] {strides = array<i32>} : memref<400x16xf32, #tpu.memory_space<vmem>>, vector<1x16xf32>,
        %swap3A_634 = vector.shape_cast %swap3A_633 : vector<1x16xf32> to vector<16xf32>
        %swap3A_635 = vector.shape_cast %mul3A_630 : vector<16xf32> to vector<1x16xf32>
        tpu.vector_store %arg15[%swap3A_631, %swap3A_632], %swap3A_635 {strides = array<i32>} : memref<400x16xf32, #tpu.memory_space<vmem>>, vector<1x16xf32>,
        %mul3A_636 = arith.constant 16 : i32
        %mul3A_637 = arith.muli %scan3A_412, %mul3A_636 : i32
        %add3A_638 = arith.constant 13 : i32
        %add3A_639 = arith.addi %mul3A_637, %add3A_638 : i32
        %get3A_640 = arith.index_cast %add3A_639 : i32 to index
        %get3A_641 = arith.constant 0 : index
        %get3A_642 = tpu.vector_load %arg15[%get3A_640, %get3A_641] {strides = array<i32>} : memref<400x16xf32, #tpu.memory_space<vmem>>, vector<1x16xf32>,
        %get3A_643 = vector.shape_cast %get3A_642 : vector<1x16xf32> to vector<16xf32>
        %slice3A_644 = vector.extract_strided_slice %get3A_417 {offsets = [13], sizes = [1], strides = [1]} : vector<16xf32> to vector<1xf32>
        %squeeze3A_645 = vector.extract %slice3A_644[0] : f32 from vector<1xf32>
        %mul3A_646 = vector.broadcast %squeeze3A_645 : f32 to vector<16xf32>
        %mul3A_647 = arith.mulf %get3A_643, %mul3A_646 : vector<16xf32>
        %swap3A_648 = arith.index_cast %add3A_639 : i32 to index
        %swap3A_649 = arith.constant 0 : index
        %swap3A_650 = tpu.vector_load %arg15[%swap3A_648, %swap3A_649] {strides = array<i32>} : memref<400x16xf32, #tpu.memory_space<vmem>>, vector<1x16xf32>,
        %swap3A_651 = vector.shape_cast %swap3A_650 : vector<1x16xf32> to vector<16xf32>
        %swap3A_652 = vector.shape_cast %mul3A_647 : vector<16xf32> to vector<1x16xf32>
        tpu.vector_store %arg15[%swap3A_648, %swap3A_649], %swap3A_652 {strides = array<i32>} : memref<400x16xf32, #tpu.memory_space<vmem>>, vector<1x16xf32>,
        %mul3A_653 = arith.constant 16 : i32
        %mul3A_654 = arith.muli %scan3A_412, %mul3A_653 : i32
        %add3A_655 = arith.constant 14 : i32
        %add3A_656 = arith.addi %mul3A_654, %add3A_655 : i32
        %get3A_657 = arith.index_cast %add3A_656 : i32 to index
        %get3A_658 = arith.constant 0 : index
        %get3A_659 = tpu.vector_load %arg15[%get3A_657, %get3A_658] {strides = array<i32>} : memref<400x16xf32, #tpu.memory_space<vmem>>, vector<1x16xf32>,
        %get3A_660 = vector.shape_cast %get3A_659 : vector<1x16xf32> to vector<16xf32>
        %slice3A_661 = vector.extract_strided_slice %get3A_417 {offsets = [14], sizes = [1], strides = [1]} : vector<16xf32> to vector<1xf32>
        %squeeze3A_662 = vector.extract %slice3A_661[0] : f32 from vector<1xf32>
        %mul3A_663 = vector.broadcast %squeeze3A_662 : f32 to vector<16xf32>
        %mul3A_664 = arith.mulf %get3A_660, %mul3A_663 : vector<16xf32>
        %swap3A_665 = arith.index_cast %add3A_656 : i32 to index
        %swap3A_666 = arith.constant 0 : index
        %swap3A_667 = tpu.vector_load %arg15[%swap3A_665, %swap3A_666] {strides = array<i32>} : memref<400x16xf32, #tpu.memory_space<vmem>>, vector<1x16xf32>,
        %swap3A_668 = vector.shape_cast %swap3A_667 : vector<1x16xf32> to vector<16xf32>
        %swap3A_669 = vector.shape_cast %mul3A_664 : vector<16xf32> to vector<1x16xf32>
        tpu.vector_store %arg15[%swap3A_665, %swap3A_666], %swap3A_669 {strides = array<i32>} : memref<400x16xf32, #tpu.memory_space<vmem>>, vector<1x16xf32>,
        %mul3A_670 = arith.constant 16 : i32
        %mul3A_671 = arith.muli %scan3A_412, %mul3A_670 : i32
        %add3A_672 = arith.constant 15 : i32
        %add3A_673 = arith.addi %mul3A_671, %add3A_672 : i32
        %get3A_674 = arith.index_cast %add3A_673 : i32 to index
        %get3A_675 = arith.constant 0 : index
        %get3A_676 = tpu.vector_load %arg15[%get3A_674, %get3A_675] {strides = array<i32>} : memref<400x16xf32, #tpu.memory_space<vmem>>, vector<1x16xf32>,
        %get3A_677 = vector.shape_cast %get3A_676 : vector<1x16xf32> to vector<16xf32>
        %slice3A_678 = vector.extract_strided_slice %get3A_417 {offsets = [15], sizes = [1], strides = [1]} : vector<16xf32> to vector<1xf32>
        %squeeze3A_679 = vector.extract %slice3A_678[0] : f32 from vector<1xf32>
        %mul3A_680 = vector.broadcast %squeeze3A_679 : f32 to vector<16xf32>
        %mul3A_681 = arith.mulf %get3A_677, %mul3A_680 : vector<16xf32>
        %swap3A_682 = arith.index_cast %add3A_673 : i32 to index
        %swap3A_683 = arith.constant 0 : index
        %swap3A_684 = tpu.vector_load %arg15[%swap3A_682, %swap3A_683] {strides = array<i32>} : memref<400x16xf32, #tpu.memory_space<vmem>>, vector<1x16xf32>,
        %swap3A_685 = vector.shape_cast %swap3A_684 : vector<1x16xf32> to vector<16xf32>
        %swap3A_686 = vector.shape_cast %mul3A_681 : vector<16xf32> to vector<1x16xf32>
        tpu.vector_store %arg15[%swap3A_682, %swap3A_683], %swap3A_686 {strides = array<i32>} : memref<400x16xf32, #tpu.memory_space<vmem>>, vector<1x16xf32>,
        %scan3A_687 = arith.constant 0 : i32
        scf.yield %scan3A_687 : i32
      }
      %scan3A_398 = arith.constant 25 : i32
      %dma_start3A_399 = arith.constant 0 : i32
      %dma_start3A_400 = arith.constant 0 : i32
      %dma_start3A_401 = tpu.memref_slice %arg7[%dma_start3A_399, %dma_start3A_400] : memref<100352x16xf32, #tpu.memory_space<vmem_shared>> -> memref<100352x16xf32, #tpu.memory_space<vmem_shared>>
      tpu.enqueue_indirect_dma source(%arg15 : memref<400x16xf32, #tpu.memory_space<vmem>>) target(%dma_start3A_401 : memref<100352x16xf32, #tpu.memory_space<vmem_shared>>) offsets(%arg13 : memref<400xi32, #tpu.memory_space<vmem>>) semaphore(%arg22 : memref<!tpu.dma_semaphore, #tpu.memory_space<semaphore_mem>>) {add = true}
      %mul3A_402 = arith.constant 2 : i32
      %mul3A_403 = arith.muli %mul3A_402, %scan3A_314 : i32
      %add3A_404 = arith.constant 3 : i32
      %add3A_405 = arith.addi %mul3A_403, %add3A_404 : i32
      %lt3A_406 = arith.constant 125 : i32
      %lt3A_407 = arith.cmpi slt, %add3A_405, %lt3A_406 : i32
      %convert_element_type3A_408 = arith.extui %lt3A_407 : i1 to i32
      %cond3A_409 = arith.constant 0 : i32
      %cond3A_410 = arith.cmpi ne, %convert_element_type3A_408, %cond3A_409 : i32
      scf.if %cond3A_410 {
        %add3A_412 = arith.constant 1200 : i32
        %add3A_413 = arith.addi %add3A_320, %add3A_412 : i32
        %dma_start3A_414 = tpu.memref_slice %arg3[%add3A_413] : memref<1600000xi32, #tpu.memory_space<hbm>> -> memref<400xi32, #tpu.memory_space<hbm>>
        %dma_start3A_415 = tpu.memref_slice %arg3[%add3A_413] : memref<1600000xi32, #tpu.memory_space<hbm>> -> memref<400xi32, #tpu.memory_space<hbm>>
        tpu.enqueue_dma source(%dma_start3A_415 : memref<400xi32, #tpu.memory_space<hbm>>) target(%arg12 : memref<400xi32, #tpu.memory_space<vmem>>) target_semaphore(%arg18 : memref<!tpu.dma_semaphore, #tpu.memory_space<semaphore_mem>>)
        %dma_start3A_416 = tpu.memref_slice %arg4[%add3A_413] : memref<1600000xi32, #tpu.memory_space<hbm>> -> memref<400xi32, #tpu.memory_space<hbm>>
        %dma_start3A_417 = tpu.memref_slice %arg4[%add3A_413] : memref<1600000xi32, #tpu.memory_space<hbm>> -> memref<400xi32, #tpu.memory_space<hbm>>
        tpu.enqueue_dma source(%dma_start3A_417 : memref<400xi32, #tpu.memory_space<hbm>>) target(%arg13 : memref<400xi32, #tpu.memory_space<vmem>>) target_semaphore(%arg18 : memref<!tpu.dma_semaphore, #tpu.memory_space<semaphore_mem>>)
        %dma_start3A_418 = tpu.memref_slice %arg5[%add3A_413] : memref<1600000xf32, #tpu.memory_space<hbm>> -> memref<400xf32, #tpu.memory_space<hbm>>
        %dma_start3A_419 = tpu.memref_slice %arg5[%add3A_413] : memref<1600000xf32, #tpu.memory_space<hbm>> -> memref<400xf32, #tpu.memory_space<hbm>>
        tpu.enqueue_dma source(%dma_start3A_419 : memref<400xf32, #tpu.memory_space<hbm>>) target(%arg14 : memref<400xf32, #tpu.memory_space<vmem>>) target_semaphore(%arg18 : memref<!tpu.dma_semaphore, #tpu.memory_space<semaphore_mem>>)
      } else {
      }
      %scan3A_411 = arith.constant 0 : i32
      scf.yield %scan3A_411 : i32
    }
    %scan3A_258 = arith.constant 62 : i32
    %dma_wait3A_259 = arith.constant 200000 : i32
    %dma_wait3A_260 = arith.constant 0 : i32
    %dma_wait3A_261 = tpu.memref_slice %arg2[%dma_wait3A_259, %dma_wait3A_260] : memref<300000x16xf32, #tpu.memory_space<hbm>> -> memref<100000x16xf32, #tpu.memory_space<hbm>>
    %dma_wait3A_262 = arith.constant 0 : i32
    %dma_wait3A_263 = arith.constant 0 : i32
    %dma_wait3A_264 = tpu.memref_slice %dma_wait3A_261[%dma_wait3A_262, %dma_wait3A_263] : memref<100000x16xf32, #tpu.memory_space<hbm>> -> memref<400x16xf32, #tpu.memory_space<hbm>>
    %dma_wait3A_265 = arith.constant 200000 : i32
    %dma_wait3A_266 = arith.constant 0 : i32
    %dma_wait3A_267 = tpu.memref_slice %arg2[%dma_wait3A_265, %dma_wait3A_266] : memref<300000x16xf32, #tpu.memory_space<hbm>> -> memref<100000x16xf32, #tpu.memory_space<hbm>>
    %dma_wait3A_268 = arith.constant 0 : i32
    %dma_wait3A_269 = arith.constant 0 : i32
    %dma_wait3A_270 = tpu.memref_slice %dma_wait3A_267[%dma_wait3A_268, %dma_wait3A_269] : memref<100000x16xf32, #tpu.memory_space<hbm>> -> memref<400x16xf32, #tpu.memory_space<hbm>>
    tpu.wait_dma2 semaphore(%arg19 : memref<!tpu.dma_semaphore, #tpu.memory_space<semaphore_mem>>) src(%dma_wait3A_270 : memref<400x16xf32, #tpu.memory_space<hbm>>) dst(%arg11 : memref<400x16xf32, #tpu.memory_space<vmem>>)
    %scan3A_271 = arith.constant 0 : i32
    %scan3A_272 = arith.constant 0 : i32
    %scan3A_273 = arith.constant 25 : i32
    %scan3A_274 = arith.addi %scan3A_272, %scan3A_273 : i32
    %scan3A_275 = arith.constant 1 : i32
    %scan3A_276 = scf.for %scan3A_314 = %scan3A_272 to %scan3A_274 step %scan3A_275 iter_args(%scan3A_315 = %scan3A_271) -> (i32)  : i32 {
      %mul3A_316 = arith.constant 16 : i32
      %mul3A_317 = arith.muli %scan3A_314, %mul3A_316 : i32
      %get3A = arith.index_cast %mul3A_317 : i32 to index
      %get3A_318 = tpu.vector_load %arg10[%get3A] {strides = array<i32>} : memref<400xf32, #tpu.memory_space<vmem>>, vector<16xf32>,
      %get3A_319 = vector.shape_cast %get3A_318 : vector<16xf32> to vector<16xf32>
      %mul3A_320 = arith.constant 16 : i32
      %mul3A_321 = arith.muli %scan3A_314, %mul3A_320 : i32
      %add3A_322 = arith.constant 0 : i32
      %add3A_323 = arith.addi %mul3A_321, %add3A_322 : i32
      %get3A_324 = arith.index_cast %add3A_323 : i32 to index
      %get3A_325 = arith.constant 0 : index
      %get3A_326 = tpu.vector_load %arg11[%get3A_324, %get3A_325] {strides = array<i32>} : memref<400x16xf32, #tpu.memory_space<vmem>>, vector<1x16xf32>,
      %get3A_327 = vector.shape_cast %get3A_326 : vector<1x16xf32> to vector<16xf32>
      %slice3A = vector.extract_strided_slice %get3A_319 {offsets = [0], sizes = [1], strides = [1]} : vector<16xf32> to vector<1xf32>
      %squeeze3A = vector.extract %slice3A[0] : f32 from vector<1xf32>
      %mul3A_328 = vector.broadcast %squeeze3A : f32 to vector<16xf32>
      %mul3A_329 = arith.mulf %get3A_327, %mul3A_328 : vector<16xf32>
      %swap3A = arith.index_cast %add3A_323 : i32 to index
      %swap3A_330 = arith.constant 0 : index
      %swap3A_331 = tpu.vector_load %arg11[%swap3A, %swap3A_330] {strides = array<i32>} : memref<400x16xf32, #tpu.memory_space<vmem>>, vector<1x16xf32>,
      %swap3A_332 = vector.shape_cast %swap3A_331 : vector<1x16xf32> to vector<16xf32>
      %swap3A_333 = vector.shape_cast %mul3A_329 : vector<16xf32> to vector<1x16xf32>
      tpu.vector_store %arg11[%swap3A, %swap3A_330], %swap3A_333 {strides = array<i32>} : memref<400x16xf32, #tpu.memory_space<vmem>>, vector<1x16xf32>,
      %mul3A_334 = arith.constant 16 : i32
      %mul3A_335 = arith.muli %scan3A_314, %mul3A_334 : i32
      %add3A_336 = arith.constant 1 : i32
      %add3A_337 = arith.addi %mul3A_335, %add3A_336 : i32
      %get3A_338 = arith.index_cast %add3A_337 : i32 to index
      %get3A_339 = arith.constant 0 : index
      %get3A_340 = tpu.vector_load %arg11[%get3A_338, %get3A_339] {strides = array<i32>} : memref<400x16xf32, #tpu.memory_space<vmem>>, vector<1x16xf32>,
      %get3A_341 = vector.shape_cast %get3A_340 : vector<1x16xf32> to vector<16xf32>
      %slice3A_342 = vector.extract_strided_slice %get3A_319 {offsets = [1], sizes = [1], strides = [1]} : vector<16xf32> to vector<1xf32>
      %squeeze3A_343 = vector.extract %slice3A_342[0] : f32 from vector<1xf32>
      %mul3A_344 = vector.broadcast %squeeze3A_343 : f32 to vector<16xf32>
      %mul3A_345 = arith.mulf %get3A_341, %mul3A_344 : vector<16xf32>
      %swap3A_346 = arith.index_cast %add3A_337 : i32 to index
      %swap3A_347 = arith.constant 0 : index
      %swap3A_348 = tpu.vector_load %arg11[%swap3A_346, %swap3A_347] {strides = array<i32>} : memref<400x16xf32, #tpu.memory_space<vmem>>, vector<1x16xf32>,
      %swap3A_349 = vector.shape_cast %swap3A_348 : vector<1x16xf32> to vector<16xf32>
      %swap3A_350 = vector.shape_cast %mul3A_345 : vector<16xf32> to vector<1x16xf32>
      tpu.vector_store %arg11[%swap3A_346, %swap3A_347], %swap3A_350 {strides = array<i32>} : memref<400x16xf32, #tpu.memory_space<vmem>>, vector<1x16xf32>,
      %mul3A_351 = arith.constant 16 : i32
      %mul3A_352 = arith.muli %scan3A_314, %mul3A_351 : i32
      %add3A_353 = arith.constant 2 : i32
      %add3A_354 = arith.addi %mul3A_352, %add3A_353 : i32
      %get3A_355 = arith.index_cast %add3A_354 : i32 to index
      %get3A_356 = arith.constant 0 : index
      %get3A_357 = tpu.vector_load %arg11[%get3A_355, %get3A_356] {strides = array<i32>} : memref<400x16xf32, #tpu.memory_space<vmem>>, vector<1x16xf32>,
      %get3A_358 = vector.shape_cast %get3A_357 : vector<1x16xf32> to vector<16xf32>
      %slice3A_359 = vector.extract_strided_slice %get3A_319 {offsets = [2], sizes = [1], strides = [1]} : vector<16xf32> to vector<1xf32>
      %squeeze3A_360 = vector.extract %slice3A_359[0] : f32 from vector<1xf32>
      %mul3A_361 = vector.broadcast %squeeze3A_360 : f32 to vector<16xf32>
      %mul3A_362 = arith.mulf %get3A_358, %mul3A_361 : vector<16xf32>
      %swap3A_363 = arith.index_cast %add3A_354 : i32 to index
      %swap3A_364 = arith.constant 0 : index
      %swap3A_365 = tpu.vector_load %arg11[%swap3A_363, %swap3A_364] {strides = array<i32>} : memref<400x16xf32, #tpu.memory_space<vmem>>, vector<1x16xf32>,
      %swap3A_366 = vector.shape_cast %swap3A_365 : vector<1x16xf32> to vector<16xf32>
      %swap3A_367 = vector.shape_cast %mul3A_362 : vector<16xf32> to vector<1x16xf32>
      tpu.vector_store %arg11[%swap3A_363, %swap3A_364], %swap3A_367 {strides = array<i32>} : memref<400x16xf32, #tpu.memory_space<vmem>>, vector<1x16xf32>,
      %mul3A_368 = arith.constant 16 : i32
      %mul3A_369 = arith.muli %scan3A_314, %mul3A_368 : i32
      %add3A_370 = arith.constant 3 : i32
      %add3A_371 = arith.addi %mul3A_369, %add3A_370 : i32
      %get3A_372 = arith.index_cast %add3A_371 : i32 to index
      %get3A_373 = arith.constant 0 : index
      %get3A_374 = tpu.vector_load %arg11[%get3A_372, %get3A_373] {strides = array<i32>} : memref<400x16xf32, #tpu.memory_space<vmem>>, vector<1x16xf32>,
      %get3A_375 = vector.shape_cast %get3A_374 : vector<1x16xf32> to vector<16xf32>
      %slice3A_376 = vector.extract_strided_slice %get3A_319 {offsets = [3], sizes = [1], strides = [1]} : vector<16xf32> to vector<1xf32>
      %squeeze3A_377 = vector.extract %slice3A_376[0] : f32 from vector<1xf32>
      %mul3A_378 = vector.broadcast %squeeze3A_377 : f32 to vector<16xf32>
      %mul3A_379 = arith.mulf %get3A_375, %mul3A_378 : vector<16xf32>
      %swap3A_380 = arith.index_cast %add3A_371 : i32 to index
      %swap3A_381 = arith.constant 0 : index
      %swap3A_382 = tpu.vector_load %arg11[%swap3A_380, %swap3A_381] {strides = array<i32>} : memref<400x16xf32, #tpu.memory_space<vmem>>, vector<1x16xf32>,
      %swap3A_383 = vector.shape_cast %swap3A_382 : vector<1x16xf32> to vector<16xf32>
      %swap3A_384 = vector.shape_cast %mul3A_379 : vector<16xf32> to vector<1x16xf32>
      tpu.vector_store %arg11[%swap3A_380, %swap3A_381], %swap3A_384 {strides = array<i32>} : memref<400x16xf32, #tpu.memory_space<vmem>>, vector<1x16xf32>,
      %mul3A_385 = arith.constant 16 : i32
      %mul3A_386 = arith.muli %scan3A_314, %mul3A_385 : i32
      %add3A_387 = arith.constant 4 : i32
      %add3A_388 = arith.addi %mul3A_386, %add3A_387 : i32
      %get3A_389 = arith.index_cast %add3A_388 : i32 to index
      %get3A_390 = arith.constant 0 : index
      %get3A_391 = tpu.vector_load %arg11[%get3A_389, %get3A_390] {strides = array<i32>} : memref<400x16xf32, #tpu.memory_space<vmem>>, vector<1x16xf32>,
      %get3A_392 = vector.shape_cast %get3A_391 : vector<1x16xf32> to vector<16xf32>
      %slice3A_393 = vector.extract_strided_slice %get3A_319 {offsets = [4], sizes = [1], strides = [1]} : vector<16xf32> to vector<1xf32>
      %squeeze3A_394 = vector.extract %slice3A_393[0] : f32 from vector<1xf32>
      %mul3A_395 = vector.broadcast %squeeze3A_394 : f32 to vector<16xf32>
      %mul3A_396 = arith.mulf %get3A_392, %mul3A_395 : vector<16xf32>
      %swap3A_397 = arith.index_cast %add3A_388 : i32 to index
      %swap3A_398 = arith.constant 0 : index
      %swap3A_399 = tpu.vector_load %arg11[%swap3A_397, %swap3A_398] {strides = array<i32>} : memref<400x16xf32, #tpu.memory_space<vmem>>, vector<1x16xf32>,
      %swap3A_400 = vector.shape_cast %swap3A_399 : vector<1x16xf32> to vector<16xf32>
      %swap3A_401 = vector.shape_cast %mul3A_396 : vector<16xf32> to vector<1x16xf32>
      tpu.vector_store %arg11[%swap3A_397, %swap3A_398], %swap3A_401 {strides = array<i32>} : memref<400x16xf32, #tpu.memory_space<vmem>>, vector<1x16xf32>,
      %mul3A_402 = arith.constant 16 : i32
      %mul3A_403 = arith.muli %scan3A_314, %mul3A_402 : i32
      %add3A_404 = arith.constant 5 : i32
      %add3A_405 = arith.addi %mul3A_403, %add3A_404 : i32
      %get3A_406 = arith.index_cast %add3A_405 : i32 to index
      %get3A_407 = arith.constant 0 : index
      %get3A_408 = tpu.vector_load %arg11[%get3A_406, %get3A_407] {strides = array<i32>} : memref<400x16xf32, #tpu.memory_space<vmem>>, vector<1x16xf32>,
      %get3A_409 = vector.shape_cast %get3A_408 : vector<1x16xf32> to vector<16xf32>
      %slice3A_410 = vector.extract_strided_slice %get3A_319 {offsets = [5], sizes = [1], strides = [1]} : vector<16xf32> to vector<1xf32>
      %squeeze3A_411 = vector.extract %slice3A_410[0] : f32 from vector<1xf32>
      %mul3A_412 = vector.broadcast %squeeze3A_411 : f32 to vector<16xf32>
      %mul3A_413 = arith.mulf %get3A_409, %mul3A_412 : vector<16xf32>
      %swap3A_414 = arith.index_cast %add3A_405 : i32 to index
      %swap3A_415 = arith.constant 0 : index
      %swap3A_416 = tpu.vector_load %arg11[%swap3A_414, %swap3A_415] {strides = array<i32>} : memref<400x16xf32, #tpu.memory_space<vmem>>, vector<1x16xf32>,
      %swap3A_417 = vector.shape_cast %swap3A_416 : vector<1x16xf32> to vector<16xf32>
      %swap3A_418 = vector.shape_cast %mul3A_413 : vector<16xf32> to vector<1x16xf32>
      tpu.vector_store %arg11[%swap3A_414, %swap3A_415], %swap3A_418 {strides = array<i32>} : memref<400x16xf32, #tpu.memory_space<vmem>>, vector<1x16xf32>,
      %mul3A_419 = arith.constant 16 : i32
      %mul3A_420 = arith.muli %scan3A_314, %mul3A_419 : i32
      %add3A_421 = arith.constant 6 : i32
      %add3A_422 = arith.addi %mul3A_420, %add3A_421 : i32
      %get3A_423 = arith.index_cast %add3A_422 : i32 to index
      %get3A_424 = arith.constant 0 : index
      %get3A_425 = tpu.vector_load %arg11[%get3A_423, %get3A_424] {strides = array<i32>} : memref<400x16xf32, #tpu.memory_space<vmem>>, vector<1x16xf32>,
      %get3A_426 = vector.shape_cast %get3A_425 : vector<1x16xf32> to vector<16xf32>
      %slice3A_427 = vector.extract_strided_slice %get3A_319 {offsets = [6], sizes = [1], strides = [1]} : vector<16xf32> to vector<1xf32>
      %squeeze3A_428 = vector.extract %slice3A_427[0] : f32 from vector<1xf32>
      %mul3A_429 = vector.broadcast %squeeze3A_428 : f32 to vector<16xf32>
      %mul3A_430 = arith.mulf %get3A_426, %mul3A_429 : vector<16xf32>
      %swap3A_431 = arith.index_cast %add3A_422 : i32 to index
      %swap3A_432 = arith.constant 0 : index
      %swap3A_433 = tpu.vector_load %arg11[%swap3A_431, %swap3A_432] {strides = array<i32>} : memref<400x16xf32, #tpu.memory_space<vmem>>, vector<1x16xf32>,
      %swap3A_434 = vector.shape_cast %swap3A_433 : vector<1x16xf32> to vector<16xf32>
      %swap3A_435 = vector.shape_cast %mul3A_430 : vector<16xf32> to vector<1x16xf32>
      tpu.vector_store %arg11[%swap3A_431, %swap3A_432], %swap3A_435 {strides = array<i32>} : memref<400x16xf32, #tpu.memory_space<vmem>>, vector<1x16xf32>,
      %mul3A_436 = arith.constant 16 : i32
      %mul3A_437 = arith.muli %scan3A_314, %mul3A_436 : i32
      %add3A_438 = arith.constant 7 : i32
      %add3A_439 = arith.addi %mul3A_437, %add3A_438 : i32
      %get3A_440 = arith.index_cast %add3A_439 : i32 to index
      %get3A_441 = arith.constant 0 : index
      %get3A_442 = tpu.vector_load %arg11[%get3A_440, %get3A_441] {strides = array<i32>} : memref<400x16xf32, #tpu.memory_space<vmem>>, vector<1x16xf32>,
      %get3A_443 = vector.shape_cast %get3A_442 : vector<1x16xf32> to vector<16xf32>
      %slice3A_444 = vector.extract_strided_slice %get3A_319 {offsets = [7], sizes = [1], strides = [1]} : vector<16xf32> to vector<1xf32>
      %squeeze3A_445 = vector.extract %slice3A_444[0] : f32 from vector<1xf32>
      %mul3A_446 = vector.broadcast %squeeze3A_445 : f32 to vector<16xf32>
      %mul3A_447 = arith.mulf %get3A_443, %mul3A_446 : vector<16xf32>
      %swap3A_448 = arith.index_cast %add3A_439 : i32 to index
      %swap3A_449 = arith.constant 0 : index
      %swap3A_450 = tpu.vector_load %arg11[%swap3A_448, %swap3A_449] {strides = array<i32>} : memref<400x16xf32, #tpu.memory_space<vmem>>, vector<1x16xf32>,
      %swap3A_451 = vector.shape_cast %swap3A_450 : vector<1x16xf32> to vector<16xf32>
      %swap3A_452 = vector.shape_cast %mul3A_447 : vector<16xf32> to vector<1x16xf32>
      tpu.vector_store %arg11[%swap3A_448, %swap3A_449], %swap3A_452 {strides = array<i32>} : memref<400x16xf32, #tpu.memory_space<vmem>>, vector<1x16xf32>,
      %mul3A_453 = arith.constant 16 : i32
      %mul3A_454 = arith.muli %scan3A_314, %mul3A_453 : i32
      %add3A_455 = arith.constant 8 : i32
      %add3A_456 = arith.addi %mul3A_454, %add3A_455 : i32
      %get3A_457 = arith.index_cast %add3A_456 : i32 to index
      %get3A_458 = arith.constant 0 : index
      %get3A_459 = tpu.vector_load %arg11[%get3A_457, %get3A_458] {strides = array<i32>} : memref<400x16xf32, #tpu.memory_space<vmem>>, vector<1x16xf32>,
      %get3A_460 = vector.shape_cast %get3A_459 : vector<1x16xf32> to vector<16xf32>
      %slice3A_461 = vector.extract_strided_slice %get3A_319 {offsets = [8], sizes = [1], strides = [1]} : vector<16xf32> to vector<1xf32>
      %squeeze3A_462 = vector.extract %slice3A_461[0] : f32 from vector<1xf32>
      %mul3A_463 = vector.broadcast %squeeze3A_462 : f32 to vector<16xf32>
      %mul3A_464 = arith.mulf %get3A_460, %mul3A_463 : vector<16xf32>
      %swap3A_465 = arith.index_cast %add3A_456 : i32 to index
      %swap3A_466 = arith.constant 0 : index
      %swap3A_467 = tpu.vector_load %arg11[%swap3A_465, %swap3A_466] {strides = array<i32>} : memref<400x16xf32, #tpu.memory_space<vmem>>, vector<1x16xf32>,
      %swap3A_468 = vector.shape_cast %swap3A_467 : vector<1x16xf32> to vector<16xf32>
      %swap3A_469 = vector.shape_cast %mul3A_464 : vector<16xf32> to vector<1x16xf32>
      tpu.vector_store %arg11[%swap3A_465, %swap3A_466], %swap3A_469 {strides = array<i32>} : memref<400x16xf32, #tpu.memory_space<vmem>>, vector<1x16xf32>,
      %mul3A_470 = arith.constant 16 : i32
      %mul3A_471 = arith.muli %scan3A_314, %mul3A_470 : i32
      %add3A_472 = arith.constant 9 : i32
      %add3A_473 = arith.addi %mul3A_471, %add3A_472 : i32
      %get3A_474 = arith.index_cast %add3A_473 : i32 to index
      %get3A_475 = arith.constant 0 : index
      %get3A_476 = tpu.vector_load %arg11[%get3A_474, %get3A_475] {strides = array<i32>} : memref<400x16xf32, #tpu.memory_space<vmem>>, vector<1x16xf32>,
      %get3A_477 = vector.shape_cast %get3A_476 : vector<1x16xf32> to vector<16xf32>
      %slice3A_478 = vector.extract_strided_slice %get3A_319 {offsets = [9], sizes = [1], strides = [1]} : vector<16xf32> to vector<1xf32>
      %squeeze3A_479 = vector.extract %slice3A_478[0] : f32 from vector<1xf32>
      %mul3A_480 = vector.broadcast %squeeze3A_479 : f32 to vector<16xf32>
      %mul3A_481 = arith.mulf %get3A_477, %mul3A_480 : vector<16xf32>
      %swap3A_482 = arith.index_cast %add3A_473 : i32 to index
      %swap3A_483 = arith.constant 0 : index
      %swap3A_484 = tpu.vector_load %arg11[%swap3A_482, %swap3A_483] {strides = array<i32>} : memref<400x16xf32, #tpu.memory_space<vmem>>, vector<1x16xf32>,
      %swap3A_485 = vector.shape_cast %swap3A_484 : vector<1x16xf32> to vector<16xf32>
      %swap3A_486 = vector.shape_cast %mul3A_481 : vector<16xf32> to vector<1x16xf32>
      tpu.vector_store %arg11[%swap3A_482, %swap3A_483], %swap3A_486 {strides = array<i32>} : memref<400x16xf32, #tpu.memory_space<vmem>>, vector<1x16xf32>,
      %mul3A_487 = arith.constant 16 : i32
      %mul3A_488 = arith.muli %scan3A_314, %mul3A_487 : i32
      %add3A_489 = arith.constant 10 : i32
      %add3A_490 = arith.addi %mul3A_488, %add3A_489 : i32
      %get3A_491 = arith.index_cast %add3A_490 : i32 to index
      %get3A_492 = arith.constant 0 : index
      %get3A_493 = tpu.vector_load %arg11[%get3A_491, %get3A_492] {strides = array<i32>} : memref<400x16xf32, #tpu.memory_space<vmem>>, vector<1x16xf32>,
      %get3A_494 = vector.shape_cast %get3A_493 : vector<1x16xf32> to vector<16xf32>
      %slice3A_495 = vector.extract_strided_slice %get3A_319 {offsets = [10], sizes = [1], strides = [1]} : vector<16xf32> to vector<1xf32>
      %squeeze3A_496 = vector.extract %slice3A_495[0] : f32 from vector<1xf32>
      %mul3A_497 = vector.broadcast %squeeze3A_496 : f32 to vector<16xf32>
      %mul3A_498 = arith.mulf %get3A_494, %mul3A_497 : vector<16xf32>
      %swap3A_499 = arith.index_cast %add3A_490 : i32 to index
      %swap3A_500 = arith.constant 0 : index
      %swap3A_501 = tpu.vector_load %arg11[%swap3A_499, %swap3A_500] {strides = array<i32>} : memref<400x16xf32, #tpu.memory_space<vmem>>, vector<1x16xf32>,
      %swap3A_502 = vector.shape_cast %swap3A_501 : vector<1x16xf32> to vector<16xf32>
      %swap3A_503 = vector.shape_cast %mul3A_498 : vector<16xf32> to vector<1x16xf32>
      tpu.vector_store %arg11[%swap3A_499, %swap3A_500], %swap3A_503 {strides = array<i32>} : memref<400x16xf32, #tpu.memory_space<vmem>>, vector<1x16xf32>,
      %mul3A_504 = arith.constant 16 : i32
      %mul3A_505 = arith.muli %scan3A_314, %mul3A_504 : i32
      %add3A_506 = arith.constant 11 : i32
      %add3A_507 = arith.addi %mul3A_505, %add3A_506 : i32
      %get3A_508 = arith.index_cast %add3A_507 : i32 to index
      %get3A_509 = arith.constant 0 : index
      %get3A_510 = tpu.vector_load %arg11[%get3A_508, %get3A_509] {strides = array<i32>} : memref<400x16xf32, #tpu.memory_space<vmem>>, vector<1x16xf32>,
      %get3A_511 = vector.shape_cast %get3A_510 : vector<1x16xf32> to vector<16xf32>
      %slice3A_512 = vector.extract_strided_slice %get3A_319 {offsets = [11], sizes = [1], strides = [1]} : vector<16xf32> to vector<1xf32>
      %squeeze3A_513 = vector.extract %slice3A_512[0] : f32 from vector<1xf32>
      %mul3A_514 = vector.broadcast %squeeze3A_513 : f32 to vector<16xf32>
      %mul3A_515 = arith.mulf %get3A_511, %mul3A_514 : vector<16xf32>
      %swap3A_516 = arith.index_cast %add3A_507 : i32 to index
      %swap3A_517 = arith.constant 0 : index
      %swap3A_518 = tpu.vector_load %arg11[%swap3A_516, %swap3A_517] {strides = array<i32>} : memref<400x16xf32, #tpu.memory_space<vmem>>, vector<1x16xf32>,
      %swap3A_519 = vector.shape_cast %swap3A_518 : vector<1x16xf32> to vector<16xf32>
      %swap3A_520 = vector.shape_cast %mul3A_515 : vector<16xf32> to vector<1x16xf32>
      tpu.vector_store %arg11[%swap3A_516, %swap3A_517], %swap3A_520 {strides = array<i32>} : memref<400x16xf32, #tpu.memory_space<vmem>>, vector<1x16xf32>,
      %mul3A_521 = arith.constant 16 : i32
      %mul3A_522 = arith.muli %scan3A_314, %mul3A_521 : i32
      %add3A_523 = arith.constant 12 : i32
      %add3A_524 = arith.addi %mul3A_522, %add3A_523 : i32
      %get3A_525 = arith.index_cast %add3A_524 : i32 to index
      %get3A_526 = arith.constant 0 : index
      %get3A_527 = tpu.vector_load %arg11[%get3A_525, %get3A_526] {strides = array<i32>} : memref<400x16xf32, #tpu.memory_space<vmem>>, vector<1x16xf32>,
      %get3A_528 = vector.shape_cast %get3A_527 : vector<1x16xf32> to vector<16xf32>
      %slice3A_529 = vector.extract_strided_slice %get3A_319 {offsets = [12], sizes = [1], strides = [1]} : vector<16xf32> to vector<1xf32>
      %squeeze3A_530 = vector.extract %slice3A_529[0] : f32 from vector<1xf32>
      %mul3A_531 = vector.broadcast %squeeze3A_530 : f32 to vector<16xf32>
      %mul3A_532 = arith.mulf %get3A_528, %mul3A_531 : vector<16xf32>
      %swap3A_533 = arith.index_cast %add3A_524 : i32 to index
      %swap3A_534 = arith.constant 0 : index
      %swap3A_535 = tpu.vector_load %arg11[%swap3A_533, %swap3A_534] {strides = array<i32>} : memref<400x16xf32, #tpu.memory_space<vmem>>, vector<1x16xf32>,
      %swap3A_536 = vector.shape_cast %swap3A_535 : vector<1x16xf32> to vector<16xf32>
      %swap3A_537 = vector.shape_cast %mul3A_532 : vector<16xf32> to vector<1x16xf32>
      tpu.vector_store %arg11[%swap3A_533, %swap3A_534], %swap3A_537 {strides = array<i32>} : memref<400x16xf32, #tpu.memory_space<vmem>>, vector<1x16xf32>,
      %mul3A_538 = arith.constant 16 : i32
      %mul3A_539 = arith.muli %scan3A_314, %mul3A_538 : i32
      %add3A_540 = arith.constant 13 : i32
      %add3A_541 = arith.addi %mul3A_539, %add3A_540 : i32
      %get3A_542 = arith.index_cast %add3A_541 : i32 to index
      %get3A_543 = arith.constant 0 : index
      %get3A_544 = tpu.vector_load %arg11[%get3A_542, %get3A_543] {strides = array<i32>} : memref<400x16xf32, #tpu.memory_space<vmem>>, vector<1x16xf32>,
      %get3A_545 = vector.shape_cast %get3A_544 : vector<1x16xf32> to vector<16xf32>
      %slice3A_546 = vector.extract_strided_slice %get3A_319 {offsets = [13], sizes = [1], strides = [1]} : vector<16xf32> to vector<1xf32>
      %squeeze3A_547 = vector.extract %slice3A_546[0] : f32 from vector<1xf32>
      %mul3A_548 = vector.broadcast %squeeze3A_547 : f32 to vector<16xf32>
      %mul3A_549 = arith.mulf %get3A_545, %mul3A_548 : vector<16xf32>
      %swap3A_550 = arith.index_cast %add3A_541 : i32 to index
      %swap3A_551 = arith.constant 0 : index
      %swap3A_552 = tpu.vector_load %arg11[%swap3A_550, %swap3A_551] {strides = array<i32>} : memref<400x16xf32, #tpu.memory_space<vmem>>, vector<1x16xf32>,
      %swap3A_553 = vector.shape_cast %swap3A_552 : vector<1x16xf32> to vector<16xf32>
      %swap3A_554 = vector.shape_cast %mul3A_549 : vector<16xf32> to vector<1x16xf32>
      tpu.vector_store %arg11[%swap3A_550, %swap3A_551], %swap3A_554 {strides = array<i32>} : memref<400x16xf32, #tpu.memory_space<vmem>>, vector<1x16xf32>,
      %mul3A_555 = arith.constant 16 : i32
      %mul3A_556 = arith.muli %scan3A_314, %mul3A_555 : i32
      %add3A_557 = arith.constant 14 : i32
      %add3A_558 = arith.addi %mul3A_556, %add3A_557 : i32
      %get3A_559 = arith.index_cast %add3A_558 : i32 to index
      %get3A_560 = arith.constant 0 : index
      %get3A_561 = tpu.vector_load %arg11[%get3A_559, %get3A_560] {strides = array<i32>} : memref<400x16xf32, #tpu.memory_space<vmem>>, vector<1x16xf32>,
      %get3A_562 = vector.shape_cast %get3A_561 : vector<1x16xf32> to vector<16xf32>
      %slice3A_563 = vector.extract_strided_slice %get3A_319 {offsets = [14], sizes = [1], strides = [1]} : vector<16xf32> to vector<1xf32>
      %squeeze3A_564 = vector.extract %slice3A_563[0] : f32 from vector<1xf32>
      %mul3A_565 = vector.broadcast %squeeze3A_564 : f32 to vector<16xf32>
      %mul3A_566 = arith.mulf %get3A_562, %mul3A_565 : vector<16xf32>
      %swap3A_567 = arith.index_cast %add3A_558 : i32 to index
      %swap3A_568 = arith.constant 0 : index
      %swap3A_569 = tpu.vector_load %arg11[%swap3A_567, %swap3A_568] {strides = array<i32>} : memref<400x16xf32, #tpu.memory_space<vmem>>, vector<1x16xf32>,
      %swap3A_570 = vector.shape_cast %swap3A_569 : vector<1x16xf32> to vector<16xf32>
      %swap3A_571 = vector.shape_cast %mul3A_566 : vector<16xf32> to vector<1x16xf32>
      tpu.vector_store %arg11[%swap3A_567, %swap3A_568], %swap3A_571 {strides = array<i32>} : memref<400x16xf32, #tpu.memory_space<vmem>>, vector<1x16xf32>,
      %mul3A_572 = arith.constant 16 : i32
      %mul3A_573 = arith.muli %scan3A_314, %mul3A_572 : i32
      %add3A_574 = arith.constant 15 : i32
      %add3A_575 = arith.addi %mul3A_573, %add3A_574 : i32
      %get3A_576 = arith.index_cast %add3A_575 : i32 to index
      %get3A_577 = arith.constant 0 : index
      %get3A_578 = tpu.vector_load %arg11[%get3A_576, %get3A_577] {strides = array<i32>} : memref<400x16xf32, #tpu.memory_space<vmem>>, vector<1x16xf32>,
      %get3A_579 = vector.shape_cast %get3A_578 : vector<1x16xf32> to vector<16xf32>
      %slice3A_580 = vector.extract_strided_slice %get3A_319 {offsets = [15], sizes = [1], strides = [1]} : vector<16xf32> to vector<1xf32>
      %squeeze3A_581 = vector.extract %slice3A_580[0] : f32 from vector<1xf32>
      %mul3A_582 = vector.broadcast %squeeze3A_581 : f32 to vector<16xf32>
      %mul3A_583 = arith.mulf %get3A_579, %mul3A_582 : vector<16xf32>
      %swap3A_584 = arith.index_cast %add3A_575 : i32 to index
      %swap3A_585 = arith.constant 0 : index
      %swap3A_586 = tpu.vector_load %arg11[%swap3A_584, %swap3A_585] {strides = array<i32>} : memref<400x16xf32, #tpu.memory_space<vmem>>, vector<1x16xf32>,
      %swap3A_587 = vector.shape_cast %swap3A_586 : vector<1x16xf32> to vector<16xf32>
      %swap3A_588 = vector.shape_cast %mul3A_583 : vector<16xf32> to vector<1x16xf32>
      tpu.vector_store %arg11[%swap3A_584, %swap3A_585], %swap3A_588 {strides = array<i32>} : memref<400x16xf32, #tpu.memory_space<vmem>>, vector<1x16xf32>,
      %scan3A_589 = arith.constant 0 : i32
      scf.yield %scan3A_589 : i32
    }
    %scan3A_277 = arith.constant 25 : i32
    %dma_start3A_278 = arith.constant 0 : i32
    %dma_start3A_279 = arith.constant 0 : i32
    %dma_start3A_280 = tpu.memref_slice %arg7[%dma_start3A_278, %dma_start3A_279] : memref<100352x16xf32, #tpu.memory_space<vmem_shared>> -> memref<100352x16xf32, #tpu.memory_space<vmem_shared>>
    tpu.enqueue_indirect_dma source(%arg11 : memref<400x16xf32, #tpu.memory_space<vmem>>) target(%dma_start3A_280 : memref<100352x16xf32, #tpu.memory_space<vmem_shared>>) offsets(%arg9 : memref<400xi32, #tpu.memory_space<vmem>>) semaphore(%arg21 : memref<!tpu.dma_semaphore, #tpu.memory_space<semaphore_mem>>) {add = true}
    %dma_wait3A_281 = arith.constant 200000 : i32
    %dma_wait3A_282 = arith.constant 0 : i32
    %dma_wait3A_283 = tpu.memref_slice %arg2[%dma_wait3A_281, %dma_wait3A_282] : memref<300000x16xf32, #tpu.memory_space<hbm>> -> memref<100000x16xf32, #tpu.memory_space<hbm>>
    %dma_wait3A_284 = arith.constant 0 : i32
    %dma_wait3A_285 = arith.constant 0 : i32
    %dma_wait3A_286 = tpu.memref_slice %dma_wait3A_283[%dma_wait3A_284, %dma_wait3A_285] : memref<100000x16xf32, #tpu.memory_space<hbm>> -> memref<400x16xf32, #tpu.memory_space<hbm>>
    %dma_wait3A_287 = arith.constant 200000 : i32
    %dma_wait3A_288 = arith.constant 0 : i32
    %dma_wait3A_289 = tpu.memref_slice %arg2[%dma_wait3A_287, %dma_wait3A_288] : memref<300000x16xf32, #tpu.memory_space<hbm>> -> memref<100000x16xf32, #tpu.memory_space<hbm>>
    %dma_wait3A_290 = arith.constant 0 : i32
    %dma_wait3A_291 = arith.constant 0 : i32
    %dma_wait3A_292 = tpu.memref_slice %dma_wait3A_289[%dma_wait3A_290, %dma_wait3A_291] : memref<100000x16xf32, #tpu.memory_space<hbm>> -> memref<400x16xf32, #tpu.memory_space<hbm>>
    tpu.wait_dma2 semaphore(%arg21 : memref<!tpu.dma_semaphore, #tpu.memory_space<semaphore_mem>>) src(%dma_wait3A_292 : memref<400x16xf32, #tpu.memory_space<hbm>>) dst(%arg11 : memref<400x16xf32, #tpu.memory_space<vmem>>)
    %dma_wait3A_293 = arith.constant 200000 : i32
    %dma_wait3A_294 = arith.constant 0 : i32
    %dma_wait3A_295 = tpu.memref_slice %arg2[%dma_wait3A_293, %dma_wait3A_294] : memref<300000x16xf32, #tpu.memory_space<hbm>> -> memref<100000x16xf32, #tpu.memory_space<hbm>>
    %dma_wait3A_296 = arith.constant 0 : i32
    %dma_wait3A_297 = arith.constant 0 : i32
    %dma_wait3A_298 = tpu.memref_slice %dma_wait3A_295[%dma_wait3A_296, %dma_wait3A_297] : memref<100000x16xf32, #tpu.memory_space<hbm>> -> memref<400x16xf32, #tpu.memory_space<hbm>>
    %dma_wait3A_299 = arith.constant 200000 : i32
    %dma_wait3A_300 = arith.constant 0 : i32
    %dma_wait3A_301 = tpu.memref_slice %arg2[%dma_wait3A_299, %dma_wait3A_300] : memref<300000x16xf32, #tpu.memory_space<hbm>> -> memref<100000x16xf32, #tpu.memory_space<hbm>>
    %dma_wait3A_302 = arith.constant 0 : i32
    %dma_wait3A_303 = arith.constant 0 : i32
    %dma_wait3A_304 = tpu.memref_slice %dma_wait3A_301[%dma_wait3A_302, %dma_wait3A_303] : memref<100000x16xf32, #tpu.memory_space<hbm>> -> memref<400x16xf32, #tpu.memory_space<hbm>>
    tpu.wait_dma2 semaphore(%arg22 : memref<!tpu.dma_semaphore, #tpu.memory_space<semaphore_mem>>) src(%dma_wait3A_304 : memref<400x16xf32, #tpu.memory_space<hbm>>) dst(%arg15 : memref<400x16xf32, #tpu.memory_space<vmem>>)
    %barrier3A_305 = arith.constant 0 : index
    tpu.barrier barrier_id(%barrier3A_305)
    %mul3A_306 = arith.constant 3 : i32
    %mul3A_307 = arith.muli %arg0, %mul3A_306 : i32
    %add3A_308 = arith.constant 2 : i32
    %add3A_309 = arith.addi %mul3A_307, %add3A_308 : i32
    %mul3A_310 = arith.constant 100352 : i32
    %mul3A_311 = arith.muli %add3A_309, %mul3A_310 : i32
    %add3A_312 = arith.addi %mul3A_311, %mul3A_4 : i32
    "tpu.region"() ({
      %run_scoped3A = tpu.sem_alloc : memref<!tpu.dma_semaphore, #tpu.memory_space<semaphore_mem>>
      %dma_start3A_314 = arith.constant 0 : i32
      %dma_start3A_315 = tpu.memref_slice %arg6[%add3A_312, %dma_start3A_314] : memref<602112x16xf32, #tpu.memory_space<hbm>> -> memref<6272x16xf32, #tpu.memory_space<hbm>>
      %dma_start3A_316 = arith.constant 0 : i32
      %dma_start3A_317 = tpu.memref_slice %arg7[%mul3A_4, %dma_start3A_316] : memref<100352x16xf32, #tpu.memory_space<vmem_shared>> -> memref<6272x16xf32, #tpu.memory_space<vmem_shared>>
      tpu.enqueue_dma source(%dma_start3A_317 : memref<6272x16xf32, #tpu.memory_space<vmem_shared>>) target(%dma_start3A_315 : memref<6272x16xf32, #tpu.memory_space<hbm>>) target_semaphore(%run_scoped3A : memref<!tpu.dma_semaphore, #tpu.memory_space<semaphore_mem>>)
      %dma_wait3A_318 = arith.constant 0 : i32
      %dma_wait3A_319 = tpu.memref_slice %arg6[%add3A_312, %dma_wait3A_318] : memref<602112x16xf32, #tpu.memory_space<hbm>> -> memref<6272x16xf32, #tpu.memory_space<hbm>>
      %dma_wait3A_320 = arith.constant 0 : i32
      %dma_wait3A_321 = tpu.memref_slice %arg7[%mul3A_4, %dma_wait3A_320] : memref<100352x16xf32, #tpu.memory_space<vmem_shared>> -> memref<6272x16xf32, #tpu.memory_space<vmem_shared>>
      tpu.wait_dma2 semaphore(%run_scoped3A : memref<!tpu.dma_semaphore, #tpu.memory_space<semaphore_mem>>) src(%dma_wait3A_321 : memref<6272x16xf32, #tpu.memory_space<vmem_shared>>) dst(%dma_wait3A_319 : memref<6272x16xf32, #tpu.memory_space<hbm>>)
      tpu.yield
    }) : () -> ()
    %barrier3A_313 = arith.constant 0 : index
    tpu.barrier barrier_id(%barrier3A_313)
    return
  }
}

#map = affine_map<(d0, d1) -> (0)>
#map1 = affine_map<(d0, d1) -> (0, 0)>
module attributes {stable_mosaic.version = 14 : i64} {
  func.func @body(%arg0: i32, %arg1: i32, %arg2: memref<4800000xf32, #tpu.memory_space<hbm>>, %arg3: memref<300000x16xf32, #tpu.memory_space<hbm>>, %arg4: memref<30000xf32, #tpu.memory_space<vmem>>, %arg5: memref<30000xf32, #tpu.memory_space<vmem>>, %arg6: memref<625x16xf32, #tpu.memory_space<vmem>>, %arg7: memref<625x16xf32, #tpu.memory_space<vmem>>, %arg8: memref<625x16xf32, #tpu.memory_space<vmem>>, %arg9: memref<!tpu.dma_semaphore, #tpu.memory_space<semaphore_mem>>, %arg10: memref<!tpu.dma_semaphore, #tpu.memory_space<semaphore_mem>>) attributes {dimension_semantics = [#tpu.dimension_semantics<core_parallel>, #tpu.dimension_semantics<subcore_parallel>], iteration_bounds = array<i64: 2, 16>, scalar_prefetch = 0 : i64, scratch_operands = 7 : i64, tpu.core_type = #tpu.core_type<sc_vector_subcore>, window_params = [{transform_indices = #map}, {transform_indices = #map1}]} {
    %mul3A = arith.constant 16 : i32
    %mul3A_0 = arith.muli %arg0, %mul3A : i32
    %add3A = arith.addi %mul3A_0, %arg1 : i32
    %mul3A_1 = arith.constant 3125 : i32
    %mul3A_2 = arith.muli %add3A, %mul3A_1 : i32
    %add3A_3 = arith.constant 0 : i32
    %add3A_4 = arith.addi %mul3A_2, %add3A_3 : i32
    %mul3A_5 = arith.constant 48 : i32
    %mul3A_6 = arith.muli %add3A_4, %mul3A_5 : i32
    %dma_start3A = tpu.memref_slice %arg2[%mul3A_6] : memref<4800000xf32, #tpu.memory_space<hbm>> -> memref<30000xf32, #tpu.memory_space<hbm>>
    %dma_start3A_7 = tpu.memref_slice %arg2[%mul3A_6] : memref<4800000xf32, #tpu.memory_space<hbm>> -> memref<30000xf32, #tpu.memory_space<hbm>>
    tpu.enqueue_dma source(%dma_start3A_7 : memref<30000xf32, #tpu.memory_space<hbm>>) target(%arg4 : memref<30000xf32, #tpu.memory_space<vmem>>) target_semaphore(%arg9 : memref<!tpu.dma_semaphore, #tpu.memory_space<semaphore_mem>>)
    %add3A_8 = arith.constant 625 : i32
    %add3A_9 = arith.addi %mul3A_2, %add3A_8 : i32
    %mul3A_10 = arith.constant 48 : i32
    %mul3A_11 = arith.muli %add3A_9, %mul3A_10 : i32
    %dma_start3A_12 = tpu.memref_slice %arg2[%mul3A_11] : memref<4800000xf32, #tpu.memory_space<hbm>> -> memref<30000xf32, #tpu.memory_space<hbm>>
    %dma_start3A_13 = tpu.memref_slice %arg2[%mul3A_11] : memref<4800000xf32, #tpu.memory_space<hbm>> -> memref<30000xf32, #tpu.memory_space<hbm>>
    tpu.enqueue_dma source(%dma_start3A_13 : memref<30000xf32, #tpu.memory_space<hbm>>) target(%arg5 : memref<30000xf32, #tpu.memory_space<vmem>>) target_semaphore(%arg10 : memref<!tpu.dma_semaphore, #tpu.memory_space<semaphore_mem>>)
    %dma_wait3A = arith.constant 0 : i32
    %dma_wait3A_14 = tpu.memref_slice %arg2[%dma_wait3A] : memref<4800000xf32, #tpu.memory_space<hbm>> -> memref<30000xf32, #tpu.memory_space<hbm>>
    %dma_wait3A_15 = arith.constant 0 : i32
    %dma_wait3A_16 = tpu.memref_slice %arg2[%dma_wait3A_15] : memref<4800000xf32, #tpu.memory_space<hbm>> -> memref<30000xf32, #tpu.memory_space<hbm>>
    tpu.wait_dma2 semaphore(%arg9 : memref<!tpu.dma_semaphore, #tpu.memory_space<semaphore_mem>>) src(%dma_wait3A_16 : memref<30000xf32, #tpu.memory_space<hbm>>) dst(%arg4 : memref<30000xf32, #tpu.memory_space<vmem>>)
    %scan3A = arith.constant 0 : i32
    %scan3A_17 = arith.constant 0 : i32
    %scan3A_18 = arith.constant 625 : i32
    %scan3A_19 = arith.addi %scan3A_17, %scan3A_18 : i32
    %scan3A_20 = arith.constant 1 : i32
    %scan3A_21 = scf.for %scan3A_125 = %scan3A_17 to %scan3A_19 step %scan3A_20 iter_args(%scan3A_126 = %scan3A) -> (i32)  : i32 {
      %mul3A_127 = arith.constant 48 : i32
      %mul3A_128 = arith.muli %scan3A_125, %mul3A_127 : i32
      %add3A_129 = arith.constant 0 : i32
      %add3A_130 = arith.addi %mul3A_128, %add3A_129 : i32
      %get3A = arith.index_cast %add3A_130 : i32 to index
      %get3A_131 = tpu.vector_load %arg4[%get3A] {strides = array<i32>} : memref<30000xf32, #tpu.memory_space<vmem>>, vector<16xf32>,
      %get3A_132 = vector.shape_cast %get3A_131 : vector<16xf32> to vector<16xf32>
      %swap3A = arith.index_cast %scan3A_125 : i32 to index
      %swap3A_133 = arith.constant 0 : index
      %swap3A_134 = tpu.vector_load %arg6[%swap3A, %swap3A_133] {strides = array<i32>} : memref<625x16xf32, #tpu.memory_space<vmem>>, vector<1x16xf32>,
      %swap3A_135 = vector.shape_cast %swap3A_134 : vector<1x16xf32> to vector<16xf32>
      %swap3A_136 = vector.shape_cast %get3A_132 : vector<16xf32> to vector<1x16xf32>
      tpu.vector_store %arg6[%swap3A, %swap3A_133], %swap3A_136 {strides = array<i32>} : memref<625x16xf32, #tpu.memory_space<vmem>>, vector<1x16xf32>,
      %mul3A_137 = arith.constant 48 : i32
      %mul3A_138 = arith.muli %scan3A_125, %mul3A_137 : i32
      %add3A_139 = arith.constant 16 : i32
      %add3A_140 = arith.addi %mul3A_138, %add3A_139 : i32
      %get3A_141 = arith.index_cast %add3A_140 : i32 to index
      %get3A_142 = tpu.vector_load %arg4[%get3A_141] {strides = array<i32>} : memref<30000xf32, #tpu.memory_space<vmem>>, vector<16xf32>,
      %get3A_143 = vector.shape_cast %get3A_142 : vector<16xf32> to vector<16xf32>
      %swap3A_144 = arith.index_cast %scan3A_125 : i32 to index
      %swap3A_145 = arith.constant 0 : index
      %swap3A_146 = tpu.vector_load %arg7[%swap3A_144, %swap3A_145] {strides = array<i32>} : memref<625x16xf32, #tpu.memory_space<vmem>>, vector<1x16xf32>,
      %swap3A_147 = vector.shape_cast %swap3A_146 : vector<1x16xf32> to vector<16xf32>
      %swap3A_148 = vector.shape_cast %get3A_143 : vector<16xf32> to vector<1x16xf32>
      tpu.vector_store %arg7[%swap3A_144, %swap3A_145], %swap3A_148 {strides = array<i32>} : memref<625x16xf32, #tpu.memory_space<vmem>>, vector<1x16xf32>,
      %mul3A_149 = arith.constant 48 : i32
      %mul3A_150 = arith.muli %scan3A_125, %mul3A_149 : i32
      %add3A_151 = arith.constant 32 : i32
      %add3A_152 = arith.addi %mul3A_150, %add3A_151 : i32
      %get3A_153 = arith.index_cast %add3A_152 : i32 to index
      %get3A_154 = tpu.vector_load %arg4[%get3A_153] {strides = array<i32>} : memref<30000xf32, #tpu.memory_space<vmem>>, vector<16xf32>,
      %get3A_155 = vector.shape_cast %get3A_154 : vector<16xf32> to vector<16xf32>
      %swap3A_156 = arith.index_cast %scan3A_125 : i32 to index
      %swap3A_157 = arith.constant 0 : index
      %swap3A_158 = tpu.vector_load %arg8[%swap3A_156, %swap3A_157] {strides = array<i32>} : memref<625x16xf32, #tpu.memory_space<vmem>>, vector<1x16xf32>,
      %swap3A_159 = vector.shape_cast %swap3A_158 : vector<1x16xf32> to vector<16xf32>
      %swap3A_160 = vector.shape_cast %get3A_155 : vector<16xf32> to vector<1x16xf32>
      tpu.vector_store %arg8[%swap3A_156, %swap3A_157], %swap3A_160 {strides = array<i32>} : memref<625x16xf32, #tpu.memory_space<vmem>>, vector<1x16xf32>,
      %scan3A_161 = arith.constant 0 : i32
      scf.yield %scan3A_161 : i32
    }
    %scan3A_22 = arith.constant 625 : i32
    %add3A_23 = arith.constant 0 : i32
    %add3A_24 = arith.addi %mul3A_2, %add3A_23 : i32
    %add3A_25 = arith.constant 0 : i32
    %add3A_26 = arith.addi %add3A_25, %add3A_24 : i32
    "tpu.region"() ({
      %run_scoped3A = tpu.sem_alloc : memref<!tpu.dma_semaphore, #tpu.memory_space<semaphore_mem>>
      %dma_start3A_125 = arith.constant 0 : i32
      %dma_start3A_126 = tpu.memref_slice %arg3[%add3A_26, %dma_start3A_125] : memref<300000x16xf32, #tpu.memory_space<hbm>> -> memref<625x16xf32, #tpu.memory_space<hbm>>
      %dma_start3A_127 = arith.constant 0 : i32
      %dma_start3A_128 = tpu.memref_slice %arg3[%add3A_26, %dma_start3A_127] : memref<300000x16xf32, #tpu.memory_space<hbm>> -> memref<625x16xf32, #tpu.memory_space<hbm>>
      tpu.enqueue_dma source(%arg6 : memref<625x16xf32, #tpu.memory_space<vmem>>) target(%dma_start3A_128 : memref<625x16xf32, #tpu.memory_space<hbm>>) target_semaphore(%run_scoped3A : memref<!tpu.dma_semaphore, #tpu.memory_space<semaphore_mem>>)
      %dma_wait3A_129 = arith.constant 0 : i32
      %dma_wait3A_130 = tpu.memref_slice %arg3[%add3A_26, %dma_wait3A_129] : memref<300000x16xf32, #tpu.memory_space<hbm>> -> memref<625x16xf32, #tpu.memory_space<hbm>>
      %dma_wait3A_131 = arith.constant 0 : i32
      %dma_wait3A_132 = tpu.memref_slice %arg3[%add3A_26, %dma_wait3A_131] : memref<300000x16xf32, #tpu.memory_space<hbm>> -> memref<625x16xf32, #tpu.memory_space<hbm>>
      tpu.wait_dma2 semaphore(%run_scoped3A : memref<!tpu.dma_semaphore, #tpu.memory_space<semaphore_mem>>) src(%arg6 : memref<625x16xf32, #tpu.memory_space<vmem>>) dst(%dma_wait3A_132 : memref<625x16xf32, #tpu.memory_space<hbm>>)
      tpu.yield
    }) : () -> ()
    %add3A_27 = arith.constant 100000 : i32
    %add3A_28 = arith.addi %add3A_27, %add3A_24 : i32
    "tpu.region"() ({
      %run_scoped3A = tpu.sem_alloc : memref<!tpu.dma_semaphore, #tpu.memory_space<semaphore_mem>>
      %dma_start3A_125 = arith.constant 0 : i32
      %dma_start3A_126 = tpu.memref_slice %arg3[%add3A_28, %dma_start3A_125] : memref<300000x16xf32, #tpu.memory_space<hbm>> -> memref<625x16xf32, #tpu.memory_space<hbm>>
      %dma_start3A_127 = arith.constant 0 : i32
      %dma_start3A_128 = tpu.memref_slice %arg3[%add3A_28, %dma_start3A_127] : memref<300000x16xf32, #tpu.memory_space<hbm>> -> memref<625x16xf32, #tpu.memory_space<hbm>>
      tpu.enqueue_dma source(%arg7 : memref<625x16xf32, #tpu.memory_space<vmem>>) target(%dma_start3A_128 : memref<625x16xf32, #tpu.memory_space<hbm>>) target_semaphore(%run_scoped3A : memref<!tpu.dma_semaphore, #tpu.memory_space<semaphore_mem>>)
      %dma_wait3A_129 = arith.constant 0 : i32
      %dma_wait3A_130 = tpu.memref_slice %arg3[%add3A_28, %dma_wait3A_129] : memref<300000x16xf32, #tpu.memory_space<hbm>> -> memref<625x16xf32, #tpu.memory_space<hbm>>
      %dma_wait3A_131 = arith.constant 0 : i32
      %dma_wait3A_132 = tpu.memref_slice %arg3[%add3A_28, %dma_wait3A_131] : memref<300000x16xf32, #tpu.memory_space<hbm>> -> memref<625x16xf32, #tpu.memory_space<hbm>>
      tpu.wait_dma2 semaphore(%run_scoped3A : memref<!tpu.dma_semaphore, #tpu.memory_space<semaphore_mem>>) src(%arg7 : memref<625x16xf32, #tpu.memory_space<vmem>>) dst(%dma_wait3A_132 : memref<625x16xf32, #tpu.memory_space<hbm>>)
      tpu.yield
    }) : () -> ()
    %add3A_29 = arith.constant 200000 : i32
    %add3A_30 = arith.addi %add3A_29, %add3A_24 : i32
    "tpu.region"() ({
      %run_scoped3A = tpu.sem_alloc : memref<!tpu.dma_semaphore, #tpu.memory_space<semaphore_mem>>
      %dma_start3A_125 = arith.constant 0 : i32
      %dma_start3A_126 = tpu.memref_slice %arg3[%add3A_30, %dma_start3A_125] : memref<300000x16xf32, #tpu.memory_space<hbm>> -> memref<625x16xf32, #tpu.memory_space<hbm>>
      %dma_start3A_127 = arith.constant 0 : i32
      %dma_start3A_128 = tpu.memref_slice %arg3[%add3A_30, %dma_start3A_127] : memref<300000x16xf32, #tpu.memory_space<hbm>> -> memref<625x16xf32, #tpu.memory_space<hbm>>
      tpu.enqueue_dma source(%arg8 : memref<625x16xf32, #tpu.memory_space<vmem>>) target(%dma_start3A_128 : memref<625x16xf32, #tpu.memory_space<hbm>>) target_semaphore(%run_scoped3A : memref<!tpu.dma_semaphore, #tpu.memory_space<semaphore_mem>>)
      %dma_wait3A_129 = arith.constant 0 : i32
      %dma_wait3A_130 = tpu.memref_slice %arg3[%add3A_30, %dma_wait3A_129] : memref<300000x16xf32, #tpu.memory_space<hbm>> -> memref<625x16xf32, #tpu.memory_space<hbm>>
      %dma_wait3A_131 = arith.constant 0 : i32
      %dma_wait3A_132 = tpu.memref_slice %arg3[%add3A_30, %dma_wait3A_131] : memref<300000x16xf32, #tpu.memory_space<hbm>> -> memref<625x16xf32, #tpu.memory_space<hbm>>
      tpu.wait_dma2 semaphore(%run_scoped3A : memref<!tpu.dma_semaphore, #tpu.memory_space<semaphore_mem>>) src(%arg8 : memref<625x16xf32, #tpu.memory_space<vmem>>) dst(%dma_wait3A_132 : memref<625x16xf32, #tpu.memory_space<hbm>>)
      tpu.yield
    }) : () -> ()
    %add3A_31 = arith.constant 1250 : i32
    %add3A_32 = arith.addi %mul3A_2, %add3A_31 : i32
    %mul3A_33 = arith.constant 48 : i32
    %mul3A_34 = arith.muli %add3A_32, %mul3A_33 : i32
    %dma_start3A_35 = tpu.memref_slice %arg2[%mul3A_34] : memref<4800000xf32, #tpu.memory_space<hbm>> -> memref<30000xf32, #tpu.memory_space<hbm>>
    %dma_start3A_36 = tpu.memref_slice %arg2[%mul3A_34] : memref<4800000xf32, #tpu.memory_space<hbm>> -> memref<30000xf32, #tpu.memory_space<hbm>>
    tpu.enqueue_dma source(%dma_start3A_36 : memref<30000xf32, #tpu.memory_space<hbm>>) target(%arg4 : memref<30000xf32, #tpu.memory_space<vmem>>) target_semaphore(%arg9 : memref<!tpu.dma_semaphore, #tpu.memory_space<semaphore_mem>>)
    %dma_wait3A_37 = arith.constant 0 : i32
    %dma_wait3A_38 = tpu.memref_slice %arg2[%dma_wait3A_37] : memref<4800000xf32, #tpu.memory_space<hbm>> -> memref<30000xf32, #tpu.memory_space<hbm>>
    %dma_wait3A_39 = arith.constant 0 : i32
    %dma_wait3A_40 = tpu.memref_slice %arg2[%dma_wait3A_39] : memref<4800000xf32, #tpu.memory_space<hbm>> -> memref<30000xf32, #tpu.memory_space<hbm>>
    tpu.wait_dma2 semaphore(%arg10 : memref<!tpu.dma_semaphore, #tpu.memory_space<semaphore_mem>>) src(%dma_wait3A_40 : memref<30000xf32, #tpu.memory_space<hbm>>) dst(%arg5 : memref<30000xf32, #tpu.memory_space<vmem>>)
    %scan3A_41 = arith.constant 0 : i32
    %scan3A_42 = arith.constant 0 : i32
    %scan3A_43 = arith.constant 625 : i32
    %scan3A_44 = arith.addi %scan3A_42, %scan3A_43 : i32
    %scan3A_45 = arith.constant 1 : i32
    %scan3A_46 = scf.for %scan3A_125 = %scan3A_42 to %scan3A_44 step %scan3A_45 iter_args(%scan3A_126 = %scan3A_41) -> (i32)  : i32 {
      %mul3A_127 = arith.constant 48 : i32
      %mul3A_128 = arith.muli %scan3A_125, %mul3A_127 : i32
      %add3A_129 = arith.constant 0 : i32
      %add3A_130 = arith.addi %mul3A_128, %add3A_129 : i32
      %get3A = arith.index_cast %add3A_130 : i32 to index
      %get3A_131 = tpu.vector_load %arg5[%get3A] {strides = array<i32>} : memref<30000xf32, #tpu.memory_space<vmem>>, vector<16xf32>,
      %get3A_132 = vector.shape_cast %get3A_131 : vector<16xf32> to vector<16xf32>
      %swap3A = arith.index_cast %scan3A_125 : i32 to index
      %swap3A_133 = arith.constant 0 : index
      %swap3A_134 = tpu.vector_load %arg6[%swap3A, %swap3A_133] {strides = array<i32>} : memref<625x16xf32, #tpu.memory_space<vmem>>, vector<1x16xf32>,
      %swap3A_135 = vector.shape_cast %swap3A_134 : vector<1x16xf32> to vector<16xf32>
      %swap3A_136 = vector.shape_cast %get3A_132 : vector<16xf32> to vector<1x16xf32>
      tpu.vector_store %arg6[%swap3A, %swap3A_133], %swap3A_136 {strides = array<i32>} : memref<625x16xf32, #tpu.memory_space<vmem>>, vector<1x16xf32>,
      %mul3A_137 = arith.constant 48 : i32
      %mul3A_138 = arith.muli %scan3A_125, %mul3A_137 : i32
      %add3A_139 = arith.constant 16 : i32
      %add3A_140 = arith.addi %mul3A_138, %add3A_139 : i32
      %get3A_141 = arith.index_cast %add3A_140 : i32 to index
      %get3A_142 = tpu.vector_load %arg5[%get3A_141] {strides = array<i32>} : memref<30000xf32, #tpu.memory_space<vmem>>, vector<16xf32>,
      %get3A_143 = vector.shape_cast %get3A_142 : vector<16xf32> to vector<16xf32>
      %swap3A_144 = arith.index_cast %scan3A_125 : i32 to index
      %swap3A_145 = arith.constant 0 : index
      %swap3A_146 = tpu.vector_load %arg7[%swap3A_144, %swap3A_145] {strides = array<i32>} : memref<625x16xf32, #tpu.memory_space<vmem>>, vector<1x16xf32>,
      %swap3A_147 = vector.shape_cast %swap3A_146 : vector<1x16xf32> to vector<16xf32>
      %swap3A_148 = vector.shape_cast %get3A_143 : vector<16xf32> to vector<1x16xf32>
      tpu.vector_store %arg7[%swap3A_144, %swap3A_145], %swap3A_148 {strides = array<i32>} : memref<625x16xf32, #tpu.memory_space<vmem>>, vector<1x16xf32>,
      %mul3A_149 = arith.constant 48 : i32
      %mul3A_150 = arith.muli %scan3A_125, %mul3A_149 : i32
      %add3A_151 = arith.constant 32 : i32
      %add3A_152 = arith.addi %mul3A_150, %add3A_151 : i32
      %get3A_153 = arith.index_cast %add3A_152 : i32 to index
      %get3A_154 = tpu.vector_load %arg5[%get3A_153] {strides = array<i32>} : memref<30000xf32, #tpu.memory_space<vmem>>, vector<16xf32>,
      %get3A_155 = vector.shape_cast %get3A_154 : vector<16xf32> to vector<16xf32>
      %swap3A_156 = arith.index_cast %scan3A_125 : i32 to index
      %swap3A_157 = arith.constant 0 : index
      %swap3A_158 = tpu.vector_load %arg8[%swap3A_156, %swap3A_157] {strides = array<i32>} : memref<625x16xf32, #tpu.memory_space<vmem>>, vector<1x16xf32>,
      %swap3A_159 = vector.shape_cast %swap3A_158 : vector<1x16xf32> to vector<16xf32>
      %swap3A_160 = vector.shape_cast %get3A_155 : vector<16xf32> to vector<1x16xf32>
      tpu.vector_store %arg8[%swap3A_156, %swap3A_157], %swap3A_160 {strides = array<i32>} : memref<625x16xf32, #tpu.memory_space<vmem>>, vector<1x16xf32>,
      %scan3A_161 = arith.constant 0 : i32
      scf.yield %scan3A_161 : i32
    }
    %scan3A_47 = arith.constant 625 : i32
    %add3A_48 = arith.constant 625 : i32
    %add3A_49 = arith.addi %mul3A_2, %add3A_48 : i32
    %add3A_50 = arith.constant 0 : i32
    %add3A_51 = arith.addi %add3A_50, %add3A_49 : i32
    "tpu.region"() ({
      %run_scoped3A = tpu.sem_alloc : memref<!tpu.dma_semaphore, #tpu.memory_space<semaphore_mem>>
      %dma_start3A_125 = arith.constant 0 : i32
      %dma_start3A_126 = tpu.memref_slice %arg3[%add3A_51, %dma_start3A_125] : memref<300000x16xf32, #tpu.memory_space<hbm>> -> memref<625x16xf32, #tpu.memory_space<hbm>>
      %dma_start3A_127 = arith.constant 0 : i32
      %dma_start3A_128 = tpu.memref_slice %arg3[%add3A_51, %dma_start3A_127] : memref<300000x16xf32, #tpu.memory_space<hbm>> -> memref<625x16xf32, #tpu.memory_space<hbm>>
      tpu.enqueue_dma source(%arg6 : memref<625x16xf32, #tpu.memory_space<vmem>>) target(%dma_start3A_128 : memref<625x16xf32, #tpu.memory_space<hbm>>) target_semaphore(%run_scoped3A : memref<!tpu.dma_semaphore, #tpu.memory_space<semaphore_mem>>)
      %dma_wait3A_129 = arith.constant 0 : i32
      %dma_wait3A_130 = tpu.memref_slice %arg3[%add3A_51, %dma_wait3A_129] : memref<300000x16xf32, #tpu.memory_space<hbm>> -> memref<625x16xf32, #tpu.memory_space<hbm>>
      %dma_wait3A_131 = arith.constant 0 : i32
      %dma_wait3A_132 = tpu.memref_slice %arg3[%add3A_51, %dma_wait3A_131] : memref<300000x16xf32, #tpu.memory_space<hbm>> -> memref<625x16xf32, #tpu.memory_space<hbm>>
      tpu.wait_dma2 semaphore(%run_scoped3A : memref<!tpu.dma_semaphore, #tpu.memory_space<semaphore_mem>>) src(%arg6 : memref<625x16xf32, #tpu.memory_space<vmem>>) dst(%dma_wait3A_132 : memref<625x16xf32, #tpu.memory_space<hbm>>)
      tpu.yield
    }) : () -> ()
    %add3A_52 = arith.constant 100000 : i32
    %add3A_53 = arith.addi %add3A_52, %add3A_49 : i32
    "tpu.region"() ({
      %run_scoped3A = tpu.sem_alloc : memref<!tpu.dma_semaphore, #tpu.memory_space<semaphore_mem>>
      %dma_start3A_125 = arith.constant 0 : i32
      %dma_start3A_126 = tpu.memref_slice %arg3[%add3A_53, %dma_start3A_125] : memref<300000x16xf32, #tpu.memory_space<hbm>> -> memref<625x16xf32, #tpu.memory_space<hbm>>
      %dma_start3A_127 = arith.constant 0 : i32
      %dma_start3A_128 = tpu.memref_slice %arg3[%add3A_53, %dma_start3A_127] : memref<300000x16xf32, #tpu.memory_space<hbm>> -> memref<625x16xf32, #tpu.memory_space<hbm>>
      tpu.enqueue_dma source(%arg7 : memref<625x16xf32, #tpu.memory_space<vmem>>) target(%dma_start3A_128 : memref<625x16xf32, #tpu.memory_space<hbm>>) target_semaphore(%run_scoped3A : memref<!tpu.dma_semaphore, #tpu.memory_space<semaphore_mem>>)
      %dma_wait3A_129 = arith.constant 0 : i32
      %dma_wait3A_130 = tpu.memref_slice %arg3[%add3A_53, %dma_wait3A_129] : memref<300000x16xf32, #tpu.memory_space<hbm>> -> memref<625x16xf32, #tpu.memory_space<hbm>>
      %dma_wait3A_131 = arith.constant 0 : i32
      %dma_wait3A_132 = tpu.memref_slice %arg3[%add3A_53, %dma_wait3A_131] : memref<300000x16xf32, #tpu.memory_space<hbm>> -> memref<625x16xf32, #tpu.memory_space<hbm>>
      tpu.wait_dma2 semaphore(%run_scoped3A : memref<!tpu.dma_semaphore, #tpu.memory_space<semaphore_mem>>) src(%arg7 : memref<625x16xf32, #tpu.memory_space<vmem>>) dst(%dma_wait3A_132 : memref<625x16xf32, #tpu.memory_space<hbm>>)
      tpu.yield
    }) : () -> ()
    %add3A_54 = arith.constant 200000 : i32
    %add3A_55 = arith.addi %add3A_54, %add3A_49 : i32
    "tpu.region"() ({
      %run_scoped3A = tpu.sem_alloc : memref<!tpu.dma_semaphore, #tpu.memory_space<semaphore_mem>>
      %dma_start3A_125 = arith.constant 0 : i32
      %dma_start3A_126 = tpu.memref_slice %arg3[%add3A_55, %dma_start3A_125] : memref<300000x16xf32, #tpu.memory_space<hbm>> -> memref<625x16xf32, #tpu.memory_space<hbm>>
      %dma_start3A_127 = arith.constant 0 : i32
      %dma_start3A_128 = tpu.memref_slice %arg3[%add3A_55, %dma_start3A_127] : memref<300000x16xf32, #tpu.memory_space<hbm>> -> memref<625x16xf32, #tpu.memory_space<hbm>>
      tpu.enqueue_dma source(%arg8 : memref<625x16xf32, #tpu.memory_space<vmem>>) target(%dma_start3A_128 : memref<625x16xf32, #tpu.memory_space<hbm>>) target_semaphore(%run_scoped3A : memref<!tpu.dma_semaphore, #tpu.memory_space<semaphore_mem>>)
      %dma_wait3A_129 = arith.constant 0 : i32
      %dma_wait3A_130 = tpu.memref_slice %arg3[%add3A_55, %dma_wait3A_129] : memref<300000x16xf32, #tpu.memory_space<hbm>> -> memref<625x16xf32, #tpu.memory_space<hbm>>
      %dma_wait3A_131 = arith.constant 0 : i32
      %dma_wait3A_132 = tpu.memref_slice %arg3[%add3A_55, %dma_wait3A_131] : memref<300000x16xf32, #tpu.memory_space<hbm>> -> memref<625x16xf32, #tpu.memory_space<hbm>>
      tpu.wait_dma2 semaphore(%run_scoped3A : memref<!tpu.dma_semaphore, #tpu.memory_space<semaphore_mem>>) src(%arg8 : memref<625x16xf32, #tpu.memory_space<vmem>>) dst(%dma_wait3A_132 : memref<625x16xf32, #tpu.memory_space<hbm>>)
      tpu.yield
    }) : () -> ()
    %add3A_56 = arith.constant 1875 : i32
    %add3A_57 = arith.addi %mul3A_2, %add3A_56 : i32
    %mul3A_58 = arith.constant 48 : i32
    %mul3A_59 = arith.muli %add3A_57, %mul3A_58 : i32
    %dma_start3A_60 = tpu.memref_slice %arg2[%mul3A_59] : memref<4800000xf32, #tpu.memory_space<hbm>> -> memref<30000xf32, #tpu.memory_space<hbm>>
    %dma_start3A_61 = tpu.memref_slice %arg2[%mul3A_59] : memref<4800000xf32, #tpu.memory_space<hbm>> -> memref<30000xf32, #tpu.memory_space<hbm>>
    tpu.enqueue_dma source(%dma_start3A_61 : memref<30000xf32, #tpu.memory_space<hbm>>) target(%arg5 : memref<30000xf32, #tpu.memory_space<vmem>>) target_semaphore(%arg10 : memref<!tpu.dma_semaphore, #tpu.memory_space<semaphore_mem>>)
    %dma_wait3A_62 = arith.constant 0 : i32
    %dma_wait3A_63 = tpu.memref_slice %arg2[%dma_wait3A_62] : memref<4800000xf32, #tpu.memory_space<hbm>> -> memref<30000xf32, #tpu.memory_space<hbm>>
    %dma_wait3A_64 = arith.constant 0 : i32
    %dma_wait3A_65 = tpu.memref_slice %arg2[%dma_wait3A_64] : memref<4800000xf32, #tpu.memory_space<hbm>> -> memref<30000xf32, #tpu.memory_space<hbm>>
    tpu.wait_dma2 semaphore(%arg9 : memref<!tpu.dma_semaphore, #tpu.memory_space<semaphore_mem>>) src(%dma_wait3A_65 : memref<30000xf32, #tpu.memory_space<hbm>>) dst(%arg4 : memref<30000xf32, #tpu.memory_space<vmem>>)
    %scan3A_66 = arith.constant 0 : i32
    %scan3A_67 = arith.constant 0 : i32
    %scan3A_68 = arith.constant 625 : i32
    %scan3A_69 = arith.addi %scan3A_67, %scan3A_68 : i32
    %scan3A_70 = arith.constant 1 : i32
    %scan3A_71 = scf.for %scan3A_125 = %scan3A_67 to %scan3A_69 step %scan3A_70 iter_args(%scan3A_126 = %scan3A_66) -> (i32)  : i32 {
      %mul3A_127 = arith.constant 48 : i32
      %mul3A_128 = arith.muli %scan3A_125, %mul3A_127 : i32
      %add3A_129 = arith.constant 0 : i32
      %add3A_130 = arith.addi %mul3A_128, %add3A_129 : i32
      %get3A = arith.index_cast %add3A_130 : i32 to index
      %get3A_131 = tpu.vector_load %arg4[%get3A] {strides = array<i32>} : memref<30000xf32, #tpu.memory_space<vmem>>, vector<16xf32>,
      %get3A_132 = vector.shape_cast %get3A_131 : vector<16xf32> to vector<16xf32>
      %swap3A = arith.index_cast %scan3A_125 : i32 to index
      %swap3A_133 = arith.constant 0 : index
      %swap3A_134 = tpu.vector_load %arg6[%swap3A, %swap3A_133] {strides = array<i32>} : memref<625x16xf32, #tpu.memory_space<vmem>>, vector<1x16xf32>,
      %swap3A_135 = vector.shape_cast %swap3A_134 : vector<1x16xf32> to vector<16xf32>
      %swap3A_136 = vector.shape_cast %get3A_132 : vector<16xf32> to vector<1x16xf32>
      tpu.vector_store %arg6[%swap3A, %swap3A_133], %swap3A_136 {strides = array<i32>} : memref<625x16xf32, #tpu.memory_space<vmem>>, vector<1x16xf32>,
      %mul3A_137 = arith.constant 48 : i32
      %mul3A_138 = arith.muli %scan3A_125, %mul3A_137 : i32
      %add3A_139 = arith.constant 16 : i32
      %add3A_140 = arith.addi %mul3A_138, %add3A_139 : i32
      %get3A_141 = arith.index_cast %add3A_140 : i32 to index
      %get3A_142 = tpu.vector_load %arg4[%get3A_141] {strides = array<i32>} : memref<30000xf32, #tpu.memory_space<vmem>>, vector<16xf32>,
      %get3A_143 = vector.shape_cast %get3A_142 : vector<16xf32> to vector<16xf32>
      %swap3A_144 = arith.index_cast %scan3A_125 : i32 to index
      %swap3A_145 = arith.constant 0 : index
      %swap3A_146 = tpu.vector_load %arg7[%swap3A_144, %swap3A_145] {strides = array<i32>} : memref<625x16xf32, #tpu.memory_space<vmem>>, vector<1x16xf32>,
      %swap3A_147 = vector.shape_cast %swap3A_146 : vector<1x16xf32> to vector<16xf32>
      %swap3A_148 = vector.shape_cast %get3A_143 : vector<16xf32> to vector<1x16xf32>
      tpu.vector_store %arg7[%swap3A_144, %swap3A_145], %swap3A_148 {strides = array<i32>} : memref<625x16xf32, #tpu.memory_space<vmem>>, vector<1x16xf32>,
      %mul3A_149 = arith.constant 48 : i32
      %mul3A_150 = arith.muli %scan3A_125, %mul3A_149 : i32
      %add3A_151 = arith.constant 32 : i32
      %add3A_152 = arith.addi %mul3A_150, %add3A_151 : i32
      %get3A_153 = arith.index_cast %add3A_152 : i32 to index
      %get3A_154 = tpu.vector_load %arg4[%get3A_153] {strides = array<i32>} : memref<30000xf32, #tpu.memory_space<vmem>>, vector<16xf32>,
      %get3A_155 = vector.shape_cast %get3A_154 : vector<16xf32> to vector<16xf32>
      %swap3A_156 = arith.index_cast %scan3A_125 : i32 to index
      %swap3A_157 = arith.constant 0 : index
      %swap3A_158 = tpu.vector_load %arg8[%swap3A_156, %swap3A_157] {strides = array<i32>} : memref<625x16xf32, #tpu.memory_space<vmem>>, vector<1x16xf32>,
      %swap3A_159 = vector.shape_cast %swap3A_158 : vector<1x16xf32> to vector<16xf32>
      %swap3A_160 = vector.shape_cast %get3A_155 : vector<16xf32> to vector<1x16xf32>
      tpu.vector_store %arg8[%swap3A_156, %swap3A_157], %swap3A_160 {strides = array<i32>} : memref<625x16xf32, #tpu.memory_space<vmem>>, vector<1x16xf32>,
      %scan3A_161 = arith.constant 0 : i32
      scf.yield %scan3A_161 : i32
    }
    %scan3A_72 = arith.constant 625 : i32
    %add3A_73 = arith.constant 1250 : i32
    %add3A_74 = arith.addi %mul3A_2, %add3A_73 : i32
    %add3A_75 = arith.constant 0 : i32
    %add3A_76 = arith.addi %add3A_75, %add3A_74 : i32
    "tpu.region"() ({
      %run_scoped3A = tpu.sem_alloc : memref<!tpu.dma_semaphore, #tpu.memory_space<semaphore_mem>>
      %dma_start3A_125 = arith.constant 0 : i32
      %dma_start3A_126 = tpu.memref_slice %arg3[%add3A_76, %dma_start3A_125] : memref<300000x16xf32, #tpu.memory_space<hbm>> -> memref<625x16xf32, #tpu.memory_space<hbm>>
      %dma_start3A_127 = arith.constant 0 : i32
      %dma_start3A_128 = tpu.memref_slice %arg3[%add3A_76, %dma_start3A_127] : memref<300000x16xf32, #tpu.memory_space<hbm>> -> memref<625x16xf32, #tpu.memory_space<hbm>>
      tpu.enqueue_dma source(%arg6 : memref<625x16xf32, #tpu.memory_space<vmem>>) target(%dma_start3A_128 : memref<625x16xf32, #tpu.memory_space<hbm>>) target_semaphore(%run_scoped3A : memref<!tpu.dma_semaphore, #tpu.memory_space<semaphore_mem>>)
      %dma_wait3A_129 = arith.constant 0 : i32
      %dma_wait3A_130 = tpu.memref_slice %arg3[%add3A_76, %dma_wait3A_129] : memref<300000x16xf32, #tpu.memory_space<hbm>> -> memref<625x16xf32, #tpu.memory_space<hbm>>
      %dma_wait3A_131 = arith.constant 0 : i32
      %dma_wait3A_132 = tpu.memref_slice %arg3[%add3A_76, %dma_wait3A_131] : memref<300000x16xf32, #tpu.memory_space<hbm>> -> memref<625x16xf32, #tpu.memory_space<hbm>>
      tpu.wait_dma2 semaphore(%run_scoped3A : memref<!tpu.dma_semaphore, #tpu.memory_space<semaphore_mem>>) src(%arg6 : memref<625x16xf32, #tpu.memory_space<vmem>>) dst(%dma_wait3A_132 : memref<625x16xf32, #tpu.memory_space<hbm>>)
      tpu.yield
    }) : () -> ()
    %add3A_77 = arith.constant 100000 : i32
    %add3A_78 = arith.addi %add3A_77, %add3A_74 : i32
    "tpu.region"() ({
      %run_scoped3A = tpu.sem_alloc : memref<!tpu.dma_semaphore, #tpu.memory_space<semaphore_mem>>
      %dma_start3A_125 = arith.constant 0 : i32
      %dma_start3A_126 = tpu.memref_slice %arg3[%add3A_78, %dma_start3A_125] : memref<300000x16xf32, #tpu.memory_space<hbm>> -> memref<625x16xf32, #tpu.memory_space<hbm>>
      %dma_start3A_127 = arith.constant 0 : i32
      %dma_start3A_128 = tpu.memref_slice %arg3[%add3A_78, %dma_start3A_127] : memref<300000x16xf32, #tpu.memory_space<hbm>> -> memref<625x16xf32, #tpu.memory_space<hbm>>
      tpu.enqueue_dma source(%arg7 : memref<625x16xf32, #tpu.memory_space<vmem>>) target(%dma_start3A_128 : memref<625x16xf32, #tpu.memory_space<hbm>>) target_semaphore(%run_scoped3A : memref<!tpu.dma_semaphore, #tpu.memory_space<semaphore_mem>>)
      %dma_wait3A_129 = arith.constant 0 : i32
      %dma_wait3A_130 = tpu.memref_slice %arg3[%add3A_78, %dma_wait3A_129] : memref<300000x16xf32, #tpu.memory_space<hbm>> -> memref<625x16xf32, #tpu.memory_space<hbm>>
      %dma_wait3A_131 = arith.constant 0 : i32
      %dma_wait3A_132 = tpu.memref_slice %arg3[%add3A_78, %dma_wait3A_131] : memref<300000x16xf32, #tpu.memory_space<hbm>> -> memref<625x16xf32, #tpu.memory_space<hbm>>
      tpu.wait_dma2 semaphore(%run_scoped3A : memref<!tpu.dma_semaphore, #tpu.memory_space<semaphore_mem>>) src(%arg7 : memref<625x16xf32, #tpu.memory_space<vmem>>) dst(%dma_wait3A_132 : memref<625x16xf32, #tpu.memory_space<hbm>>)
      tpu.yield
    }) : () -> ()
    %add3A_79 = arith.constant 200000 : i32
    %add3A_80 = arith.addi %add3A_79, %add3A_74 : i32
    "tpu.region"() ({
      %run_scoped3A = tpu.sem_alloc : memref<!tpu.dma_semaphore, #tpu.memory_space<semaphore_mem>>
      %dma_start3A_125 = arith.constant 0 : i32
      %dma_start3A_126 = tpu.memref_slice %arg3[%add3A_80, %dma_start3A_125] : memref<300000x16xf32, #tpu.memory_space<hbm>> -> memref<625x16xf32, #tpu.memory_space<hbm>>
      %dma_start3A_127 = arith.constant 0 : i32
      %dma_start3A_128 = tpu.memref_slice %arg3[%add3A_80, %dma_start3A_127] : memref<300000x16xf32, #tpu.memory_space<hbm>> -> memref<625x16xf32, #tpu.memory_space<hbm>>
      tpu.enqueue_dma source(%arg8 : memref<625x16xf32, #tpu.memory_space<vmem>>) target(%dma_start3A_128 : memref<625x16xf32, #tpu.memory_space<hbm>>) target_semaphore(%run_scoped3A : memref<!tpu.dma_semaphore, #tpu.memory_space<semaphore_mem>>)
      %dma_wait3A_129 = arith.constant 0 : i32
      %dma_wait3A_130 = tpu.memref_slice %arg3[%add3A_80, %dma_wait3A_129] : memref<300000x16xf32, #tpu.memory_space<hbm>> -> memref<625x16xf32, #tpu.memory_space<hbm>>
      %dma_wait3A_131 = arith.constant 0 : i32
      %dma_wait3A_132 = tpu.memref_slice %arg3[%add3A_80, %dma_wait3A_131] : memref<300000x16xf32, #tpu.memory_space<hbm>> -> memref<625x16xf32, #tpu.memory_space<hbm>>
      tpu.wait_dma2 semaphore(%run_scoped3A : memref<!tpu.dma_semaphore, #tpu.memory_space<semaphore_mem>>) src(%arg8 : memref<625x16xf32, #tpu.memory_space<vmem>>) dst(%dma_wait3A_132 : memref<625x16xf32, #tpu.memory_space<hbm>>)
      tpu.yield
    }) : () -> ()
    %add3A_81 = arith.constant 2500 : i32
    %add3A_82 = arith.addi %mul3A_2, %add3A_81 : i32
    %mul3A_83 = arith.constant 48 : i32
    %mul3A_84 = arith.muli %add3A_82, %mul3A_83 : i32
    %dma_start3A_85 = tpu.memref_slice %arg2[%mul3A_84] : memref<4800000xf32, #tpu.memory_space<hbm>> -> memref<30000xf32, #tpu.memory_space<hbm>>
    %dma_start3A_86 = tpu.memref_slice %arg2[%mul3A_84] : memref<4800000xf32, #tpu.memory_space<hbm>> -> memref<30000xf32, #tpu.memory_space<hbm>>
    tpu.enqueue_dma source(%dma_start3A_86 : memref<30000xf32, #tpu.memory_space<hbm>>) target(%arg4 : memref<30000xf32, #tpu.memory_space<vmem>>) target_semaphore(%arg9 : memref<!tpu.dma_semaphore, #tpu.memory_space<semaphore_mem>>)
    %dma_wait3A_87 = arith.constant 0 : i32
    %dma_wait3A_88 = tpu.memref_slice %arg2[%dma_wait3A_87] : memref<4800000xf32, #tpu.memory_space<hbm>> -> memref<30000xf32, #tpu.memory_space<hbm>>
    %dma_wait3A_89 = arith.constant 0 : i32
    %dma_wait3A_90 = tpu.memref_slice %arg2[%dma_wait3A_89] : memref<4800000xf32, #tpu.memory_space<hbm>> -> memref<30000xf32, #tpu.memory_space<hbm>>
    tpu.wait_dma2 semaphore(%arg10 : memref<!tpu.dma_semaphore, #tpu.memory_space<semaphore_mem>>) src(%dma_wait3A_90 : memref<30000xf32, #tpu.memory_space<hbm>>) dst(%arg5 : memref<30000xf32, #tpu.memory_space<vmem>>)
    %scan3A_91 = arith.constant 0 : i32
    %scan3A_92 = arith.constant 0 : i32
    %scan3A_93 = arith.constant 625 : i32
    %scan3A_94 = arith.addi %scan3A_92, %scan3A_93 : i32
    %scan3A_95 = arith.constant 1 : i32
    %scan3A_96 = scf.for %scan3A_125 = %scan3A_92 to %scan3A_94 step %scan3A_95 iter_args(%scan3A_126 = %scan3A_91) -> (i32)  : i32 {
      %mul3A_127 = arith.constant 48 : i32
      %mul3A_128 = arith.muli %scan3A_125, %mul3A_127 : i32
      %add3A_129 = arith.constant 0 : i32
      %add3A_130 = arith.addi %mul3A_128, %add3A_129 : i32
      %get3A = arith.index_cast %add3A_130 : i32 to index
      %get3A_131 = tpu.vector_load %arg5[%get3A] {strides = array<i32>} : memref<30000xf32, #tpu.memory_space<vmem>>, vector<16xf32>,
      %get3A_132 = vector.shape_cast %get3A_131 : vector<16xf32> to vector<16xf32>
      %swap3A = arith.index_cast %scan3A_125 : i32 to index
      %swap3A_133 = arith.constant 0 : index
      %swap3A_134 = tpu.vector_load %arg6[%swap3A, %swap3A_133] {strides = array<i32>} : memref<625x16xf32, #tpu.memory_space<vmem>>, vector<1x16xf32>,
      %swap3A_135 = vector.shape_cast %swap3A_134 : vector<1x16xf32> to vector<16xf32>
      %swap3A_136 = vector.shape_cast %get3A_132 : vector<16xf32> to vector<1x16xf32>
      tpu.vector_store %arg6[%swap3A, %swap3A_133], %swap3A_136 {strides = array<i32>} : memref<625x16xf32, #tpu.memory_space<vmem>>, vector<1x16xf32>,
      %mul3A_137 = arith.constant 48 : i32
      %mul3A_138 = arith.muli %scan3A_125, %mul3A_137 : i32
      %add3A_139 = arith.constant 16 : i32
      %add3A_140 = arith.addi %mul3A_138, %add3A_139 : i32
      %get3A_141 = arith.index_cast %add3A_140 : i32 to index
      %get3A_142 = tpu.vector_load %arg5[%get3A_141] {strides = array<i32>} : memref<30000xf32, #tpu.memory_space<vmem>>, vector<16xf32>,
      %get3A_143 = vector.shape_cast %get3A_142 : vector<16xf32> to vector<16xf32>
      %swap3A_144 = arith.index_cast %scan3A_125 : i32 to index
      %swap3A_145 = arith.constant 0 : index
      %swap3A_146 = tpu.vector_load %arg7[%swap3A_144, %swap3A_145] {strides = array<i32>} : memref<625x16xf32, #tpu.memory_space<vmem>>, vector<1x16xf32>,
      %swap3A_147 = vector.shape_cast %swap3A_146 : vector<1x16xf32> to vector<16xf32>
      %swap3A_148 = vector.shape_cast %get3A_143 : vector<16xf32> to vector<1x16xf32>
      tpu.vector_store %arg7[%swap3A_144, %swap3A_145], %swap3A_148 {strides = array<i32>} : memref<625x16xf32, #tpu.memory_space<vmem>>, vector<1x16xf32>,
      %mul3A_149 = arith.constant 48 : i32
      %mul3A_150 = arith.muli %scan3A_125, %mul3A_149 : i32
      %add3A_151 = arith.constant 32 : i32
      %add3A_152 = arith.addi %mul3A_150, %add3A_151 : i32
      %get3A_153 = arith.index_cast %add3A_152 : i32 to index
      %get3A_154 = tpu.vector_load %arg5[%get3A_153] {strides = array<i32>} : memref<30000xf32, #tpu.memory_space<vmem>>, vector<16xf32>,
      %get3A_155 = vector.shape_cast %get3A_154 : vector<16xf32> to vector<16xf32>
      %swap3A_156 = arith.index_cast %scan3A_125 : i32 to index
      %swap3A_157 = arith.constant 0 : index
      %swap3A_158 = tpu.vector_load %arg8[%swap3A_156, %swap3A_157] {strides = array<i32>} : memref<625x16xf32, #tpu.memory_space<vmem>>, vector<1x16xf32>,
      %swap3A_159 = vector.shape_cast %swap3A_158 : vector<1x16xf32> to vector<16xf32>
      %swap3A_160 = vector.shape_cast %get3A_155 : vector<16xf32> to vector<1x16xf32>
      tpu.vector_store %arg8[%swap3A_156, %swap3A_157], %swap3A_160 {strides = array<i32>} : memref<625x16xf32, #tpu.memory_space<vmem>>, vector<1x16xf32>,
      %scan3A_161 = arith.constant 0 : i32
      scf.yield %scan3A_161 : i32
    }
    %scan3A_97 = arith.constant 625 : i32
    %add3A_98 = arith.constant 1875 : i32
    %add3A_99 = arith.addi %mul3A_2, %add3A_98 : i32
    %add3A_100 = arith.constant 0 : i32
    %add3A_101 = arith.addi %add3A_100, %add3A_99 : i32
    "tpu.region"() ({
      %run_scoped3A = tpu.sem_alloc : memref<!tpu.dma_semaphore, #tpu.memory_space<semaphore_mem>>
      %dma_start3A_125 = arith.constant 0 : i32
      %dma_start3A_126 = tpu.memref_slice %arg3[%add3A_101, %dma_start3A_125] : memref<300000x16xf32, #tpu.memory_space<hbm>> -> memref<625x16xf32, #tpu.memory_space<hbm>>
      %dma_start3A_127 = arith.constant 0 : i32
      %dma_start3A_128 = tpu.memref_slice %arg3[%add3A_101, %dma_start3A_127] : memref<300000x16xf32, #tpu.memory_space<hbm>> -> memref<625x16xf32, #tpu.memory_space<hbm>>
      tpu.enqueue_dma source(%arg6 : memref<625x16xf32, #tpu.memory_space<vmem>>) target(%dma_start3A_128 : memref<625x16xf32, #tpu.memory_space<hbm>>) target_semaphore(%run_scoped3A : memref<!tpu.dma_semaphore, #tpu.memory_space<semaphore_mem>>)
      %dma_wait3A_129 = arith.constant 0 : i32
      %dma_wait3A_130 = tpu.memref_slice %arg3[%add3A_101, %dma_wait3A_129] : memref<300000x16xf32, #tpu.memory_space<hbm>> -> memref<625x16xf32, #tpu.memory_space<hbm>>
      %dma_wait3A_131 = arith.constant 0 : i32
      %dma_wait3A_132 = tpu.memref_slice %arg3[%add3A_101, %dma_wait3A_131] : memref<300000x16xf32, #tpu.memory_space<hbm>> -> memref<625x16xf32, #tpu.memory_space<hbm>>
      tpu.wait_dma2 semaphore(%run_scoped3A : memref<!tpu.dma_semaphore, #tpu.memory_space<semaphore_mem>>) src(%arg6 : memref<625x16xf32, #tpu.memory_space<vmem>>) dst(%dma_wait3A_132 : memref<625x16xf32, #tpu.memory_space<hbm>>)
      tpu.yield
    }) : () -> ()
    %add3A_102 = arith.constant 100000 : i32
    %add3A_103 = arith.addi %add3A_102, %add3A_99 : i32
    "tpu.region"() ({
      %run_scoped3A = tpu.sem_alloc : memref<!tpu.dma_semaphore, #tpu.memory_space<semaphore_mem>>
      %dma_start3A_125 = arith.constant 0 : i32
      %dma_start3A_126 = tpu.memref_slice %arg3[%add3A_103, %dma_start3A_125] : memref<300000x16xf32, #tpu.memory_space<hbm>> -> memref<625x16xf32, #tpu.memory_space<hbm>>
      %dma_start3A_127 = arith.constant 0 : i32
      %dma_start3A_128 = tpu.memref_slice %arg3[%add3A_103, %dma_start3A_127] : memref<300000x16xf32, #tpu.memory_space<hbm>> -> memref<625x16xf32, #tpu.memory_space<hbm>>
      tpu.enqueue_dma source(%arg7 : memref<625x16xf32, #tpu.memory_space<vmem>>) target(%dma_start3A_128 : memref<625x16xf32, #tpu.memory_space<hbm>>) target_semaphore(%run_scoped3A : memref<!tpu.dma_semaphore, #tpu.memory_space<semaphore_mem>>)
      %dma_wait3A_129 = arith.constant 0 : i32
      %dma_wait3A_130 = tpu.memref_slice %arg3[%add3A_103, %dma_wait3A_129] : memref<300000x16xf32, #tpu.memory_space<hbm>> -> memref<625x16xf32, #tpu.memory_space<hbm>>
      %dma_wait3A_131 = arith.constant 0 : i32
      %dma_wait3A_132 = tpu.memref_slice %arg3[%add3A_103, %dma_wait3A_131] : memref<300000x16xf32, #tpu.memory_space<hbm>> -> memref<625x16xf32, #tpu.memory_space<hbm>>
      tpu.wait_dma2 semaphore(%run_scoped3A : memref<!tpu.dma_semaphore, #tpu.memory_space<semaphore_mem>>) src(%arg7 : memref<625x16xf32, #tpu.memory_space<vmem>>) dst(%dma_wait3A_132 : memref<625x16xf32, #tpu.memory_space<hbm>>)
      tpu.yield
    }) : () -> ()
    %add3A_104 = arith.constant 200000 : i32
    %add3A_105 = arith.addi %add3A_104, %add3A_99 : i32
    "tpu.region"() ({
      %run_scoped3A = tpu.sem_alloc : memref<!tpu.dma_semaphore, #tpu.memory_space<semaphore_mem>>
      %dma_start3A_125 = arith.constant 0 : i32
      %dma_start3A_126 = tpu.memref_slice %arg3[%add3A_105, %dma_start3A_125] : memref<300000x16xf32, #tpu.memory_space<hbm>> -> memref<625x16xf32, #tpu.memory_space<hbm>>
      %dma_start3A_127 = arith.constant 0 : i32
      %dma_start3A_128 = tpu.memref_slice %arg3[%add3A_105, %dma_start3A_127] : memref<300000x16xf32, #tpu.memory_space<hbm>> -> memref<625x16xf32, #tpu.memory_space<hbm>>
      tpu.enqueue_dma source(%arg8 : memref<625x16xf32, #tpu.memory_space<vmem>>) target(%dma_start3A_128 : memref<625x16xf32, #tpu.memory_space<hbm>>) target_semaphore(%run_scoped3A : memref<!tpu.dma_semaphore, #tpu.memory_space<semaphore_mem>>)
      %dma_wait3A_129 = arith.constant 0 : i32
      %dma_wait3A_130 = tpu.memref_slice %arg3[%add3A_105, %dma_wait3A_129] : memref<300000x16xf32, #tpu.memory_space<hbm>> -> memref<625x16xf32, #tpu.memory_space<hbm>>
      %dma_wait3A_131 = arith.constant 0 : i32
      %dma_wait3A_132 = tpu.memref_slice %arg3[%add3A_105, %dma_wait3A_131] : memref<300000x16xf32, #tpu.memory_space<hbm>> -> memref<625x16xf32, #tpu.memory_space<hbm>>
      tpu.wait_dma2 semaphore(%run_scoped3A : memref<!tpu.dma_semaphore, #tpu.memory_space<semaphore_mem>>) src(%arg8 : memref<625x16xf32, #tpu.memory_space<vmem>>) dst(%dma_wait3A_132 : memref<625x16xf32, #tpu.memory_space<hbm>>)
      tpu.yield
    }) : () -> ()
    %dma_wait3A_106 = arith.constant 0 : i32
    %dma_wait3A_107 = tpu.memref_slice %arg2[%dma_wait3A_106] : memref<4800000xf32, #tpu.memory_space<hbm>> -> memref<30000xf32, #tpu.memory_space<hbm>>
    %dma_wait3A_108 = arith.constant 0 : i32
    %dma_wait3A_109 = tpu.memref_slice %arg2[%dma_wait3A_108] : memref<4800000xf32, #tpu.memory_space<hbm>> -> memref<30000xf32, #tpu.memory_space<hbm>>
    tpu.wait_dma2 semaphore(%arg9 : memref<!tpu.dma_semaphore, #tpu.memory_space<semaphore_mem>>) src(%dma_wait3A_109 : memref<30000xf32, #tpu.memory_space<hbm>>) dst(%arg4 : memref<30000xf32, #tpu.memory_space<vmem>>)
    %scan3A_110 = arith.constant 0 : i32
    %scan3A_111 = arith.constant 0 : i32
    %scan3A_112 = arith.constant 625 : i32
    %scan3A_113 = arith.addi %scan3A_111, %scan3A_112 : i32
    %scan3A_114 = arith.constant 1 : i32
    %scan3A_115 = scf.for %scan3A_125 = %scan3A_111 to %scan3A_113 step %scan3A_114 iter_args(%scan3A_126 = %scan3A_110) -> (i32)  : i32 {
      %mul3A_127 = arith.constant 48 : i32
      %mul3A_128 = arith.muli %scan3A_125, %mul3A_127 : i32
      %add3A_129 = arith.constant 0 : i32
      %add3A_130 = arith.addi %mul3A_128, %add3A_129 : i32
      %get3A = arith.index_cast %add3A_130 : i32 to index
      %get3A_131 = tpu.vector_load %arg4[%get3A] {strides = array<i32>} : memref<30000xf32, #tpu.memory_space<vmem>>, vector<16xf32>,
      %get3A_132 = vector.shape_cast %get3A_131 : vector<16xf32> to vector<16xf32>
      %swap3A = arith.index_cast %scan3A_125 : i32 to index
      %swap3A_133 = arith.constant 0 : index
      %swap3A_134 = tpu.vector_load %arg6[%swap3A, %swap3A_133] {strides = array<i32>} : memref<625x16xf32, #tpu.memory_space<vmem>>, vector<1x16xf32>,
      %swap3A_135 = vector.shape_cast %swap3A_134 : vector<1x16xf32> to vector<16xf32>
      %swap3A_136 = vector.shape_cast %get3A_132 : vector<16xf32> to vector<1x16xf32>
      tpu.vector_store %arg6[%swap3A, %swap3A_133], %swap3A_136 {strides = array<i32>} : memref<625x16xf32, #tpu.memory_space<vmem>>, vector<1x16xf32>,
      %mul3A_137 = arith.constant 48 : i32
      %mul3A_138 = arith.muli %scan3A_125, %mul3A_137 : i32
      %add3A_139 = arith.constant 16 : i32
      %add3A_140 = arith.addi %mul3A_138, %add3A_139 : i32
      %get3A_141 = arith.index_cast %add3A_140 : i32 to index
      %get3A_142 = tpu.vector_load %arg4[%get3A_141] {strides = array<i32>} : memref<30000xf32, #tpu.memory_space<vmem>>, vector<16xf32>,
      %get3A_143 = vector.shape_cast %get3A_142 : vector<16xf32> to vector<16xf32>
      %swap3A_144 = arith.index_cast %scan3A_125 : i32 to index
      %swap3A_145 = arith.constant 0 : index
      %swap3A_146 = tpu.vector_load %arg7[%swap3A_144, %swap3A_145] {strides = array<i32>} : memref<625x16xf32, #tpu.memory_space<vmem>>, vector<1x16xf32>,
      %swap3A_147 = vector.shape_cast %swap3A_146 : vector<1x16xf32> to vector<16xf32>
      %swap3A_148 = vector.shape_cast %get3A_143 : vector<16xf32> to vector<1x16xf32>
      tpu.vector_store %arg7[%swap3A_144, %swap3A_145], %swap3A_148 {strides = array<i32>} : memref<625x16xf32, #tpu.memory_space<vmem>>, vector<1x16xf32>,
      %mul3A_149 = arith.constant 48 : i32
      %mul3A_150 = arith.muli %scan3A_125, %mul3A_149 : i32
      %add3A_151 = arith.constant 32 : i32
      %add3A_152 = arith.addi %mul3A_150, %add3A_151 : i32
      %get3A_153 = arith.index_cast %add3A_152 : i32 to index
      %get3A_154 = tpu.vector_load %arg4[%get3A_153] {strides = array<i32>} : memref<30000xf32, #tpu.memory_space<vmem>>, vector<16xf32>,
      %get3A_155 = vector.shape_cast %get3A_154 : vector<16xf32> to vector<16xf32>
      %swap3A_156 = arith.index_cast %scan3A_125 : i32 to index
      %swap3A_157 = arith.constant 0 : index
      %swap3A_158 = tpu.vector_load %arg8[%swap3A_156, %swap3A_157] {strides = array<i32>} : memref<625x16xf32, #tpu.memory_space<vmem>>, vector<1x16xf32>,
      %swap3A_159 = vector.shape_cast %swap3A_158 : vector<1x16xf32> to vector<16xf32>
      %swap3A_160 = vector.shape_cast %get3A_155 : vector<16xf32> to vector<1x16xf32>
      tpu.vector_store %arg8[%swap3A_156, %swap3A_157], %swap3A_160 {strides = array<i32>} : memref<625x16xf32, #tpu.memory_space<vmem>>, vector<1x16xf32>,
      %scan3A_161 = arith.constant 0 : i32
      scf.yield %scan3A_161 : i32
    }
    %scan3A_116 = arith.constant 625 : i32
    %add3A_117 = arith.constant 2500 : i32
    %add3A_118 = arith.addi %mul3A_2, %add3A_117 : i32
    %add3A_119 = arith.constant 0 : i32
    %add3A_120 = arith.addi %add3A_119, %add3A_118 : i32
    "tpu.region"() ({
      %run_scoped3A = tpu.sem_alloc : memref<!tpu.dma_semaphore, #tpu.memory_space<semaphore_mem>>
      %dma_start3A_125 = arith.constant 0 : i32
      %dma_start3A_126 = tpu.memref_slice %arg3[%add3A_120, %dma_start3A_125] : memref<300000x16xf32, #tpu.memory_space<hbm>> -> memref<625x16xf32, #tpu.memory_space<hbm>>
      %dma_start3A_127 = arith.constant 0 : i32
      %dma_start3A_128 = tpu.memref_slice %arg3[%add3A_120, %dma_start3A_127] : memref<300000x16xf32, #tpu.memory_space<hbm>> -> memref<625x16xf32, #tpu.memory_space<hbm>>
      tpu.enqueue_dma source(%arg6 : memref<625x16xf32, #tpu.memory_space<vmem>>) target(%dma_start3A_128 : memref<625x16xf32, #tpu.memory_space<hbm>>) target_semaphore(%run_scoped3A : memref<!tpu.dma_semaphore, #tpu.memory_space<semaphore_mem>>)
      %dma_wait3A_129 = arith.constant 0 : i32
      %dma_wait3A_130 = tpu.memref_slice %arg3[%add3A_120, %dma_wait3A_129] : memref<300000x16xf32, #tpu.memory_space<hbm>> -> memref<625x16xf32, #tpu.memory_space<hbm>>
      %dma_wait3A_131 = arith.constant 0 : i32
      %dma_wait3A_132 = tpu.memref_slice %arg3[%add3A_120, %dma_wait3A_131] : memref<300000x16xf32, #tpu.memory_space<hbm>> -> memref<625x16xf32, #tpu.memory_space<hbm>>
      tpu.wait_dma2 semaphore(%run_scoped3A : memref<!tpu.dma_semaphore, #tpu.memory_space<semaphore_mem>>) src(%arg6 : memref<625x16xf32, #tpu.memory_space<vmem>>) dst(%dma_wait3A_132 : memref<625x16xf32, #tpu.memory_space<hbm>>)
      tpu.yield
    }) : () -> ()
    %add3A_121 = arith.constant 100000 : i32
    %add3A_122 = arith.addi %add3A_121, %add3A_118 : i32
    "tpu.region"() ({
      %run_scoped3A = tpu.sem_alloc : memref<!tpu.dma_semaphore, #tpu.memory_space<semaphore_mem>>
      %dma_start3A_125 = arith.constant 0 : i32
      %dma_start3A_126 = tpu.memref_slice %arg3[%add3A_122, %dma_start3A_125] : memref<300000x16xf32, #tpu.memory_space<hbm>> -> memref<625x16xf32, #tpu.memory_space<hbm>>
      %dma_start3A_127 = arith.constant 0 : i32
      %dma_start3A_128 = tpu.memref_slice %arg3[%add3A_122, %dma_start3A_127] : memref<300000x16xf32, #tpu.memory_space<hbm>> -> memref<625x16xf32, #tpu.memory_space<hbm>>
      tpu.enqueue_dma source(%arg7 : memref<625x16xf32, #tpu.memory_space<vmem>>) target(%dma_start3A_128 : memref<625x16xf32, #tpu.memory_space<hbm>>) target_semaphore(%run_scoped3A : memref<!tpu.dma_semaphore, #tpu.memory_space<semaphore_mem>>)
      %dma_wait3A_129 = arith.constant 0 : i32
      %dma_wait3A_130 = tpu.memref_slice %arg3[%add3A_122, %dma_wait3A_129] : memref<300000x16xf32, #tpu.memory_space<hbm>> -> memref<625x16xf32, #tpu.memory_space<hbm>>
      %dma_wait3A_131 = arith.constant 0 : i32
      %dma_wait3A_132 = tpu.memref_slice %arg3[%add3A_122, %dma_wait3A_131] : memref<300000x16xf32, #tpu.memory_space<hbm>> -> memref<625x16xf32, #tpu.memory_space<hbm>>
      tpu.wait_dma2 semaphore(%run_scoped3A : memref<!tpu.dma_semaphore, #tpu.memory_space<semaphore_mem>>) src(%arg7 : memref<625x16xf32, #tpu.memory_space<vmem>>) dst(%dma_wait3A_132 : memref<625x16xf32, #tpu.memory_space<hbm>>)
      tpu.yield
    }) : () -> ()
    %add3A_123 = arith.constant 200000 : i32
    %add3A_124 = arith.addi %add3A_123, %add3A_118 : i32
    "tpu.region"() ({
      %run_scoped3A = tpu.sem_alloc : memref<!tpu.dma_semaphore, #tpu.memory_space<semaphore_mem>>
      %dma_start3A_125 = arith.constant 0 : i32
      %dma_start3A_126 = tpu.memref_slice %arg3[%add3A_124, %dma_start3A_125] : memref<300000x16xf32, #tpu.memory_space<hbm>> -> memref<625x16xf32, #tpu.memory_space<hbm>>
      %dma_start3A_127 = arith.constant 0 : i32
      %dma_start3A_128 = tpu.memref_slice %arg3[%add3A_124, %dma_start3A_127] : memref<300000x16xf32, #tpu.memory_space<hbm>> -> memref<625x16xf32, #tpu.memory_space<hbm>>
      tpu.enqueue_dma source(%arg8 : memref<625x16xf32, #tpu.memory_space<vmem>>) target(%dma_start3A_128 : memref<625x16xf32, #tpu.memory_space<hbm>>) target_semaphore(%run_scoped3A : memref<!tpu.dma_semaphore, #tpu.memory_space<semaphore_mem>>)
      %dma_wait3A_129 = arith.constant 0 : i32
      %dma_wait3A_130 = tpu.memref_slice %arg3[%add3A_124, %dma_wait3A_129] : memref<300000x16xf32, #tpu.memory_space<hbm>> -> memref<625x16xf32, #tpu.memory_space<hbm>>
      %dma_wait3A_131 = arith.constant 0 : i32
      %dma_wait3A_132 = tpu.memref_slice %arg3[%add3A_124, %dma_wait3A_131] : memref<300000x16xf32, #tpu.memory_space<hbm>> -> memref<625x16xf32, #tpu.memory_space<hbm>>
      tpu.wait_dma2 semaphore(%run_scoped3A : memref<!tpu.dma_semaphore, #tpu.memory_space<semaphore_mem>>) src(%arg8 : memref<625x16xf32, #tpu.memory_space<vmem>>) dst(%dma_wait3A_132 : memref<625x16xf32, #tpu.memory_space<hbm>>)
      tpu.yield
    }) : () -> ()
    return
  }
}

module attributes {stable_mosaic.version = 14 : i64} {
  func.func @body(%arg0: i32, %arg1: memref<1792x48xf32, #tpu.memory_space<vmem>>, %arg2: memref<1792x16xf32, #tpu.memory_space<vmem>>, %arg3: memref<1792x16xf32, #tpu.memory_space<vmem>>, %arg4: memref<1792x16xf32, #tpu.memory_space<vmem>>, %arg5: memref<1792x16xf32, #tpu.memory_space<vmem>>, %arg6: memref<1792x16xf32, #tpu.memory_space<vmem>>, %arg7: memref<1792x16xf32, #tpu.memory_space<vmem>>, %arg8: memref<96x6xf32, #tpu.memory_space<vmem>>, %arg9: memref<1x6xf32, #tpu.memory_space<vmem>>, %arg10: memref<1x1xf32, #tpu.memory_space<vmem>>, %arg11: memref<1x3xf32, #tpu.memory_space<vmem>>, %arg12: memref<1x1xf32, #tpu.memory_space<vmem>>, %arg13: memref<1792x38xf32, #tpu.memory_space<vmem>>, %arg14: memref<1792x38xf32, #tpu.memory_space<vmem>>, %arg15: memref<1792x38xf32, #tpu.memory_space<vmem>>, %arg16: memref<1792x1xf32, #tpu.memory_space<vmem>>) attributes {dimension_semantics = [#tpu.dimension_semantics<arbitrary>], iteration_bounds = array<i64: 56>, scalar_prefetch = 0 : i64, scratch_operands = 0 : i64, tpu.core_type = #tpu.core_type<tc>, window_params = [{transform_indices = @transform_0, window_bounds = array<i64: 1792, 48>}, {transform_indices = @transform_1, window_bounds = array<i64: 1792, 16>}, {transform_indices = @transform_2, window_bounds = array<i64: 1792, 16>}, {transform_indices = @transform_3, window_bounds = array<i64: 1792, 16>}, {transform_indices = @transform_4, window_bounds = array<i64: 1792, 16>}, {transform_indices = @transform_5, window_bounds = array<i64: 1792, 16>}, {transform_indices = @transform_6, window_bounds = array<i64: 1792, 16>}, {pipeline_mode = #tpu.pipeline_mode<synchronous>, transform_indices = @transform_7, window_bounds = array<i64: 96, 6>}, {pipeline_mode = #tpu.pipeline_mode<synchronous>, transform_indices = @transform_8, window_bounds = array<i64: 1, 6>}, {pipeline_mode = #tpu.pipeline_mode<synchronous>, transform_indices = @transform_9, window_bounds = array<i64: 1, 1>}, {pipeline_mode = #tpu.pipeline_mode<synchronous>, transform_indices = @transform_10, window_bounds = array<i64: 1, 3>}, {pipeline_mode = #tpu.pipeline_mode<synchronous>, transform_indices = @transform_11, window_bounds = array<i64: 1, 1>}, {transform_indices = @transform_12, window_bounds = array<i64: 1792, 38>}, {transform_indices = @transform_13, window_bounds = array<i64: 1792, 38>}, {transform_indices = @transform_14, window_bounds = array<i64: 1792, 38>}, {transform_indices = @transform_15, window_bounds = array<i64: 1792, 1>}]} {
    %get3A = arith.constant 0 : index
    %get3A_0 = arith.constant 0 : index
    %get3A_1 = vector.load %arg2[%get3A, %get3A_0] : memref<1792x16xf32, #tpu.memory_space<vmem>>, vector<1792x16xf32>
    %get3A_2 = arith.constant 0 : index
    %get3A_3 = arith.constant 0 : index
    %get3A_4 = vector.load %arg5[%get3A_2, %get3A_3] : memref<1792x16xf32, #tpu.memory_space<vmem>>, vector<1792x16xf32>
    %add3A = arith.addf %get3A_1, %get3A_4 : vector<1792x16xf32>
    %get3A_5 = arith.constant 0 : index
    %get3A_6 = arith.constant 0 : index
    %get3A_7 = vector.load %arg3[%get3A_5, %get3A_6] : memref<1792x16xf32, #tpu.memory_space<vmem>>, vector<1792x16xf32>
    %get3A_8 = arith.constant 0 : index
    %get3A_9 = arith.constant 0 : index
    %get3A_10 = vector.load %arg6[%get3A_8, %get3A_9] : memref<1792x16xf32, #tpu.memory_space<vmem>>, vector<1792x16xf32>
    %add3A_11 = arith.addf %get3A_7, %get3A_10 : vector<1792x16xf32>
    %get3A_12 = arith.constant 0 : index
    %get3A_13 = arith.constant 0 : index
    %get3A_14 = vector.load %arg4[%get3A_12, %get3A_13] : memref<1792x16xf32, #tpu.memory_space<vmem>>, vector<1792x16xf32>
    %get3A_15 = arith.constant 0 : index
    %get3A_16 = arith.constant 0 : index
    %get3A_17 = vector.load %arg7[%get3A_15, %get3A_16] : memref<1792x16xf32, #tpu.memory_space<vmem>>, vector<1792x16xf32>
    %add3A_18 = arith.addf %get3A_14, %get3A_17 : vector<1792x16xf32>
    %get3A_19 = arith.constant 0 : index
    %get3A_20 = arith.constant 0 : index
    %get3A_21 = vector.load %arg1[%get3A_19, %get3A_20] : memref<1792x48xf32, #tpu.memory_space<vmem>>, vector<1792x48xf32>
    %concatenate3A = tpu.concatenate %get3A_21, %add3A, %add3A_11, %add3A_18 in 1 : vector<1792x48xf32>, vector<1792x16xf32>, vector<1792x16xf32>, vector<1792x16xf32> -> vector<1792x96xf32>
    %get3A_22 = arith.constant 0 : index
    %get3A_23 = arith.constant 0 : index
    %get3A_24 = vector.load %arg8[%get3A_22, %get3A_23] : memref<96x6xf32, #tpu.memory_space<vmem>>, vector<96x6xf32>
    %dot_general3A = arith.constant dense<0.000000e+00> : vector<1792x6xf32>
    %dot_general3A_25 = tpu.matmul %concatenate3A, %get3A_24, %dot_general3A {dimension_numbers = #tpu.dot_dimension_numbers<[1], [0], [0], [1], [0, 0, 1, 1], [], []>, transpose_lhs_hint = false} : vector<1792x96xf32>, vector<96x6xf32>, vector<1792x6xf32> -> vector<1792x6xf32>
    %get3A_26 = arith.constant 0 : index
    %get3A_27 = arith.constant 0 : index
    %get3A_28 = vector.load %arg9[%get3A_26, %get3A_27] : memref<1x6xf32, #tpu.memory_space<vmem>>, vector<1x6xf32>
    %add3A_29 = vector.broadcast %get3A_28 : vector<1x6xf32> to vector<1792x6xf32>
    %add3A_30 = arith.addf %dot_general3A_25, %add3A_29 : vector<1792x6xf32>
    %slice3A = vector.extract_strided_slice %add3A_30 {offsets = [0, 0], sizes = [1792, 3], strides = [1, 1]} : vector<1792x6xf32> to vector<1792x3xf32>
    %logistic3A = arith.negf %slice3A : vector<1792x3xf32>
    %logistic3A_31 = math.exp %logistic3A : vector<1792x3xf32>
    %logistic3A_32 = arith.constant 1.000000e+00 : f32
    %logistic3A_33 = vector.broadcast %logistic3A_32 : f32 to vector<1792x3xf32>
    %logistic3A_34 = arith.addf %logistic3A_33, %logistic3A_31 : vector<1792x3xf32>
    %logistic3A_35 = arith.divf %logistic3A_33, %logistic3A_34 : vector<1792x3xf32>
    %slice3A_36 = vector.extract_strided_slice %add3A_30 {offsets = [0, 3], sizes = [1792, 3], strides = [1, 1]} : vector<1792x6xf32> to vector<1792x3xf32>
    %tanh3A = math.tanh %slice3A_36 : vector<1792x3xf32>
    %sub3A = arith.constant 1.000000e+00 : f32
    %sub3A_37 = vector.broadcast %sub3A : f32 to vector<1792x3xf32>
    %sub3A_38 = arith.subf %sub3A_37, %logistic3A_35 : vector<1792x3xf32>
    %mul3A = arith.mulf %sub3A_38, %tanh3A : vector<1792x3xf32>
    %max3A = arith.constant 0.000000e+00 : f32
    %max3A_39 = vector.broadcast %max3A : f32 to vector<1792x3xf32>
    %max3A_40 = arith.maximumf %mul3A, %max3A_39 : vector<1792x3xf32>
    %get3A_41 = arith.constant 0 : index
    %get3A_42 = arith.constant 0 : index
    %get3A_43 = vector.load %arg10[%get3A_41, %get3A_42] : memref<1x1xf32, #tpu.memory_space<vmem>>, vector<1x1xf32>
    %get3A_44 = vector.extract %get3A_43[0, 0] : f32 from vector<1x1xf32>
    %min3A = arith.constant 0.000000e+00 : f32
    %min3A_45 = vector.broadcast %min3A : f32 to vector<1792x3xf32>
    %min3A_46 = arith.minimumf %mul3A, %min3A_45 : vector<1792x3xf32>
    %mul3A_47 = vector.broadcast %get3A_44 : f32 to vector<1792x3xf32>
    %mul3A_48 = arith.mulf %mul3A_47, %min3A_46 : vector<1792x3xf32>
    %add3A_49 = arith.addf %max3A_40, %mul3A_48 : vector<1792x3xf32>
    %get3A_50 = arith.constant 0 : index
    %get3A_51 = arith.constant 0 : index
    %get3A_52 = vector.load %arg11[%get3A_50, %get3A_51] : memref<1x3xf32, #tpu.memory_space<vmem>>, vector<1x3xf32>
    %mul3A_53 = vector.broadcast %get3A_52 : vector<1x3xf32> to vector<1792x3xf32>
    %mul3A_54 = arith.mulf %add3A_49, %mul3A_53 : vector<1792x3xf32>
    %reduce_sum3A = arith.constant dense<0.000000e+00> : vector<1792xf32>
    %reduce_sum3A_55 = vector.multi_reduction <add>, %mul3A_54, %reduce_sum3A [1] : vector<1792x3xf32> to vector<1792xf32>
    %broadcast_in_dim3A = vector.shape_cast %reduce_sum3A_55 : vector<1792xf32> to vector<1792x1xf32>
    %get3A_56 = arith.constant 0 : index
    %get3A_57 = arith.constant 0 : index
    %get3A_58 = vector.load %arg12[%get3A_56, %get3A_57] : memref<1x1xf32, #tpu.memory_space<vmem>>, vector<1x1xf32>
    %get3A_59 = vector.extract %get3A_58[0, 0] : f32 from vector<1x1xf32>
    %add3A_60 = vector.broadcast %get3A_59 : f32 to vector<1792x1xf32>
    %add3A_61 = arith.addf %broadcast_in_dim3A, %add3A_60 : vector<1792x1xf32>
    %swap3A = arith.constant 0 : index
    %swap3A_62 = arith.constant 0 : index
    %swap3A_63 = vector.load %arg16[%swap3A, %swap3A_62] : memref<1792x1xf32, #tpu.memory_space<vmem>>, vector<1792x1xf32>
    tpu.vector_store %arg16[%swap3A, %swap3A_62], %add3A_61 {strides = array<i32>} : memref<1792x1xf32, #tpu.memory_space<vmem>>, vector<1792x1xf32>,
    %slice3A_64 = vector.extract_strided_slice %add3A_18 {offsets = [0, 0], sizes = [1792, 6], strides = [1, 1]} : vector<1792x16xf32> to vector<1792x6xf32>
    %concatenate3A_65 = tpu.concatenate %add3A, %add3A_11, %slice3A_64 in 1 : vector<1792x16xf32>, vector<1792x16xf32>, vector<1792x6xf32> -> vector<1792x38xf32>
    %swap3A_66 = arith.constant 0 : index
    %swap3A_67 = arith.constant 0 : index
    %swap3A_68 = vector.load %arg13[%swap3A_66, %swap3A_67] : memref<1792x38xf32, #tpu.memory_space<vmem>>, vector<1792x38xf32>
    tpu.vector_store %arg13[%swap3A_66, %swap3A_67], %concatenate3A_65 {strides = array<i32>} : memref<1792x38xf32, #tpu.memory_space<vmem>>, vector<1792x38xf32>,
    %swap3A_69 = arith.constant 0 : index
    %swap3A_70 = arith.constant 0 : index
    %swap3A_71 = vector.load %arg14[%swap3A_69, %swap3A_70] : memref<1792x38xf32, #tpu.memory_space<vmem>>, vector<1792x38xf32>
    tpu.vector_store %arg14[%swap3A_69, %swap3A_70], %concatenate3A_65 {strides = array<i32>} : memref<1792x38xf32, #tpu.memory_space<vmem>>, vector<1792x38xf32>,
    %swap3A_72 = arith.constant 0 : index
    %swap3A_73 = arith.constant 0 : index
    %swap3A_74 = vector.load %arg15[%swap3A_72, %swap3A_73] : memref<1792x38xf32, #tpu.memory_space<vmem>>, vector<1792x38xf32>
    tpu.vector_store %arg15[%swap3A_72, %swap3A_73], %concatenate3A_65 {strides = array<i32>} : memref<1792x38xf32, #tpu.memory_space<vmem>>, vector<1792x38xf32>,
    return
  }
  func.func @transform_0(%arg0: i32) -> (i32, i32) {
    %c0_i32 = arith.constant 0 : i32
    %c0_i32_0 = arith.constant 0 : i32
    return %arg0, %c0_i32 : i32, i32
  }
  func.func @transform_1(%arg0: i32) -> (i32, i32) {
    %add3A = arith.constant 0 : i32
    %add3A_0 = arith.addi %add3A, %arg0 : i32
    %c0_i32 = arith.constant 0 : i32
    %c0_i32_1 = arith.constant 0 : i32
    return %add3A_0, %c0_i32 : i32, i32
  }
  func.func @transform_2(%arg0: i32) -> (i32, i32) {
    %add3A = arith.constant 56 : i32
    %add3A_0 = arith.addi %add3A, %arg0 : i32
    %c0_i32 = arith.constant 0 : i32
    %c0_i32_1 = arith.constant 0 : i32
    return %add3A_0, %c0_i32 : i32, i32
  }
  func.func @transform_3(%arg0: i32) -> (i32, i32) {
    %add3A = arith.constant 112 : i32
    %add3A_0 = arith.addi %add3A, %arg0 : i32
    %c0_i32 = arith.constant 0 : i32
    %c0_i32_1 = arith.constant 0 : i32
    return %add3A_0, %c0_i32 : i32, i32
  }
  func.func @transform_4(%arg0: i32) -> (i32, i32) {
    %add3A = arith.constant 168 : i32
    %add3A_0 = arith.addi %add3A, %arg0 : i32
    %c0_i32 = arith.constant 0 : i32
    %c0_i32_1 = arith.constant 0 : i32
    return %add3A_0, %c0_i32 : i32, i32
  }
  func.func @transform_5(%arg0: i32) -> (i32, i32) {
    %add3A = arith.constant 224 : i32
    %add3A_0 = arith.addi %add3A, %arg0 : i32
    %c0_i32 = arith.constant 0 : i32
    %c0_i32_1 = arith.constant 0 : i32
    return %add3A_0, %c0_i32 : i32, i32
  }
  func.func @transform_6(%arg0: i32) -> (i32, i32) {
    %add3A = arith.constant 280 : i32
    %add3A_0 = arith.addi %add3A, %arg0 : i32
    %c0_i32 = arith.constant 0 : i32
    %c0_i32_1 = arith.constant 0 : i32
    return %add3A_0, %c0_i32 : i32, i32
  }
  func.func @transform_7(%arg0: i32) -> (i32, i32) {
    %c0_i32 = arith.constant 0 : i32
    %c0_i32_0 = arith.constant 0 : i32
    %c0_i32_1 = arith.constant 0 : i32
    return %c0_i32, %c0_i32_0 : i32, i32
  }
  func.func @transform_8(%arg0: i32) -> (i32, i32) {
    %c0_i32 = arith.constant 0 : i32
    %c0_i32_0 = arith.constant 0 : i32
    %c0_i32_1 = arith.constant 0 : i32
    return %c0_i32, %c0_i32_0 : i32, i32
  }
  func.func @transform_9(%arg0: i32) -> (i32, i32) {
    %c0_i32 = arith.constant 0 : i32
    %c0_i32_0 = arith.constant 0 : i32
    %c0_i32_1 = arith.constant 0 : i32
    return %c0_i32, %c0_i32_0 : i32, i32
  }
  func.func @transform_10(%arg0: i32) -> (i32, i32) {
    %c0_i32 = arith.constant 0 : i32
    %c0_i32_0 = arith.constant 0 : i32
    %c0_i32_1 = arith.constant 0 : i32
    return %c0_i32, %c0_i32_0 : i32, i32
  }
  func.func @transform_11(%arg0: i32) -> (i32, i32) {
    %c0_i32 = arith.constant 0 : i32
    %c0_i32_0 = arith.constant 0 : i32
    %c0_i32_1 = arith.constant 0 : i32
    return %c0_i32, %c0_i32_0 : i32, i32
  }
  func.func @transform_12(%arg0: i32) -> (i32, i32) {
    %c0_i32 = arith.constant 0 : i32
    %c0_i32_0 = arith.constant 0 : i32
    return %arg0, %c0_i32 : i32, i32
  }
  func.func @transform_13(%arg0: i32) -> (i32, i32) {
    %c0_i32 = arith.constant 0 : i32
    %c0_i32_0 = arith.constant 0 : i32
    return %arg0, %c0_i32 : i32, i32
  }
  func.func @transform_14(%arg0: i32) -> (i32, i32) {
    %c0_i32 = arith.constant 0 : i32
    %c0_i32_0 = arith.constant 0 : i32
    return %arg0, %c0_i32 : i32, i32
  }
  func.func @transform_15(%arg0: i32) -> (i32, i32) {
    %c0_i32 = arith.constant 0 : i32
    %c0_i32_0 = arith.constant 0 : i32
    return %arg0, %c0_i32 : i32, i32
  }
}

</mosaic_0001>

<sc_bundles>
// kernel: kernel.5.cloned.1.call-start
scs
__scs_entry_jumppad:
0x0: {  	(pc) =	sbr.rel $0x88, $3  }
0x1: {  	(tag) =	ssettag $0x0;
	lr =	simm.s32 $0x1  }
0x2: {  	[smem:$0x3F95] =	sst lr;
	_ =	strace $0xD0000000  }
0x3: {  	_ = 	snop  }
0x4: {  	_ = 	snop  }
0x5: {  	_ = 	snop  }
0x6: {  	_ = 	snop  }
0x7: {  	_ = 	snop  }
__scs_overlays_trampoline_lowered:
0x8: {  	[smem:$0x3FA4] =	sst s0  }
0x9: {  	[smem:$0x3FA5] =	sst s1  }
0xa: {  	[smem:$0x3FA6] =	sst s2  }
0xb: {  	[smem:$0x3FA7] =	sst s3  }
0xc: {  	[smem:$0x3FA8] =	sst s4  }
0xd: {  	[smem:$0x3FA9] =	sst s5  }
0xe: {  	[smem:$0x3FAA] =	sst s6  }
0xf: {  	[smem:$0x3FAB] =	sst s7  }
0x10: {  	[smem:$0x3FAC] =	sst s8  }
0x11: {  	[smem:$0x3FAD] =	sst s9;
	s0 =	simm.s32 @!p0 $0x0  }
0x12: {  	s1 =	sld [smem:$0x3F93];
	s0 =	simm.s32 @p0 $0x1  }
0x13: {  	[smem:$0x3FAE] =	sst s0;
	s0 =	simm.s32 @!p1 $0x0  }
0x14: {  	s2 =	sld [smem:$0x3F92];
	s0 =	simm.s32 @p1 $0x1  }
0x15: {  	[smem:$0x3FAF] =	sst s0;
	s0 =	simm.s32 @!p2 $0x0  }
0x16: {  	s3 =	sld [smem:$0x3FDB];
	s0 =	simm.s32 @p2 $0x1  }
0x17: {  	s4 =	simm.s32 $0x1BF5;
	[smem:$0x3FB1] =	sst s0  }
0x18: {  	s0 =	sld [smem:$0x3F94];
	_ =	swait.ge [sflag:s4], $0x0  }
0x19: {  	s7 =	sld [smem:$0x3F95]  }
0x1a: {  	s8 =	sadd.s32 $0xFFFFE003, lr  }
0x1b: {  	s9 =	sadd.s32 $0xFFFFFEF7, lr;
	s5 =	simm.s32 $0xFFFFFFFF;
	p2 =	slt.u32 s8, $0xFFFFF086  }
0x1c: {  	p1 =	slt.u32 s9, $0xF7A;
	s5 =	simm.s32 @!p2 $0x0  }
0x1d: {  	s5 =	simm.s32 @p1 $0x1;
	p0 =	seq.s32 s7, s2  }
0x1e: {  	s7 =	smul.u32 @!p0 $0xF7A, s2;
	p2 =	seq.s32 @!p0 s5, $0x0  }
0x1f: {  	s9 =	smul.u32 $0xF7A, s1;
	s8 =	simm.s32 @!p0 $0x1BF5;
	p2 =	por !p2, p0  }
0x20: {  	[sflag:s8] =	ssyncset.s32 @!p0 $0xFFFFF086;
	s6 =	sadd.s32 @!p0 s3, s7;
	s7 =	simm.s32 @!p0 $0x108  }
0x21: {  	s3 =	sadd.s32 s3, s9;
	s6 =	sadd.s32 @!p0 $0x88, s6;
	s7 =	simm.s32 @p2 $0x1082  }
0x22: {  	[simem:s7], [sflag:s8] =	dma.local @!p0 [hbm:s6], $0xF7A  }
0x23: {  	s9 =	sor.u32 $0xD0000000, s2;
	s6 =	simm.s32 $0x108;
	_ =	swait.ge @!p0 [sflag:s8], $0x0  }
0x24: {  	s3 =	sadd.s32 $0x88, s3;
	s6 =	simm.s32 @!p1 $0x1082;
	[sflag:s4] =	ssyncset.s32 $0xFFFFF086  }
0x25: {  	[simem:s6], [sflag:s4] =	dma.local [hbm:s3], $0xF7A  }
0x26: {  	[smem:$0x3F95] =	sst s1;
	(tag) =	ssettag s2;
	_ =	strace s9  }
0x27: {  	s1 =	sld [smem:$0x3FA5]  }
0x28: {  	s2 =	sld [smem:$0x3FA6]  }
0x29: {  	s4 =	sld [smem:$0x3FA8]  }
0x2a: {  	p0 =	seq.s32 s5, $0x0;
	s5 =	sld [smem:$0x3FA9]  }
0x2b: {  	s6 =	sld [smem:$0x3FAA]  }
0x2c: {  	s7 =	sld [smem:$0x3FAB]  }
0x2d: {  	s3 =	simm.s32 $0x108;
	s8 =	sld [smem:$0x3FAC]  }
0x2e: {  	s3 =	simm.s32 @!p0 $0x1082;
	s9 =	sld [smem:$0x3FAD]  }
0x2f: {  	lr =	sadd.s32 s0, s3;
	s0 =	sld [smem:$0x3FA4]  }
0x30: {  	s3 =	sld [smem:$0x3FA7]  }
0x31: {  	[smem:$0x3FB0] =	sst s10  }
0x32: {  	s10 =	sld [smem:$0x3FAE];
	_ =	sdelay $0x3  }
0x33: {  	p0 =	seq.s32 s10, $0x1;
	s10 =	sld [smem:$0x3FB0];
	_ =	sdelay $0x3  }
0x34: {  	[smem:$0x3FB0] =	sst s10  }
0x35: {  	s10 =	sld [smem:$0x3FAF];
	_ =	sdelay $0x3  }
0x36: {  	p1 =	seq.s32 s10, $0x1;
	s10 =	sld [smem:$0x3FB0];
	_ =	sdelay $0x3  }
0x37: {  	[smem:$0x3FB0] =	sst s10  }
0x38: {  	s10 =	sld [smem:$0x3FB1]  }
0x39: {  	_ = 	snop;
	(pc) =	sbr.ind lr, $3  }
0x3a: {  	_ = 	snop  }
0x3b: {  	_ = 	snop  }
0x3c: {  	p2 =	seq.s32 s10, $0x1;
	s10 =	sld [smem:$0x3FB0]  }
0x3d: {  	_ =	shalt  }
0x3e: {  	_ =	shalt  }
0x3f: {  	_ =	shalt  }
0x40: {  	_ =	shalt  }
0x41: {  	_ =	shalt  }
0x42: {  	_ =	shalt  }
0x43: {  	_ =	shalt  }
0x44: {  	_ =	shalt  }
0x45: {  	_ =	shalt  }
0x46: {  	_ =	shalt  }
0x47: {  	_ =	shalt  }
0x48: {  	_ =	shalt  }
0x49: {  	_ =	shalt  }
0x4a: {  	_ =	shalt  }
0x4b: {  	_ =	shalt  }
0x4c: {  	_ =	shalt  }
0x4d: {  	_ =	shalt  }
0x4e: {  	_ =	shalt  }
0x4f: {  	_ =	shalt  }
0x50: {  	_ =	shalt  }
0x51: {  	_ =	shalt  }
0x52: {  	_ =	shalt  }
0x53: {  	_ =	shalt  }
0x54: {  	_ =	shalt  }
0x55: {  	_ =	shalt  }
0x56: {  	_ =	shalt  }
0x57: {  	_ =	shalt  }
0x58: {  	_ =	shalt  }
0x59: {  	_ =	shalt  }
0x5a: {  	_ =	shalt  }
0x5b: {  	_ =	shalt  }
0x5c: {  	_ =	shalt  }
0x5d: {  	_ =	shalt  }
0x5e: {  	_ =	shalt  }
0x5f: {  	_ =	shalt  }
0x60: {  	_ =	shalt  }
0x61: {  	_ =	shalt  }
0x62: {  	_ =	shalt  }
0x63: {  	_ =	shalt  }
0x64: {  	_ =	shalt  }
0x65: {  	_ =	shalt  }
0x66: {  	_ =	shalt  }
0x67: {  	_ =	shalt  }
0x68: {  	_ =	shalt  }
0x69: {  	_ =	shalt  }
0x6a: {  	_ =	shalt  }
0x6b: {  	_ =	shalt  }
0x6c: {  	_ =	shalt  }
0x6d: {  	_ =	shalt  }
0x6e: {  	_ =	shalt  }
0x6f: {  	_ =	shalt  }
0x70: {  	_ =	shalt  }
0x71: {  	_ =	shalt  }
0x72: {  	_ =	shalt  }
0x73: {  	_ =	shalt  }
0x74: {  	_ =	shalt  }
0x75: {  	_ =	shalt  }
0x76: {  	_ =	shalt  }
0x77: {  	_ =	shalt  }
0x78: {  	_ =	shalt  }
0x79: {  	_ =	shalt  }
0x7a: {  	_ =	shalt  }
0x7b: {  	_ =	shalt  }
0x7c: {  	_ =	shalt  }
0x7d: {  	_ =	shalt  }
0x7e: {  	_ =	shalt  }
0x7f: {  	_ =	shalt  }
0x80: {  	_ =	shalt  }
0x81: {  	_ =	shalt  }
0x82: {  	_ =	shalt  }
0x83: {  	_ =	shalt  }
0x84: {  	_ =	shalt  }
0x85: {  	_ =	shalt  }
0x86: {  	_ =	shalt  }
0x87: {  	_ =	shalt  }
.Lfunc_end0:
.L_simem_size_0:
called_computation_lowered:
.L_overlay_start_0:
0x88: {  	s2 =	sld [smem:$0x3FD9]  }
0x89: {  	s3 =	sld [smem:$0x3FFE];
	_ =	sdelay $0x1  }
0x8a: {  	s1 =	srdreg.scid  }
0x8b: {  	s0 =	sand.u32 $0x1, s1  }
0x8c: {  	s16 =	sshll.u32 s0, $0xA;
	s2 =	sadd.s32 s3, s2  }
0x8d: {  	s2 =	sadd.s32 s2, s16  }
0x8e: {  	[smem:$0x3FBC] =	sst s2  }
0x8f: {  	_ = 	snop  }
0x90: {  	(tm) =	ssettm $0x1  }
0x91: {  	s17 =	sld [smem:$0x3FFB];
	_ =	sdelay $0x3  }
0x92: {  	_ =	strace s17  }
0x93: {  	s2 =	sld [smem:$0x3FFC];
	_ =	sdelay $0x3  }
0x94: {  	_ =	strace s2  }
0x95: {  	s2 =	sld [smem:$0x3FFD];
	_ =	sdelay $0x3  }
0x96: {  	_ =	strace s2  }
0x97: {  	_ =	strace $0x8FFFFFFF  }
0x98: {  	s18 =	sld [smem:$0x3FDB];
	_ =	sdelay $0x1  }
0x99: {  	s19 =	simm.s32 $_scs_section_size  }
0x9a: {  	s4 =	simm.s32 $_size__tile_overlayer_lowered;
	s5 =	simm.s32 $_tile_overlayer_lowered  }
0x9b: {  	s22 =	simm.s32 $0x1BFF;
	s21 =	sshll.u32 s5, $0x1;
	s2 =	sadd.s32 s19, s18  }
0x9c: {  	s6 =	simm.s32 $0x0;
	s20 =	sshll.u32 s4, $0x1;
	s4 =	sadd.s32 s21, s2  }
0x9d: {  	[timem:s6], [sflag:s22] =	dma.local [hbm:s4], s20  }
0x9e: {  	_ =	swait.ge [sflag:s22], s20  }
0x9f: {  	s3 =	ssub.s32 $0x0, s20;
	[sflag:s22] =	ssyncset.done $0x0  }
0xa0: {  	[sflag:s22] =	ssyncadd.s32 s3;
	_ =	sdelay $0x1  }
0xa1: {  	s23 =	simm.s32 $0x1B8B  }
0xa2: {  	_ =	swait.ge [sflag:s23], $0x1  }
0xa3: {  	[sflag:s23] =	ssyncset.done $0x0  }
0xa4: {  	s25 =	simm.s32 $0x1B8E;
	s24 =	sld [smem:$0x3FFE];
	[sflag:s23] =	ssyncadd.s32 $0xFFFFFFFF  }
0xa5: {  	s26 =	simm.s32 $execute0_lowered;
	[smem:$0x3FD2] =	sst s25  }
0xa6: {  	s4 =	sshll.u32 s26, $0x1;
	_ =	strace $0x80000046;
	[dreg:$0x1] =	wrdreg $0xFFFFFFFF  }
0xa7: {  	s28 =	simm.s32 $_size_execute0_lowered;
	s2 =	sadd.s32 s2, s4;
	[dreg:$0x0] =	wrdreg $0x0  }
0xa8: {  	s4 =	sshll.u32 s28, $0x1;
	[dreg:$0x2] =	wrdreg s2  }
0xa9: {  	[dreg:$0x3] =	wrdreg s4  }
0xaa: {  	[dreg:$0x4] =	wrdreg $0xC0  }
0xab: {  	_ =	task [dreg:s6], $0x5FFFF  }
0xac: {  	[dreg:$0x1] =	wrdreg $0xFFFFFFFF  }
0xad: {  	[dreg:$0x0] =	wrdreg $0x60  }
0xae: {  	[dreg:$0x2] =	wrdreg s24  }
0xaf: {  	[dreg:$0x3] =	wrdreg $0x9  }
0xb0: {  	_ =	task.clear_ibuf [dreg:s6], $0x4FFFF;
	_ =	strace $0x90000046  }
0xb1: {  	s29 =	simm.s32 $0x9;
	_ =	strace $0x80000048  }
0xb2: {  	_ =	swait.ge [sflag:s29], $0x1  }
0xb3: {  	[sflag:s29] =	ssyncadd.s32 $0xFFFFFFFF  }
0xb4: {  	_ =	strace $0x90000048  }
0xb5: {  	_ =	sfence  }
0xb6: {  	s30 =	sld [smem:$0x0];
	_ =	sdelay $0x2  }
0xb7: {  	s31 =	sshll.u32 s1, $0xD;
	s1 =	sshrl.u32 s1, $0x2  }
0xb8: {  	s3 =	sand.u32 $0x4000, s31;
	s1 =	sadd.s32 s1, s30  }
0xb9: {  	s0 =	sor.u32 s3, s0;
	s1 =	sshll.u32 s1, $0x11  }
0xba: {  	s0 =	sor.u32 s1, s0  }
0xbb: {  	s0 =	sadd.s32 $0x8F2B, s0  }
0xbc: {  	[sflag:s0] =	ssyncadd.remote.s32 $0x1  }
0xbd: {  	_ =	sfence.sel $0xFFFF  }
0xbe: {  	[dreg:$0x0] =	wrdreg $0xFFFFFFFF;
	(pc) =	sbr.abs _section_cstart, $3  }
0xbf: {  	[dreg:$0x1] =	wrdreg $0xFFFFFFFF  }
0xc0: {  	_ =	task.clear_ibuf [dreg:s6], $0x2FFFF;
	_ =	strace $0x9FFFFFFF  }
0xc1: {  	(tm) =	ssettm $0x7FFFFFFF  }
tec
execute0_lowered:
.L_overlay_start_1:
0x0: {  	(tag) =	ssettag $0x1  }
0x1: {  	s0 =	srdreg.scid  }
0x2: {  	s1 =	rddreg [dreg:$0x0];
	s0 =	sand.u32 $0x1, s0  }
0x3: {  	s4 =	stileid.u32;
	s2 =	simm.s32 $0x0;
	s3 =	sshll.u32 s0, $0x4  }
0x4: {  	s28 =	simm.s32 $0x3;
	s29 =	simm.s32 $0x11170;
	s3 =	sor.u32 s4, s3  }
0x5: {  	s30 =	simm.s32 $0x13880;
	s31 =	simm.s32 $0x2;
	s4 =	smul.u32 $0xC35, s3  }
0x6: {  	[smem:$0x7FF] =	sst s2;
	s5 =	sadd.s32 $0x2000, s1;
	s6 =	smul.u32 $0x493E, s3  }
0x7: {  	s1 =	sadd.s32 $0x94800, s1;
	s0 =	ssub.s32 $0x2, s0;
	s7 =	smul.u32 $0xC350, s3  }
0x8: {  	_ =	strace $0x80000047;
	s8 =	sshrl.u32 s0, $0x1;
	s23 =	smul.u32 $0x186A, s3  }
0x9: {  	s0 =	ssub.s32 s0, s8;
	s9 =	sadd.s32 $0x271, s4;
	s7 =	sshrl.u32 s7, $0x3  }
0xa: {  	s3 =	sadd.s32 s5, s6;
	s25 =	sadd.s32 s1, s23;
	s4 =	sshll.u32 s4, $0x1  }
0xb: {  	s23 =	smax.u32 s0, $0x1;
	s0 =	simm.s32 $0x0;
	s10 =	smul.u32 $0x6, s9  }
0xc: {  	s24 =	sadd.s32 s1, s7;
	[dreg:$0x3] =	wrdreg s25;
	s8 =	sadd.s32 $0x1D4C, s3  }
0xd: {  	s9 =	sshll.u32 s9, $0x1;
	s12 =	sadd.s32 $0x2BF2, s3;
	s16 =	sadd.s32 $0x3A98, s3  }
0xe: {  	s25 =	simm.s32 $0x1;
	s26 =	sadd.s32 $0x30D40, s24;
	s7 =	sadd.s32 $0x61A80, s24  }
0xf: {  	s9 =	sadd.s32 s1, s9;
	s1 =	sadd.s32 s1, s4;
	s11 =	sadd.s32 $0x61F62, s24  }
0x10: {  	s14 =	sadd.s32 $0x31704, s24;
	s15 =	sadd.s32 $0x62444, s24;
	s18 =	sadd.s32 $0x31BE6, s24  }
0x11: {  	s19 =	sadd.s32 $0x62926, s24;
	s21 =	sadd.s32 $0x320C8, s24;
	s22 =	sadd.s32 $0x62E08, s24  }
0x12: {  	s5 =	sadd.s32 s5, s10;
	[dreg:$0x4] =	wrdreg s26;
	s10 =	sadd.s32 $0x31222, s24  }
0x13: {  	s13 =	sadd.s32 $0x9C4, s1;
	s17 =	sadd.s32 $0xEA6, s1;
	s20 =	sadd.s32 $0x1388, s1  }
0x14: {  	s24 =	simm.s32 $0x7530;
	s26 =	simm.s32 $0xEA60;
	[dreg:$0x2] =	wrdreg s5  }
.LBB2_1:
0x15: {  	[tilespmem:s2], [sflag:$0x1] =	stream.linear.gather [hbm4b:s3+s2], $0x7530, $0x38;
	[tilespmem:$0x15F90] =	vst v63  }
0x16: {  	s1 =	rddreg [dreg:$0x2]  }
0x17: {  	[tilespmem:s24], [sflag:$0x2] =	stream.linear.gather [hbm4b:s1+s2], $0x7530, $0x38;
	[tilespmem:$0x15F90] =	vst v63  }
0x18: {  	_ =	swait.ge [sflag:s25], $0x7530  }
0x19: {  	[sflag:s25] =	ssyncset.done $0x0  }
0x1a: {  	s1 =	simm.s32 $0x20;
	[sflag:s25] =	ssyncadd.s32 $0xFFFF8AD0  }
0x1b: {  	s4 =	simm.s32 $0x40;
	s5 =	simm.s32 $0x0;
	v0 =	vld [tilespmem:s1+$0xFFFFFFE0]  }
.LBB2_2:
0x1c: {  	p0 =	sne.s32 s4, $0x9C00;
	_ =	sdelay $0x2  }
0x1d: {  	s6 =	sshra.s32 s5, $0x2;
	s5 =	smov.u32 s4  }
0x1e: {  	[tilespmem:s6+$0xEA60] =	vst v0  }
0x1f: {  	v0 =	vld [tilespmem:s1+$0xFFFFFFF0];
	_ =	sdelay $0x4  }
0x20: {  	[tilespmem:s6+$0x11170] =	vst v0  }
0x21: {  	v0 =	vld [tilespmem:s1+$0x0];
	_ =	sdelay $0x1  }
.Ltmp0:
0x22: {  	(pc) =	sbr.rel @p0 .LBB2_2-.Ltmp0, $3  }
0x23: {  	_ =	sdelay $0x1  }
0x24: {  	s1 =	sadd.s32 $0x30, s1;
	[tilespmem:s6+$0x13880] =	vst v0  }
0x25: {  	s4 =	sadd.s32 $0x40, s4;
	v0 =	vld [tilespmem:s1+$0xFFFFFFE0]  }
0x26: {  	_ =	sdelay $0x2  }
0x27: {  	s4 =	sshra.s32 s5, $0x2  }
0x28: {  	[tilespmem:s4+$0xEA60] =	vst v0  }
0x29: {  	v0 =	vld [tilespmem:s1+$0xFFFFFFF0];
	_ =	sdelay $0x4  }
0x2a: {  	[tilespmem:s4+$0x11170] =	vst v0  }
0x2b: {  	v0 =	vld [tilespmem:s1+$0x0];
	_ =	sdelay $0x4  }
0x2c: {  	s5 =	rddreg [dreg:$0x3];
	s1 =	simm.s32 $0x0;
	[tilespmem:s4+$0x13880] =	vst v0  }
0x2d: {  	[hbm4b:s5+s1] =	stream.linear.scatter [tilespmem:s26], [sflag:$0x3], $0x2710, $0x38;
	[tilespmem:$0x15F90] =	vst v63  }
0x2e: {  	_ =	swait.ge [sflag:s28], $0x2710  }
0x2f: {  	[sflag:s28] =	ssyncset.done $0x0  }
0x30: {  	s6 =	rddreg [dreg:$0x4];
	[sflag:s28] =	ssyncadd.s32 $0xFFFFD8F0  }
0x31: {  	[hbm4b:s6+s1] =	stream.linear.scatter [tilespmem:s29], [sflag:$0x3], $0x2710, $0x38;
	[tilespmem:$0x15F90] =	vst v63  }
0x32: {  	_ =	swait.ge [sflag:s28], $0x2710  }
0x33: {  	[sflag:s28] =	ssyncset.done $0x0  }
0x34: {  	[sflag:s28] =	ssyncadd.s32 $0xFFFFD8F0  }
0x35: {  	[hbm4b:s7+s1] =	stream.linear.scatter [tilespmem:s30], [sflag:$0x3], $0x2710, $0x38;
	[tilespmem:$0x15F90] =	vst v63  }
0x36: {  	_ =	swait.ge [sflag:s28], $0x2710  }
0x37: {  	[sflag:s28] =	ssyncset.done $0x0  }
0x38: {  	[sflag:s28] =	ssyncadd.s32 $0xFFFFD8F0  }
0x39: {  	[tilespmem:s1], [sflag:$0x1] =	stream.linear.gather [hbm4b:s8+s1], $0x7530, $0x38;
	[tilespmem:$0x15F90] =	vst v63  }
0x3a: {  	_ =	swait.ge [sflag:s31], $0x7530  }
0x3b: {  	[sflag:s31] =	ssyncset.done $0x0  }
0x3c: {  	s4 =	simm.s32 $0x7550;
	[sflag:s31] =	ssyncadd.s32 $0xFFFF8AD0  }
0x3d: {  	s5 =	simm.s32 $0x40;
	v0 =	vld [tilespmem:s4+$0xFFFFFFE0]  }
.LBB2_4:
0x3e: {  	p0 =	sne.s32 s5, $0x9C00;
	_ =	sdelay $0x2  }
0x3f: {  	s6 =	sshra.s32 s1, $0x2;
	s1 =	smov.u32 s5  }
0x40: {  	[tilespmem:s6+$0xEA60] =	vst v0  }
0x41: {  	v0 =	vld [tilespmem:s4+$0xFFFFFFF0];
	_ =	sdelay $0x4  }
0x42: {  	[tilespmem:s6+$0x11170] =	vst v0  }
0x43: {  	v0 =	vld [tilespmem:s4+$0x0];
	_ =	sdelay $0x1  }
.Ltmp1:
0x44: {  	(pc) =	sbr.rel @p0 .LBB2_4-.Ltmp1, $3  }
0x45: {  	_ =	sdelay $0x1  }
0x46: {  	s4 =	sadd.s32 $0x30, s4;
	[tilespmem:s6+$0x13880] =	vst v0  }
0x47: {  	s5 =	sadd.s32 $0x40, s5;
	v0 =	vld [tilespmem:s4+$0xFFFFFFE0]  }
0x48: {  	_ =	sdelay $0x2  }
0x49: {  	s1 =	sshra.s32 s1, $0x2  }
0x4a: {  	[tilespmem:s1+$0xEA60] =	vst v0  }
0x4b: {  	v0 =	vld [tilespmem:s4+$0xFFFFFFF0];
	_ =	sdelay $0x4  }
0x4c: {  	[tilespmem:s1+$0x11170] =	vst v0  }
0x4d: {  	v0 =	vld [tilespmem:s4+$0x0];
	_ =	sdelay $0x4  }
0x4e: {  	[tilespmem:s1+$0x13880] =	vst v0;
	s1 =	simm.s32 $0x0  }
0x4f: {  	[hbm4b:s9+s1] =	stream.linear.scatter [tilespmem:s26], [sflag:$0x3], $0x2710, $0x38;
	[tilespmem:$0x15F90] =	vst v63  }
0x50: {  	_ =	swait.ge [sflag:s28], $0x2710  }
0x51: {  	[sflag:s28] =	ssyncset.done $0x0  }
0x52: {  	[sflag:s28] =	ssyncadd.s32 $0xFFFFD8F0  }
0x53: {  	[hbm4b:s10+s1] =	stream.linear.scatter [tilespmem:s29], [sflag:$0x3], $0x2710, $0x38;
	[tilespmem:$0x15F90] =	vst v63  }
0x54: {  	_ =	swait.ge [sflag:s28], $0x2710  }
0x55: {  	[sflag:s28] =	ssyncset.done $0x0  }
0x56: {  	[sflag:s28] =	ssyncadd.s32 $0xFFFFD8F0  }
0x57: {  	[hbm4b:s11+s1] =	stream.linear.scatter [tilespmem:s30], [sflag:$0x3], $0x2710, $0x38;
	[tilespmem:$0x15F90] =	vst v63  }
0x58: {  	_ =	swait.ge [sflag:s28], $0x2710  }
0x59: {  	[sflag:s28] =	ssyncset.done $0x0  }
0x5a: {  	[sflag:s28] =	ssyncadd.s32 $0xFFFFD8F0  }
0x5b: {  	[tilespmem:s24], [sflag:$0x2] =	stream.linear.gather [hbm4b:s12+s1], $0x7530, $0x38;
	[tilespmem:$0x15F90] =	vst v63  }
0x5c: {  	_ =	swait.ge [sflag:s25], $0x7530  }
0x5d: {  	[sflag:s25] =	ssyncset.done $0x0  }
0x5e: {  	s4 =	simm.s32 $0x20;
	[sflag:s25] =	ssyncadd.s32 $0xFFFF8AD0  }
0x5f: {  	s5 =	simm.s32 $0x40;
	v0 =	vld [tilespmem:s4+$0xFFFFFFE0]  }
.LBB2_6:
0x60: {  	p0 =	sne.s32 s5, $0x9C00;
	_ =	sdelay $0x2  }
0x61: {  	s6 =	sshra.s32 s1, $0x2;
	s1 =	smov.u32 s5  }
0x62: {  	[tilespmem:s6+$0xEA60] =	vst v0  }
0x63: {  	v0 =	vld [tilespmem:s4+$0xFFFFFFF0];
	_ =	sdelay $0x4  }
0x64: {  	[tilespmem:s6+$0x11170] =	vst v0  }
0x65: {  	v0 =	vld [tilespmem:s4+$0x0];
	_ =	sdelay $0x1  }
.Ltmp2:
0x66: {  	(pc) =	sbr.rel @p0 .LBB2_6-.Ltmp2, $3  }
0x67: {  	_ =	sdelay $0x1  }
0x68: {  	s4 =	sadd.s32 $0x30, s4;
	[tilespmem:s6+$0x13880] =	vst v0  }
0x69: {  	s5 =	sadd.s32 $0x40, s5;
	v0 =	vld [tilespmem:s4+$0xFFFFFFE0]  }
0x6a: {  	_ =	sdelay $0x2  }
0x6b: {  	s1 =	sshra.s32 s1, $0x2  }
0x6c: {  	[tilespmem:s1+$0xEA60] =	vst v0  }
0x6d: {  	v0 =	vld [tilespmem:s4+$0xFFFFFFF0];
	_ =	sdelay $0x4  }
0x6e: {  	[tilespmem:s1+$0x11170] =	vst v0  }
0x6f: {  	v0 =	vld [tilespmem:s4+$0x0];
	_ =	sdelay $0x4  }
0x70: {  	[tilespmem:s1+$0x13880] =	vst v0;
	s1 =	simm.s32 $0x0  }
0x71: {  	[hbm4b:s13+s1] =	stream.linear.scatter [tilespmem:s26], [sflag:$0x3], $0x2710, $0x38;
	[tilespmem:$0x15F90] =	vst v63  }
0x72: {  	_ =	swait.ge [sflag:s28], $0x2710  }
0x73: {  	[sflag:s28] =	ssyncset.done $0x0  }
0x74: {  	[sflag:s28] =	ssyncadd.s32 $0xFFFFD8F0  }
0x75: {  	[hbm4b:s14+s1] =	stream.linear.scatter [tilespmem:s29], [sflag:$0x3], $0x2710, $0x38;
	[tilespmem:$0x15F90] =	vst v63  }
0x76: {  	_ =	swait.ge [sflag:s28], $0x2710  }
0x77: {  	[sflag:s28] =	ssyncset.done $0x0  }
0x78: {  	[sflag:s28] =	ssyncadd.s32 $0xFFFFD8F0  }
0x79: {  	[hbm4b:s15+s1] =	stream.linear.scatter [tilespmem:s30], [sflag:$0x3], $0x2710, $0x38;
	[tilespmem:$0x15F90] =	vst v63  }
0x7a: {  	_ =	swait.ge [sflag:s28], $0x2710  }
0x7b: {  	[sflag:s28] =	ssyncset.done $0x0  }
0x7c: {  	[sflag:s28] =	ssyncadd.s32 $0xFFFFD8F0  }
0x7d: {  	[tilespmem:s1], [sflag:$0x1] =	stream.linear.gather [hbm4b:s16+s1], $0x7530, $0x38;
	[tilespmem:$0x15F90] =	vst v63  }
0x7e: {  	_ =	swait.ge [sflag:s31], $0x7530  }
0x7f: {  	[sflag:s31] =	ssyncset.done $0x0  }
0x80: {  	s4 =	simm.s32 $0x7550;
	[sflag:s31] =	ssyncadd.s32 $0xFFFF8AD0  }
0x81: {  	s5 =	simm.s32 $0x40;
	v0 =	vld [tilespmem:s4+$0xFFFFFFE0]  }
.LBB2_8:
0x82: {  	p0 =	sne.s32 s5, $0x9C00;
	_ =	sdelay $0x2  }
0x83: {  	s6 =	sshra.s32 s1, $0x2;
	s1 =	smov.u32 s5  }
0x84: {  	[tilespmem:s6+$0xEA60] =	vst v0  }
0x85: {  	v0 =	vld [tilespmem:s4+$0xFFFFFFF0];
	_ =	sdelay $0x4  }
0x86: {  	[tilespmem:s6+$0x11170] =	vst v0  }
0x87: {  	v0 =	vld [tilespmem:s4+$0x0];
	_ =	sdelay $0x1  }
.Ltmp3:
0x88: {  	(pc) =	sbr.rel @p0 .LBB2_8-.Ltmp3, $3  }
0x89: {  	_ =	sdelay $0x1  }
0x8a: {  	s4 =	sadd.s32 $0x30, s4;
	[tilespmem:s6+$0x13880] =	vst v0  }
0x8b: {  	s5 =	sadd.s32 $0x40, s5;
	v0 =	vld [tilespmem:s4+$0xFFFFFFE0]  }
0x8c: {  	_ =	sdelay $0x2  }
0x8d: {  	s1 =	sshra.s32 s1, $0x2  }
0x8e: {  	[tilespmem:s1+$0xEA60] =	vst v0  }
0x8f: {  	v0 =	vld [tilespmem:s4+$0xFFFFFFF0];
	_ =	sdelay $0x4  }
0x90: {  	[tilespmem:s1+$0x11170] =	vst v0  }
0x91: {  	v0 =	vld [tilespmem:s4+$0x0];
	_ =	sdelay $0x4  }
0x92: {  	[tilespmem:s1+$0x13880] =	vst v0;
	s1 =	simm.s32 $0x0  }
0x93: {  	[hbm4b:s17+s1] =	stream.linear.scatter [tilespmem:s26], [sflag:$0x3], $0x2710, $0x38;
	[tilespmem:$0x15F90] =	vst v63  }
0x94: {  	_ =	swait.ge [sflag:s28], $0x2710  }
0x95: {  	[sflag:s28] =	ssyncset.done $0x0  }
0x96: {  	[sflag:s28] =	ssyncadd.s32 $0xFFFFD8F0  }
0x97: {  	[hbm4b:s18+s1] =	stream.linear.scatter [tilespmem:s29], [sflag:$0x3], $0x2710, $0x38;
	[tilespmem:$0x15F90] =	vst v63  }
0x98: {  	_ =	swait.ge [sflag:s28], $0x2710  }
0x99: {  	[sflag:s28] =	ssyncset.done $0x0  }
0x9a: {  	[sflag:s28] =	ssyncadd.s32 $0xFFFFD8F0  }
0x9b: {  	[hbm4b:s19+s1] =	stream.linear.scatter [tilespmem:s30], [sflag:$0x3], $0x2710, $0x38;
	[tilespmem:$0x15F90] =	vst v63  }
0x9c: {  	_ =	swait.ge [sflag:s28], $0x2710  }
0x9d: {  	[sflag:s28] =	ssyncset.done $0x0  }
0x9e: {  	[sflag:s28] =	ssyncadd.s32 $0xFFFFD8F0  }
0x9f: {  	_ =	swait.ge [sflag:s25], $0x7530  }
0xa0: {  	[sflag:s25] =	ssyncset.done $0x0  }
0xa1: {  	s4 =	simm.s32 $0x20;
	[sflag:s25] =	ssyncadd.s32 $0xFFFF8AD0  }
0xa2: {  	s5 =	simm.s32 $0x40;
	v0 =	vld [tilespmem:s4+$0xFFFFFFE0]  }
.LBB2_10:
0xa3: {  	p0 =	sne.s32 s5, $0x9C00;
	_ =	sdelay $0x2  }
0xa4: {  	s6 =	sshra.s32 s1, $0x2;
	s1 =	smov.u32 s5  }
0xa5: {  	[tilespmem:s6+$0xEA60] =	vst v0  }
0xa6: {  	v0 =	vld [tilespmem:s4+$0xFFFFFFF0];
	_ =	sdelay $0x4  }
0xa7: {  	[tilespmem:s6+$0x11170] =	vst v0  }
0xa8: {  	v0 =	vld [tilespmem:s4+$0x0];
	_ =	sdelay $0x1  }
.Ltmp4:
0xa9: {  	(pc) =	sbr.rel @p0 .LBB2_10-.Ltmp4, $3  }
0xaa: {  	_ =	sdelay $0x1  }
0xab: {  	s4 =	sadd.s32 $0x30, s4;
	[tilespmem:s6+$0x13880] =	vst v0  }
0xac: {  	s5 =	sadd.s32 $0x40, s5;
	v0 =	vld [tilespmem:s4+$0xFFFFFFE0]  }
0xad: {  	_ =	sdelay $0x2  }
0xae: {  	s1 =	sshra.s32 s1, $0x2  }
0xaf: {  	[tilespmem:s1+$0xEA60] =	vst v0  }
0xb0: {  	v0 =	vld [tilespmem:s4+$0xFFFFFFF0];
	_ =	sdelay $0x4  }
0xb1: {  	[tilespmem:s1+$0x11170] =	vst v0  }
0xb2: {  	v0 =	vld [tilespmem:s4+$0x0];
	_ =	sdelay $0x4  }
0xb3: {  	[tilespmem:s1+$0x13880] =	vst v0  }
0xb4: {  	[hbm4b:s20+s2] =	stream.linear.scatter [tilespmem:s26], [sflag:$0x3], $0x2710, $0x38;
	[tilespmem:$0x15F90] =	vst v63  }
0xb5: {  	_ =	swait.ge [sflag:s28], $0x2710  }
0xb6: {  	[sflag:s28] =	ssyncset.done $0x0  }
0xb7: {  	[sflag:s28] =	ssyncadd.s32 $0xFFFFD8F0  }
0xb8: {  	[hbm4b:s21+s2] =	stream.linear.scatter [tilespmem:s29], [sflag:$0x3], $0x2710, $0x38;
	[tilespmem:$0x15F90] =	vst v63  }
0xb9: {  	s0 =	sadd.s32 $0x1, s0;
	_ =	swait.ge [sflag:s28], $0x2710  }
0xba: {  	p0 =	sne.s32 s0, s23;
	[sflag:s28] =	ssyncset.done $0x0  }
.Ltmp5:
0xbb: {  	[sflag:s28] =	ssyncadd.s32 $0xFFFFD8F0;
	(pc) =	sbr.rel @p0 .LBB2_1-.Ltmp5, $4  }
0xbc: {  	[hbm4b:s22+s2] =	stream.linear.scatter [tilespmem:s30], [sflag:$0x3], $0x2710, $0x38;
	[tilespmem:$0x15F90] =	vst v63  }
0xbd: {  	_ =	swait.ge [sflag:s28], $0x2710  }
0xbe: {  	[sflag:s28] =	ssyncset.done $0x0  }
0xbf: {  	[sflag:s28] =	ssyncadd.s32 $0xFFFFD8F0  }
0xc0: {  	_ =	sfence.sel $0x180000  }
0xc1: {  	[bflag:$0x0] =	sbarrier.arrive $0xFFFF  }
0xc2: {  	_ =	strace $0x90000047  }
0xc3: {  	s0 =	stileid.u32;
	[bflag:$0x2] =	sbarrier.arrive $0xFFFF  }
0xc4: {  	p0 =	sne.s32 s0, $0x0;
	s0 =	rddreg [dreg:$0x1]  }
0xc5: {  	s0 =	sadd.s32 @!p0 $0x100000, s0  }
0xc6: {  	[sflag:s0] =	ssyncadd.tile.s32 @!p0 $0x1;
	_ =	shalt  }
.Lfunc_end2:
_tile_overlayer_lowered:
.L_overlay_start_2:
0xc7: {  	(tag) =	ssettag $0x2  }
0xc8: {  	s0 =	rddreg [dreg:$0x0];
	s2 =	stileid.u32  }
0xc9: {  	s1 =	rddreg [dreg:$0x1];
	p0 =	sne.s32 s2, $0x0  }
0xca: {  	s3 =	rddreg [dreg:$0x2];
	[bflag:$0x3] =	sbarrier.arrive $0xFFFF;
	s2 =	simm.s32 @!p0 $0x1C03  }
0xcb: {  	[timem:s3], [sflag:s2] =	dma.local @!p0 [hbm:s0], s1  }
0xcc: {  	s0 =	simm.s32 @!p0 $0x3  }
0xcd: {  	_ =	swait.ge @!p0 [sflag:s0], s1  }
0xce: {  	s1 =	ssub.s32 @!p0 $0x0, s1;
	[sflag:s0] =	ssyncset.done @!p0 $0x0  }
0xcf: {  	[sflag:s0] =	ssyncadd.s32 @!p0 s1  }
0xd0: {  	[bflag:$0x3] =	sbarrier.arrive $0xFFFF  }
0xd1: {  	_ =	shalt  }

// kernel: kernel.8.cloned.1.call-start
scs
__scs_entry_jumppad:
0x0: {  	(pc) =	sbr.rel $0x88, $3  }
0x1: {  	(tag) =	ssettag $0x0;
	lr =	simm.s32 $0x1  }
0x2: {  	[smem:$0x3F95] =	sst lr;
	_ =	strace $0xD0000000  }
0x3: {  	_ = 	snop  }
0x4: {  	_ = 	snop  }
0x5: {  	_ = 	snop  }
0x6: {  	_ = 	snop  }
0x7: {  	_ = 	snop  }
__scs_overlays_trampoline_lowered:
0x8: {  	[smem:$0x3FA4] =	sst s0  }
0x9: {  	[smem:$0x3FA5] =	sst s1  }
0xa: {  	[smem:$0x3FA6] =	sst s2  }
0xb: {  	[smem:$0x3FA7] =	sst s3  }
0xc: {  	[smem:$0x3FA8] =	sst s4  }
0xd: {  	[smem:$0x3FA9] =	sst s5  }
0xe: {  	[smem:$0x3FAA] =	sst s6  }
0xf: {  	[smem:$0x3FAB] =	sst s7  }
0x10: {  	[smem:$0x3FAC] =	sst s8  }
0x11: {  	[smem:$0x3FAD] =	sst s9;
	s0 =	simm.s32 @!p0 $0x0  }
0x12: {  	s1 =	sld [smem:$0x3F93];
	s0 =	simm.s32 @p0 $0x1  }
0x13: {  	[smem:$0x3FAE] =	sst s0;
	s0 =	simm.s32 @!p1 $0x0  }
0x14: {  	s2 =	sld [smem:$0x3F92];
	s0 =	simm.s32 @p1 $0x1  }
0x15: {  	[smem:$0x3FAF] =	sst s0;
	s0 =	simm.s32 @!p2 $0x0  }
0x16: {  	s3 =	sld [smem:$0x3FDB];
	s0 =	simm.s32 @p2 $0x1  }
0x17: {  	s4 =	simm.s32 $0x1BF5;
	[smem:$0x3FB1] =	sst s0  }
0x18: {  	s0 =	sld [smem:$0x3F94];
	_ =	swait.ge [sflag:s4], $0x0  }
0x19: {  	s7 =	sld [smem:$0x3F95]  }
0x1a: {  	s8 =	sadd.s32 $0xFFFFE003, lr  }
0x1b: {  	s9 =	sadd.s32 $0xFFFFFEF7, lr;
	s5 =	simm.s32 $0xFFFFFFFF;
	p2 =	slt.u32 s8, $0xFFFFF086  }
0x1c: {  	p1 =	slt.u32 s9, $0xF7A;
	s5 =	simm.s32 @!p2 $0x0  }
0x1d: {  	s5 =	simm.s32 @p1 $0x1;
	p0 =	seq.s32 s7, s2  }
0x1e: {  	s7 =	smul.u32 @!p0 $0xF7A, s2;
	p2 =	seq.s32 @!p0 s5, $0x0  }
0x1f: {  	s9 =	smul.u32 $0xF7A, s1;
	s8 =	simm.s32 @!p0 $0x1BF5;
	p2 =	por !p2, p0  }
0x20: {  	[sflag:s8] =	ssyncset.s32 @!p0 $0xFFFFF086;
	s6 =	sadd.s32 @!p0 s3, s7;
	s7 =	simm.s32 @!p0 $0x108  }
0x21: {  	s3 =	sadd.s32 s3, s9;
	s6 =	sadd.s32 @!p0 $0x88, s6;
	s7 =	simm.s32 @p2 $0x1082  }
0x22: {  	[simem:s7], [sflag:s8] =	dma.local @!p0 [hbm:s6], $0xF7A  }
0x23: {  	s9 =	sor.u32 $0xD0000000, s2;
	s6 =	simm.s32 $0x108;
	_ =	swait.ge @!p0 [sflag:s8], $0x0  }
0x24: {  	s3 =	sadd.s32 $0x88, s3;
	s6 =	simm.s32 @!p1 $0x1082;
	[sflag:s4] =	ssyncset.s32 $0xFFFFF086  }
0x25: {  	[simem:s6], [sflag:s4] =	dma.local [hbm:s3], $0xF7A  }
0x26: {  	[smem:$0x3F95] =	sst s1;
	(tag) =	ssettag s2;
	_ =	strace s9  }
0x27: {  	s1 =	sld [smem:$0x3FA5]  }
0x28: {  	s2 =	sld [smem:$0x3FA6]  }
0x29: {  	s4 =	sld [smem:$0x3FA8]  }
0x2a: {  	p0 =	seq.s32 s5, $0x0;
	s5 =	sld [smem:$0x3FA9]  }
0x2b: {  	s6 =	sld [smem:$0x3FAA]  }
0x2c: {  	s7 =	sld [smem:$0x3FAB]  }
0x2d: {  	s3 =	simm.s32 $0x108;
	s8 =	sld [smem:$0x3FAC]  }
0x2e: {  	s3 =	simm.s32 @!p0 $0x1082;
	s9 =	sld [smem:$0x3FAD]  }
0x2f: {  	lr =	sadd.s32 s0, s3;
	s0 =	sld [smem:$0x3FA4]  }
0x30: {  	s3 =	sld [smem:$0x3FA7]  }
0x31: {  	[smem:$0x3FB0] =	sst s10  }
0x32: {  	s10 =	sld [smem:$0x3FAE];
	_ =	sdelay $0x3  }
0x33: {  	p0 =	seq.s32 s10, $0x1;
	s10 =	sld [smem:$0x3FB0];
	_ =	sdelay $0x3  }
0x34: {  	[smem:$0x3FB0] =	sst s10  }
0x35: {  	s10 =	sld [smem:$0x3FAF];
	_ =	sdelay $0x3  }
0x36: {  	p1 =	seq.s32 s10, $0x1;
	s10 =	sld [smem:$0x3FB0];
	_ =	sdelay $0x3  }
0x37: {  	[smem:$0x3FB0] =	sst s10  }
0x38: {  	s10 =	sld [smem:$0x3FB1]  }
0x39: {  	_ = 	snop;
	(pc) =	sbr.ind lr, $3  }
0x3a: {  	_ = 	snop  }
0x3b: {  	_ = 	snop  }
0x3c: {  	p2 =	seq.s32 s10, $0x1;
	s10 =	sld [smem:$0x3FB0]  }
0x3d: {  	_ =	shalt  }
0x3e: {  	_ =	shalt  }
0x3f: {  	_ =	shalt  }
0x40: {  	_ =	shalt  }
0x41: {  	_ =	shalt  }
0x42: {  	_ =	shalt  }
0x43: {  	_ =	shalt  }
0x44: {  	_ =	shalt  }
0x45: {  	_ =	shalt  }
0x46: {  	_ =	shalt  }
0x47: {  	_ =	shalt  }
0x48: {  	_ =	shalt  }
0x49: {  	_ =	shalt  }
0x4a: {  	_ =	shalt  }
0x4b: {  	_ =	shalt  }
0x4c: {  	_ =	shalt  }
0x4d: {  	_ =	shalt  }
0x4e: {  	_ =	shalt  }
0x4f: {  	_ =	shalt  }
0x50: {  	_ =	shalt  }
0x51: {  	_ =	shalt  }
0x52: {  	_ =	shalt  }
0x53: {  	_ =	shalt  }
0x54: {  	_ =	shalt  }
0x55: {  	_ =	shalt  }
0x56: {  	_ =	shalt  }
0x57: {  	_ =	shalt  }
0x58: {  	_ =	shalt  }
0x59: {  	_ =	shalt  }
0x5a: {  	_ =	shalt  }
0x5b: {  	_ =	shalt  }
0x5c: {  	_ =	shalt  }
0x5d: {  	_ =	shalt  }
0x5e: {  	_ =	shalt  }
0x5f: {  	_ =	shalt  }
0x60: {  	_ =	shalt  }
0x61: {  	_ =	shalt  }
0x62: {  	_ =	shalt  }
0x63: {  	_ =	shalt  }
0x64: {  	_ =	shalt  }
0x65: {  	_ =	shalt  }
0x66: {  	_ =	shalt  }
0x67: {  	_ =	shalt  }
0x68: {  	_ =	shalt  }
0x69: {  	_ =	shalt  }
0x6a: {  	_ =	shalt  }
0x6b: {  	_ =	shalt  }
0x6c: {  	_ =	shalt  }
0x6d: {  	_ =	shalt  }
0x6e: {  	_ =	shalt  }
0x6f: {  	_ =	shalt  }
0x70: {  	_ =	shalt  }
0x71: {  	_ =	shalt  }
0x72: {  	_ =	shalt  }
0x73: {  	_ =	shalt  }
0x74: {  	_ =	shalt  }
0x75: {  	_ =	shalt  }
0x76: {  	_ =	shalt  }
0x77: {  	_ =	shalt  }
0x78: {  	_ =	shalt  }
0x79: {  	_ =	shalt  }
0x7a: {  	_ =	shalt  }
0x7b: {  	_ =	shalt  }
0x7c: {  	_ =	shalt  }
0x7d: {  	_ =	shalt  }
0x7e: {  	_ =	shalt  }
0x7f: {  	_ =	shalt  }
0x80: {  	_ =	shalt  }
0x81: {  	_ =	shalt  }
0x82: {  	_ =	shalt  }
0x83: {  	_ =	shalt  }
0x84: {  	_ =	shalt  }
0x85: {  	_ =	shalt  }
0x86: {  	_ =	shalt  }
0x87: {  	_ =	shalt  }
.Lfunc_end0:
.L_simem_size_0:
called_computation.1_lowered:
.L_overlay_start_0:
0x88: {  	s2 =	sld [smem:$0x3FD9]  }
0x89: {  	s3 =	sld [smem:$0x3FFE];
	_ =	sdelay $0x1  }
0x8a: {  	s1 =	srdreg.scid  }
0x8b: {  	s0 =	sand.u32 $0x1, s1  }
0x8c: {  	s14 =	sshll.u32 s0, $0xA;
	s2 =	sadd.s32 s3, s2  }
0x8d: {  	s2 =	sadd.s32 s2, s14  }
0x8e: {  	[smem:$0x3FBC] =	sst s2  }
0x8f: {  	_ = 	snop  }
0x90: {  	s2 =	sld [smem:$0x3FD0];
	_ =	sdelay $0x2  }
0x91: {  	s4 =	simm.s32 $0xA;
	s5 =	simm.s32 $0x10;
	s15 =	sld [smem:$0x3FC7]  }
0x92: {  	[smem:s5], [sflag:s4] =	dma.local [hbm:s2], $0x1  }
0x93: {  	_ =	swait.eq [sflag:s4], $0x1  }
0x94: {  	[sflag:s4] =	ssyncset.done $0x0  }
0x95: {  	s16 =	sld [smem:$0x12];
	[sflag:s4] =	ssyncadd.s32 $0xFFFFFFFF  }
0x96: {  	s17 =	sld [smem:$0x13];
	(tm) =	ssettm $0x1  }
0x97: {  	s18 =	sld [smem:$0x3FFB];
	_ =	sdelay $0x3  }
0x98: {  	_ =	strace s18  }
0x99: {  	s5 =	sld [smem:$0x3FFC];
	_ =	sdelay $0x3  }
0x9a: {  	_ =	strace s5  }
0x9b: {  	s5 =	sld [smem:$0x3FFD];
	_ =	sdelay $0x3  }
0x9c: {  	_ =	strace s5  }
0x9d: {  	_ =	strace $0x8FFFFFFF  }
0x9e: {  	s19 =	sld [smem:$0x3FDB];
	_ =	sdelay $0x1  }
0x9f: {  	s6 =	simm.s32 $_scs_section_size  }
0xa0: {  	s7 =	simm.s32 $_size__tile_overlayer_lowered;
	s8 =	simm.s32 $_tile_overlayer_lowered  }
0xa1: {  	s22 =	simm.s32 $0x1BFF;
	s21 =	sshll.u32 s8, $0x1;
	s5 =	sadd.s32 s6, s19  }
0xa2: {  	s9 =	simm.s32 $0x0;
	s20 =	sshll.u32 s7, $0x1;
	s7 =	sadd.s32 s21, s5  }
0xa3: {  	[timem:s9], [sflag:s22] =	dma.local [hbm:s7], s20  }
0xa4: {  	_ =	swait.ge [sflag:s22], s20  }
0xa5: {  	s6 =	ssub.s32 $0x0, s20;
	[sflag:s22] =	ssyncset.done $0x0  }
0xa6: {  	[sflag:s22] =	ssyncadd.s32 s6;
	_ =	sdelay $0x1  }
0xa7: {  	s23 =	simm.s32 $0x1B8B  }
0xa8: {  	_ =	swait.ge [sflag:s23], $0x1  }
0xa9: {  	[sflag:s23] =	ssyncset.done $0x0  }
0xaa: {  	s25 =	simm.s32 $0x1B8E;
	s24 =	sld [smem:$0x3FFE];
	[sflag:s23] =	ssyncadd.s32 $0xFFFFFFFF  }
0xab: {  	s26 =	simm.s32 $execute0_lowered;
	[smem:$0x3FD2] =	sst s25  }
0xac: {  	s7 =	sshll.u32 s26, $0x1;
	_ =	strace $0x80000049;
	[dreg:$0x1] =	wrdreg $0xFFFFFFFF  }
0xad: {  	s28 =	simm.s32 $_size_execute0_lowered;
	s5 =	sadd.s32 s5, s7;
	[dreg:$0x0] =	wrdreg $0x0  }
0xae: {  	s7 =	sshll.u32 s28, $0x1;
	[dreg:$0x2] =	wrdreg s5  }
0xaf: {  	[dreg:$0x3] =	wrdreg s7  }
0xb0: {  	[dreg:$0x4] =	wrdreg $0xC0  }
0xb1: {  	_ =	task [dreg:s9], $0x5FFFF  }
0xb2: {  	[dreg:$0x1] =	wrdreg $0xFFFFFFFF  }
0xb3: {  	[dreg:$0x0] =	wrdreg $0x60  }
0xb4: {  	[dreg:$0x2] =	wrdreg s24  }
0xb5: {  	[dreg:$0x3] =	wrdreg s16  }
0xb6: {  	[dreg:$0x4] =	wrdreg s17  }
0xb7: {  	[dreg:$0x5] =	wrdreg s15  }
0xb8: {  	[dreg:$0x6] =	wrdreg $0x0  }
0xb9: {  	[dreg:$0x7] =	wrdreg $0x9  }
0xba: {  	_ =	task.clear_ibuf [dreg:s9], $0x8FFFF;
	_ =	strace $0x90000049  }
0xbb: {  	s29 =	simm.s32 $0x9;
	_ =	strace $0x8000004B  }
0xbc: {  	_ =	swait.ge [sflag:s29], $0x1  }
0xbd: {  	[sflag:s29] =	ssyncadd.s32 $0xFFFFFFFF  }
0xbe: {  	_ =	strace $0x9000004B  }
0xbf: {  	_ =	sfence  }
0xc0: {  	s30 =	sld [smem:$0x0];
	_ =	sdelay $0x2  }
0xc1: {  	s31 =	sshll.u32 s1, $0xD;
	s1 =	sshrl.u32 s1, $0x2  }
0xc2: {  	s3 =	sand.u32 $0x4000, s31;
	s1 =	sadd.s32 s1, s30  }
0xc3: {  	s0 =	sor.u32 s3, s0;
	s1 =	sshll.u32 s1, $0x11  }
0xc4: {  	s0 =	sor.u32 s1, s0  }
0xc5: {  	s0 =	sadd.s32 $0x8F2B, s0  }
0xc6: {  	[sflag:s0] =	ssyncadd.remote.s32 $0x1  }
0xc7: {  	_ =	sfence.sel $0xFFFF  }
0xc8: {  	[dreg:$0x0] =	wrdreg $0xFFFFFFFF;
	(pc) =	sbr.abs _section_cstart, $3  }
0xc9: {  	[dreg:$0x1] =	wrdreg $0xFFFFFFFF  }
0xca: {  	_ =	task.clear_ibuf [dreg:s9], $0x2FFFF;
	_ =	strace $0x9FFFFFFF  }
0xcb: {  	(tm) =	ssettm $0x7FFFFFFF  }
tec
execute0_lowered:
.L_overlay_start_1:
0x0: {  	(tag) =	ssettag $0x1  }
0x1: {  	s0 =	rddreg [dreg:$0x0]  }
0x2: {  	s1 =	rddreg [dreg:$0x1]  }
0x3: {  	s2 =	rddreg [dreg:$0x2];
	s3 =	srdreg.scid  }
0x4: {  	s4 =	rddreg [dreg:$0x3];
	s12 =	stileid.u32;
	s3 =	sand.u32 $0x1, s3  }
0x5: {  	s6 =	simm.s32 $0x0;
	s9 =	smul.u32 $0x1880, s12;
	s7 =	sshll.u32 s3, $0x4  }
0x6: {  	s10 =	smul.u32 $0x49800, s3;
	s3 =	ssub.s32 $0x2, s3;
	s7 =	sor.u32 s12, s7  }
0x7: {  	[smem:$0x7FF] =	sst s6;
	s17 =	sshrl.u32 s3, $0x1;
	s7 =	smul.u32 $0xC350, s7  }
0x8: {  	s5 =	rddreg [dreg:$0x4];
	_ =	strace $0x8000004A;
	s3 =	ssub.s32 s3, s17  }
0x9: {  	s9 =	sadd.s32 s9, s10;
	s3 =	smax.u32 s3, $0x1;
	s11 =	sshrl.u32 s7, $0x3  }
0xa: {  	s9 =	sshll.u32 s9, $0x1;
	[dreg:$0x10] =	wrdreg s3;
	s18 =	sadd.s32 s1, s11  }
0xb: {  	s9 =	sadd.s32 s9, s0;
	s19 =	sadd.s32 s2, s11;
	[dreg:$0x6] =	wrdreg s18  }
0xc: {  	s20 =	sadd.s32 $0x32, s11;
	s11 =	sadd.s32 s4, s11;
	[dreg:$0x7] =	wrdreg s19  }
0xd: {  	s23 =	sadd.s32 $0x30F400, s9;
	[dreg:$0x8] =	wrdreg s11  }
0xe: {  	s25 =	sadd.s32 $0x340400, s9;
	[dreg:$0xc] =	wrdreg s23  }
0xf: {  	s26 =	sadd.s32 $0x371400, s9;
	[dreg:$0xe] =	wrdreg s25  }
0x10: {  	s12 =	smul.u32 $0x62000, s12;
	s21 =	sadd.s32 s1, s20;
	[dreg:$0xf] =	wrdreg s26  }
0x11: {  	s22 =	sadd.s32 s2, s20;
	[dreg:$0x9] =	wrdreg s21  }
0x12: {  	s24 =	sshrl.u32 s12, $0x2;
	s10 =	sadd.s32 s4, s20;
	[dreg:$0xa] =	wrdreg s22  }
0x13: {  	[dreg:$0xb] =	wrdreg s10;
	s10 =	sadd.s32 s24, s5  }
0x14: {  	s9 =	sadd.s32 $0x1880, s10;
	[dreg:$0xd] =	wrdreg s10  }
0x15: {  	s11 =	sadd.s32 $0x3100, s10;
	[dreg:$0x11] =	wrdreg s9  }
0x16: {  	s12 =	sadd.s32 $0x4980, s10;
	[dreg:$0x12] =	wrdreg s11  }
0x17: {  	s13 =	sadd.s32 $0x6200, s10;
	[dreg:$0x13] =	wrdreg s12  }
0x18: {  	s14 =	sadd.s32 $0x7A80, s10;
	[dreg:$0x14] =	wrdreg s13  }
0x19: {  	s15 =	sadd.s32 $0x9300, s10;
	[dreg:$0x15] =	wrdreg s14  }
0x1a: {  	s28 =	simm.s32 $0x2;
	s16 =	sadd.s32 $0xAB80, s10;
	[dreg:$0x16] =	wrdreg s15  }
0x1b: {  	s29 =	simm.s32 $0x1AA60;
	s18 =	sadd.s32 $0xC400, s10;
	[dreg:$0x17] =	wrdreg s16  }
0x1c: {  	s30 =	simm.s32 $0x3;
	s20 =	sadd.s32 $0xDC80, s10;
	[dreg:$0x18] =	wrdreg s18  }
0x1d: {  	s31 =	simm.s32 $0x5;
	s21 =	sadd.s32 $0xF500, s10;
	[dreg:$0x19] =	wrdreg s20  }
0x1e: {  	s8 =	sadd.s32 $0x94800, s0;
	s22 =	sadd.s32 $0x10D80, s10;
	[dreg:$0x1a] =	wrdreg s21  }
0x1f: {  	s17 =	sadd.s32 $0xC5540, s0;
	s23 =	sadd.s32 $0x12600, s10;
	[dreg:$0x1b] =	wrdreg s22  }
0x20: {  	s19 =	sadd.s32 $0xF6280, s0;
	s24 =	sadd.s32 $0x13E80, s10;
	[dreg:$0x1c] =	wrdreg s23  }
0x21: {  	s0 =	simm.s32 $0x4;
	s25 =	sadd.s32 $0x15700, s10;
	[dreg:$0x1d] =	wrdreg s24  }
0x22: {  	s26 =	sadd.s32 $0x16F80, s10;
	s10 =	simm.s32 $0x7;
	[dreg:$0x1e] =	wrdreg s25  }
0x23: {  	[dreg:$0x1f] =	wrdreg s26;
	s9 =	simm.s32 $0x1C360;
	s11 =	simm.s32 $0x18800  }
0x24: {  	s12 =	simm.s32 $0x18990;
	s13 =	simm.s32 $0x18B20;
	s14 =	simm.s32 $0x1A5B0  }
0x25: {  	s22 =	simm.s32 $0x1A740;
	s23 =	simm.s32 $0x1A8D0;
	s24 =	simm.s32 $0x1  }
0x26: {  	v0 =	vimm.f32 $0.0e+00;
	s25 =	simm.s32 $0x190;
	s26 =	simm.s32 $0x18CB0;
	s15 =	simm.s32 $0x0  }
.LBB2_1:
0x27: {  	[smem:$0x7FD] =	sst s15;
	s3 =	simm.s32 $0x40;
	s15 =	simm.s32 $0x0  }
.LBB2_2:
0x28: {  	p0 =	sne.s32 s3, $0x61C0;
	[tilespmem:s15+$0x1C360] =	vst v0;
	s15 =	smov.u32 s3;
	s3 =	sadd.s32 $0x40, s3  }
.Ltmp0:
0x29: {  	(pc) =	sbr.rel @p0 .LBB2_2-.Ltmp0, $2  }
0x2a: {  	_ =	sdelay $0x2  }
0x2b: {  	s15 =	sshra.s32 s15, $0x2  }
0x2c: {  	[tilespmem:s15+$0x1C360] =	vst v0;
	s3 =	rddreg [dreg:$0xd]  }
0x2d: {  	[spmem:s3] =	stream.linear.scatter [tilespmem:s9], [sflag:$0x7], $0x1880, $0x38;
	[tilespmem:$0x1DBE0] =	vst v63  }
0x2e: {  	_ =	swait.ge [sflag:s10], $0x1880  }
0x2f: {  	[sflag:s10] =	ssyncset.done $0x0  }
0x30: {  	s20 =	rddreg [dreg:$0x11];
	[sflag:s10] =	ssyncadd.s32 $0xFFFFE780  }
0x31: {  	[spmem:s20] =	stream.linear.scatter [tilespmem:s9], [sflag:$0x7], $0x1880, $0x38;
	[tilespmem:$0x1DBE0] =	vst v63  }
0x32: {  	_ =	swait.ge [sflag:s10], $0x1880  }
0x33: {  	[sflag:s10] =	ssyncset.done $0x0  }
0x34: {  	s21 =	rddreg [dreg:$0x12];
	[sflag:s10] =	ssyncadd.s32 $0xFFFFE780  }
0x35: {  	[spmem:s21] =	stream.linear.scatter [tilespmem:s9], [sflag:$0x7], $0x1880, $0x38;
	[tilespmem:$0x1DBE0] =	vst v63  }
0x36: {  	_ =	swait.ge [sflag:s10], $0x1880  }
0x37: {  	[sflag:s10] =	ssyncset.done $0x0  }
0x38: {  	s15 =	rddreg [dreg:$0x13];
	[sflag:s10] =	ssyncadd.s32 $0xFFFFE780  }
0x39: {  	[spmem:s15] =	stream.linear.scatter [tilespmem:s9], [sflag:$0x7], $0x1880, $0x38;
	[tilespmem:$0x1DBE0] =	vst v63  }
0x3a: {  	_ =	swait.ge [sflag:s10], $0x1880  }
0x3b: {  	[sflag:s10] =	ssyncset.done $0x0  }
0x3c: {  	s16 =	rddreg [dreg:$0x14];
	[sflag:s10] =	ssyncadd.s32 $0xFFFFE780  }
0x3d: {  	[spmem:s16] =	stream.linear.scatter [tilespmem:s9], [sflag:$0x7], $0x1880, $0x38;
	[tilespmem:$0x1DBE0] =	vst v63  }
0x3e: {  	_ =	swait.ge [sflag:s10], $0x1880  }
0x3f: {  	[sflag:s10] =	ssyncset.done $0x0  }
0x40: {  	s18 =	rddreg [dreg:$0x15];
	[sflag:s10] =	ssyncadd.s32 $0xFFFFE780  }
0x41: {  	[spmem:s18] =	stream.linear.scatter [tilespmem:s9], [sflag:$0x7], $0x1880, $0x38;
	[tilespmem:$0x1DBE0] =	vst v63  }
0x42: {  	_ =	swait.ge [sflag:s10], $0x1880  }
0x43: {  	[sflag:s10] =	ssyncset.done $0x0  }
0x44: {  	s20 =	rddreg [dreg:$0x16];
	[sflag:s10] =	ssyncadd.s32 $0xFFFFE780  }
0x45: {  	[spmem:s20] =	stream.linear.scatter [tilespmem:s9], [sflag:$0x7], $0x1880, $0x38;
	[tilespmem:$0x1DBE0] =	vst v63  }
0x46: {  	_ =	swait.ge [sflag:s10], $0x1880  }
0x47: {  	[sflag:s10] =	ssyncset.done $0x0  }
0x48: {  	s21 =	rddreg [dreg:$0x17];
	[sflag:s10] =	ssyncadd.s32 $0xFFFFE780  }
0x49: {  	[spmem:s21] =	stream.linear.scatter [tilespmem:s9], [sflag:$0x7], $0x1880, $0x38;
	[tilespmem:$0x1DBE0] =	vst v63  }
0x4a: {  	_ =	swait.ge [sflag:s10], $0x1880  }
0x4b: {  	[sflag:s10] =	ssyncset.done $0x0  }
0x4c: {  	s15 =	rddreg [dreg:$0x18];
	[sflag:s10] =	ssyncadd.s32 $0xFFFFE780  }
0x4d: {  	[spmem:s15] =	stream.linear.scatter [tilespmem:s9], [sflag:$0x7], $0x1880, $0x38;
	[tilespmem:$0x1DBE0] =	vst v63  }
0x4e: {  	_ =	swait.ge [sflag:s10], $0x1880  }
0x4f: {  	[sflag:s10] =	ssyncset.done $0x0  }
0x50: {  	s16 =	rddreg [dreg:$0x19];
	[sflag:s10] =	ssyncadd.s32 $0xFFFFE780  }
0x51: {  	[spmem:s16] =	stream.linear.scatter [tilespmem:s9], [sflag:$0x7], $0x1880, $0x38;
	[tilespmem:$0x1DBE0] =	vst v63  }
0x52: {  	_ =	swait.ge [sflag:s10], $0x1880  }
0x53: {  	[sflag:s10] =	ssyncset.done $0x0  }
0x54: {  	s18 =	rddreg [dreg:$0x1a];
	[sflag:s10] =	ssyncadd.s32 $0xFFFFE780  }
0x55: {  	[spmem:s18] =	stream.linear.scatter [tilespmem:s9], [sflag:$0x7], $0x1880, $0x38;
	[tilespmem:$0x1DBE0] =	vst v63  }
0x56: {  	_ =	swait.ge [sflag:s10], $0x1880  }
0x57: {  	[sflag:s10] =	ssyncset.done $0x0  }
0x58: {  	s20 =	rddreg [dreg:$0x1b];
	[sflag:s10] =	ssyncadd.s32 $0xFFFFE780  }
0x59: {  	[spmem:s20] =	stream.linear.scatter [tilespmem:s9], [sflag:$0x7], $0x1880, $0x38;
	[tilespmem:$0x1DBE0] =	vst v63  }
0x5a: {  	_ =	swait.ge [sflag:s10], $0x1880  }
0x5b: {  	[sflag:s10] =	ssyncset.done $0x0  }
0x5c: {  	s21 =	rddreg [dreg:$0x1c];
	[sflag:s10] =	ssyncadd.s32 $0xFFFFE780  }
0x5d: {  	[spmem:s21] =	stream.linear.scatter [tilespmem:s9], [sflag:$0x7], $0x1880, $0x38;
	[tilespmem:$0x1DBE0] =	vst v63  }
0x5e: {  	_ =	swait.ge [sflag:s10], $0x1880  }
0x5f: {  	[sflag:s10] =	ssyncset.done $0x0  }
0x60: {  	s15 =	rddreg [dreg:$0x1d];
	[sflag:s10] =	ssyncadd.s32 $0xFFFFE780  }
0x61: {  	[spmem:s15] =	stream.linear.scatter [tilespmem:s9], [sflag:$0x7], $0x1880, $0x38;
	[tilespmem:$0x1DBE0] =	vst v63  }
0x62: {  	_ =	swait.ge [sflag:s10], $0x1880  }
0x63: {  	[sflag:s10] =	ssyncset.done $0x0  }
0x64: {  	s16 =	rddreg [dreg:$0x1e];
	[sflag:s10] =	ssyncadd.s32 $0xFFFFE780  }
0x65: {  	[spmem:s16] =	stream.linear.scatter [tilespmem:s9], [sflag:$0x7], $0x1880, $0x38;
	[tilespmem:$0x1DBE0] =	vst v63  }
0x66: {  	_ =	swait.ge [sflag:s10], $0x1880  }
0x67: {  	[sflag:s10] =	ssyncset.done $0x0  }
0x68: {  	s18 =	rddreg [dreg:$0x1f];
	[sflag:s10] =	ssyncadd.s32 $0xFFFFE780  }
0x69: {  	[spmem:s18] =	stream.linear.scatter [tilespmem:s9], [sflag:$0x7], $0x1880, $0x38;
	[tilespmem:$0x1DBE0] =	vst v63  }
0x6a: {  	_ =	swait.ge [sflag:s10], $0x1880  }
0x6b: {  	[sflag:s10] =	ssyncset.done $0x0  }
0x6c: {  	[sflag:s10] =	ssyncadd.s32 $0xFFFFE780  }
0x6d: {  	[bflag:$0x0] =	sbarrier.arrive $0xFFFF  }
0x6e: {  	s18 =	simm.s32 $0x0;
	s20 =	rddreg [dreg:$0x6]  }
0x6f: {  	[tilespmem:s11], [sflag:$0x1] =	stream.linear.gather [hbm4b:s20+s18], $0x190, $0x38;
	[tilespmem:$0x1DBE0] =	vst v63  }
0x70: {  	s21 =	rddreg [dreg:$0x7]  }
0x71: {  	[tilespmem:s12], [sflag:$0x1] =	stream.linear.gather [hbm4b:s21+s18], $0x190, $0x38;
	[tilespmem:$0x1DBE0] =	vst v63  }
0x72: {  	s15 =	rddreg [dreg:$0x8]  }
0x73: {  	[tilespmem:s13], [sflag:$0x1] =	stream.linear.gather [hbm4b:s15+s18], $0x190, $0x38;
	[tilespmem:$0x1DBE0] =	vst v63  }
0x74: {  	s16 =	rddreg [dreg:$0x9]  }
0x75: {  	[tilespmem:s14], [sflag:$0x2] =	stream.linear.gather [hbm4b:s16+s18], $0x190, $0x38;
	[tilespmem:$0x1DBE0] =	vst v63  }
0x76: {  	s20 =	rddreg [dreg:$0xa]  }
0x77: {  	[tilespmem:s22], [sflag:$0x2] =	stream.linear.gather [hbm4b:s20+s18], $0x190, $0x38;
	[tilespmem:$0x1DBE0] =	vst v63  }
0x78: {  	s21 =	rddreg [dreg:$0xb]  }
0x79: {  	[tilespmem:s23], [sflag:$0x2] =	stream.linear.gather [hbm4b:s21+s18], $0x190, $0x38;
	[tilespmem:$0x1DBE0] =	vst v63  }
0x7a: {  	_ =	swait.ge [sflag:s24], $0x190  }
0x7b: {  	[sflag:s24] =	ssyncset.done $0x0  }
0x7c: {  	[sflag:s24] =	ssyncadd.s32 $0xFFFFFE70  }
0x7d: {  	_ =	swait.ge [sflag:s24], $0x190  }
0x7e: {  	[sflag:s24] =	ssyncset.done $0x0  }
0x7f: {  	[sflag:s24] =	ssyncadd.s32 $0xFFFFFE70  }
0x80: {  	_ =	swait.ge [sflag:s24], $0x190  }
0x81: {  	[sflag:s24] =	ssyncset.done $0x0  }
0x82: {  	[sflag:s24] =	ssyncadd.s32 $0xFFFFFE70  }
0x83: {  	[tilespmem:s26], [sflag:$0x3] =	stream.indirect.gather [hbm4b:s8+s25], $0x10, s11, s25, $0xb8;
	[tilespmem:$0x1DBE0] =	vst v63  }
.LBB2_4:
0x84: {  	_ =	swait.ge [sflag:s28], $0x190  }
0x85: {  	[sflag:s28] =	ssyncset.done $0x0  }
0x86: {  	[sflag:s28] =	ssyncadd.s32 $0xFFFFFE70  }
0x87: {  	_ =	swait.ge [sflag:s28], $0x190  }
0x88: {  	[sflag:s28] =	ssyncset.done $0x0  }
0x89: {  	[sflag:s28] =	ssyncadd.s32 $0xFFFFFE70  }
0x8a: {  	_ =	swait.ge [sflag:s28], $0x190  }
0x8b: {  	p0 =	seq.s32 s18, $0x0;
	[sflag:s28] =	ssyncset.done $0x0  }
0x8c: {  	s3 =	simm.s32 @!p0 $0x6;
	[sflag:s28] =	ssyncadd.s32 $0xFFFFFE70  }
0x8d: {  	_ =	swait.ge @!p0 [sflag:s3], $0x1900  }
0x8e: {  	[sflag:s3] =	ssyncset.done @!p0 $0x0  }
0x8f: {  	[sflag:s3] =	ssyncadd.s32 @!p0 $0xFFFFE700  }
0x90: {  	[tilespmem:s29], [sflag:$0x4] =	stream.indirect.gather [hbm4b:s8+s25], $0x10, s14, s25, $0xb8;
	[tilespmem:$0x1DBE0] =	vst v63  }
0x91: {  	_ =	swait.ge [sflag:s30], $0x1900  }
0x92: {  	s21 =	smul.u32 $0x320, s18;
	[sflag:s30] =	ssyncset.done $0x0  }
0x93: {  	s20 =	simm.s32 $0x18D30;
	s15 =	simm.s32 $0x0;
	[sflag:s30] =	ssyncadd.s32 $0xFFFFE700  }
0x94: {  	s16 =	sadd.s32 s7, s21;
	s21 =	simm.s32 $0x40;
	s3 =	simm.s32 $0x18D30;
	v1 =	vld [tilespmem:s20+$0xFFFFFFB0]  }
.LBB2_5:
0x95: {  	p0 =	sne.s32 s21, $0x600;
	v2 =	vld [tilespmem:s15+$0x18B20]  }
0x96: {  	v3 =	vld [tilespmem:s20+$0xFFFFFF90]  }
0x97: {  	v4 =	vld [tilespmem:s20+$0xFFFFFF80]  }
0x98: {  	v5 =	vld [tilespmem:s20+$0xFFFFFFA0]  }
0x99: {  	v6 =	vld [tilespmem:s20+$0xFFFFFFF0]  }
0x9a: {  	v7 =	vbroadcast v2, $0x0;
	v8 =	vbroadcast v2, $0x1;
	v9 =	vld [tilespmem:s20+$0xFFFFFFD0]  }
0x9b: {  	v10 =	vbroadcast v2, $0x2;
	v11 =	vbroadcast v2, $0x3;
	v12 =	vld [tilespmem:s20+$0xFFFFFFC0]  }
0x9c: {  	v4 =	vmul.f32 v7, v4;
	v3 =	vmul.f32 v3, v8;
	v7 =	vld [tilespmem:s20+$0xFFFFFFE0]  }
0x9d: {  	v1 =	vmul.f32 v1, v11;
	v5 =	vmul.f32 v5, v10;
	v8 =	vld [tilespmem:s20+$0x30]  }
0x9e: {  	v10 =	vbroadcast v2, $0x5;
	[tilespmem:s20+$0xFFFFFF80] =	vst v4;
	v4 =	vbroadcast v2, $0x4;
	v11 =	vld [tilespmem:s20+$0x10]  }
0x9f: {  	v13 =	vbroadcast v2, $0x7;
	[tilespmem:s20+$0xFFFFFF90] =	vst v3;
	v3 =	vbroadcast v2, $0x6;
	v14 =	vld [tilespmem:s20+$0x0]  }
0xa0: {  	[tilespmem:s20+$0xFFFFFFA0] =	vst v5;
	v4 =	vmul.f32 v12, v4;
	v5 =	vmul.f32 v9, v10;
	v9 =	vld [tilespmem:s20+$0x20]  }
0xa1: {  	[tilespmem:s20+$0xFFFFFFB0] =	vst v1;
	v1 =	vmul.f32 v7, v3;
	v3 =	vmul.f32 v6, v13;
	v6 =	vld [tilespmem:s20+$0x70]  }
0xa2: {  	v7 =	vbroadcast v2, $0x9;
	[tilespmem:s20+$0xFFFFFFC0] =	vst v4;
	v4 =	vbroadcast v2, $0x8;
	v10 =	vld [tilespmem:s20+$0x50]  }
0xa3: {  	v12 =	vbroadcast v2, $0xB;
	[tilespmem:s20+$0xFFFFFFD0] =	vst v5;
	v5 =	vbroadcast v2, $0xA;
	v13 =	vld [tilespmem:s20+$0x40]  }
0xa4: {  	[tilespmem:s20+$0xFFFFFFE0] =	vst v1;
	v1 =	vmul.f32 v14, v4;
	v4 =	vmul.f32 v11, v7;
	v7 =	vld [tilespmem:s20+$0x60]  }
0xa5: {  	[tilespmem:s20+$0xFFFFFFF0] =	vst v3;
	v3 =	vmul.f32 v9, v5;
	v5 =	vmul.f32 v8, v12  }
0xa6: {  	v8 =	vbroadcast v2, $0xD;
	[tilespmem:s20+$0x0] =	vst v1;
	v1 =	vbroadcast v2, $0xC  }
0xa7: {  	[tilespmem:s20+$0x10] =	vst v4;
	v4 =	vbroadcast v2, $0xE;
	v2 =	vbroadcast v2, $0xF  }
0xa8: {  	[tilespmem:s20+$0x20] =	vst v3;
	v1 =	vmul.f32 v13, v1;
	v3 =	vmul.f32 v10, v8  }
.Ltmp1:
0xa9: {  	[tilespmem:s20+$0x30] =	vst v5;
	v4 =	vmul.f32 v7, v4;
	v2 =	vmul.f32 v6, v2;
	(pc) =	sbr.rel @p0 .LBB2_5-.Ltmp1, $4  }
0xaa: {  	[tilespmem:s20+$0x40] =	vst v1  }
0xab: {  	[tilespmem:s20+$0x50] =	vst v3  }
0xac: {  	s20 =	sadd.s32 $0x100, s20;
	[tilespmem:s3+$0x60] =	vst v4  }
0xad: {  	s15 =	sshra.s32 s21, $0x2;
	s21 =	sadd.s32 $0x40, s21;
	v1 =	vld [tilespmem:s20+$0xFFFFFFB0];
	[tilespmem:s3+$0x70] =	vst v2;
	s3 =	smov.u32 s20  }
0xae: {  	v2 =	vld [tilespmem:s15+$0x18B20];
	_ =	sdelay $0x1  }
0xaf: {  	v3 =	vld [tilespmem:s20+$0xFFFFFF80]  }
0xb0: {  	v4 =	vld [tilespmem:s20+$0xFFFFFF90]  }
0xb1: {  	v5 =	vld [tilespmem:s20+$0xFFFFFFA0]  }
0xb2: {  	v6 =	vbroadcast v2, $0x0  }
0xb3: {  	v9 =	vld [tilespmem:s20+$0xFFFFFFD0];
	v7 =	vbroadcast v2, $0x1  }
0xb4: {  	v8 =	vld [tilespmem:s20+$0xFFFFFFC0];
	v10 =	vbroadcast v2, $0x2;
	v3 =	vmul.f32 v6, v3  }
0xb5: {  	v48 =	vld [tilespmem:s20+$0xFFFFFFE0];
	v47 =	vbroadcast v2, $0x3;
	v4 =	vmul.f32 v4, v7  }
0xb6: {  	v51 =	vld [tilespmem:s20+$0x10];
	v49 =	vbroadcast v2, $0x5;
	v5 =	vmul.f32 v5, v10;
	[tilespmem:s20+$0xFFFFFF80] =	vst v3  }
0xb7: {  	v11 =	vld [tilespmem:s20+$0xFFFFFFF0];
	v1 =	vmul.f32 v1, v47;
	v3 =	vbroadcast v2, $0x4;
	[tilespmem:s20+$0xFFFFFF90] =	vst v4  }
0xb8: {  	v50 =	vld [tilespmem:s20+$0x0];
	v12 =	vbroadcast v2, $0x6;
	v6 =	vmul.f32 v9, v49;
	[tilespmem:s20+$0xFFFFFFA0] =	vst v5  }
0xb9: {  	v56 =	vld [tilespmem:s20+$0x50];
	v54 =	vbroadcast v2, $0x9;
	[tilespmem:s20+$0xFFFFFFB0] =	vst v1;
	v3 =	vmul.f32 v8, v3  }
0xba: {  	v53 =	vld [tilespmem:s20+$0x20];
	v52 =	vbroadcast v2, $0x7;
	v7 =	vmul.f32 v48, v12;
	[tilespmem:s20+$0xFFFFFFD0] =	vst v6  }
0xbb: {  	v59 =	vmul.f32 v51, v54;
	v1 =	vld [tilespmem:s20+$0x30];
	[tilespmem:s20+$0xFFFFFFC0] =	vst v3;
	v3 =	vbroadcast v2, $0x8  }
0xbc: {  	v55 =	vld [tilespmem:s20+$0x40];
	v62 =	vbroadcast v2, $0xD;
	v5 =	vmul.f32 v11, v52;
	[tilespmem:s20+$0xFFFFFFE0] =	vst v7  }
0xbd: {  	v60 =	vld [tilespmem:s20+$0x60];
	v57 =	vbroadcast v2, $0xA;
	[tilespmem:s20+$0x10] =	vst v59;
	v3 =	vmul.f32 v50, v3  }
0xbe: {  	v61 =	vld [tilespmem:s20+$0x70];
	v58 =	vbroadcast v2, $0xB;
	v4 =	vmul.f32 v56, v62;
	[tilespmem:s20+$0xFFFFFFF0] =	vst v5  }
0xbf: {  	v8 =	vmul.f32 v53, v57;
	[tilespmem:s20+$0x0] =	vst v3;
	v3 =	vbroadcast v2, $0xC  }
0xc0: {  	v63 =	vbroadcast v2, $0xE;
	[tilespmem:s20+$0x50] =	vst v4;
	v1 =	vmul.f32 v1, v58  }
0xc1: {  	[tilespmem:s20+$0x20] =	vst v8;
	v2 =	vbroadcast v2, $0xF;
	v3 =	vmul.f32 v55, v3  }
0xc2: {  	[tilespmem:s20+$0x30] =	vst v1;
	v1 =	vmul.f32 v60, v63  }
0xc3: {  	v2 =	vmul.f32 v61, v2;
	[tilespmem:s20+$0x40] =	vst v3  }
0xc4: {  	s20 =	sshrl.u32 s16, $0x3;
	[tilespmem:s3+$0x60] =	vst v1  }
0xc5: {  	[tilespmem:s3+$0x70] =	vst v2;
	s3 =	sadd.s32 $0x64, s20  }
0xc6: {  	[spmem:s5] =	stream.indirect.scatter.add.f32 [tilespmem:s26], [sflag:$0x5], $0x10, s12, s25, $0xb8;
	[tilespmem:$0x1DBE0] =	vst v63  }
0xc7: {  	s16 =	simm.s32 $0x0;
	s21 =	sadd.s32 s1, s3  }
0xc8: {  	[tilespmem:s11], [sflag:$0x1] =	stream.linear.gather [hbm4b:s21+s16], $0x190, $0x38;
	[tilespmem:$0x1DBE0] =	vst v63  }
0xc9: {  	s21 =	sadd.s32 s2, s3  }
0xca: {  	[tilespmem:s12], [sflag:$0x1] =	stream.linear.gather [hbm4b:s21+s16], $0x190, $0x38;
	[tilespmem:$0x1DBE0] =	vst v63  }
0xcb: {  	s3 =	sadd.s32 s4, s3  }
0xcc: {  	[tilespmem:s13], [sflag:$0x1] =	stream.linear.gather [hbm4b:s3+s16], $0x190, $0x38;
	[tilespmem:$0x1DBE0] =	vst v63  }
0xcd: {  	_ =	swait.ge [sflag:s24], $0x190  }
0xce: {  	[sflag:s24] =	ssyncset.done $0x0  }
0xcf: {  	[sflag:s24] =	ssyncadd.s32 $0xFFFFFE70  }
0xd0: {  	_ =	swait.ge [sflag:s24], $0x190  }
0xd1: {  	[sflag:s24] =	ssyncset.done $0x0  }
0xd2: {  	[sflag:s24] =	ssyncadd.s32 $0xFFFFFE70  }
0xd3: {  	_ =	swait.ge [sflag:s24], $0x190  }
0xd4: {  	[sflag:s24] =	ssyncset.done $0x0  }
0xd5: {  	[sflag:s24] =	ssyncadd.s32 $0xFFFFFE70  }
0xd6: {  	_ =	swait.ge [sflag:s31], $0x1900  }
0xd7: {  	[sflag:s31] =	ssyncset.done $0x0  }
0xd8: {  	[sflag:s31] =	ssyncadd.s32 $0xFFFFE700  }
0xd9: {  	[tilespmem:s26], [sflag:$0x3] =	stream.indirect.gather [hbm4b:s8+s25], $0x10, s11, s25, $0xb8;
	[tilespmem:$0x1DBE0] =	vst v63  }
0xda: {  	_ =	swait.ge [sflag:s0], $0x1900  }
0xdb: {  	[sflag:s0] =	ssyncset.done $0x0  }
0xdc: {  	s16 =	simm.s32 $0x1AAE0;
	[sflag:s0] =	ssyncadd.s32 $0xFFFFE700  }
0xdd: {  	s15 =	simm.s32 $0x0;
	s21 =	simm.s32 $0x40;
	s3 =	simm.s32 $0x1AAE0;
	v1 =	vld [tilespmem:s16+$0xFFFFFFB0]  }
.LBB2_7:
0xde: {  	p0 =	sne.s32 s21, $0x600;
	v2 =	vld [tilespmem:s15+$0x1A8D0]  }
0xdf: {  	v3 =	vld [tilespmem:s16+$0xFFFFFF90]  }
0xe0: {  	v4 =	vld [tilespmem:s16+$0xFFFFFF80]  }
0xe1: {  	v5 =	vld [tilespmem:s16+$0xFFFFFFA0]  }
0xe2: {  	v6 =	vld [tilespmem:s16+$0xFFFFFFF0]  }
0xe3: {  	v7 =	vbroadcast v2, $0x0;
	v8 =	vbroadcast v2, $0x1;
	v9 =	vld [tilespmem:s16+$0xFFFFFFD0]  }
0xe4: {  	v10 =	vbroadcast v2, $0x2;
	v11 =	vbroadcast v2, $0x3;
	v12 =	vld [tilespmem:s16+$0xFFFFFFC0]  }
0xe5: {  	v4 =	vmul.f32 v7, v4;
	v3 =	vmul.f32 v3, v8;
	v7 =	vld [tilespmem:s16+$0xFFFFFFE0]  }
0xe6: {  	v1 =	vmul.f32 v1, v11;
	v5 =	vmul.f32 v5, v10;
	v8 =	vld [tilespmem:s16+$0x30]  }
0xe7: {  	v10 =	vbroadcast v2, $0x5;
	[tilespmem:s16+$0xFFFFFF80] =	vst v4;
	v4 =	vbroadcast v2, $0x4;
	v11 =	vld [tilespmem:s16+$0x10]  }
0xe8: {  	v13 =	vbroadcast v2, $0x7;
	[tilespmem:s16+$0xFFFFFF90] =	vst v3;
	v3 =	vbroadcast v2, $0x6;
	v14 =	vld [tilespmem:s16+$0x0]  }
0xe9: {  	[tilespmem:s16+$0xFFFFFFA0] =	vst v5;
	v4 =	vmul.f32 v12, v4;
	v5 =	vmul.f32 v9, v10;
	v9 =	vld [tilespmem:s16+$0x20]  }
0xea: {  	[tilespmem:s16+$0xFFFFFFB0] =	vst v1;
	v1 =	vmul.f32 v7, v3;
	v3 =	vmul.f32 v6, v13;
	v6 =	vld [tilespmem:s16+$0x70]  }
0xeb: {  	v7 =	vbroadcast v2, $0x9;
	[tilespmem:s16+$0xFFFFFFC0] =	vst v4;
	v4 =	vbroadcast v2, $0x8;
	v10 =	vld [tilespmem:s16+$0x50]  }
0xec: {  	v12 =	vbroadcast v2, $0xB;
	[tilespmem:s16+$0xFFFFFFD0] =	vst v5;
	v5 =	vbroadcast v2, $0xA;
	v13 =	vld [tilespmem:s16+$0x40]  }
0xed: {  	[tilespmem:s16+$0xFFFFFFE0] =	vst v1;
	v1 =	vmul.f32 v14, v4;
	v4 =	vmul.f32 v11, v7;
	v7 =	vld [tilespmem:s16+$0x60]  }
0xee: {  	[tilespmem:s16+$0xFFFFFFF0] =	vst v3;
	v3 =	vmul.f32 v9, v5;
	v5 =	vmul.f32 v8, v12  }
0xef: {  	v8 =	vbroadcast v2, $0xD;
	[tilespmem:s16+$0x0] =	vst v1;
	v1 =	vbroadcast v2, $0xC  }
0xf0: {  	[tilespmem:s16+$0x10] =	vst v4;
	v4 =	vbroadcast v2, $0xE;
	v2 =	vbroadcast v2, $0xF  }
0xf1: {  	[tilespmem:s16+$0x20] =	vst v3;
	v1 =	vmul.f32 v13, v1;
	v3 =	vmul.f32 v10, v8  }
.Ltmp2:
0xf2: {  	[tilespmem:s16+$0x30] =	vst v5;
	v4 =	vmul.f32 v7, v4;
	v2 =	vmul.f32 v6, v2;
	(pc) =	sbr.rel @p0 .LBB2_7-.Ltmp2, $4  }
0xf3: {  	[tilespmem:s16+$0x40] =	vst v1  }
0xf4: {  	[tilespmem:s16+$0x50] =	vst v3  }
0xf5: {  	s16 =	sadd.s32 $0x100, s16;
	[tilespmem:s3+$0x60] =	vst v4  }
0xf6: {  	s15 =	sshra.s32 s21, $0x2;
	s21 =	sadd.s32 $0x40, s21;
	v1 =	vld [tilespmem:s16+$0xFFFFFFB0];
	[tilespmem:s3+$0x70] =	vst v2;
	s3 =	smov.u32 s16  }
0xf7: {  	v2 =	vld [tilespmem:s15+$0x1A8D0];
	_ =	sdelay $0x1  }
0xf8: {  	v3 =	vld [tilespmem:s16+$0xFFFFFF80]  }
0xf9: {  	v4 =	vld [tilespmem:s16+$0xFFFFFF90]  }
0xfa: {  	v5 =	vld [tilespmem:s16+$0xFFFFFFA0]  }
0xfb: {  	v6 =	vbroadcast v2, $0x0  }
0xfc: {  	v9 =	vld [tilespmem:s16+$0xFFFFFFD0];
	v7 =	vbroadcast v2, $0x1  }
0xfd: {  	v8 =	vld [tilespmem:s16+$0xFFFFFFC0];
	v10 =	vbroadcast v2, $0x2;
	v3 =	vmul.f32 v6, v3  }
0xfe: {  	v48 =	vld [tilespmem:s16+$0xFFFFFFE0];
	v47 =	vbroadcast v2, $0x3;
	v4 =	vmul.f32 v4, v7  }
0xff: {  	v51 =	vld [tilespmem:s16+$0x10];
	v49 =	vbroadcast v2, $0x5;
	v5 =	vmul.f32 v5, v10;
	[tilespmem:s16+$0xFFFFFF80] =	vst v3  }
0x100: {  	v11 =	vld [tilespmem:s16+$0xFFFFFFF0];
	v1 =	vmul.f32 v1, v47;
	v3 =	vbroadcast v2, $0x4;
	[tilespmem:s16+$0xFFFFFF90] =	vst v4  }
0x101: {  	v50 =	vld [tilespmem:s16+$0x0];
	v12 =	vbroadcast v2, $0x6;
	v6 =	vmul.f32 v9, v49;
	[tilespmem:s16+$0xFFFFFFA0] =	vst v5  }
0x102: {  	v56 =	vld [tilespmem:s16+$0x50];
	v54 =	vbroadcast v2, $0x9;
	[tilespmem:s16+$0xFFFFFFB0] =	vst v1;
	v3 =	vmul.f32 v8, v3  }
0x103: {  	v53 =	vld [tilespmem:s16+$0x20];
	v52 =	vbroadcast v2, $0x7;
	v7 =	vmul.f32 v48, v12;
	[tilespmem:s16+$0xFFFFFFD0] =	vst v6  }
0x104: {  	v59 =	vmul.f32 v51, v54;
	v1 =	vld [tilespmem:s16+$0x30];
	[tilespmem:s16+$0xFFFFFFC0] =	vst v3;
	v3 =	vbroadcast v2, $0x8  }
0x105: {  	v55 =	vld [tilespmem:s16+$0x40];
	v62 =	vbroadcast v2, $0xD;
	v5 =	vmul.f32 v11, v52;
	[tilespmem:s16+$0xFFFFFFE0] =	vst v7  }
0x106: {  	v60 =	vld [tilespmem:s16+$0x60];
	v57 =	vbroadcast v2, $0xA;
	[tilespmem:s16+$0x10] =	vst v59;
	v3 =	vmul.f32 v50, v3  }
0x107: {  	v61 =	vld [tilespmem:s16+$0x70];
	v58 =	vbroadcast v2, $0xB;
	v4 =	vmul.f32 v56, v62;
	[tilespmem:s16+$0xFFFFFFF0] =	vst v5  }
0x108: {  	v8 =	vmul.f32 v53, v57;
	[tilespmem:s16+$0x0] =	vst v3;
	v3 =	vbroadcast v2, $0xC  }
0x109: {  	v63 =	vbroadcast v2, $0xE;
	[tilespmem:s16+$0x50] =	vst v4;
	v1 =	vmul.f32 v1, v58  }
0x10a: {  	p0 =	seq.s32 s18, $0x3D;
	[tilespmem:s16+$0x20] =	vst v8;
	v2 =	vbroadcast v2, $0xF;
	v3 =	vmul.f32 v55, v3  }
.Ltmp3:
0x10b: {  	[tilespmem:s16+$0x30] =	vst v1;
	v1 =	vmul.f32 v60, v63;
	(pc) =	sbr.rel @p0 .LBB2_10-.Ltmp3, $4  }
0x10c: {  	v2 =	vmul.f32 v61, v2;
	[tilespmem:s16+$0x40] =	vst v3  }
0x10d: {  	[tilespmem:s3+$0x60] =	vst v1  }
0x10e: {  	[tilespmem:s3+$0x70] =	vst v2  }
0x10f: {  	[spmem:s5] =	stream.indirect.scatter.add.f32 [tilespmem:s29], [sflag:$0x6], $0x10, s22, s25, $0xb8;
	[tilespmem:$0x1DBE0] =	vst v63  }
0x110: {  	s3 =	sadd.s32 $0x96, s20  }
0x111: {  	s15 =	sadd.s32 s1, s3  }
0x112: {  	[tilespmem:s14], [sflag:$0x2] =	stream.linear.gather [hbm4b:s15+s6], $0x190, $0x38;
	[tilespmem:$0x1DBE0] =	vst v63  }
.Ltmp4:
0x113: {  	_ = 	snop;
	(pc) =	sbr.rel .LBB2_4-.Ltmp4, $4  }
0x114: {  	s21 =	sadd.s32 s2, s3  }
0x115: {  	[tilespmem:s22], [sflag:$0x2] =	stream.linear.gather [hbm4b:s21+s6], $0x190, $0x38;
	[tilespmem:$0x1DBE0] =	vst v63  }
0x116: {  	s18 =	sadd.s32 $0x1, s18;
	s3 =	sadd.s32 s4, s3  }
0x117: {  	[tilespmem:s23], [sflag:$0x2] =	stream.linear.gather [hbm4b:s3+s6], $0x190, $0x38;
	[tilespmem:$0x1DBE0] =	vst v63  }
.LBB2_10:
0x118: {  	_ =	swait.ge [sflag:s30], $0x1900  }
0x119: {  	[sflag:s30] =	ssyncset.done $0x0  }
0x11a: {  	s16 =	simm.s32 $0x18D30;
	[sflag:s30] =	ssyncadd.s32 $0xFFFFE700  }
0x11b: {  	s15 =	simm.s32 $0x0;
	s18 =	simm.s32 $0x40;
	s3 =	simm.s32 $0x18D30;
	v1 =	vld [tilespmem:s16+$0xFFFFFFB0]  }
.LBB2_11:
0x11c: {  	p0 =	sne.s32 s18, $0x600;
	v2 =	vld [tilespmem:s15+$0x18B20]  }
0x11d: {  	v3 =	vld [tilespmem:s16+$0xFFFFFF90]  }
0x11e: {  	v4 =	vld [tilespmem:s16+$0xFFFFFF80]  }
0x11f: {  	v5 =	vld [tilespmem:s16+$0xFFFFFFA0]  }
0x120: {  	v6 =	vld [tilespmem:s16+$0xFFFFFFF0]  }
0x121: {  	v7 =	vbroadcast v2, $0x0;
	v8 =	vbroadcast v2, $0x1;
	v9 =	vld [tilespmem:s16+$0xFFFFFFD0]  }
0x122: {  	v10 =	vbroadcast v2, $0x2;
	v11 =	vbroadcast v2, $0x3;
	v12 =	vld [tilespmem:s16+$0xFFFFFFC0]  }
0x123: {  	v4 =	vmul.f32 v7, v4;
	v3 =	vmul.f32 v3, v8;
	v7 =	vld [tilespmem:s16+$0xFFFFFFE0]  }
0x124: {  	v1 =	vmul.f32 v1, v11;
	v5 =	vmul.f32 v5, v10;
	v8 =	vld [tilespmem:s16+$0x30]  }
0x125: {  	v10 =	vbroadcast v2, $0x5;
	[tilespmem:s16+$0xFFFFFF80] =	vst v4;
	v4 =	vbroadcast v2, $0x4;
	v11 =	vld [tilespmem:s16+$0x10]  }
0x126: {  	v13 =	vbroadcast v2, $0x7;
	[tilespmem:s16+$0xFFFFFF90] =	vst v3;
	v3 =	vbroadcast v2, $0x6;
	v14 =	vld [tilespmem:s16+$0x0]  }
0x127: {  	[tilespmem:s16+$0xFFFFFFA0] =	vst v5;
	v4 =	vmul.f32 v12, v4;
	v5 =	vmul.f32 v9, v10;
	v9 =	vld [tilespmem:s16+$0x20]  }
0x128: {  	[tilespmem:s16+$0xFFFFFFB0] =	vst v1;
	v1 =	vmul.f32 v7, v3;
	v3 =	vmul.f32 v6, v13;
	v6 =	vld [tilespmem:s16+$0x70]  }
0x129: {  	v7 =	vbroadcast v2, $0x9;
	[tilespmem:s16+$0xFFFFFFC0] =	vst v4;
	v4 =	vbroadcast v2, $0x8;
	v10 =	vld [tilespmem:s16+$0x50]  }
0x12a: {  	v12 =	vbroadcast v2, $0xB;
	[tilespmem:s16+$0xFFFFFFD0] =	vst v5;
	v5 =	vbroadcast v2, $0xA;
	v13 =	vld [tilespmem:s16+$0x40]  }
0x12b: {  	[tilespmem:s16+$0xFFFFFFE0] =	vst v1;
	v1 =	vmul.f32 v14, v4;
	v4 =	vmul.f32 v11, v7;
	v7 =	vld [tilespmem:s16+$0x60]  }
0x12c: {  	[tilespmem:s16+$0xFFFFFFF0] =	vst v3;
	v3 =	vmul.f32 v9, v5;
	v5 =	vmul.f32 v8, v12  }
0x12d: {  	v8 =	vbroadcast v2, $0xD;
	[tilespmem:s16+$0x0] =	vst v1;
	v1 =	vbroadcast v2, $0xC  }
0x12e: {  	[tilespmem:s16+$0x10] =	vst v4;
	v4 =	vbroadcast v2, $0xE;
	v2 =	vbroadcast v2, $0xF  }
0x12f: {  	[tilespmem:s16+$0x20] =	vst v3;
	v1 =	vmul.f32 v13, v1;
	v3 =	vmul.f32 v10, v8  }
.Ltmp5:
0x130: {  	[tilespmem:s16+$0x30] =	vst v5;
	v4 =	vmul.f32 v7, v4;
	v2 =	vmul.f32 v6, v2;
	(pc) =	sbr.rel @p0 .LBB2_11-.Ltmp5, $4  }
0x131: {  	[tilespmem:s16+$0x40] =	vst v1  }
0x132: {  	[tilespmem:s16+$0x50] =	vst v3  }
0x133: {  	s16 =	sadd.s32 $0x100, s16;
	[tilespmem:s3+$0x60] =	vst v4  }
0x134: {  	s15 =	sshra.s32 s18, $0x2;
	s18 =	sadd.s32 $0x40, s18;
	v1 =	vld [tilespmem:s16+$0xFFFFFFB0];
	[tilespmem:s3+$0x70] =	vst v2;
	s3 =	smov.u32 s16  }
0x135: {  	v2 =	vld [tilespmem:s15+$0x18B20];
	_ =	sdelay $0x1  }
0x136: {  	v3 =	vld [tilespmem:s16+$0xFFFFFF80]  }
0x137: {  	v4 =	vld [tilespmem:s16+$0xFFFFFF90]  }
0x138: {  	v5 =	vld [tilespmem:s16+$0xFFFFFFA0]  }
0x139: {  	v6 =	vbroadcast v2, $0x0  }
0x13a: {  	v9 =	vld [tilespmem:s16+$0xFFFFFFD0];
	v7 =	vbroadcast v2, $0x1  }
0x13b: {  	v8 =	vld [tilespmem:s16+$0xFFFFFFC0];
	v10 =	vbroadcast v2, $0x2;
	v3 =	vmul.f32 v6, v3  }
0x13c: {  	v48 =	vld [tilespmem:s16+$0xFFFFFFE0];
	v47 =	vbroadcast v2, $0x3;
	v4 =	vmul.f32 v4, v7  }
0x13d: {  	v51 =	vld [tilespmem:s16+$0x10];
	v49 =	vbroadcast v2, $0x5;
	v5 =	vmul.f32 v5, v10;
	[tilespmem:s16+$0xFFFFFF80] =	vst v3  }
0x13e: {  	v11 =	vld [tilespmem:s16+$0xFFFFFFF0];
	v1 =	vmul.f32 v1, v47;
	v3 =	vbroadcast v2, $0x4;
	[tilespmem:s16+$0xFFFFFF90] =	vst v4  }
0x13f: {  	v50 =	vld [tilespmem:s16+$0x0];
	v12 =	vbroadcast v2, $0x6;
	v6 =	vmul.f32 v9, v49;
	[tilespmem:s16+$0xFFFFFFA0] =	vst v5  }
0x140: {  	v56 =	vld [tilespmem:s16+$0x50];
	v54 =	vbroadcast v2, $0x9;
	[tilespmem:s16+$0xFFFFFFB0] =	vst v1;
	v3 =	vmul.f32 v8, v3  }
0x141: {  	v53 =	vld [tilespmem:s16+$0x20];
	v52 =	vbroadcast v2, $0x7;
	v7 =	vmul.f32 v48, v12;
	[tilespmem:s16+$0xFFFFFFD0] =	vst v6  }
0x142: {  	v59 =	vmul.f32 v51, v54;
	v1 =	vld [tilespmem:s16+$0x30];
	[tilespmem:s16+$0xFFFFFFC0] =	vst v3;
	v3 =	vbroadcast v2, $0x8  }
0x143: {  	v55 =	vld [tilespmem:s16+$0x40];
	v62 =	vbroadcast v2, $0xD;
	v5 =	vmul.f32 v11, v52;
	[tilespmem:s16+$0xFFFFFFE0] =	vst v7  }
0x144: {  	v60 =	vld [tilespmem:s16+$0x60];
	v57 =	vbroadcast v2, $0xA;
	[tilespmem:s16+$0x10] =	vst v59;
	v3 =	vmul.f32 v50, v3  }
0x145: {  	v61 =	vld [tilespmem:s16+$0x70];
	v58 =	vbroadcast v2, $0xB;
	v4 =	vmul.f32 v56, v62;
	[tilespmem:s16+$0xFFFFFFF0] =	vst v5  }
0x146: {  	v8 =	vmul.f32 v53, v57;
	[tilespmem:s16+$0x0] =	vst v3;
	v3 =	vbroadcast v2, $0xC  }
0x147: {  	v63 =	vbroadcast v2, $0xE;
	[tilespmem:s16+$0x50] =	vst v4;
	v1 =	vmul.f32 v1, v58  }
0x148: {  	[tilespmem:s16+$0x20] =	vst v8;
	v2 =	vbroadcast v2, $0xF;
	v3 =	vmul.f32 v55, v3  }
0x149: {  	[tilespmem:s16+$0x30] =	vst v1;
	v1 =	vmul.f32 v60, v63  }
0x14a: {  	v2 =	vmul.f32 v61, v2;
	[tilespmem:s16+$0x40] =	vst v3  }
0x14b: {  	[tilespmem:s3+$0x60] =	vst v1  }
0x14c: {  	[tilespmem:s3+$0x70] =	vst v2  }
0x14d: {  	[spmem:s5] =	stream.indirect.scatter.add.f32 [tilespmem:s26], [sflag:$0x5], $0x10, s12, s25, $0xb8;
	[tilespmem:$0x1DBE0] =	vst v63  }
0x14e: {  	_ =	swait.ge [sflag:s31], $0x1900  }
0x14f: {  	[sflag:s31] =	ssyncset.done $0x0  }
0x150: {  	s20 =	simm.s32 $0x6;
	[sflag:s31] =	ssyncadd.s32 $0xFFFFE700  }
0x151: {  	_ =	swait.ge [sflag:s20], $0x1900  }
0x152: {  	[sflag:s20] =	ssyncset.done $0x0  }
0x153: {  	[sflag:s20] =	ssyncadd.s32 $0xFFFFE700  }
0x154: {  	s21 =	stileid.u32;
	[bflag:$0x0] =	sbarrier.arrive $0xFFFF  }
0x155: {  	s3 =	sshll.u32 s21, $0x6;
	s20 =	rddreg [dreg:$0xd]  }
0x156: {  	s15 =	sor.u32 $0x1C07, s3;
	s21 =	rddreg [dreg:$0xc]  }
0x157: {  	[smem:$0x7FB] =	sst s15;
	s18 =	sshrl.u32 s20, $0x3  }
0x158: {  	[smem:$0x7FC] =	sst s18  }
0x159: {  	[hbm:s21], [sflag:s15] =	dma.local [spmem:s18], $0x3100  }
0x15a: {  	_ =	swait.ge [sflag:s10], $0x3100  }
0x15b: {  	[sflag:s10] =	ssyncset.done $0x0  }
0x15c: {  	[sflag:s10] =	ssyncadd.s32 $0xFFFFCF00  }
0x15d: {  	[bflag:$0x0] =	sbarrier.arrive $0xFFFF  }
0x15e: {  	[spmem:s20] =	stream.linear.scatter [tilespmem:s9], [sflag:$0x7], $0x1880, $0x38;
	[tilespmem:$0x1DBE0] =	vst v63  }
0x15f: {  	_ =	swait.ge [sflag:s10], $0x1880  }
0x160: {  	[sflag:s10] =	ssyncset.done $0x0  }
0x161: {  	s18 =	rddreg [dreg:$0x11];
	[sflag:s10] =	ssyncadd.s32 $0xFFFFE780  }
0x162: {  	[spmem:s18] =	stream.linear.scatter [tilespmem:s9], [sflag:$0x7], $0x1880, $0x38;
	[tilespmem:$0x1DBE0] =	vst v63  }
0x163: {  	_ =	swait.ge [sflag:s10], $0x1880  }
0x164: {  	[sflag:s10] =	ssyncset.done $0x0  }
0x165: {  	s20 =	rddreg [dreg:$0x12];
	[sflag:s10] =	ssyncadd.s32 $0xFFFFE780  }
0x166: {  	[spmem:s20] =	stream.linear.scatter [tilespmem:s9], [sflag:$0x7], $0x1880, $0x38;
	[tilespmem:$0x1DBE0] =	vst v63  }
0x167: {  	_ =	swait.ge [sflag:s10], $0x1880  }
0x168: {  	[sflag:s10] =	ssyncset.done $0x0  }
0x169: {  	s21 =	rddreg [dreg:$0x13];
	[sflag:s10] =	ssyncadd.s32 $0xFFFFE780  }
0x16a: {  	[spmem:s21] =	stream.linear.scatter [tilespmem:s9], [sflag:$0x7], $0x1880, $0x38;
	[tilespmem:$0x1DBE0] =	vst v63  }
0x16b: {  	_ =	swait.ge [sflag:s10], $0x1880  }
0x16c: {  	[sflag:s10] =	ssyncset.done $0x0  }
0x16d: {  	s15 =	rddreg [dreg:$0x14];
	[sflag:s10] =	ssyncadd.s32 $0xFFFFE780  }
0x16e: {  	[spmem:s15] =	stream.linear.scatter [tilespmem:s9], [sflag:$0x7], $0x1880, $0x38;
	[tilespmem:$0x1DBE0] =	vst v63  }
0x16f: {  	_ =	swait.ge [sflag:s10], $0x1880  }
0x170: {  	[sflag:s10] =	ssyncset.done $0x0  }
0x171: {  	s16 =	rddreg [dreg:$0x15];
	[sflag:s10] =	ssyncadd.s32 $0xFFFFE780  }
0x172: {  	[spmem:s16] =	stream.linear.scatter [tilespmem:s9], [sflag:$0x7], $0x1880, $0x38;
	[tilespmem:$0x1DBE0] =	vst v63  }
0x173: {  	_ =	swait.ge [sflag:s10], $0x1880  }
0x174: {  	[sflag:s10] =	ssyncset.done $0x0  }
0x175: {  	s18 =	rddreg [dreg:$0x16];
	[sflag:s10] =	ssyncadd.s32 $0xFFFFE780  }
0x176: {  	[spmem:s18] =	stream.linear.scatter [tilespmem:s9], [sflag:$0x7], $0x1880, $0x38;
	[tilespmem:$0x1DBE0] =	vst v63  }
0x177: {  	_ =	swait.ge [sflag:s10], $0x1880  }
0x178: {  	[sflag:s10] =	ssyncset.done $0x0  }
0x179: {  	s20 =	rddreg [dreg:$0x17];
	[sflag:s10] =	ssyncadd.s32 $0xFFFFE780  }
0x17a: {  	[spmem:s20] =	stream.linear.scatter [tilespmem:s9], [sflag:$0x7], $0x1880, $0x38;
	[tilespmem:$0x1DBE0] =	vst v63  }
0x17b: {  	_ =	swait.ge [sflag:s10], $0x1880  }
0x17c: {  	[sflag:s10] =	ssyncset.done $0x0  }
0x17d: {  	s21 =	rddreg [dreg:$0x18];
	[sflag:s10] =	ssyncadd.s32 $0xFFFFE780  }
0x17e: {  	[spmem:s21] =	stream.linear.scatter [tilespmem:s9], [sflag:$0x7], $0x1880, $0x38;
	[tilespmem:$0x1DBE0] =	vst v63  }
0x17f: {  	_ =	swait.ge [sflag:s10], $0x1880  }
0x180: {  	[sflag:s10] =	ssyncset.done $0x0  }
0x181: {  	s15 =	rddreg [dreg:$0x19];
	[sflag:s10] =	ssyncadd.s32 $0xFFFFE780  }
0x182: {  	[spmem:s15] =	stream.linear.scatter [tilespmem:s9], [sflag:$0x7], $0x1880, $0x38;
	[tilespmem:$0x1DBE0] =	vst v63  }
0x183: {  	_ =	swait.ge [sflag:s10], $0x1880  }
0x184: {  	[sflag:s10] =	ssyncset.done $0x0  }
0x185: {  	s16 =	rddreg [dreg:$0x1a];
	[sflag:s10] =	ssyncadd.s32 $0xFFFFE780  }
0x186: {  	[spmem:s16] =	stream.linear.scatter [tilespmem:s9], [sflag:$0x7], $0x1880, $0x38;
	[tilespmem:$0x1DBE0] =	vst v63  }
0x187: {  	_ =	swait.ge [sflag:s10], $0x1880  }
0x188: {  	[sflag:s10] =	ssyncset.done $0x0  }
0x189: {  	s18 =	rddreg [dreg:$0x1b];
	[sflag:s10] =	ssyncadd.s32 $0xFFFFE780  }
0x18a: {  	[spmem:s18] =	stream.linear.scatter [tilespmem:s9], [sflag:$0x7], $0x1880, $0x38;
	[tilespmem:$0x1DBE0] =	vst v63  }
0x18b: {  	_ =	swait.ge [sflag:s10], $0x1880  }
0x18c: {  	[sflag:s10] =	ssyncset.done $0x0  }
0x18d: {  	s20 =	rddreg [dreg:$0x1c];
	[sflag:s10] =	ssyncadd.s32 $0xFFFFE780  }
0x18e: {  	[spmem:s20] =	stream.linear.scatter [tilespmem:s9], [sflag:$0x7], $0x1880, $0x38;
	[tilespmem:$0x1DBE0] =	vst v63  }
0x18f: {  	_ =	swait.ge [sflag:s10], $0x1880  }
0x190: {  	[sflag:s10] =	ssyncset.done $0x0  }
0x191: {  	s21 =	rddreg [dreg:$0x1d];
	[sflag:s10] =	ssyncadd.s32 $0xFFFFE780  }
0x192: {  	[spmem:s21] =	stream.linear.scatter [tilespmem:s9], [sflag:$0x7], $0x1880, $0x38;
	[tilespmem:$0x1DBE0] =	vst v63  }
0x193: {  	_ =	swait.ge [sflag:s10], $0x1880  }
0x194: {  	[sflag:s10] =	ssyncset.done $0x0  }
0x195: {  	s15 =	rddreg [dreg:$0x1e];
	[sflag:s10] =	ssyncadd.s32 $0xFFFFE780  }
0x196: {  	[spmem:s15] =	stream.linear.scatter [tilespmem:s9], [sflag:$0x7], $0x1880, $0x38;
	[tilespmem:$0x1DBE0] =	vst v63  }
0x197: {  	_ =	swait.ge [sflag:s10], $0x1880  }
0x198: {  	[sflag:s10] =	ssyncset.done $0x0  }
0x199: {  	s16 =	rddreg [dreg:$0x1f];
	[sflag:s10] =	ssyncadd.s32 $0xFFFFE780  }
0x19a: {  	[spmem:s16] =	stream.linear.scatter [tilespmem:s9], [sflag:$0x7], $0x1880, $0x38;
	[tilespmem:$0x1DBE0] =	vst v63  }
0x19b: {  	_ =	swait.ge [sflag:s10], $0x1880  }
0x19c: {  	[sflag:s10] =	ssyncset.done $0x0  }
0x19d: {  	[sflag:s10] =	ssyncadd.s32 $0xFFFFE780  }
0x19e: {  	[bflag:$0x0] =	sbarrier.arrive $0xFFFF  }
0x19f: {  	s21 =	simm.s32 $0x0;
	s18 =	rddreg [dreg:$0x6]  }
0x1a0: {  	[tilespmem:s11], [sflag:$0x1] =	stream.linear.gather [hbm4b:s18+s21], $0x190, $0x38;
	[tilespmem:$0x1DBE0] =	vst v63  }
0x1a1: {  	s20 =	rddreg [dreg:$0x7]  }
0x1a2: {  	[tilespmem:s12], [sflag:$0x1] =	stream.linear.gather [hbm4b:s20+s21], $0x190, $0x38;
	[tilespmem:$0x1DBE0] =	vst v63  }
0x1a3: {  	s15 =	rddreg [dreg:$0x8]  }
0x1a4: {  	[tilespmem:s13], [sflag:$0x1] =	stream.linear.gather [hbm4b:s15+s21], $0x190, $0x38;
	[tilespmem:$0x1DBE0] =	vst v63  }
0x1a5: {  	s16 =	rddreg [dreg:$0x9]  }
0x1a6: {  	[tilespmem:s14], [sflag:$0x2] =	stream.linear.gather [hbm4b:s16+s21], $0x190, $0x38;
	[tilespmem:$0x1DBE0] =	vst v63  }
0x1a7: {  	s18 =	rddreg [dreg:$0xa]  }
0x1a8: {  	[tilespmem:s22], [sflag:$0x2] =	stream.linear.gather [hbm4b:s18+s21], $0x190, $0x38;
	[tilespmem:$0x1DBE0] =	vst v63  }
0x1a9: {  	s20 =	rddreg [dreg:$0xb]  }
0x1aa: {  	[tilespmem:s23], [sflag:$0x2] =	stream.linear.gather [hbm4b:s20+s21], $0x190, $0x38;
	[tilespmem:$0x1DBE0] =	vst v63  }
0x1ab: {  	_ =	swait.ge [sflag:s24], $0x190  }
0x1ac: {  	[sflag:s24] =	ssyncset.done $0x0  }
0x1ad: {  	[sflag:s24] =	ssyncadd.s32 $0xFFFFFE70  }
0x1ae: {  	_ =	swait.ge [sflag:s24], $0x190  }
0x1af: {  	[sflag:s24] =	ssyncset.done $0x0  }
0x1b0: {  	[sflag:s24] =	ssyncadd.s32 $0xFFFFFE70  }
0x1b1: {  	_ =	swait.ge [sflag:s24], $0x190  }
0x1b2: {  	[sflag:s24] =	ssyncset.done $0x0  }
0x1b3: {  	[sflag:s24] =	ssyncadd.s32 $0xFFFFFE70  }
0x1b4: {  	[tilespmem:s26], [sflag:$0x3] =	stream.indirect.gather [hbm4b:s17+s25], $0x10, s11, s25, $0xb8;
	[tilespmem:$0x1DBE0] =	vst v63  }
.LBB2_13:
0x1b5: {  	_ =	swait.ge [sflag:s28], $0x190  }
0x1b6: {  	[sflag:s28] =	ssyncset.done $0x0  }
0x1b7: {  	[sflag:s28] =	ssyncadd.s32 $0xFFFFFE70  }
0x1b8: {  	_ =	swait.ge [sflag:s28], $0x190  }
0x1b9: {  	[sflag:s28] =	ssyncset.done $0x0  }
0x1ba: {  	[sflag:s28] =	ssyncadd.s32 $0xFFFFFE70  }
0x1bb: {  	_ =	swait.ge [sflag:s28], $0x190  }
0x1bc: {  	p0 =	seq.s32 s21, $0x0;
	[sflag:s28] =	ssyncset.done $0x0  }
0x1bd: {  	s3 =	simm.s32 @!p0 $0x6;
	[sflag:s28] =	ssyncadd.s32 $0xFFFFFE70  }
0x1be: {  	_ =	swait.ge @!p0 [sflag:s3], $0x1900  }
0x1bf: {  	[sflag:s3] =	ssyncset.done @!p0 $0x0  }
0x1c0: {  	[sflag:s3] =	ssyncadd.s32 @!p0 $0xFFFFE700  }
0x1c1: {  	[tilespmem:s29], [sflag:$0x4] =	stream.indirect.gather [hbm4b:s17+s25], $0x10, s14, s25, $0xb8;
	[tilespmem:$0x1DBE0] =	vst v63  }
0x1c2: {  	_ =	swait.ge [sflag:s30], $0x1900  }
0x1c3: {  	s20 =	smul.u32 $0x320, s21;
	[sflag:s30] =	ssyncset.done $0x0  }
0x1c4: {  	s15 =	simm.s32 $0x0;
	s3 =	simm.s32 $0x18D30;
	[sflag:s30] =	ssyncadd.s32 $0xFFFFE700  }
0x1c5: {  	s18 =	simm.s32 $0x18D30;
	s16 =	sadd.s32 s7, s20;
	s20 =	simm.s32 $0x40;
	v1 =	vld [tilespmem:s3+$0xFFFFFFB0]  }
.LBB2_14:
0x1c6: {  	p0 =	sne.s32 s20, $0x600;
	v2 =	vld [tilespmem:s15+$0x18B20]  }
0x1c7: {  	v3 =	vld [tilespmem:s3+$0xFFFFFF90]  }
0x1c8: {  	v4 =	vld [tilespmem:s3+$0xFFFFFF80]  }
0x1c9: {  	v5 =	vld [tilespmem:s3+$0xFFFFFFA0]  }
0x1ca: {  	v6 =	vld [tilespmem:s3+$0xFFFFFFF0]  }
0x1cb: {  	v7 =	vbroadcast v2, $0x0;
	v8 =	vbroadcast v2, $0x1;
	v9 =	vld [tilespmem:s3+$0xFFFFFFD0]  }
0x1cc: {  	v10 =	vbroadcast v2, $0x2;
	v11 =	vbroadcast v2, $0x3;
	v12 =	vld [tilespmem:s3+$0xFFFFFFC0]  }
0x1cd: {  	v4 =	vmul.f32 v7, v4;
	v3 =	vmul.f32 v3, v8;
	v7 =	vld [tilespmem:s3+$0xFFFFFFE0]  }
0x1ce: {  	v1 =	vmul.f32 v1, v11;
	v5 =	vmul.f32 v5, v10;
	v8 =	vld [tilespmem:s3+$0x30]  }
0x1cf: {  	v10 =	vbroadcast v2, $0x5;
	[tilespmem:s3+$0xFFFFFF80] =	vst v4;
	v4 =	vbroadcast v2, $0x4;
	v11 =	vld [tilespmem:s3+$0x10]  }
0x1d0: {  	v13 =	vbroadcast v2, $0x7;
	[tilespmem:s3+$0xFFFFFF90] =	vst v3;
	v3 =	vbroadcast v2, $0x6;
	v14 =	vld [tilespmem:s3+$0x0]  }
0x1d1: {  	[tilespmem:s3+$0xFFFFFFA0] =	vst v5;
	v4 =	vmul.f32 v12, v4;
	v5 =	vmul.f32 v9, v10;
	v9 =	vld [tilespmem:s3+$0x20]  }
0x1d2: {  	[tilespmem:s3+$0xFFFFFFB0] =	vst v1;
	v1 =	vmul.f32 v7, v3;
	v3 =	vmul.f32 v6, v13;
	v6 =	vld [tilespmem:s3+$0x70]  }
0x1d3: {  	v7 =	vbroadcast v2, $0x9;
	[tilespmem:s3+$0xFFFFFFC0] =	vst v4;
	v4 =	vbroadcast v2, $0x8;
	v10 =	vld [tilespmem:s3+$0x50]  }
0x1d4: {  	v12 =	vbroadcast v2, $0xB;
	[tilespmem:s3+$0xFFFFFFD0] =	vst v5;
	v5 =	vbroadcast v2, $0xA;
	v13 =	vld [tilespmem:s3+$0x40]  }
0x1d5: {  	[tilespmem:s3+$0xFFFFFFE0] =	vst v1;
	v1 =	vmul.f32 v14, v4;
	v4 =	vmul.f32 v11, v7;
	v7 =	vld [tilespmem:s3+$0x60]  }
0x1d6: {  	[tilespmem:s3+$0xFFFFFFF0] =	vst v3;
	v3 =	vmul.f32 v9, v5;
	v5 =	vmul.f32 v8, v12  }
0x1d7: {  	v8 =	vbroadcast v2, $0xD;
	[tilespmem:s3+$0x0] =	vst v1;
	v1 =	vbroadcast v2, $0xC  }
0x1d8: {  	[tilespmem:s3+$0x10] =	vst v4;
	v4 =	vbroadcast v2, $0xE;
	v2 =	vbroadcast v2, $0xF  }
0x1d9: {  	[tilespmem:s3+$0x20] =	vst v3;
	v1 =	vmul.f32 v13, v1;
	v3 =	vmul.f32 v10, v8  }
.Ltmp6:
0x1da: {  	[tilespmem:s3+$0x30] =	vst v5;
	v4 =	vmul.f32 v7, v4;
	v2 =	vmul.f32 v6, v2;
	(pc) =	sbr.rel @p0 .LBB2_14-.Ltmp6, $4  }
0x1db: {  	[tilespmem:s3+$0x40] =	vst v1  }
0x1dc: {  	[tilespmem:s3+$0x50] =	vst v3  }
0x1dd: {  	s3 =	sadd.s32 $0x100, s3;
	[tilespmem:s18+$0x60] =	vst v4  }
0x1de: {  	s15 =	sshra.s32 s20, $0x2;
	s20 =	sadd.s32 $0x40, s20;
	v1 =	vld [tilespmem:s3+$0xFFFFFFB0];
	[tilespmem:s18+$0x70] =	vst v2;
	s18 =	smov.u32 s3  }
0x1df: {  	v2 =	vld [tilespmem:s15+$0x18B20];
	_ =	sdelay $0x1  }
0x1e0: {  	v3 =	vld [tilespmem:s3+$0xFFFFFF80]  }
0x1e1: {  	v4 =	vld [tilespmem:s3+$0xFFFFFF90]  }
0x1e2: {  	v5 =	vld [tilespmem:s3+$0xFFFFFFA0]  }
0x1e3: {  	v6 =	vbroadcast v2, $0x0  }
0x1e4: {  	v9 =	vld [tilespmem:s3+$0xFFFFFFD0];
	v7 =	vbroadcast v2, $0x1  }
0x1e5: {  	v8 =	vld [tilespmem:s3+$0xFFFFFFC0];
	v10 =	vbroadcast v2, $0x2;
	v3 =	vmul.f32 v6, v3  }
0x1e6: {  	v48 =	vld [tilespmem:s3+$0xFFFFFFE0];
	v47 =	vbroadcast v2, $0x3;
	v4 =	vmul.f32 v4, v7  }
0x1e7: {  	v51 =	vld [tilespmem:s3+$0x10];
	v49 =	vbroadcast v2, $0x5;
	v5 =	vmul.f32 v5, v10;
	[tilespmem:s3+$0xFFFFFF80] =	vst v3  }
0x1e8: {  	v11 =	vld [tilespmem:s3+$0xFFFFFFF0];
	v1 =	vmul.f32 v1, v47;
	v3 =	vbroadcast v2, $0x4;
	[tilespmem:s3+$0xFFFFFF90] =	vst v4  }
0x1e9: {  	v50 =	vld [tilespmem:s3+$0x0];
	v12 =	vbroadcast v2, $0x6;
	v6 =	vmul.f32 v9, v49;
	[tilespmem:s3+$0xFFFFFFA0] =	vst v5  }
0x1ea: {  	v56 =	vld [tilespmem:s3+$0x50];
	v54 =	vbroadcast v2, $0x9;
	[tilespmem:s3+$0xFFFFFFB0] =	vst v1;
	v3 =	vmul.f32 v8, v3  }
0x1eb: {  	v53 =	vld [tilespmem:s3+$0x20];
	v52 =	vbroadcast v2, $0x7;
	v7 =	vmul.f32 v48, v12;
	[tilespmem:s3+$0xFFFFFFD0] =	vst v6  }
0x1ec: {  	v59 =	vmul.f32 v51, v54;
	v1 =	vld [tilespmem:s3+$0x30];
	[tilespmem:s3+$0xFFFFFFC0] =	vst v3;
	v3 =	vbroadcast v2, $0x8  }
0x1ed: {  	v55 =	vld [tilespmem:s3+$0x40];
	v62 =	vbroadcast v2, $0xD;
	v5 =	vmul.f32 v11, v52;
	[tilespmem:s3+$0xFFFFFFE0] =	vst v7  }
0x1ee: {  	v60 =	vld [tilespmem:s3+$0x60];
	v57 =	vbroadcast v2, $0xA;
	[tilespmem:s3+$0x10] =	vst v59;
	v3 =	vmul.f32 v50, v3  }
0x1ef: {  	v61 =	vld [tilespmem:s3+$0x70];
	v58 =	vbroadcast v2, $0xB;
	v4 =	vmul.f32 v56, v62;
	[tilespmem:s3+$0xFFFFFFF0] =	vst v5  }
0x1f0: {  	v8 =	vmul.f32 v53, v57;
	[tilespmem:s3+$0x0] =	vst v3;
	v3 =	vbroadcast v2, $0xC  }
0x1f1: {  	v63 =	vbroadcast v2, $0xE;
	[tilespmem:s3+$0x50] =	vst v4;
	v1 =	vmul.f32 v1, v58  }
0x1f2: {  	[tilespmem:s3+$0x20] =	vst v8;
	v2 =	vbroadcast v2, $0xF;
	v3 =	vmul.f32 v55, v3  }
0x1f3: {  	[tilespmem:s3+$0x30] =	vst v1;
	v1 =	vmul.f32 v60, v63  }
0x1f4: {  	v2 =	vmul.f32 v61, v2;
	[tilespmem:s3+$0x40] =	vst v3  }
0x1f5: {  	s16 =	sshrl.u32 s16, $0x3;
	[tilespmem:s18+$0x60] =	vst v1  }
0x1f6: {  	s3 =	sadd.s32 $0x64, s16;
	[tilespmem:s18+$0x70] =	vst v2  }
0x1f7: {  	[spmem:s5] =	stream.indirect.scatter.add.f32 [tilespmem:s26], [sflag:$0x5], $0x10, s12, s25, $0xb8;
	[tilespmem:$0x1DBE0] =	vst v63  }
0x1f8: {  	s20 =	sadd.s32 s1, s3;
	s18 =	simm.s32 $0x0  }
0x1f9: {  	[tilespmem:s11], [sflag:$0x1] =	stream.linear.gather [hbm4b:s20+s18], $0x190, $0x38;
	[tilespmem:$0x1DBE0] =	vst v63  }
0x1fa: {  	s20 =	sadd.s32 s2, s3  }
0x1fb: {  	[tilespmem:s12], [sflag:$0x1] =	stream.linear.gather [hbm4b:s20+s18], $0x190, $0x38;
	[tilespmem:$0x1DBE0] =	vst v63  }
0x1fc: {  	s3 =	sadd.s32 s4, s3  }
0x1fd: {  	[tilespmem:s13], [sflag:$0x1] =	stream.linear.gather [hbm4b:s3+s18], $0x190, $0x38;
	[tilespmem:$0x1DBE0] =	vst v63  }
0x1fe: {  	_ =	swait.ge [sflag:s24], $0x190  }
0x1ff: {  	[sflag:s24] =	ssyncset.done $0x0  }
0x200: {  	[sflag:s24] =	ssyncadd.s32 $0xFFFFFE70  }
0x201: {  	_ =	swait.ge [sflag:s24], $0x190  }
0x202: {  	[sflag:s24] =	ssyncset.done $0x0  }
0x203: {  	[sflag:s24] =	ssyncadd.s32 $0xFFFFFE70  }
0x204: {  	_ =	swait.ge [sflag:s24], $0x190  }
0x205: {  	[sflag:s24] =	ssyncset.done $0x0  }
0x206: {  	[sflag:s24] =	ssyncadd.s32 $0xFFFFFE70  }
0x207: {  	_ =	swait.ge [sflag:s31], $0x1900  }
0x208: {  	[sflag:s31] =	ssyncset.done $0x0  }
0x209: {  	[sflag:s31] =	ssyncadd.s32 $0xFFFFE700  }
0x20a: {  	[tilespmem:s26], [sflag:$0x3] =	stream.indirect.gather [hbm4b:s17+s25], $0x10, s11, s25, $0xb8;
	[tilespmem:$0x1DBE0] =	vst v63  }
0x20b: {  	_ =	swait.ge [sflag:s0], $0x1900  }
0x20c: {  	[sflag:s0] =	ssyncset.done $0x0  }
0x20d: {  	s3 =	simm.s32 $0x1AAE0;
	[sflag:s0] =	ssyncadd.s32 $0xFFFFE700  }
0x20e: {  	s15 =	simm.s32 $0x0;
	s20 =	simm.s32 $0x40;
	s18 =	simm.s32 $0x1AAE0;
	v1 =	vld [tilespmem:s3+$0xFFFFFFB0]  }
.LBB2_16:
0x20f: {  	p0 =	sne.s32 s20, $0x600;
	v2 =	vld [tilespmem:s15+$0x1A8D0]  }
0x210: {  	v3 =	vld [tilespmem:s3+$0xFFFFFF90]  }
0x211: {  	v4 =	vld [tilespmem:s3+$0xFFFFFF80]  }
0x212: {  	v5 =	vld [tilespmem:s3+$0xFFFFFFA0]  }
0x213: {  	v6 =	vld [tilespmem:s3+$0xFFFFFFF0]  }
0x214: {  	v7 =	vbroadcast v2, $0x0;
	v8 =	vbroadcast v2, $0x1;
	v9 =	vld [tilespmem:s3+$0xFFFFFFD0]  }
0x215: {  	v10 =	vbroadcast v2, $0x2;
	v11 =	vbroadcast v2, $0x3;
	v12 =	vld [tilespmem:s3+$0xFFFFFFC0]  }
0x216: {  	v4 =	vmul.f32 v7, v4;
	v3 =	vmul.f32 v3, v8;
	v7 =	vld [tilespmem:s3+$0xFFFFFFE0]  }
0x217: {  	v1 =	vmul.f32 v1, v11;
	v5 =	vmul.f32 v5, v10;
	v8 =	vld [tilespmem:s3+$0x30]  }
0x218: {  	v10 =	vbroadcast v2, $0x5;
	[tilespmem:s3+$0xFFFFFF80] =	vst v4;
	v4 =	vbroadcast v2, $0x4;
	v11 =	vld [tilespmem:s3+$0x10]  }
0x219: {  	v13 =	vbroadcast v2, $0x7;
	[tilespmem:s3+$0xFFFFFF90] =	vst v3;
	v3 =	vbroadcast v2, $0x6;
	v14 =	vld [tilespmem:s3+$0x0]  }
0x21a: {  	[tilespmem:s3+$0xFFFFFFA0] =	vst v5;
	v4 =	vmul.f32 v12, v4;
	v5 =	vmul.f32 v9, v10;
	v9 =	vld [tilespmem:s3+$0x20]  }
0x21b: {  	[tilespmem:s3+$0xFFFFFFB0] =	vst v1;
	v1 =	vmul.f32 v7, v3;
	v3 =	vmul.f32 v6, v13;
	v6 =	vld [tilespmem:s3+$0x70]  }
0x21c: {  	v7 =	vbroadcast v2, $0x9;
	[tilespmem:s3+$0xFFFFFFC0] =	vst v4;
	v4 =	vbroadcast v2, $0x8;
	v10 =	vld [tilespmem:s3+$0x50]  }
0x21d: {  	v12 =	vbroadcast v2, $0xB;
	[tilespmem:s3+$0xFFFFFFD0] =	vst v5;
	v5 =	vbroadcast v2, $0xA;
	v13 =	vld [tilespmem:s3+$0x40]  }
0x21e: {  	[tilespmem:s3+$0xFFFFFFE0] =	vst v1;
	v1 =	vmul.f32 v14, v4;
	v4 =	vmul.f32 v11, v7;
	v7 =	vld [tilespmem:s3+$0x60]  }
0x21f: {  	[tilespmem:s3+$0xFFFFFFF0] =	vst v3;
	v3 =	vmul.f32 v9, v5;
	v5 =	vmul.f32 v8, v12  }
0x220: {  	v8 =	vbroadcast v2, $0xD;
	[tilespmem:s3+$0x0] =	vst v1;
	v1 =	vbroadcast v2, $0xC  }
0x221: {  	[tilespmem:s3+$0x10] =	vst v4;
	v4 =	vbroadcast v2, $0xE;
	v2 =	vbroadcast v2, $0xF  }
0x222: {  	[tilespmem:s3+$0x20] =	vst v3;
	v1 =	vmul.f32 v13, v1;
	v3 =	vmul.f32 v10, v8  }
.Ltmp7:
0x223: {  	[tilespmem:s3+$0x30] =	vst v5;
	v4 =	vmul.f32 v7, v4;
	v2 =	vmul.f32 v6, v2;
	(pc) =	sbr.rel @p0 .LBB2_16-.Ltmp7, $4  }
0x224: {  	[tilespmem:s3+$0x40] =	vst v1  }
0x225: {  	[tilespmem:s3+$0x50] =	vst v3  }
0x226: {  	s3 =	sadd.s32 $0x100, s3;
	[tilespmem:s18+$0x60] =	vst v4  }
0x227: {  	s15 =	sshra.s32 s20, $0x2;
	s20 =	sadd.s32 $0x40, s20;
	v1 =	vld [tilespmem:s3+$0xFFFFFFB0];
	[tilespmem:s18+$0x70] =	vst v2;
	s18 =	smov.u32 s3  }
0x228: {  	v2 =	vld [tilespmem:s15+$0x1A8D0];
	_ =	sdelay $0x1  }
0x229: {  	v3 =	vld [tilespmem:s3+$0xFFFFFF80]  }
0x22a: {  	v4 =	vld [tilespmem:s3+$0xFFFFFF90]  }
0x22b: {  	v5 =	vld [tilespmem:s3+$0xFFFFFFA0]  }
0x22c: {  	v6 =	vbroadcast v2, $0x0  }
0x22d: {  	v9 =	vld [tilespmem:s3+$0xFFFFFFD0];
	v7 =	vbroadcast v2, $0x1  }
0x22e: {  	v8 =	vld [tilespmem:s3+$0xFFFFFFC0];
	v10 =	vbroadcast v2, $0x2;
	v3 =	vmul.f32 v6, v3  }
0x22f: {  	v48 =	vld [tilespmem:s3+$0xFFFFFFE0];
	v47 =	vbroadcast v2, $0x3;
	v4 =	vmul.f32 v4, v7  }
0x230: {  	v51 =	vld [tilespmem:s3+$0x10];
	v49 =	vbroadcast v2, $0x5;
	v5 =	vmul.f32 v5, v10;
	[tilespmem:s3+$0xFFFFFF80] =	vst v3  }
0x231: {  	v11 =	vld [tilespmem:s3+$0xFFFFFFF0];
	v1 =	vmul.f32 v1, v47;
	v3 =	vbroadcast v2, $0x4;
	[tilespmem:s3+$0xFFFFFF90] =	vst v4  }
0x232: {  	v50 =	vld [tilespmem:s3+$0x0];
	v12 =	vbroadcast v2, $0x6;
	v6 =	vmul.f32 v9, v49;
	[tilespmem:s3+$0xFFFFFFA0] =	vst v5  }
0x233: {  	v56 =	vld [tilespmem:s3+$0x50];
	v54 =	vbroadcast v2, $0x9;
	[tilespmem:s3+$0xFFFFFFB0] =	vst v1;
	v3 =	vmul.f32 v8, v3  }
0x234: {  	v53 =	vld [tilespmem:s3+$0x20];
	v52 =	vbroadcast v2, $0x7;
	v7 =	vmul.f32 v48, v12;
	[tilespmem:s3+$0xFFFFFFD0] =	vst v6  }
0x235: {  	v59 =	vmul.f32 v51, v54;
	v1 =	vld [tilespmem:s3+$0x30];
	[tilespmem:s3+$0xFFFFFFC0] =	vst v3;
	v3 =	vbroadcast v2, $0x8  }
0x236: {  	v55 =	vld [tilespmem:s3+$0x40];
	v62 =	vbroadcast v2, $0xD;
	v5 =	vmul.f32 v11, v52;
	[tilespmem:s3+$0xFFFFFFE0] =	vst v7  }
0x237: {  	v60 =	vld [tilespmem:s3+$0x60];
	v57 =	vbroadcast v2, $0xA;
	[tilespmem:s3+$0x10] =	vst v59;
	v3 =	vmul.f32 v50, v3  }
0x238: {  	v61 =	vld [tilespmem:s3+$0x70];
	v58 =	vbroadcast v2, $0xB;
	v4 =	vmul.f32 v56, v62;
	[tilespmem:s3+$0xFFFFFFF0] =	vst v5  }
0x239: {  	v8 =	vmul.f32 v53, v57;
	[tilespmem:s3+$0x0] =	vst v3;
	v3 =	vbroadcast v2, $0xC  }
0x23a: {  	v63 =	vbroadcast v2, $0xE;
	[tilespmem:s3+$0x50] =	vst v4;
	v1 =	vmul.f32 v1, v58  }
0x23b: {  	p0 =	seq.s32 s21, $0x3D;
	[tilespmem:s3+$0x20] =	vst v8;
	v2 =	vbroadcast v2, $0xF;
	v3 =	vmul.f32 v55, v3  }
.Ltmp8:
0x23c: {  	[tilespmem:s3+$0x30] =	vst v1;
	v1 =	vmul.f32 v60, v63;
	(pc) =	sbr.rel @p0 .LBB2_19-.Ltmp8, $4  }
0x23d: {  	v2 =	vmul.f32 v61, v2;
	[tilespmem:s3+$0x40] =	vst v3  }
0x23e: {  	[tilespmem:s18+$0x60] =	vst v1  }
0x23f: {  	[tilespmem:s18+$0x70] =	vst v2  }
0x240: {  	[spmem:s5] =	stream.indirect.scatter.add.f32 [tilespmem:s29], [sflag:$0x6], $0x10, s22, s25, $0xb8;
	[tilespmem:$0x1DBE0] =	vst v63  }
0x241: {  	s3 =	sadd.s32 $0x96, s16  }
0x242: {  	s15 =	sadd.s32 s1, s3  }
0x243: {  	[tilespmem:s14], [sflag:$0x2] =	stream.linear.gather [hbm4b:s15+s6], $0x190, $0x38;
	[tilespmem:$0x1DBE0] =	vst v63  }
.Ltmp9:
0x244: {  	_ = 	snop;
	(pc) =	sbr.rel .LBB2_13-.Ltmp9, $4  }
0x245: {  	s20 =	sadd.s32 s2, s3  }
0x246: {  	[tilespmem:s22], [sflag:$0x2] =	stream.linear.gather [hbm4b:s20+s6], $0x190, $0x38;
	[tilespmem:$0x1DBE0] =	vst v63  }
0x247: {  	s21 =	sadd.s32 $0x1, s21;
	s3 =	sadd.s32 s4, s3  }
0x248: {  	[tilespmem:s23], [sflag:$0x2] =	stream.linear.gather [hbm4b:s3+s6], $0x190, $0x38;
	[tilespmem:$0x1DBE0] =	vst v63  }
.LBB2_19:
0x249: {  	_ =	swait.ge [sflag:s30], $0x1900  }
0x24a: {  	[sflag:s30] =	ssyncset.done $0x0  }
0x24b: {  	s3 =	simm.s32 $0x18D30;
	[sflag:s30] =	ssyncadd.s32 $0xFFFFE700  }
0x24c: {  	s15 =	simm.s32 $0x0;
	s18 =	simm.s32 $0x40;
	s16 =	simm.s32 $0x18D30;
	v1 =	vld [tilespmem:s3+$0xFFFFFFB0]  }
.LBB2_20:
0x24d: {  	p0 =	sne.s32 s18, $0x600;
	v2 =	vld [tilespmem:s15+$0x18B20]  }
0x24e: {  	v3 =	vld [tilespmem:s3+$0xFFFFFF90]  }
0x24f: {  	v4 =	vld [tilespmem:s3+$0xFFFFFF80]  }
0x250: {  	v5 =	vld [tilespmem:s3+$0xFFFFFFA0]  }
0x251: {  	v6 =	vld [tilespmem:s3+$0xFFFFFFF0]  }
0x252: {  	v7 =	vbroadcast v2, $0x0;
	v8 =	vbroadcast v2, $0x1;
	v9 =	vld [tilespmem:s3+$0xFFFFFFD0]  }
0x253: {  	v10 =	vbroadcast v2, $0x2;
	v11 =	vbroadcast v2, $0x3;
	v12 =	vld [tilespmem:s3+$0xFFFFFFC0]  }
0x254: {  	v4 =	vmul.f32 v7, v4;
	v3 =	vmul.f32 v3, v8;
	v7 =	vld [tilespmem:s3+$0xFFFFFFE0]  }
0x255: {  	v1 =	vmul.f32 v1, v11;
	v5 =	vmul.f32 v5, v10;
	v8 =	vld [tilespmem:s3+$0x30]  }
0x256: {  	v10 =	vbroadcast v2, $0x5;
	[tilespmem:s3+$0xFFFFFF80] =	vst v4;
	v4 =	vbroadcast v2, $0x4;
	v11 =	vld [tilespmem:s3+$0x10]  }
0x257: {  	v13 =	vbroadcast v2, $0x7;
	[tilespmem:s3+$0xFFFFFF90] =	vst v3;
	v3 =	vbroadcast v2, $0x6;
	v14 =	vld [tilespmem:s3+$0x0]  }
0x258: {  	[tilespmem:s3+$0xFFFFFFA0] =	vst v5;
	v4 =	vmul.f32 v12, v4;
	v5 =	vmul.f32 v9, v10;
	v9 =	vld [tilespmem:s3+$0x20]  }
0x259: {  	[tilespmem:s3+$0xFFFFFFB0] =	vst v1;
	v1 =	vmul.f32 v7, v3;
	v3 =	vmul.f32 v6, v13;
	v6 =	vld [tilespmem:s3+$0x70]  }
0x25a: {  	v7 =	vbroadcast v2, $0x9;
	[tilespmem:s3+$0xFFFFFFC0] =	vst v4;
	v4 =	vbroadcast v2, $0x8;
	v10 =	vld [tilespmem:s3+$0x50]  }
0x25b: {  	v12 =	vbroadcast v2, $0xB;
	[tilespmem:s3+$0xFFFFFFD0] =	vst v5;
	v5 =	vbroadcast v2, $0xA;
	v13 =	vld [tilespmem:s3+$0x40]  }
0x25c: {  	[tilespmem:s3+$0xFFFFFFE0] =	vst v1;
	v1 =	vmul.f32 v14, v4;
	v4 =	vmul.f32 v11, v7;
	v7 =	vld [tilespmem:s3+$0x60]  }
0x25d: {  	[tilespmem:s3+$0xFFFFFFF0] =	vst v3;
	v3 =	vmul.f32 v9, v5;
	v5 =	vmul.f32 v8, v12  }
0x25e: {  	v8 =	vbroadcast v2, $0xD;
	[tilespmem:s3+$0x0] =	vst v1;
	v1 =	vbroadcast v2, $0xC  }
0x25f: {  	[tilespmem:s3+$0x10] =	vst v4;
	v4 =	vbroadcast v2, $0xE;
	v2 =	vbroadcast v2, $0xF  }
0x260: {  	[tilespmem:s3+$0x20] =	vst v3;
	v1 =	vmul.f32 v13, v1;
	v3 =	vmul.f32 v10, v8  }
.Ltmp10:
0x261: {  	[tilespmem:s3+$0x30] =	vst v5;
	v4 =	vmul.f32 v7, v4;
	v2 =	vmul.f32 v6, v2;
	(pc) =	sbr.rel @p0 .LBB2_20-.Ltmp10, $4  }
0x262: {  	[tilespmem:s3+$0x40] =	vst v1  }
0x263: {  	[tilespmem:s3+$0x50] =	vst v3  }
0x264: {  	s3 =	sadd.s32 $0x100, s3;
	[tilespmem:s16+$0x60] =	vst v4  }
0x265: {  	s15 =	sshra.s32 s18, $0x2;
	s18 =	sadd.s32 $0x40, s18;
	v1 =	vld [tilespmem:s3+$0xFFFFFFB0];
	[tilespmem:s16+$0x70] =	vst v2;
	s16 =	smov.u32 s3  }
0x266: {  	v2 =	vld [tilespmem:s15+$0x18B20];
	_ =	sdelay $0x1  }
0x267: {  	v3 =	vld [tilespmem:s3+$0xFFFFFF80]  }
0x268: {  	v4 =	vld [tilespmem:s3+$0xFFFFFF90]  }
0x269: {  	v5 =	vld [tilespmem:s3+$0xFFFFFFA0]  }
0x26a: {  	v6 =	vbroadcast v2, $0x0  }
0x26b: {  	v9 =	vld [tilespmem:s3+$0xFFFFFFD0];
	v7 =	vbroadcast v2, $0x1  }
0x26c: {  	v8 =	vld [tilespmem:s3+$0xFFFFFFC0];
	v10 =	vbroadcast v2, $0x2;
	v3 =	vmul.f32 v6, v3  }
0x26d: {  	v48 =	vld [tilespmem:s3+$0xFFFFFFE0];
	v47 =	vbroadcast v2, $0x3;
	v4 =	vmul.f32 v4, v7  }
0x26e: {  	v51 =	vld [tilespmem:s3+$0x10];
	v49 =	vbroadcast v2, $0x5;
	v5 =	vmul.f32 v5, v10;
	[tilespmem:s3+$0xFFFFFF80] =	vst v3  }
0x26f: {  	v11 =	vld [tilespmem:s3+$0xFFFFFFF0];
	v1 =	vmul.f32 v1, v47;
	v3 =	vbroadcast v2, $0x4;
	[tilespmem:s3+$0xFFFFFF90] =	vst v4  }
0x270: {  	v50 =	vld [tilespmem:s3+$0x0];
	v12 =	vbroadcast v2, $0x6;
	v6 =	vmul.f32 v9, v49;
	[tilespmem:s3+$0xFFFFFFA0] =	vst v5  }
0x271: {  	v56 =	vld [tilespmem:s3+$0x50];
	v54 =	vbroadcast v2, $0x9;
	[tilespmem:s3+$0xFFFFFFB0] =	vst v1;
	v3 =	vmul.f32 v8, v3  }
0x272: {  	v53 =	vld [tilespmem:s3+$0x20];
	v52 =	vbroadcast v2, $0x7;
	v7 =	vmul.f32 v48, v12;
	[tilespmem:s3+$0xFFFFFFD0] =	vst v6  }
0x273: {  	v59 =	vmul.f32 v51, v54;
	v1 =	vld [tilespmem:s3+$0x30];
	[tilespmem:s3+$0xFFFFFFC0] =	vst v3;
	v3 =	vbroadcast v2, $0x8  }
0x274: {  	v55 =	vld [tilespmem:s3+$0x40];
	v62 =	vbroadcast v2, $0xD;
	v5 =	vmul.f32 v11, v52;
	[tilespmem:s3+$0xFFFFFFE0] =	vst v7  }
0x275: {  	v60 =	vld [tilespmem:s3+$0x60];
	v57 =	vbroadcast v2, $0xA;
	[tilespmem:s3+$0x10] =	vst v59;
	v3 =	vmul.f32 v50, v3  }
0x276: {  	v61 =	vld [tilespmem:s3+$0x70];
	v58 =	vbroadcast v2, $0xB;
	v4 =	vmul.f32 v56, v62;
	[tilespmem:s3+$0xFFFFFFF0] =	vst v5  }
0x277: {  	v8 =	vmul.f32 v53, v57;
	[tilespmem:s3+$0x0] =	vst v3;
	v3 =	vbroadcast v2, $0xC  }
0x278: {  	v63 =	vbroadcast v2, $0xE;
	[tilespmem:s3+$0x50] =	vst v4;
	v1 =	vmul.f32 v1, v58  }
0x279: {  	[tilespmem:s3+$0x20] =	vst v8;
	v2 =	vbroadcast v2, $0xF;
	v3 =	vmul.f32 v55, v3  }
0x27a: {  	[tilespmem:s3+$0x30] =	vst v1;
	v1 =	vmul.f32 v60, v63  }
0x27b: {  	v2 =	vmul.f32 v61, v2;
	[tilespmem:s3+$0x40] =	vst v3  }
0x27c: {  	[tilespmem:s16+$0x60] =	vst v1  }
0x27d: {  	[tilespmem:s16+$0x70] =	vst v2  }
0x27e: {  	[spmem:s5] =	stream.indirect.scatter.add.f32 [tilespmem:s26], [sflag:$0x5], $0x10, s12, s25, $0xb8;
	[tilespmem:$0x1DBE0] =	vst v63  }
0x27f: {  	_ =	swait.ge [sflag:s31], $0x1900  }
0x280: {  	[sflag:s31] =	ssyncset.done $0x0  }
0x281: {  	s16 =	simm.s32 $0x6;
	[sflag:s31] =	ssyncadd.s32 $0xFFFFE700  }
0x282: {  	_ =	swait.ge [sflag:s16], $0x1900  }
0x283: {  	[sflag:s16] =	ssyncset.done $0x0  }
0x284: {  	[sflag:s16] =	ssyncadd.s32 $0xFFFFE700  }
0x285: {  	[bflag:$0x0] =	sbarrier.arrive $0xFFFF  }
0x286: {  	s20 =	sld [smem:$0x7FB]  }
0x287: {  	s21 =	sld [smem:$0x7FC];
	_ =	sdelay $0x1  }
0x288: {  	s18 =	rddreg [dreg:$0xe]  }
0x289: {  	[hbm:s18], [sflag:s20] =	dma.local [spmem:s21], $0x3100  }
0x28a: {  	_ =	swait.ge [sflag:s10], $0x3100  }
0x28b: {  	[sflag:s10] =	ssyncset.done $0x0  }
0x28c: {  	[sflag:s10] =	ssyncadd.s32 $0xFFFFCF00  }
0x28d: {  	[bflag:$0x0] =	sbarrier.arrive $0xFFFF  }
0x28e: {  	s16 =	rddreg [dreg:$0xd]  }
0x28f: {  	[spmem:s16] =	stream.linear.scatter [tilespmem:s9], [sflag:$0x7], $0x1880, $0x38;
	[tilespmem:$0x1DBE0] =	vst v63  }
0x290: {  	_ =	swait.ge [sflag:s10], $0x1880  }
0x291: {  	[sflag:s10] =	ssyncset.done $0x0  }
0x292: {  	s18 =	rddreg [dreg:$0x11];
	[sflag:s10] =	ssyncadd.s32 $0xFFFFE780  }
0x293: {  	[spmem:s18] =	stream.linear.scatter [tilespmem:s9], [sflag:$0x7], $0x1880, $0x38;
	[tilespmem:$0x1DBE0] =	vst v63  }
0x294: {  	_ =	swait.ge [sflag:s10], $0x1880  }
0x295: {  	[sflag:s10] =	ssyncset.done $0x0  }
0x296: {  	s20 =	rddreg [dreg:$0x12];
	[sflag:s10] =	ssyncadd.s32 $0xFFFFE780  }
0x297: {  	[spmem:s20] =	stream.linear.scatter [tilespmem:s9], [sflag:$0x7], $0x1880, $0x38;
	[tilespmem:$0x1DBE0] =	vst v63  }
0x298: {  	_ =	swait.ge [sflag:s10], $0x1880  }
0x299: {  	[sflag:s10] =	ssyncset.done $0x0  }
0x29a: {  	s21 =	rddreg [dreg:$0x13];
	[sflag:s10] =	ssyncadd.s32 $0xFFFFE780  }
0x29b: {  	[spmem:s21] =	stream.linear.scatter [tilespmem:s9], [sflag:$0x7], $0x1880, $0x38;
	[tilespmem:$0x1DBE0] =	vst v63  }
0x29c: {  	_ =	swait.ge [sflag:s10], $0x1880  }
0x29d: {  	[sflag:s10] =	ssyncset.done $0x0  }
0x29e: {  	s15 =	rddreg [dreg:$0x14];
	[sflag:s10] =	ssyncadd.s32 $0xFFFFE780  }
0x29f: {  	[spmem:s15] =	stream.linear.scatter [tilespmem:s9], [sflag:$0x7], $0x1880, $0x38;
	[tilespmem:$0x1DBE0] =	vst v63  }
0x2a0: {  	_ =	swait.ge [sflag:s10], $0x1880  }
0x2a1: {  	[sflag:s10] =	ssyncset.done $0x0  }
0x2a2: {  	s16 =	rddreg [dreg:$0x15];
	[sflag:s10] =	ssyncadd.s32 $0xFFFFE780  }
0x2a3: {  	[spmem:s16] =	stream.linear.scatter [tilespmem:s9], [sflag:$0x7], $0x1880, $0x38;
	[tilespmem:$0x1DBE0] =	vst v63  }
0x2a4: {  	_ =	swait.ge [sflag:s10], $0x1880  }
0x2a5: {  	[sflag:s10] =	ssyncset.done $0x0  }
0x2a6: {  	s18 =	rddreg [dreg:$0x16];
	[sflag:s10] =	ssyncadd.s32 $0xFFFFE780  }
0x2a7: {  	[spmem:s18] =	stream.linear.scatter [tilespmem:s9], [sflag:$0x7], $0x1880, $0x38;
	[tilespmem:$0x1DBE0] =	vst v63  }
0x2a8: {  	_ =	swait.ge [sflag:s10], $0x1880  }
0x2a9: {  	[sflag:s10] =	ssyncset.done $0x0  }
0x2aa: {  	s20 =	rddreg [dreg:$0x17];
	[sflag:s10] =	ssyncadd.s32 $0xFFFFE780  }
0x2ab: {  	[spmem:s20] =	stream.linear.scatter [tilespmem:s9], [sflag:$0x7], $0x1880, $0x38;
	[tilespmem:$0x1DBE0] =	vst v63  }
0x2ac: {  	_ =	swait.ge [sflag:s10], $0x1880  }
0x2ad: {  	[sflag:s10] =	ssyncset.done $0x0  }
0x2ae: {  	s21 =	rddreg [dreg:$0x18];
	[sflag:s10] =	ssyncadd.s32 $0xFFFFE780  }
0x2af: {  	[spmem:s21] =	stream.linear.scatter [tilespmem:s9], [sflag:$0x7], $0x1880, $0x38;
	[tilespmem:$0x1DBE0] =	vst v63  }
0x2b0: {  	_ =	swait.ge [sflag:s10], $0x1880  }
0x2b1: {  	[sflag:s10] =	ssyncset.done $0x0  }
0x2b2: {  	s15 =	rddreg [dreg:$0x19];
	[sflag:s10] =	ssyncadd.s32 $0xFFFFE780  }
0x2b3: {  	[spmem:s15] =	stream.linear.scatter [tilespmem:s9], [sflag:$0x7], $0x1880, $0x38;
	[tilespmem:$0x1DBE0] =	vst v63  }
0x2b4: {  	_ =	swait.ge [sflag:s10], $0x1880  }
0x2b5: {  	[sflag:s10] =	ssyncset.done $0x0  }
0x2b6: {  	s16 =	rddreg [dreg:$0x1a];
	[sflag:s10] =	ssyncadd.s32 $0xFFFFE780  }
0x2b7: {  	[spmem:s16] =	stream.linear.scatter [tilespmem:s9], [sflag:$0x7], $0x1880, $0x38;
	[tilespmem:$0x1DBE0] =	vst v63  }
0x2b8: {  	_ =	swait.ge [sflag:s10], $0x1880  }
0x2b9: {  	[sflag:s10] =	ssyncset.done $0x0  }
0x2ba: {  	s18 =	rddreg [dreg:$0x1b];
	[sflag:s10] =	ssyncadd.s32 $0xFFFFE780  }
0x2bb: {  	[spmem:s18] =	stream.linear.scatter [tilespmem:s9], [sflag:$0x7], $0x1880, $0x38;
	[tilespmem:$0x1DBE0] =	vst v63  }
0x2bc: {  	_ =	swait.ge [sflag:s10], $0x1880  }
0x2bd: {  	[sflag:s10] =	ssyncset.done $0x0  }
0x2be: {  	s20 =	rddreg [dreg:$0x1c];
	[sflag:s10] =	ssyncadd.s32 $0xFFFFE780  }
0x2bf: {  	[spmem:s20] =	stream.linear.scatter [tilespmem:s9], [sflag:$0x7], $0x1880, $0x38;
	[tilespmem:$0x1DBE0] =	vst v63  }
0x2c0: {  	_ =	swait.ge [sflag:s10], $0x1880  }
0x2c1: {  	[sflag:s10] =	ssyncset.done $0x0  }
0x2c2: {  	s21 =	rddreg [dreg:$0x1d];
	[sflag:s10] =	ssyncadd.s32 $0xFFFFE780  }
0x2c3: {  	[spmem:s21] =	stream.linear.scatter [tilespmem:s9], [sflag:$0x7], $0x1880, $0x38;
	[tilespmem:$0x1DBE0] =	vst v63  }
0x2c4: {  	_ =	swait.ge [sflag:s10], $0x1880  }
0x2c5: {  	[sflag:s10] =	ssyncset.done $0x0  }
0x2c6: {  	s15 =	rddreg [dreg:$0x1e];
	[sflag:s10] =	ssyncadd.s32 $0xFFFFE780  }
0x2c7: {  	[spmem:s15] =	stream.linear.scatter [tilespmem:s9], [sflag:$0x7], $0x1880, $0x38;
	[tilespmem:$0x1DBE0] =	vst v63  }
0x2c8: {  	_ =	swait.ge [sflag:s10], $0x1880  }
0x2c9: {  	[sflag:s10] =	ssyncset.done $0x0  }
0x2ca: {  	s16 =	rddreg [dreg:$0x1f];
	[sflag:s10] =	ssyncadd.s32 $0xFFFFE780  }
0x2cb: {  	[spmem:s16] =	stream.linear.scatter [tilespmem:s9], [sflag:$0x7], $0x1880, $0x38;
	[tilespmem:$0x1DBE0] =	vst v63  }
0x2cc: {  	_ =	swait.ge [sflag:s10], $0x1880  }
0x2cd: {  	[sflag:s10] =	ssyncset.done $0x0  }
0x2ce: {  	[sflag:s10] =	ssyncadd.s32 $0xFFFFE780  }
0x2cf: {  	[bflag:$0x0] =	sbarrier.arrive $0xFFFF  }
0x2d0: {  	s21 =	simm.s32 $0x0;
	s18 =	rddreg [dreg:$0x6]  }
0x2d1: {  	[tilespmem:s11], [sflag:$0x1] =	stream.linear.gather [hbm4b:s18+s21], $0x190, $0x38;
	[tilespmem:$0x1DBE0] =	vst v63  }
0x2d2: {  	s20 =	rddreg [dreg:$0x7]  }
0x2d3: {  	[tilespmem:s12], [sflag:$0x1] =	stream.linear.gather [hbm4b:s20+s21], $0x190, $0x38;
	[tilespmem:$0x1DBE0] =	vst v63  }
0x2d4: {  	s15 =	rddreg [dreg:$0x8]  }
0x2d5: {  	[tilespmem:s13], [sflag:$0x1] =	stream.linear.gather [hbm4b:s15+s21], $0x190, $0x38;
	[tilespmem:$0x1DBE0] =	vst v63  }
0x2d6: {  	s16 =	rddreg [dreg:$0x9]  }
0x2d7: {  	[tilespmem:s14], [sflag:$0x2] =	stream.linear.gather [hbm4b:s16+s21], $0x190, $0x38;
	[tilespmem:$0x1DBE0] =	vst v63  }
0x2d8: {  	s18 =	rddreg [dreg:$0xa]  }
0x2d9: {  	[tilespmem:s22], [sflag:$0x2] =	stream.linear.gather [hbm4b:s18+s21], $0x190, $0x38;
	[tilespmem:$0x1DBE0] =	vst v63  }
0x2da: {  	s20 =	rddreg [dreg:$0xb]  }
0x2db: {  	[tilespmem:s23], [sflag:$0x2] =	stream.linear.gather [hbm4b:s20+s21], $0x190, $0x38;
	[tilespmem:$0x1DBE0] =	vst v63  }
0x2dc: {  	_ =	swait.ge [sflag:s24], $0x190  }
0x2dd: {  	[sflag:s24] =	ssyncset.done $0x0  }
0x2de: {  	[sflag:s24] =	ssyncadd.s32 $0xFFFFFE70  }
0x2df: {  	_ =	swait.ge [sflag:s24], $0x190  }
0x2e0: {  	[sflag:s24] =	ssyncset.done $0x0  }
0x2e1: {  	[sflag:s24] =	ssyncadd.s32 $0xFFFFFE70  }
0x2e2: {  	_ =	swait.ge [sflag:s24], $0x190  }
0x2e3: {  	[sflag:s24] =	ssyncset.done $0x0  }
0x2e4: {  	[sflag:s24] =	ssyncadd.s32 $0xFFFFFE70  }
0x2e5: {  	[tilespmem:s26], [sflag:$0x3] =	stream.indirect.gather [hbm4b:s19+s25], $0x10, s11, s25, $0xb8;
	[tilespmem:$0x1DBE0] =	vst v63  }
.LBB2_22:
0x2e6: {  	_ =	swait.ge [sflag:s28], $0x190  }
0x2e7: {  	[sflag:s28] =	ssyncset.done $0x0  }
0x2e8: {  	[sflag:s28] =	ssyncadd.s32 $0xFFFFFE70  }
0x2e9: {  	_ =	swait.ge [sflag:s28], $0x190  }
0x2ea: {  	[sflag:s28] =	ssyncset.done $0x0  }
0x2eb: {  	[sflag:s28] =	ssyncadd.s32 $0xFFFFFE70  }
0x2ec: {  	_ =	swait.ge [sflag:s28], $0x190  }
0x2ed: {  	p0 =	seq.s32 s21, $0x0;
	[sflag:s28] =	ssyncset.done $0x0  }
0x2ee: {  	s3 =	simm.s32 @!p0 $0x6;
	[sflag:s28] =	ssyncadd.s32 $0xFFFFFE70  }
0x2ef: {  	_ =	swait.ge @!p0 [sflag:s3], $0x1900  }
0x2f0: {  	[sflag:s3] =	ssyncset.done @!p0 $0x0  }
0x2f1: {  	[sflag:s3] =	ssyncadd.s32 @!p0 $0xFFFFE700  }
0x2f2: {  	[tilespmem:s29], [sflag:$0x4] =	stream.indirect.gather [hbm4b:s19+s25], $0x10, s14, s25, $0xb8;
	[tilespmem:$0x1DBE0] =	vst v63  }
0x2f3: {  	_ =	swait.ge [sflag:s30], $0x1900  }
0x2f4: {  	s20 =	smul.u32 $0x320, s21;
	[sflag:s30] =	ssyncset.done $0x0  }
0x2f5: {  	s15 =	simm.s32 $0x0;
	s3 =	simm.s32 $0x18D30;
	[sflag:s30] =	ssyncadd.s32 $0xFFFFE700  }
0x2f6: {  	s18 =	simm.s32 $0x18D30;
	s16 =	sadd.s32 s7, s20;
	s20 =	simm.s32 $0x40;
	v1 =	vld [tilespmem:s3+$0xFFFFFFB0]  }
.LBB2_23:
0x2f7: {  	p0 =	sne.s32 s20, $0x600;
	v2 =	vld [tilespmem:s15+$0x18B20]  }
0x2f8: {  	v3 =	vld [tilespmem:s3+$0xFFFFFF90]  }
0x2f9: {  	v4 =	vld [tilespmem:s3+$0xFFFFFF80]  }
0x2fa: {  	v5 =	vld [tilespmem:s3+$0xFFFFFFA0]  }
0x2fb: {  	v6 =	vld [tilespmem:s3+$0xFFFFFFF0]  }
0x2fc: {  	v7 =	vbroadcast v2, $0x0;
	v8 =	vbroadcast v2, $0x1;
	v9 =	vld [tilespmem:s3+$0xFFFFFFD0]  }
0x2fd: {  	v10 =	vbroadcast v2, $0x2;
	v11 =	vbroadcast v2, $0x3;
	v12 =	vld [tilespmem:s3+$0xFFFFFFC0]  }
0x2fe: {  	v4 =	vmul.f32 v7, v4;
	v3 =	vmul.f32 v3, v8;
	v7 =	vld [tilespmem:s3+$0xFFFFFFE0]  }
0x2ff: {  	v1 =	vmul.f32 v1, v11;
	v5 =	vmul.f32 v5, v10;
	v8 =	vld [tilespmem:s3+$0x30]  }
0x300: {  	v10 =	vbroadcast v2, $0x5;
	[tilespmem:s3+$0xFFFFFF80] =	vst v4;
	v4 =	vbroadcast v2, $0x4;
	v11 =	vld [tilespmem:s3+$0x10]  }
0x301: {  	v13 =	vbroadcast v2, $0x7;
	[tilespmem:s3+$0xFFFFFF90] =	vst v3;
	v3 =	vbroadcast v2, $0x6;
	v14 =	vld [tilespmem:s3+$0x0]  }
0x302: {  	[tilespmem:s3+$0xFFFFFFA0] =	vst v5;
	v4 =	vmul.f32 v12, v4;
	v5 =	vmul.f32 v9, v10;
	v9 =	vld [tilespmem:s3+$0x20]  }
0x303: {  	[tilespmem:s3+$0xFFFFFFB0] =	vst v1;
	v1 =	vmul.f32 v7, v3;
	v3 =	vmul.f32 v6, v13;
	v6 =	vld [tilespmem:s3+$0x70]  }
0x304: {  	v7 =	vbroadcast v2, $0x9;
	[tilespmem:s3+$0xFFFFFFC0] =	vst v4;
	v4 =	vbroadcast v2, $0x8;
	v10 =	vld [tilespmem:s3+$0x50]  }
0x305: {  	v12 =	vbroadcast v2, $0xB;
	[tilespmem:s3+$0xFFFFFFD0] =	vst v5;
	v5 =	vbroadcast v2, $0xA;
	v13 =	vld [tilespmem:s3+$0x40]  }
0x306: {  	[tilespmem:s3+$0xFFFFFFE0] =	vst v1;
	v1 =	vmul.f32 v14, v4;
	v4 =	vmul.f32 v11, v7;
	v7 =	vld [tilespmem:s3+$0x60]  }
0x307: {  	[tilespmem:s3+$0xFFFFFFF0] =	vst v3;
	v3 =	vmul.f32 v9, v5;
	v5 =	vmul.f32 v8, v12  }
0x308: {  	v8 =	vbroadcast v2, $0xD;
	[tilespmem:s3+$0x0] =	vst v1;
	v1 =	vbroadcast v2, $0xC  }
0x309: {  	[tilespmem:s3+$0x10] =	vst v4;
	v4 =	vbroadcast v2, $0xE;
	v2 =	vbroadcast v2, $0xF  }
0x30a: {  	[tilespmem:s3+$0x20] =	vst v3;
	v1 =	vmul.f32 v13, v1;
	v3 =	vmul.f32 v10, v8  }
.Ltmp11:
0x30b: {  	[tilespmem:s3+$0x30] =	vst v5;
	v4 =	vmul.f32 v7, v4;
	v2 =	vmul.f32 v6, v2;
	(pc) =	sbr.rel @p0 .LBB2_23-.Ltmp11, $4  }
0x30c: {  	[tilespmem:s3+$0x40] =	vst v1  }
0x30d: {  	[tilespmem:s3+$0x50] =	vst v3  }
0x30e: {  	s3 =	sadd.s32 $0x100, s3;
	[tilespmem:s18+$0x60] =	vst v4  }
0x30f: {  	s15 =	sshra.s32 s20, $0x2;
	s20 =	sadd.s32 $0x40, s20;
	v1 =	vld [tilespmem:s3+$0xFFFFFFB0];
	[tilespmem:s18+$0x70] =	vst v2;
	s18 =	smov.u32 s3  }
0x310: {  	v2 =	vld [tilespmem:s15+$0x18B20];
	_ =	sdelay $0x1  }
0x311: {  	v3 =	vld [tilespmem:s3+$0xFFFFFF80]  }
0x312: {  	v4 =	vld [tilespmem:s3+$0xFFFFFF90]  }
0x313: {  	v5 =	vld [tilespmem:s3+$0xFFFFFFA0]  }
0x314: {  	v6 =	vbroadcast v2, $0x0  }
0x315: {  	v9 =	vld [tilespmem:s3+$0xFFFFFFD0];
	v7 =	vbroadcast v2, $0x1  }
0x316: {  	v8 =	vld [tilespmem:s3+$0xFFFFFFC0];
	v10 =	vbroadcast v2, $0x2;
	v3 =	vmul.f32 v6, v3  }
0x317: {  	v48 =	vld [tilespmem:s3+$0xFFFFFFE0];
	v47 =	vbroadcast v2, $0x3;
	v4 =	vmul.f32 v4, v7  }
0x318: {  	v51 =	vld [tilespmem:s3+$0x10];
	v49 =	vbroadcast v2, $0x5;
	v5 =	vmul.f32 v5, v10;
	[tilespmem:s3+$0xFFFFFF80] =	vst v3  }
0x319: {  	v11 =	vld [tilespmem:s3+$0xFFFFFFF0];
	v1 =	vmul.f32 v1, v47;
	v3 =	vbroadcast v2, $0x4;
	[tilespmem:s3+$0xFFFFFF90] =	vst v4  }
0x31a: {  	v50 =	vld [tilespmem:s3+$0x0];
	v12 =	vbroadcast v2, $0x6;
	v6 =	vmul.f32 v9, v49;
	[tilespmem:s3+$0xFFFFFFA0] =	vst v5  }
0x31b: {  	v56 =	vld [tilespmem:s3+$0x50];
	v54 =	vbroadcast v2, $0x9;
	[tilespmem:s3+$0xFFFFFFB0] =	vst v1;
	v3 =	vmul.f32 v8, v3  }
0x31c: {  	v53 =	vld [tilespmem:s3+$0x20];
	v52 =	vbroadcast v2, $0x7;
	v7 =	vmul.f32 v48, v12;
	[tilespmem:s3+$0xFFFFFFD0] =	vst v6  }
0x31d: {  	v59 =	vmul.f32 v51, v54;
	v1 =	vld [tilespmem:s3+$0x30];
	[tilespmem:s3+$0xFFFFFFC0] =	vst v3;
	v3 =	vbroadcast v2, $0x8  }
0x31e: {  	v55 =	vld [tilespmem:s3+$0x40];
	v62 =	vbroadcast v2, $0xD;
	v5 =	vmul.f32 v11, v52;
	[tilespmem:s3+$0xFFFFFFE0] =	vst v7  }
0x31f: {  	v60 =	vld [tilespmem:s3+$0x60];
	v57 =	vbroadcast v2, $0xA;
	[tilespmem:s3+$0x10] =	vst v59;
	v3 =	vmul.f32 v50, v3  }
0x320: {  	v61 =	vld [tilespmem:s3+$0x70];
	v58 =	vbroadcast v2, $0xB;
	v4 =	vmul.f32 v56, v62;
	[tilespmem:s3+$0xFFFFFFF0] =	vst v5  }
0x321: {  	v8 =	vmul.f32 v53, v57;
	[tilespmem:s3+$0x0] =	vst v3;
	v3 =	vbroadcast v2, $0xC  }
0x322: {  	v63 =	vbroadcast v2, $0xE;
	[tilespmem:s3+$0x50] =	vst v4;
	v1 =	vmul.f32 v1, v58  }
0x323: {  	[tilespmem:s3+$0x20] =	vst v8;
	v2 =	vbroadcast v2, $0xF;
	v3 =	vmul.f32 v55, v3  }
0x324: {  	[tilespmem:s3+$0x30] =	vst v1;
	v1 =	vmul.f32 v60, v63  }
0x325: {  	v2 =	vmul.f32 v61, v2;
	[tilespmem:s3+$0x40] =	vst v3  }
0x326: {  	s16 =	sshrl.u32 s16, $0x3;
	[tilespmem:s18+$0x60] =	vst v1  }
0x327: {  	s3 =	sadd.s32 $0x64, s16;
	[tilespmem:s18+$0x70] =	vst v2  }
0x328: {  	[spmem:s5] =	stream.indirect.scatter.add.f32 [tilespmem:s26], [sflag:$0x5], $0x10, s12, s25, $0xb8;
	[tilespmem:$0x1DBE0] =	vst v63  }
0x329: {  	s20 =	sadd.s32 s1, s3;
	s18 =	simm.s32 $0x0  }
0x32a: {  	[tilespmem:s11], [sflag:$0x1] =	stream.linear.gather [hbm4b:s20+s18], $0x190, $0x38;
	[tilespmem:$0x1DBE0] =	vst v63  }
0x32b: {  	s20 =	sadd.s32 s2, s3  }
0x32c: {  	[tilespmem:s12], [sflag:$0x1] =	stream.linear.gather [hbm4b:s20+s18], $0x190, $0x38;
	[tilespmem:$0x1DBE0] =	vst v63  }
0x32d: {  	s3 =	sadd.s32 s4, s3  }
0x32e: {  	[tilespmem:s13], [sflag:$0x1] =	stream.linear.gather [hbm4b:s3+s18], $0x190, $0x38;
	[tilespmem:$0x1DBE0] =	vst v63  }
0x32f: {  	_ =	swait.ge [sflag:s24], $0x190  }
0x330: {  	[sflag:s24] =	ssyncset.done $0x0  }
0x331: {  	[sflag:s24] =	ssyncadd.s32 $0xFFFFFE70  }
0x332: {  	_ =	swait.ge [sflag:s24], $0x190  }
0x333: {  	[sflag:s24] =	ssyncset.done $0x0  }
0x334: {  	[sflag:s24] =	ssyncadd.s32 $0xFFFFFE70  }
0x335: {  	_ =	swait.ge [sflag:s24], $0x190  }
0x336: {  	[sflag:s24] =	ssyncset.done $0x0  }
0x337: {  	[sflag:s24] =	ssyncadd.s32 $0xFFFFFE70  }
0x338: {  	_ =	swait.ge [sflag:s31], $0x1900  }
0x339: {  	[sflag:s31] =	ssyncset.done $0x0  }
0x33a: {  	[sflag:s31] =	ssyncadd.s32 $0xFFFFE700  }
0x33b: {  	[tilespmem:s26], [sflag:$0x3] =	stream.indirect.gather [hbm4b:s19+s25], $0x10, s11, s25, $0xb8;
	[tilespmem:$0x1DBE0] =	vst v63  }
0x33c: {  	_ =	swait.ge [sflag:s0], $0x1900  }
0x33d: {  	[sflag:s0] =	ssyncset.done $0x0  }
0x33e: {  	s3 =	simm.s32 $0x1AAE0;
	[sflag:s0] =	ssyncadd.s32 $0xFFFFE700  }
0x33f: {  	s15 =	simm.s32 $0x0;
	s20 =	simm.s32 $0x40;
	s18 =	simm.s32 $0x1AAE0;
	v1 =	vld [tilespmem:s3+$0xFFFFFFB0]  }
.LBB2_25:
0x340: {  	p0 =	sne.s32 s20, $0x600;
	v2 =	vld [tilespmem:s15+$0x1A8D0]  }
0x341: {  	v3 =	vld [tilespmem:s3+$0xFFFFFF90]  }
0x342: {  	v4 =	vld [tilespmem:s3+$0xFFFFFF80]  }
0x343: {  	v5 =	vld [tilespmem:s3+$0xFFFFFFA0]  }
0x344: {  	v6 =	vld [tilespmem:s3+$0xFFFFFFF0]  }
0x345: {  	v7 =	vbroadcast v2, $0x0;
	v8 =	vbroadcast v2, $0x1;
	v9 =	vld [tilespmem:s3+$0xFFFFFFD0]  }
0x346: {  	v10 =	vbroadcast v2, $0x2;
	v11 =	vbroadcast v2, $0x3;
	v12 =	vld [tilespmem:s3+$0xFFFFFFC0]  }
0x347: {  	v4 =	vmul.f32 v7, v4;
	v3 =	vmul.f32 v3, v8;
	v7 =	vld [tilespmem:s3+$0xFFFFFFE0]  }
0x348: {  	v1 =	vmul.f32 v1, v11;
	v5 =	vmul.f32 v5, v10;
	v8 =	vld [tilespmem:s3+$0x30]  }
0x349: {  	v10 =	vbroadcast v2, $0x5;
	[tilespmem:s3+$0xFFFFFF80] =	vst v4;
	v4 =	vbroadcast v2, $0x4;
	v11 =	vld [tilespmem:s3+$0x10]  }
0x34a: {  	v13 =	vbroadcast v2, $0x7;
	[tilespmem:s3+$0xFFFFFF90] =	vst v3;
	v3 =	vbroadcast v2, $0x6;
	v14 =	vld [tilespmem:s3+$0x0]  }
0x34b: {  	[tilespmem:s3+$0xFFFFFFA0] =	vst v5;
	v4 =	vmul.f32 v12, v4;
	v5 =	vmul.f32 v9, v10;
	v9 =	vld [tilespmem:s3+$0x20]  }
0x34c: {  	[tilespmem:s3+$0xFFFFFFB0] =	vst v1;
	v1 =	vmul.f32 v7, v3;
	v3 =	vmul.f32 v6, v13;
	v6 =	vld [tilespmem:s3+$0x70]  }
0x34d: {  	v7 =	vbroadcast v2, $0x9;
	[tilespmem:s3+$0xFFFFFFC0] =	vst v4;
	v4 =	vbroadcast v2, $0x8;
	v10 =	vld [tilespmem:s3+$0x50]  }
0x34e: {  	v12 =	vbroadcast v2, $0xB;
	[tilespmem:s3+$0xFFFFFFD0] =	vst v5;
	v5 =	vbroadcast v2, $0xA;
	v13 =	vld [tilespmem:s3+$0x40]  }
0x34f: {  	[tilespmem:s3+$0xFFFFFFE0] =	vst v1;
	v1 =	vmul.f32 v14, v4;
	v4 =	vmul.f32 v11, v7;
	v7 =	vld [tilespmem:s3+$0x60]  }
0x350: {  	[tilespmem:s3+$0xFFFFFFF0] =	vst v3;
	v3 =	vmul.f32 v9, v5;
	v5 =	vmul.f32 v8, v12  }
0x351: {  	v8 =	vbroadcast v2, $0xD;
	[tilespmem:s3+$0x0] =	vst v1;
	v1 =	vbroadcast v2, $0xC  }
0x352: {  	[tilespmem:s3+$0x10] =	vst v4;
	v4 =	vbroadcast v2, $0xE;
	v2 =	vbroadcast v2, $0xF  }
0x353: {  	[tilespmem:s3+$0x20] =	vst v3;
	v1 =	vmul.f32 v13, v1;
	v3 =	vmul.f32 v10, v8  }
.Ltmp12:
0x354: {  	[tilespmem:s3+$0x30] =	vst v5;
	v4 =	vmul.f32 v7, v4;
	v2 =	vmul.f32 v6, v2;
	(pc) =	sbr.rel @p0 .LBB2_25-.Ltmp12, $4  }
0x355: {  	[tilespmem:s3+$0x40] =	vst v1  }
0x356: {  	[tilespmem:s3+$0x50] =	vst v3  }
0x357: {  	s3 =	sadd.s32 $0x100, s3;
	[tilespmem:s18+$0x60] =	vst v4  }
0x358: {  	s15 =	sshra.s32 s20, $0x2;
	s20 =	sadd.s32 $0x40, s20;
	v1 =	vld [tilespmem:s3+$0xFFFFFFB0];
	[tilespmem:s18+$0x70] =	vst v2;
	s18 =	smov.u32 s3  }
0x359: {  	v2 =	vld [tilespmem:s15+$0x1A8D0];
	_ =	sdelay $0x1  }
0x35a: {  	v3 =	vld [tilespmem:s3+$0xFFFFFF80]  }
0x35b: {  	v4 =	vld [tilespmem:s3+$0xFFFFFF90]  }
0x35c: {  	v5 =	vld [tilespmem:s3+$0xFFFFFFA0]  }
0x35d: {  	v6 =	vbroadcast v2, $0x0  }
0x35e: {  	v9 =	vld [tilespmem:s3+$0xFFFFFFD0];
	v7 =	vbroadcast v2, $0x1  }
0x35f: {  	v8 =	vld [tilespmem:s3+$0xFFFFFFC0];
	v10 =	vbroadcast v2, $0x2;
	v3 =	vmul.f32 v6, v3  }
0x360: {  	v48 =	vld [tilespmem:s3+$0xFFFFFFE0];
	v47 =	vbroadcast v2, $0x3;
	v4 =	vmul.f32 v4, v7  }
0x361: {  	v51 =	vld [tilespmem:s3+$0x10];
	v49 =	vbroadcast v2, $0x5;
	v5 =	vmul.f32 v5, v10;
	[tilespmem:s3+$0xFFFFFF80] =	vst v3  }
0x362: {  	v11 =	vld [tilespmem:s3+$0xFFFFFFF0];
	v1 =	vmul.f32 v1, v47;
	v3 =	vbroadcast v2, $0x4;
	[tilespmem:s3+$0xFFFFFF90] =	vst v4  }
0x363: {  	v50 =	vld [tilespmem:s3+$0x0];
	v12 =	vbroadcast v2, $0x6;
	v6 =	vmul.f32 v9, v49;
	[tilespmem:s3+$0xFFFFFFA0] =	vst v5  }
0x364: {  	v56 =	vld [tilespmem:s3+$0x50];
	v54 =	vbroadcast v2, $0x9;
	[tilespmem:s3+$0xFFFFFFB0] =	vst v1;
	v3 =	vmul.f32 v8, v3  }
0x365: {  	v53 =	vld [tilespmem:s3+$0x20];
	v52 =	vbroadcast v2, $0x7;
	v7 =	vmul.f32 v48, v12;
	[tilespmem:s3+$0xFFFFFFD0] =	vst v6  }
0x366: {  	v59 =	vmul.f32 v51, v54;
	v1 =	vld [tilespmem:s3+$0x30];
	[tilespmem:s3+$0xFFFFFFC0] =	vst v3;
	v3 =	vbroadcast v2, $0x8  }
0x367: {  	v55 =	vld [tilespmem:s3+$0x40];
	v62 =	vbroadcast v2, $0xD;
	v5 =	vmul.f32 v11, v52;
	[tilespmem:s3+$0xFFFFFFE0] =	vst v7  }
0x368: {  	v60 =	vld [tilespmem:s3+$0x60];
	v57 =	vbroadcast v2, $0xA;
	[tilespmem:s3+$0x10] =	vst v59;
	v3 =	vmul.f32 v50, v3  }
0x369: {  	v61 =	vld [tilespmem:s3+$0x70];
	v58 =	vbroadcast v2, $0xB;
	v4 =	vmul.f32 v56, v62;
	[tilespmem:s3+$0xFFFFFFF0] =	vst v5  }
0x36a: {  	v8 =	vmul.f32 v53, v57;
	[tilespmem:s3+$0x0] =	vst v3;
	v3 =	vbroadcast v2, $0xC  }
0x36b: {  	v63 =	vbroadcast v2, $0xE;
	[tilespmem:s3+$0x50] =	vst v4;
	v1 =	vmul.f32 v1, v58  }
0x36c: {  	p0 =	seq.s32 s21, $0x3D;
	[tilespmem:s3+$0x20] =	vst v8;
	v2 =	vbroadcast v2, $0xF;
	v3 =	vmul.f32 v55, v3  }
.Ltmp13:
0x36d: {  	[tilespmem:s3+$0x30] =	vst v1;
	v1 =	vmul.f32 v60, v63;
	(pc) =	sbr.rel @p0 .LBB2_28-.Ltmp13, $4  }
0x36e: {  	v2 =	vmul.f32 v61, v2;
	[tilespmem:s3+$0x40] =	vst v3  }
0x36f: {  	[tilespmem:s18+$0x60] =	vst v1  }
0x370: {  	[tilespmem:s18+$0x70] =	vst v2  }
0x371: {  	[spmem:s5] =	stream.indirect.scatter.add.f32 [tilespmem:s29], [sflag:$0x6], $0x10, s22, s25, $0xb8;
	[tilespmem:$0x1DBE0] =	vst v63  }
0x372: {  	s3 =	sadd.s32 $0x96, s16  }
0x373: {  	s15 =	sadd.s32 s1, s3  }
0x374: {  	[tilespmem:s14], [sflag:$0x2] =	stream.linear.gather [hbm4b:s15+s6], $0x190, $0x38;
	[tilespmem:$0x1DBE0] =	vst v63  }
.Ltmp14:
0x375: {  	_ = 	snop;
	(pc) =	sbr.rel .LBB2_22-.Ltmp14, $4  }
0x376: {  	s20 =	sadd.s32 s2, s3  }
0x377: {  	[tilespmem:s22], [sflag:$0x2] =	stream.linear.gather [hbm4b:s20+s6], $0x190, $0x38;
	[tilespmem:$0x1DBE0] =	vst v63  }
0x378: {  	s21 =	sadd.s32 $0x1, s21;
	s3 =	sadd.s32 s4, s3  }
0x379: {  	[tilespmem:s23], [sflag:$0x2] =	stream.linear.gather [hbm4b:s3+s6], $0x190, $0x38;
	[tilespmem:$0x1DBE0] =	vst v63  }
.LBB2_28:
0x37a: {  	_ =	swait.ge [sflag:s30], $0x1900  }
0x37b: {  	[sflag:s30] =	ssyncset.done $0x0  }
0x37c: {  	s3 =	simm.s32 $0x18D30;
	[sflag:s30] =	ssyncadd.s32 $0xFFFFE700  }
0x37d: {  	s15 =	simm.s32 $0x0;
	s18 =	simm.s32 $0x40;
	s16 =	simm.s32 $0x18D30;
	v1 =	vld [tilespmem:s3+$0xFFFFFFB0]  }
.LBB2_29:
0x37e: {  	p0 =	sne.s32 s18, $0x600;
	v2 =	vld [tilespmem:s15+$0x18B20]  }
0x37f: {  	v3 =	vld [tilespmem:s3+$0xFFFFFF90]  }
0x380: {  	v4 =	vld [tilespmem:s3+$0xFFFFFF80]  }
0x381: {  	v5 =	vld [tilespmem:s3+$0xFFFFFFA0]  }
0x382: {  	v6 =	vld [tilespmem:s3+$0xFFFFFFF0]  }
0x383: {  	v7 =	vbroadcast v2, $0x0;
	v8 =	vbroadcast v2, $0x1;
	v9 =	vld [tilespmem:s3+$0xFFFFFFD0]  }
0x384: {  	v10 =	vbroadcast v2, $0x2;
	v11 =	vbroadcast v2, $0x3;
	v12 =	vld [tilespmem:s3+$0xFFFFFFC0]  }
0x385: {  	v4 =	vmul.f32 v7, v4;
	v3 =	vmul.f32 v3, v8;
	v7 =	vld [tilespmem:s3+$0xFFFFFFE0]  }
0x386: {  	v1 =	vmul.f32 v1, v11;
	v5 =	vmul.f32 v5, v10;
	v8 =	vld [tilespmem:s3+$0x30]  }
0x387: {  	v10 =	vbroadcast v2, $0x5;
	[tilespmem:s3+$0xFFFFFF80] =	vst v4;
	v4 =	vbroadcast v2, $0x4;
	v11 =	vld [tilespmem:s3+$0x10]  }
0x388: {  	v13 =	vbroadcast v2, $0x7;
	[tilespmem:s3+$0xFFFFFF90] =	vst v3;
	v3 =	vbroadcast v2, $0x6;
	v14 =	vld [tilespmem:s3+$0x0]  }
0x389: {  	[tilespmem:s3+$0xFFFFFFA0] =	vst v5;
	v4 =	vmul.f32 v12, v4;
	v5 =	vmul.f32 v9, v10;
	v9 =	vld [tilespmem:s3+$0x20]  }
0x38a: {  	[tilespmem:s3+$0xFFFFFFB0] =	vst v1;
	v1 =	vmul.f32 v7, v3;
	v3 =	vmul.f32 v6, v13;
	v6 =	vld [tilespmem:s3+$0x70]  }
0x38b: {  	v7 =	vbroadcast v2, $0x9;
	[tilespmem:s3+$0xFFFFFFC0] =	vst v4;
	v4 =	vbroadcast v2, $0x8;
	v10 =	vld [tilespmem:s3+$0x50]  }
0x38c: {  	v12 =	vbroadcast v2, $0xB;
	[tilespmem:s3+$0xFFFFFFD0] =	vst v5;
	v5 =	vbroadcast v2, $0xA;
	v13 =	vld [tilespmem:s3+$0x40]  }
0x38d: {  	[tilespmem:s3+$0xFFFFFFE0] =	vst v1;
	v1 =	vmul.f32 v14, v4;
	v4 =	vmul.f32 v11, v7;
	v7 =	vld [tilespmem:s3+$0x60]  }
0x38e: {  	[tilespmem:s3+$0xFFFFFFF0] =	vst v3;
	v3 =	vmul.f32 v9, v5;
	v5 =	vmul.f32 v8, v12  }
0x38f: {  	v8 =	vbroadcast v2, $0xD;
	[tilespmem:s3+$0x0] =	vst v1;
	v1 =	vbroadcast v2, $0xC  }
0x390: {  	[tilespmem:s3+$0x10] =	vst v4;
	v4 =	vbroadcast v2, $0xE;
	v2 =	vbroadcast v2, $0xF  }
0x391: {  	[tilespmem:s3+$0x20] =	vst v3;
	v1 =	vmul.f32 v13, v1;
	v3 =	vmul.f32 v10, v8  }
.Ltmp15:
0x392: {  	[tilespmem:s3+$0x30] =	vst v5;
	v4 =	vmul.f32 v7, v4;
	v2 =	vmul.f32 v6, v2;
	(pc) =	sbr.rel @p0 .LBB2_29-.Ltmp15, $4  }
0x393: {  	[tilespmem:s3+$0x40] =	vst v1  }
0x394: {  	[tilespmem:s3+$0x50] =	vst v3  }
0x395: {  	s3 =	sadd.s32 $0x100, s3;
	[tilespmem:s16+$0x60] =	vst v4  }
0x396: {  	s15 =	sshra.s32 s18, $0x2;
	s18 =	sadd.s32 $0x40, s18;
	v1 =	vld [tilespmem:s3+$0xFFFFFFB0];
	[tilespmem:s16+$0x70] =	vst v2;
	s16 =	smov.u32 s3  }
0x397: {  	v2 =	vld [tilespmem:s15+$0x18B20];
	_ =	sdelay $0x1  }
0x398: {  	v3 =	vld [tilespmem:s3+$0xFFFFFF80]  }
0x399: {  	v4 =	vld [tilespmem:s3+$0xFFFFFF90]  }
0x39a: {  	v5 =	vld [tilespmem:s3+$0xFFFFFFA0]  }
0x39b: {  	v6 =	vbroadcast v2, $0x0  }
0x39c: {  	v9 =	vld [tilespmem:s3+$0xFFFFFFD0];
	v7 =	vbroadcast v2, $0x1  }
0x39d: {  	v8 =	vld [tilespmem:s3+$0xFFFFFFC0];
	v10 =	vbroadcast v2, $0x2;
	v3 =	vmul.f32 v6, v3  }
0x39e: {  	v48 =	vld [tilespmem:s3+$0xFFFFFFE0];
	v47 =	vbroadcast v2, $0x3;
	v4 =	vmul.f32 v4, v7  }
0x39f: {  	v51 =	vld [tilespmem:s3+$0x10];
	v49 =	vbroadcast v2, $0x5;
	v5 =	vmul.f32 v5, v10;
	[tilespmem:s3+$0xFFFFFF80] =	vst v3  }
0x3a0: {  	v11 =	vld [tilespmem:s3+$0xFFFFFFF0];
	v1 =	vmul.f32 v1, v47;
	v3 =	vbroadcast v2, $0x4;
	[tilespmem:s3+$0xFFFFFF90] =	vst v4  }
0x3a1: {  	v50 =	vld [tilespmem:s3+$0x0];
	v12 =	vbroadcast v2, $0x6;
	v6 =	vmul.f32 v9, v49;
	[tilespmem:s3+$0xFFFFFFA0] =	vst v5  }
0x3a2: {  	v56 =	vld [tilespmem:s3+$0x50];
	v54 =	vbroadcast v2, $0x9;
	[tilespmem:s3+$0xFFFFFFB0] =	vst v1;
	v3 =	vmul.f32 v8, v3  }
0x3a3: {  	v53 =	vld [tilespmem:s3+$0x20];
	v52 =	vbroadcast v2, $0x7;
	v7 =	vmul.f32 v48, v12;
	[tilespmem:s3+$0xFFFFFFD0] =	vst v6  }
0x3a4: {  	v59 =	vmul.f32 v51, v54;
	v1 =	vld [tilespmem:s3+$0x30];
	[tilespmem:s3+$0xFFFFFFC0] =	vst v3;
	v3 =	vbroadcast v2, $0x8  }
0x3a5: {  	v55 =	vld [tilespmem:s3+$0x40];
	v62 =	vbroadcast v2, $0xD;
	v5 =	vmul.f32 v11, v52;
	[tilespmem:s3+$0xFFFFFFE0] =	vst v7  }
0x3a6: {  	v60 =	vld [tilespmem:s3+$0x60];
	v57 =	vbroadcast v2, $0xA;
	[tilespmem:s3+$0x10] =	vst v59;
	v3 =	vmul.f32 v50, v3  }
0x3a7: {  	v61 =	vld [tilespmem:s3+$0x70];
	v58 =	vbroadcast v2, $0xB;
	v4 =	vmul.f32 v56, v62;
	[tilespmem:s3+$0xFFFFFFF0] =	vst v5  }
0x3a8: {  	v8 =	vmul.f32 v53, v57;
	[tilespmem:s3+$0x0] =	vst v3;
	v3 =	vbroadcast v2, $0xC  }
0x3a9: {  	v63 =	vbroadcast v2, $0xE;
	[tilespmem:s3+$0x50] =	vst v4;
	v1 =	vmul.f32 v1, v58  }
0x3aa: {  	[tilespmem:s3+$0x20] =	vst v8;
	v2 =	vbroadcast v2, $0xF;
	v3 =	vmul.f32 v55, v3  }
0x3ab: {  	[tilespmem:s3+$0x30] =	vst v1;
	v1 =	vmul.f32 v60, v63  }
0x3ac: {  	v2 =	vmul.f32 v61, v2;
	[tilespmem:s3+$0x40] =	vst v3  }
0x3ad: {  	[tilespmem:s16+$0x60] =	vst v1  }
0x3ae: {  	[tilespmem:s16+$0x70] =	vst v2  }
0x3af: {  	[spmem:s5] =	stream.indirect.scatter.add.f32 [tilespmem:s26], [sflag:$0x5], $0x10, s12, s25, $0xb8;
	[tilespmem:$0x1DBE0] =	vst v63  }
0x3b0: {  	_ =	swait.ge [sflag:s31], $0x1900  }
0x3b1: {  	[sflag:s31] =	ssyncset.done $0x0  }
0x3b2: {  	s21 =	simm.s32 $0x6;
	[sflag:s31] =	ssyncadd.s32 $0xFFFFE700  }
0x3b3: {  	_ =	swait.ge [sflag:s21], $0x1900  }
0x3b4: {  	[sflag:s21] =	ssyncset.done $0x0  }
0x3b5: {  	[sflag:s21] =	ssyncadd.s32 $0xFFFFE700  }
0x3b6: {  	[bflag:$0x0] =	sbarrier.arrive $0xFFFF  }
0x3b7: {  	s16 =	sld [smem:$0x7FB]  }
0x3b8: {  	s18 =	sld [smem:$0x7FC];
	_ =	sdelay $0x1  }
0x3b9: {  	s15 =	rddreg [dreg:$0xf]  }
0x3ba: {  	[hbm:s15], [sflag:s16] =	dma.local [spmem:s18], $0x3100  }
0x3bb: {  	_ =	swait.ge [sflag:s10], $0x3100  }
0x3bc: {  	s20 =	sld [smem:$0x7FD];
	_ =	sdelay $0x2  }
0x3bd: {  	s21 =	rddreg [dreg:$0x10];
	s15 =	sadd.s32 $0x1, s20  }
0x3be: {  	p0 =	sne.s32 s15, s21  }
.Ltmp16:
0x3bf: {  	_ = 	snop;
	(pc) =	sbr.rel @p0 .LBB2_1-.Ltmp16, $3  }
0x3c0: {  	[sflag:s10] =	ssyncset.done $0x0  }
0x3c1: {  	[sflag:s10] =	ssyncadd.s32 $0xFFFFCF00  }
0x3c2: {  	[bflag:$0x0] =	sbarrier.arrive $0xFFFF;
	_ =	sdelay $0x1  }
0x3c3: {  	_ =	sfence.sel $0x180000  }
0x3c4: {  	[bflag:$0x0] =	sbarrier.arrive $0xFFFF  }
0x3c5: {  	_ =	strace $0x9000004A  }
0x3c6: {  	s0 =	stileid.u32;
	[bflag:$0x2] =	sbarrier.arrive $0xFFFF  }
0x3c7: {  	p0 =	sne.s32 s0, $0x0;
	s0 =	rddreg [dreg:$0x5]  }
0x3c8: {  	s0 =	sadd.s32 @!p0 $0x100000, s0  }
0x3c9: {  	[sflag:s0] =	ssyncadd.tile.s32 @!p0 $0x1;
	_ =	shalt  }
.Lfunc_end2:
_tile_overlayer_lowered:
.L_overlay_start_2:
0x3ca: {  	(tag) =	ssettag $0x2  }
0x3cb: {  	s0 =	rddreg [dreg:$0x0];
	s2 =	stileid.u32  }
0x3cc: {  	s1 =	rddreg [dreg:$0x1];
	p0 =	sne.s32 s2, $0x0  }
0x3cd: {  	s3 =	rddreg [dreg:$0x2];
	[bflag:$0x3] =	sbarrier.arrive $0xFFFF;
	s2 =	simm.s32 @!p0 $0x1C07  }
0x3ce: {  	[timem:s3], [sflag:s2] =	dma.local @!p0 [hbm:s0], s1  }
0x3cf: {  	s0 =	simm.s32 @!p0 $0x7  }
0x3d0: {  	_ =	swait.ge @!p0 [sflag:s0], s1  }
0x3d1: {  	s1 =	ssub.s32 @!p0 $0x0, s1;
	[sflag:s0] =	ssyncset.done @!p0 $0x0  }
0x3d2: {  	[sflag:s0] =	ssyncadd.s32 @!p0 s1  }
0x3d3: {  	[bflag:$0x3] =	sbarrier.arrive $0xFFFF  }
0x3d4: {  	_ =	shalt  }

</sc_bundles>
